<compile_context>
chip_gen: v7x
topology: tpu7x:2x2x1
jax: 0.10.2.dev20260603
libtpu: 0.0.44.dev20260713+nightly
codegen_flags: <defaults>
</compile_context>

<pallas_src>
import functools

import jax
import jax.numpy as jnp
from jax import lax
from jax.experimental import pallas as pl
from jax.experimental.pallas import tpu as pltpu
from jax.experimental.pallas import tpu_sc as plsc

B = 4
S = 2048
D = 2048
FLAT = B * S
NC = 2
NS = 16
NW = NC * NS
PW = S // NW
CH = 8
NE = PW // CH
ROWS_PER_W = PW * B
NCH = ROWS_PER_W // CH
NT = 4
LANES = 16


def _body(xf_hbm, tok_hbm, pos_hbm, out_hbm,
          idx_v, tok_v, pos_res, sem_tok, sem_pos, sem_out):
    wid = lax.axis_index("s") * NC + lax.axis_index("c")
    pos0 = wid * PW

    for bb in range(B):
        pltpu.sync_copy(xf_hbm.at[pl.ds(bb * S + pos0, PW)],
                        idx_v.at[pl.ds(bb * PW, PW)])

    def pos_copy(e, pb):
        return pltpu.make_async_copy(
            pos_hbm.at[pl.ds(pos0 + e * CH, CH)], pos_res.at[pb], sem_pos[pb])

    def gather_copy(c, t):
        e = c // B
        b = c % B
        return pltpu.make_async_copy(
            tok_hbm.at[idx_v.at[pl.ds(b * PW + e * CH, CH)]],
            tok_v.at[t], sem_tok[t])

    def out_copy(c, t):
        e = c // B
        b = c % B
        return pltpu.make_async_copy(
            tok_v.at[t], out_hbm.at[pl.ds(b * S + pos0 + e * CH, CH)],
            sem_out[t])

    def add_chunk(t, pb):
        def vbody(i, _):
            s0 = i * LANES
            for k in range(CH):
                tok_v[t, k, pl.ds(s0, LANES)] = (
                    tok_v[t, k, pl.ds(s0, LANES)]
                    + pos_res[pb, k, pl.ds(s0, LANES)])
            return 0
        lax.fori_loop(0, D // LANES, vbody, 0)

    pos_copy(0, 0).start()
    pos_copy(1, 1).start()
    gather_copy(0, 0).start()
    gather_copy(1, 1).start()

    def step(g, _):
        for u in range(2 * B):
            c = g * (2 * B) + u
            t = u % NT
            t2 = (u + 2) % NT
            pb = u // B
            e = g * 2 + pb

            if u % B == 0:
                pos_copy(e, pb).wait()

            gather_copy(c, t).wait()

            if u >= 2:
                out_copy(c - 2, t2).wait()
            else:
                @pl.when(c >= 2)
                def _():
                    out_copy(c - 2, t2).wait()

            if u < 2 * B - 2:
                gather_copy(c + 2, t2).start()
            else:
                @pl.when(c + 2 < NCH)
                def _():
                    gather_copy(c + 2, t2).start()

            add_chunk(t, pb)

            out_copy(c, t).start()

            if u % B == B - 1:
                @pl.when(e + 2 < NE)
                def _():
                    pos_copy(e + 2, pb).start()
        return 0

    lax.fori_loop(0, NCH // (2 * B), step, 0)

    out_copy(NCH - 2, (NCH - 2) % NT).wait()
    out_copy(NCH - 1, (NCH - 1) % NT).wait()


def _run(xf, token_emb, pos_emb):
    mesh = plsc.VectorSubcoreMesh(core_axis_name="c", subcore_axis_name="s")
    kern = functools.partial(
        pl.kernel,
        mesh=mesh,
        out_type=jax.ShapeDtypeStruct((FLAT, D), jnp.float32),
        scratch_types=[
            pltpu.VMEM((ROWS_PER_W,), jnp.int32),
            pltpu.VMEM((NT, CH, D), jnp.float32),
            pltpu.VMEM((2, CH, D), jnp.float32),
            [pltpu.SemaphoreType.DMA] * NT,
            [pltpu.SemaphoreType.DMA] * 2,
            [pltpu.SemaphoreType.DMA] * NT,
        ],
    )(_body)
    return kern(xf, token_emb, pos_emb)


def kernel(x, token_emb, pos_emb):
    xf = x.astype(jnp.int32).reshape(FLAT)
    out = _run(xf, token_emb, pos_emb)
    return out.reshape(B, S, D)

# --- scband reference (transcript-rebuilt; emitter-appended) ---
"""Pipeline reference for scband-gptembeddings-49323404427740 (READ-ONLY COPY).

The authoritative reference and input builder live on the scoring server;
editing this copy changes nothing except your own understanding.
"""

import jax, jax.numpy as jnp
import numpy as np

VOCAB = 50304
D_MODEL = 2048
MAX_SEQ = 2048
BATCH = 4
SEQ = 2048

def setup_inputs(seed: int = 0) -> dict:
    key = jax.random.key(seed)
    k1, k2, k3 = jax.random.split(key, 3)
    x = jax.random.randint(k1, (BATCH, SEQ), 0, VOCAB, dtype=jnp.int64 if jax.config.jax_enable_x64 else jnp.int32)
    token_emb = jax.random.normal(k2, (VOCAB, D_MODEL), dtype=jnp.float32) * 0.02
    pos_emb = jax.random.normal(k3, (MAX_SEQ, D_MODEL), dtype=jnp.float32) * 0.02
    return {"x": x, "token_emb": token_emb, "pos_emb": pos_emb}

def reference(x, token_emb, pos_emb):
    # token embedding lookup (gather)
    tok = jnp.take(token_emb, x, axis=0)            # [B, S, D]
    seq_len = x.shape[1]
    positions = jnp.arange(seq_len)                 # [S]
    pos = jnp.take(pos_emb, positions, axis=0)[None, :, :]  # [1, S, D]
    embeddings = tok + pos
    # dropout p=0.0 -> identity (eval / inference mode)
    return embeddings

if __name__ == "__main__":
    import jax
    _d = setup_inputs()
    print(jax.jit(kernel)(*tuple(_d.values())))

</pallas_src>

<mosaic_0001>
#map = affine_map<(d0, d1) -> (0)>
#map1 = affine_map<(d0, d1) -> (0, 0)>
module attributes {stable_mosaic.version = 14 : i64} {
  func.func @_body(%arg0: i32, %arg1: i32, %arg2: memref<8192xi32, #tpu.memory_space<hbm>>, %arg3: memref<50304x2048xf32, #tpu.memory_space<hbm>>, %arg4: memref<2048x2048xf32, #tpu.memory_space<hbm>>, %arg5: memref<8192x2048xf32, #tpu.memory_space<hbm>>, %arg6: memref<256xi32, #tpu.memory_space<vmem>>, %arg7: memref<4x8x2048xf32, #tpu.memory_space<vmem>>, %arg8: memref<2x8x2048xf32, #tpu.memory_space<vmem>>, %arg9: memref<!tpu.dma_semaphore, #tpu.memory_space<semaphore_mem>>, %arg10: memref<!tpu.dma_semaphore, #tpu.memory_space<semaphore_mem>>, %arg11: memref<!tpu.dma_semaphore, #tpu.memory_space<semaphore_mem>>, %arg12: memref<!tpu.dma_semaphore, #tpu.memory_space<semaphore_mem>>, %arg13: memref<!tpu.dma_semaphore, #tpu.memory_space<semaphore_mem>>, %arg14: memref<!tpu.dma_semaphore, #tpu.memory_space<semaphore_mem>>, %arg15: memref<!tpu.dma_semaphore, #tpu.memory_space<semaphore_mem>>, %arg16: memref<!tpu.dma_semaphore, #tpu.memory_space<semaphore_mem>>, %arg17: memref<!tpu.dma_semaphore, #tpu.memory_space<semaphore_mem>>, %arg18: memref<!tpu.dma_semaphore, #tpu.memory_space<semaphore_mem>>) attributes {dimension_semantics = [#tpu.dimension_semantics<core_parallel>, #tpu.dimension_semantics<subcore_parallel>], iteration_bounds = array<i64: 2, 16>, scalar_prefetch = 0 : i64, scratch_operands = 13 : i64, tpu.core_type = #tpu.core_type<sc_vector_subcore>, window_params = [{transform_indices = #map}, {transform_indices = #map1}, {transform_indices = #map1}, {transform_indices = #map1}]} {
    %mul3A = arith.constant 2 : i32
    %mul3A_0 = arith.muli %arg1, %mul3A : i32
    %add3A = arith.addi %mul3A_0, %arg0 : i32
    %mul3A_1 = arith.constant 64 : i32
    %mul3A_2 = arith.muli %add3A, %mul3A_1 : i32
    %add3A_3 = arith.constant 0 : i32
    %add3A_4 = arith.addi %add3A_3, %mul3A_2 : i32
    "tpu.region"() ({
      %run_scoped3A = tpu.sem_alloc : memref<!tpu.dma_semaphore, #tpu.memory_space<semaphore_mem>>
      %dma_start3A_99 = arith.constant 0 : i32
      %dma_start3A_100 = tpu.memref_slice %arg6[%dma_start3A_99] : memref<256xi32, #tpu.memory_space<vmem>> -> memref<64xi32, #tpu.memory_space<vmem>>
      %dma_start3A_101 = tpu.memref_slice %arg2[%add3A_4] : memref<8192xi32, #tpu.memory_space<hbm>> -> memref<64xi32, #tpu.memory_space<hbm>>
      %dma_start3A_102 = arith.constant 0 : i32
      %dma_start3A_103 = tpu.memref_slice %arg6[%dma_start3A_102] : memref<256xi32, #tpu.memory_space<vmem>> -> memref<64xi32, #tpu.memory_space<vmem>>
      %dma_start3A_104 = tpu.memref_slice %arg2[%add3A_4] : memref<8192xi32, #tpu.memory_space<hbm>> -> memref<64xi32, #tpu.memory_space<hbm>>
      tpu.enqueue_dma source(%dma_start3A_104 : memref<64xi32, #tpu.memory_space<hbm>>) target(%dma_start3A_103 : memref<64xi32, #tpu.memory_space<vmem>>) target_semaphore(%run_scoped3A : memref<!tpu.dma_semaphore, #tpu.memory_space<semaphore_mem>>)
      %dma_wait3A_105 = arith.constant 0 : i32
      %dma_wait3A_106 = tpu.memref_slice %arg6[%dma_wait3A_105] : memref<256xi32, #tpu.memory_space<vmem>> -> memref<64xi32, #tpu.memory_space<vmem>>
      %dma_wait3A_107 = tpu.memref_slice %arg2[%add3A_4] : memref<8192xi32, #tpu.memory_space<hbm>> -> memref<64xi32, #tpu.memory_space<hbm>>
      %dma_wait3A_108 = arith.constant 0 : i32
      %dma_wait3A_109 = tpu.memref_slice %arg6[%dma_wait3A_108] : memref<256xi32, #tpu.memory_space<vmem>> -> memref<64xi32, #tpu.memory_space<vmem>>
      %dma_wait3A_110 = tpu.memref_slice %arg2[%add3A_4] : memref<8192xi32, #tpu.memory_space<hbm>> -> memref<64xi32, #tpu.memory_space<hbm>>
      tpu.wait_dma2 semaphore(%run_scoped3A : memref<!tpu.dma_semaphore, #tpu.memory_space<semaphore_mem>>) src(%dma_wait3A_110 : memref<64xi32, #tpu.memory_space<hbm>>) dst(%dma_wait3A_109 : memref<64xi32, #tpu.memory_space<vmem>>)
      tpu.yield
    }) : () -> ()
    %add3A_5 = arith.constant 2048 : i32
    %add3A_6 = arith.addi %add3A_5, %mul3A_2 : i32
    "tpu.region"() ({
      %run_scoped3A = tpu.sem_alloc : memref<!tpu.dma_semaphore, #tpu.memory_space<semaphore_mem>>
      %dma_start3A_99 = arith.constant 64 : i32
      %dma_start3A_100 = tpu.memref_slice %arg6[%dma_start3A_99] : memref<256xi32, #tpu.memory_space<vmem>> -> memref<64xi32, #tpu.memory_space<vmem>>
      %dma_start3A_101 = tpu.memref_slice %arg2[%add3A_6] : memref<8192xi32, #tpu.memory_space<hbm>> -> memref<64xi32, #tpu.memory_space<hbm>>
      %dma_start3A_102 = arith.constant 64 : i32
      %dma_start3A_103 = tpu.memref_slice %arg6[%dma_start3A_102] : memref<256xi32, #tpu.memory_space<vmem>> -> memref<64xi32, #tpu.memory_space<vmem>>
      %dma_start3A_104 = tpu.memref_slice %arg2[%add3A_6] : memref<8192xi32, #tpu.memory_space<hbm>> -> memref<64xi32, #tpu.memory_space<hbm>>
      tpu.enqueue_dma source(%dma_start3A_104 : memref<64xi32, #tpu.memory_space<hbm>>) target(%dma_start3A_103 : memref<64xi32, #tpu.memory_space<vmem>>) target_semaphore(%run_scoped3A : memref<!tpu.dma_semaphore, #tpu.memory_space<semaphore_mem>>)
      %dma_wait3A_105 = arith.constant 64 : i32
      %dma_wait3A_106 = tpu.memref_slice %arg6[%dma_wait3A_105] : memref<256xi32, #tpu.memory_space<vmem>> -> memref<64xi32, #tpu.memory_space<vmem>>
      %dma_wait3A_107 = tpu.memref_slice %arg2[%add3A_6] : memref<8192xi32, #tpu.memory_space<hbm>> -> memref<64xi32, #tpu.memory_space<hbm>>
      %dma_wait3A_108 = arith.constant 64 : i32
      %dma_wait3A_109 = tpu.memref_slice %arg6[%dma_wait3A_108] : memref<256xi32, #tpu.memory_space<vmem>> -> memref<64xi32, #tpu.memory_space<vmem>>
      %dma_wait3A_110 = tpu.memref_slice %arg2[%add3A_6] : memref<8192xi32, #tpu.memory_space<hbm>> -> memref<64xi32, #tpu.memory_space<hbm>>
      tpu.wait_dma2 semaphore(%run_scoped3A : memref<!tpu.dma_semaphore, #tpu.memory_space<semaphore_mem>>) src(%dma_wait3A_110 : memref<64xi32, #tpu.memory_space<hbm>>) dst(%dma_wait3A_109 : memref<64xi32, #tpu.memory_space<vmem>>)
      tpu.yield
    }) : () -> ()
    %add3A_7 = arith.constant 4096 : i32
    %add3A_8 = arith.addi %add3A_7, %mul3A_2 : i32
    "tpu.region"() ({
      %run_scoped3A = tpu.sem_alloc : memref<!tpu.dma_semaphore, #tpu.memory_space<semaphore_mem>>
      %dma_start3A_99 = arith.constant 128 : i32
      %dma_start3A_100 = tpu.memref_slice %arg6[%dma_start3A_99] : memref<256xi32, #tpu.memory_space<vmem>> -> memref<64xi32, #tpu.memory_space<vmem>>
      %dma_start3A_101 = tpu.memref_slice %arg2[%add3A_8] : memref<8192xi32, #tpu.memory_space<hbm>> -> memref<64xi32, #tpu.memory_space<hbm>>
      %dma_start3A_102 = arith.constant 128 : i32
      %dma_start3A_103 = tpu.memref_slice %arg6[%dma_start3A_102] : memref<256xi32, #tpu.memory_space<vmem>> -> memref<64xi32, #tpu.memory_space<vmem>>
      %dma_start3A_104 = tpu.memref_slice %arg2[%add3A_8] : memref<8192xi32, #tpu.memory_space<hbm>> -> memref<64xi32, #tpu.memory_space<hbm>>
      tpu.enqueue_dma source(%dma_start3A_104 : memref<64xi32, #tpu.memory_space<hbm>>) target(%dma_start3A_103 : memref<64xi32, #tpu.memory_space<vmem>>) target_semaphore(%run_scoped3A : memref<!tpu.dma_semaphore, #tpu.memory_space<semaphore_mem>>)
      %dma_wait3A_105 = arith.constant 128 : i32
      %dma_wait3A_106 = tpu.memref_slice %arg6[%dma_wait3A_105] : memref<256xi32, #tpu.memory_space<vmem>> -> memref<64xi32, #tpu.memory_space<vmem>>
      %dma_wait3A_107 = tpu.memref_slice %arg2[%add3A_8] : memref<8192xi32, #tpu.memory_space<hbm>> -> memref<64xi32, #tpu.memory_space<hbm>>
      %dma_wait3A_108 = arith.constant 128 : i32
      %dma_wait3A_109 = tpu.memref_slice %arg6[%dma_wait3A_108] : memref<256xi32, #tpu.memory_space<vmem>> -> memref<64xi32, #tpu.memory_space<vmem>>
      %dma_wait3A_110 = tpu.memref_slice %arg2[%add3A_8] : memref<8192xi32, #tpu.memory_space<hbm>> -> memref<64xi32, #tpu.memory_space<hbm>>
      tpu.wait_dma2 semaphore(%run_scoped3A : memref<!tpu.dma_semaphore, #tpu.memory_space<semaphore_mem>>) src(%dma_wait3A_110 : memref<64xi32, #tpu.memory_space<hbm>>) dst(%dma_wait3A_109 : memref<64xi32, #tpu.memory_space<vmem>>)
      tpu.yield
    }) : () -> ()
    %add3A_9 = arith.constant 6144 : i32
    %add3A_10 = arith.addi %add3A_9, %mul3A_2 : i32
    "tpu.region"() ({
      %run_scoped3A = tpu.sem_alloc : memref<!tpu.dma_semaphore, #tpu.memory_space<semaphore_mem>>
      %dma_start3A_99 = arith.constant 192 : i32
      %dma_start3A_100 = tpu.memref_slice %arg6[%dma_start3A_99] : memref<256xi32, #tpu.memory_space<vmem>> -> memref<64xi32, #tpu.memory_space<vmem>>
      %dma_start3A_101 = tpu.memref_slice %arg2[%add3A_10] : memref<8192xi32, #tpu.memory_space<hbm>> -> memref<64xi32, #tpu.memory_space<hbm>>
      %dma_start3A_102 = arith.constant 192 : i32
      %dma_start3A_103 = tpu.memref_slice %arg6[%dma_start3A_102] : memref<256xi32, #tpu.memory_space<vmem>> -> memref<64xi32, #tpu.memory_space<vmem>>
      %dma_start3A_104 = tpu.memref_slice %arg2[%add3A_10] : memref<8192xi32, #tpu.memory_space<hbm>> -> memref<64xi32, #tpu.memory_space<hbm>>
      tpu.enqueue_dma source(%dma_start3A_104 : memref<64xi32, #tpu.memory_space<hbm>>) target(%dma_start3A_103 : memref<64xi32, #tpu.memory_space<vmem>>) target_semaphore(%run_scoped3A : memref<!tpu.dma_semaphore, #tpu.memory_space<semaphore_mem>>)
      %dma_wait3A_105 = arith.constant 192 : i32
      %dma_wait3A_106 = tpu.memref_slice %arg6[%dma_wait3A_105] : memref<256xi32, #tpu.memory_space<vmem>> -> memref<64xi32, #tpu.memory_space<vmem>>
      %dma_wait3A_107 = tpu.memref_slice %arg2[%add3A_10] : memref<8192xi32, #tpu.memory_space<hbm>> -> memref<64xi32, #tpu.memory_space<hbm>>
      %dma_wait3A_108 = arith.constant 192 : i32
      %dma_wait3A_109 = tpu.memref_slice %arg6[%dma_wait3A_108] : memref<256xi32, #tpu.memory_space<vmem>> -> memref<64xi32, #tpu.memory_space<vmem>>
      %dma_wait3A_110 = tpu.memref_slice %arg2[%add3A_10] : memref<8192xi32, #tpu.memory_space<hbm>> -> memref<64xi32, #tpu.memory_space<hbm>>
      tpu.wait_dma2 semaphore(%run_scoped3A : memref<!tpu.dma_semaphore, #tpu.memory_space<semaphore_mem>>) src(%dma_wait3A_110 : memref<64xi32, #tpu.memory_space<hbm>>) dst(%dma_wait3A_109 : memref<64xi32, #tpu.memory_space<vmem>>)
      tpu.yield
    }) : () -> ()
    %add3A_11 = arith.constant 0 : i32
    %add3A_12 = arith.addi %mul3A_2, %add3A_11 : i32
    %dma_start3A = arith.constant 0 : i32
    %dma_start3A_13 = arith.constant 0 : i32
    %dma_start3A_14 = arith.constant 0 : i32
    %dma_start3A_15 = tpu.memref_slice %arg8[%dma_start3A, %dma_start3A_13, %dma_start3A_14] : memref<2x8x2048xf32, #tpu.memory_space<vmem>> -> memref<1x8x2048xf32, #tpu.memory_space<vmem>>
    %dma_start3A_16 = tpu.memref_squeeze %dma_start3A_15 : memref<1x8x2048xf32, #tpu.memory_space<vmem>> -> memref<8x2048xf32, #tpu.memory_space<vmem>>
    %dma_start3A_17 = arith.constant 0 : i32
    %dma_start3A_18 = tpu.memref_slice %arg4[%add3A_12, %dma_start3A_17] : memref<2048x2048xf32, #tpu.memory_space<hbm>> -> memref<8x2048xf32, #tpu.memory_space<hbm>>
    %dma_start3A_19 = arith.constant 0 : i32
    %dma_start3A_20 = arith.constant 0 : i32
    %dma_start3A_21 = tpu.memref_slice %arg8[%dma_start3A, %dma_start3A_19, %dma_start3A_20] : memref<2x8x2048xf32, #tpu.memory_space<vmem>> -> memref<1x8x2048xf32, #tpu.memory_space<vmem>>
    %dma_start3A_22 = tpu.memref_squeeze %dma_start3A_21 : memref<1x8x2048xf32, #tpu.memory_space<vmem>> -> memref<8x2048xf32, #tpu.memory_space<vmem>>
    %dma_start3A_23 = arith.constant 0 : i32
    %dma_start3A_24 = tpu.memref_slice %arg4[%add3A_12, %dma_start3A_23] : memref<2048x2048xf32, #tpu.memory_space<hbm>> -> memref<8x2048xf32, #tpu.memory_space<hbm>>
    tpu.enqueue_dma source(%dma_start3A_24 : memref<8x2048xf32, #tpu.memory_space<hbm>>) target(%dma_start3A_22 : memref<8x2048xf32, #tpu.memory_space<vmem>>) target_semaphore(%arg13 : memref<!tpu.dma_semaphore, #tpu.memory_space<semaphore_mem>>)
    %add3A_25 = arith.constant 8 : i32
    %add3A_26 = arith.addi %mul3A_2, %add3A_25 : i32
    %dma_start3A_27 = arith.constant 1 : i32
    %dma_start3A_28 = arith.constant 0 : i32
    %dma_start3A_29 = arith.constant 0 : i32
    %dma_start3A_30 = tpu.memref_slice %arg8[%dma_start3A_27, %dma_start3A_28, %dma_start3A_29] : memref<2x8x2048xf32, #tpu.memory_space<vmem>> -> memref<1x8x2048xf32, #tpu.memory_space<vmem>>
    %dma_start3A_31 = tpu.memref_squeeze %dma_start3A_30 : memref<1x8x2048xf32, #tpu.memory_space<vmem>> -> memref<8x2048xf32, #tpu.memory_space<vmem>>
    %dma_start3A_32 = arith.constant 0 : i32
    %dma_start3A_33 = tpu.memref_slice %arg4[%add3A_26, %dma_start3A_32] : memref<2048x2048xf32, #tpu.memory_space<hbm>> -> memref<8x2048xf32, #tpu.memory_space<hbm>>
    %dma_start3A_34 = arith.constant 0 : i32
    %dma_start3A_35 = arith.constant 0 : i32
    %dma_start3A_36 = tpu.memref_slice %arg8[%dma_start3A_27, %dma_start3A_34, %dma_start3A_35] : memref<2x8x2048xf32, #tpu.memory_space<vmem>> -> memref<1x8x2048xf32, #tpu.memory_space<vmem>>
    %dma_start3A_37 = tpu.memref_squeeze %dma_start3A_36 : memref<1x8x2048xf32, #tpu.memory_space<vmem>> -> memref<8x2048xf32, #tpu.memory_space<vmem>>
    %dma_start3A_38 = arith.constant 0 : i32
    %dma_start3A_39 = tpu.memref_slice %arg4[%add3A_26, %dma_start3A_38] : memref<2048x2048xf32, #tpu.memory_space<hbm>> -> memref<8x2048xf32, #tpu.memory_space<hbm>>
    tpu.enqueue_dma source(%dma_start3A_39 : memref<8x2048xf32, #tpu.memory_space<hbm>>) target(%dma_start3A_37 : memref<8x2048xf32, #tpu.memory_space<vmem>>) target_semaphore(%arg14 : memref<!tpu.dma_semaphore, #tpu.memory_space<semaphore_mem>>)
    %dma_start3A_40 = arith.constant 0 : i32
    %dma_start3A_41 = arith.constant 0 : i32
    %dma_start3A_42 = arith.constant 0 : i32
    %dma_start3A_43 = tpu.memref_slice %arg7[%dma_start3A_40, %dma_start3A_41, %dma_start3A_42] : memref<4x8x2048xf32, #tpu.memory_space<vmem>> -> memref<1x8x2048xf32, #tpu.memory_space<vmem>>
    %dma_start3A_44 = tpu.memref_squeeze %dma_start3A_43 : memref<1x8x2048xf32, #tpu.memory_space<vmem>> -> memref<8x2048xf32, #tpu.memory_space<vmem>>
    %dma_start3A_45 = arith.constant 0 : i32
    %dma_start3A_46 = tpu.memref_slice %arg6[%dma_start3A_45] : memref<256xi32, #tpu.memory_space<vmem>> -> memref<8xi32, #tpu.memory_space<vmem>>
    %dma_start3A_47 = arith.constant 0 : i32
    %dma_start3A_48 = arith.constant 0 : i32
    %dma_start3A_49 = tpu.memref_slice %arg3[%dma_start3A_47, %dma_start3A_48] : memref<50304x2048xf32, #tpu.memory_space<hbm>> -> memref<50304x2048xf32, #tpu.memory_space<hbm>>
    tpu.enqueue_indirect_dma source(%dma_start3A_49 : memref<50304x2048xf32, #tpu.memory_space<hbm>>) target(%dma_start3A_44 : memref<8x2048xf32, #tpu.memory_space<vmem>>) offsets(%dma_start3A_46 : memref<8xi32, #tpu.memory_space<vmem>>) semaphore(%arg9 : memref<!tpu.dma_semaphore, #tpu.memory_space<semaphore_mem>>)
    %dma_start3A_50 = arith.constant 1 : i32
    %dma_start3A_51 = arith.constant 0 : i32
    %dma_start3A_52 = arith.constant 0 : i32
    %dma_start3A_53 = tpu.memref_slice %arg7[%dma_start3A_50, %dma_start3A_51, %dma_start3A_52] : memref<4x8x2048xf32, #tpu.memory_space<vmem>> -> memref<1x8x2048xf32, #tpu.memory_space<vmem>>
    %dma_start3A_54 = tpu.memref_squeeze %dma_start3A_53 : memref<1x8x2048xf32, #tpu.memory_space<vmem>> -> memref<8x2048xf32, #tpu.memory_space<vmem>>
    %dma_start3A_55 = arith.constant 64 : i32
    %dma_start3A_56 = tpu.memref_slice %arg6[%dma_start3A_55] : memref<256xi32, #tpu.memory_space<vmem>> -> memref<8xi32, #tpu.memory_space<vmem>>
    %dma_start3A_57 = arith.constant 0 : i32
    %dma_start3A_58 = arith.constant 0 : i32
    %dma_start3A_59 = tpu.memref_slice %arg3[%dma_start3A_57, %dma_start3A_58] : memref<50304x2048xf32, #tpu.memory_space<hbm>> -> memref<50304x2048xf32, #tpu.memory_space<hbm>>
    tpu.enqueue_indirect_dma source(%dma_start3A_59 : memref<50304x2048xf32, #tpu.memory_space<hbm>>) target(%dma_start3A_54 : memref<8x2048xf32, #tpu.memory_space<vmem>>) offsets(%dma_start3A_56 : memref<8xi32, #tpu.memory_space<vmem>>) semaphore(%arg10 : memref<!tpu.dma_semaphore, #tpu.memory_space<semaphore_mem>>)
    %scan3A = arith.constant 0 : i32
    %scan3A_60 = arith.constant 0 : i32
    %scan3A_61 = arith.constant 4 : i32
    %scan3A_62 = arith.addi %scan3A_60, %scan3A_61 : i32
    %scan3A_63 = arith.constant 1 : i32
    %scan3A_64 = scf.for %scan3A_99 = %scan3A_60 to %scan3A_62 step %scan3A_63 iter_args(%scan3A_100 = %scan3A) -> (i32)  : i32 {
      %mul3A_101 = arith.constant 8 : i32
      %mul3A_102 = arith.muli %scan3A_99, %mul3A_101 : i32
      %add3A_103 = arith.constant 0 : i32
      %add3A_104 = arith.addi %mul3A_102, %add3A_103 : i32
      %mul3A_105 = arith.constant 2 : i32
      %mul3A_106 = arith.muli %scan3A_99, %mul3A_105 : i32
      %add3A_107 = arith.constant 0 : i32
      %add3A_108 = arith.addi %mul3A_106, %add3A_107 : i32
      %mul3A_109 = arith.constant 8 : i32
      %mul3A_110 = arith.muli %add3A_108, %mul3A_109 : i32
      %add3A_111 = arith.addi %mul3A_2, %mul3A_110 : i32
      %dma_wait3A_112 = arith.constant 0 : i32
      %dma_wait3A_113 = arith.constant 0 : i32
      %dma_wait3A_114 = arith.constant 0 : i32
      %dma_wait3A_115 = tpu.memref_slice %arg8[%dma_wait3A_112, %dma_wait3A_113, %dma_wait3A_114] : memref<2x8x2048xf32, #tpu.memory_space<vmem>> -> memref<1x8x2048xf32, #tpu.memory_space<vmem>>
      %dma_wait3A_116 = tpu.memref_squeeze %dma_wait3A_115 : memref<1x8x2048xf32, #tpu.memory_space<vmem>> -> memref<8x2048xf32, #tpu.memory_space<vmem>>
      %dma_wait3A_117 = arith.constant 0 : i32
      %dma_wait3A_118 = tpu.memref_slice %arg4[%add3A_111, %dma_wait3A_117] : memref<2048x2048xf32, #tpu.memory_space<hbm>> -> memref<8x2048xf32, #tpu.memory_space<hbm>>
      %dma_wait3A_119 = arith.constant 0 : i32
      %dma_wait3A_120 = arith.constant 0 : i32
      %dma_wait3A_121 = tpu.memref_slice %arg8[%dma_wait3A_112, %dma_wait3A_119, %dma_wait3A_120] : memref<2x8x2048xf32, #tpu.memory_space<vmem>> -> memref<1x8x2048xf32, #tpu.memory_space<vmem>>
      %dma_wait3A_122 = tpu.memref_squeeze %dma_wait3A_121 : memref<1x8x2048xf32, #tpu.memory_space<vmem>> -> memref<8x2048xf32, #tpu.memory_space<vmem>>
      %dma_wait3A_123 = arith.constant 0 : i32
      %dma_wait3A_124 = tpu.memref_slice %arg4[%add3A_111, %dma_wait3A_123] : memref<2048x2048xf32, #tpu.memory_space<hbm>> -> memref<8x2048xf32, #tpu.memory_space<hbm>>
      tpu.wait_dma2 semaphore(%arg13 : memref<!tpu.dma_semaphore, #tpu.memory_space<semaphore_mem>>) src(%dma_wait3A_124 : memref<8x2048xf32, #tpu.memory_space<hbm>>) dst(%dma_wait3A_122 : memref<8x2048xf32, #tpu.memory_space<vmem>>)
      %jit3A = arith.constant 4 : i32
      %div3A = arith.divsi %add3A_104, %jit3A : i32
      %sign3A = arith.constant 0 : i32
      %sign3A_125 = arith.cmpi sgt, %add3A_104, %sign3A : i32
      %sign3A_126 = arith.extui %sign3A_125 : i1 to i32
      %sign3A_127 = arith.constant 0 : i32
      %sign3A_128 = arith.cmpi slt, %add3A_104, %sign3A_127 : i32
      %sign3A_129 = arith.extui %sign3A_128 : i1 to i32
      %sign3A_130 = arith.subi %sign3A_126, %sign3A_129 : i32
      %sign3A_131 = arith.constant 0 : i32
      %sign3A_132 = arith.cmpi sgt, %jit3A, %sign3A_131 : i32
      %sign3A_133 = arith.extui %sign3A_132 : i1 to i32
      %sign3A_134 = arith.constant 0 : i32
      %sign3A_135 = arith.cmpi slt, %jit3A, %sign3A_134 : i32
      %sign3A_136 = arith.extui %sign3A_135 : i1 to i32
      %sign3A_137 = arith.subi %sign3A_133, %sign3A_136 : i32
      %ne3A = arith.cmpi ne, %sign3A_130, %sign3A_137 : i32
      %rem3A = arith.remsi %add3A_104, %jit3A : i32
      %ne3A_138 = arith.constant 0 : i32
      %ne3A_139 = arith.cmpi ne, %rem3A, %ne3A_138 : i32
      %and3A = arith.andi %ne3A, %ne3A_139 : i1
      %sub3A = arith.constant 1 : i32
      %sub3A_140 = arith.subi %div3A, %sub3A : i32
      %select_n3A = arith.select %and3A, %sub3A_140, %div3A : i32
      %jit3A_141 = arith.constant 4 : i32
      %eq3A = arith.constant 0 : i32
      %eq3A_142 = arith.cmpi eq, %jit3A_141, %eq3A : i32
      %jit3A_143 = arith.constant 1 : i32
      %select_n3A_144 = arith.select %eq3A_142, %jit3A_143, %jit3A_141 : i32
      %rem3A_145 = arith.remsi %add3A_104, %select_n3A_144 : i32
      %ne3A_146 = arith.constant 0 : i32
      %ne3A_147 = arith.cmpi ne, %rem3A_145, %ne3A_146 : i32
      %lt3A = arith.constant 0 : i32
      %lt3A_148 = arith.cmpi slt, %rem3A_145, %lt3A : i32
      %lt3A_149 = arith.constant 0 : i32
      %lt3A_150 = arith.cmpi slt, %select_n3A_144, %lt3A_149 : i32
      %ne3A_151 = arith.xori %lt3A_148, %lt3A_150 : i1
      %and3A_152 = arith.andi %ne3A_151, %ne3A_147 : i1
      %add3A_153 = arith.addi %rem3A_145, %select_n3A_144 : i32
      %select_n3A_154 = arith.select %and3A_152, %add3A_153, %rem3A_145 : i32
      %mul3A_155 = arith.constant 64 : i32
      %mul3A_156 = arith.muli %select_n3A_154, %mul3A_155 : i32
      %mul3A_157 = arith.constant 8 : i32
      %mul3A_158 = arith.muli %select_n3A, %mul3A_157 : i32
      %add3A_159 = arith.addi %mul3A_156, %mul3A_158 : i32
      %dma_wait3A_160 = arith.constant 0 : i32
      %dma_wait3A_161 = arith.constant 0 : i32
      %dma_wait3A_162 = arith.constant 0 : i32
      %dma_wait3A_163 = tpu.memref_slice %arg7[%dma_wait3A_160, %dma_wait3A_161, %dma_wait3A_162] : memref<4x8x2048xf32, #tpu.memory_space<vmem>> -> memref<1x8x2048xf32, #tpu.memory_space<vmem>>
      %dma_wait3A_164 = tpu.memref_squeeze %dma_wait3A_163 : memref<1x8x2048xf32, #tpu.memory_space<vmem>> -> memref<8x2048xf32, #tpu.memory_space<vmem>>
      %dma_wait3A_165 = tpu.memref_slice %arg6[%add3A_159] : memref<256xi32, #tpu.memory_space<vmem>> -> memref<8xi32, #tpu.memory_space<vmem>>
      %dma_wait3A_166 = arith.constant 0 : i32
      %dma_wait3A_167 = arith.constant 0 : i32
      %dma_wait3A_168 = tpu.memref_slice %arg3[%dma_wait3A_166, %dma_wait3A_167] : memref<50304x2048xf32, #tpu.memory_space<hbm>> -> memref<50304x2048xf32, #tpu.memory_space<hbm>>
      tpu.wait_indirect_dma semaphore(%arg9 : memref<!tpu.dma_semaphore, #tpu.memory_space<semaphore_mem>>) src(%dma_wait3A_168 : memref<50304x2048xf32, #tpu.memory_space<hbm>>) dst(%dma_wait3A_164 : memref<8x2048xf32, #tpu.memory_space<vmem>>)
      %ge3A = arith.constant 2 : i32
      %ge3A_169 = arith.cmpi sge, %add3A_104, %ge3A : i32
      %convert_element_type3A = arith.extui %ge3A_169 : i1 to i32
      %cond3A = arith.constant 0 : i32
      %cond3A_170 = arith.cmpi ne, %convert_element_type3A, %cond3A : i32
      scf.if %cond3A_170 {
        %sub3A_1885 = arith.constant 2 : i32
        %sub3A_1886 = arith.subi %add3A_104, %sub3A_1885 : i32
        %jit3A_1887 = arith.constant 4 : i32
        %div3A_1888 = arith.divsi %sub3A_1886, %jit3A_1887 : i32
        %sign3A_1889 = arith.constant 0 : i32
        %sign3A_1890 = arith.cmpi sgt, %sub3A_1886, %sign3A_1889 : i32
        %sign3A_1891 = arith.extui %sign3A_1890 : i1 to i32
        %sign3A_1892 = arith.constant 0 : i32
        %sign3A_1893 = arith.cmpi slt, %sub3A_1886, %sign3A_1892 : i32
        %sign3A_1894 = arith.extui %sign3A_1893 : i1 to i32
        %sign3A_1895 = arith.subi %sign3A_1891, %sign3A_1894 : i32
        %sign3A_1896 = arith.constant 0 : i32
        %sign3A_1897 = arith.cmpi sgt, %jit3A_1887, %sign3A_1896 : i32
        %sign3A_1898 = arith.extui %sign3A_1897 : i1 to i32
        %sign3A_1899 = arith.constant 0 : i32
        %sign3A_1900 = arith.cmpi slt, %jit3A_1887, %sign3A_1899 : i32
        %sign3A_1901 = arith.extui %sign3A_1900 : i1 to i32
        %sign3A_1902 = arith.subi %sign3A_1898, %sign3A_1901 : i32
        %ne3A_1903 = arith.cmpi ne, %sign3A_1895, %sign3A_1902 : i32
        %rem3A_1904 = arith.remsi %sub3A_1886, %jit3A_1887 : i32
        %ne3A_1905 = arith.constant 0 : i32
        %ne3A_1906 = arith.cmpi ne, %rem3A_1904, %ne3A_1905 : i32
        %and3A_1907 = arith.andi %ne3A_1903, %ne3A_1906 : i1
        %sub3A_1908 = arith.constant 1 : i32
        %sub3A_1909 = arith.subi %div3A_1888, %sub3A_1908 : i32
        %select_n3A_1910 = arith.select %and3A_1907, %sub3A_1909, %div3A_1888 : i32
        %jit3A_1911 = arith.constant 4 : i32
        %eq3A_1912 = arith.constant 0 : i32
        %eq3A_1913 = arith.cmpi eq, %jit3A_1911, %eq3A_1912 : i32
        %jit3A_1914 = arith.constant 1 : i32
        %select_n3A_1915 = arith.select %eq3A_1913, %jit3A_1914, %jit3A_1911 : i32
        %rem3A_1916 = arith.remsi %sub3A_1886, %select_n3A_1915 : i32
        %ne3A_1917 = arith.constant 0 : i32
        %ne3A_1918 = arith.cmpi ne, %rem3A_1916, %ne3A_1917 : i32
        %lt3A_1919 = arith.constant 0 : i32
        %lt3A_1920 = arith.cmpi slt, %rem3A_1916, %lt3A_1919 : i32
        %lt3A_1921 = arith.constant 0 : i32
        %lt3A_1922 = arith.cmpi slt, %select_n3A_1915, %lt3A_1921 : i32
        %ne3A_1923 = arith.xori %lt3A_1920, %lt3A_1922 : i1
        %and3A_1924 = arith.andi %ne3A_1923, %ne3A_1918 : i1
        %add3A_1925 = arith.addi %rem3A_1916, %select_n3A_1915 : i32
        %select_n3A_1926 = arith.select %and3A_1924, %add3A_1925, %rem3A_1916 : i32
        %mul3A_1927 = arith.constant 2048 : i32
        %mul3A_1928 = arith.muli %select_n3A_1926, %mul3A_1927 : i32
        %add3A_1929 = arith.addi %mul3A_1928, %mul3A_2 : i32
        %mul3A_1930 = arith.constant 8 : i32
        %mul3A_1931 = arith.muli %select_n3A_1910, %mul3A_1930 : i32
        %add3A_1932 = arith.addi %add3A_1929, %mul3A_1931 : i32
        %dma_wait3A_1933 = arith.constant 2 : i32
        %dma_wait3A_1934 = arith.constant 0 : i32
        %dma_wait3A_1935 = arith.constant 0 : i32
        %dma_wait3A_1936 = tpu.memref_slice %arg7[%dma_wait3A_1933, %dma_wait3A_1934, %dma_wait3A_1935] : memref<4x8x2048xf32, #tpu.memory_space<vmem>> -> memref<1x8x2048xf32, #tpu.memory_space<vmem>>
        %dma_wait3A_1937 = tpu.memref_squeeze %dma_wait3A_1936 : memref<1x8x2048xf32, #tpu.memory_space<vmem>> -> memref<8x2048xf32, #tpu.memory_space<vmem>>
        %dma_wait3A_1938 = arith.constant 0 : i32
        %dma_wait3A_1939 = tpu.memref_slice %arg5[%add3A_1932, %dma_wait3A_1938] : memref<8192x2048xf32, #tpu.memory_space<hbm>> -> memref<8x2048xf32, #tpu.memory_space<hbm>>
        %dma_wait3A_1940 = arith.constant 0 : i32
        %dma_wait3A_1941 = tpu.memref_slice %arg5[%add3A_1932, %dma_wait3A_1940] : memref<8192x2048xf32, #tpu.memory_space<hbm>> -> memref<8x2048xf32, #tpu.memory_space<hbm>>
        %dma_wait3A_1942 = arith.constant 0 : i32
        %dma_wait3A_1943 = arith.constant 0 : i32
        %dma_wait3A_1944 = tpu.memref_slice %arg7[%dma_wait3A_1933, %dma_wait3A_1942, %dma_wait3A_1943] : memref<4x8x2048xf32, #tpu.memory_space<vmem>> -> memref<1x8x2048xf32, #tpu.memory_space<vmem>>
        %dma_wait3A_1945 = tpu.memref_squeeze %dma_wait3A_1944 : memref<1x8x2048xf32, #tpu.memory_space<vmem>> -> memref<8x2048xf32, #tpu.memory_space<vmem>>
        tpu.wait_dma2 semaphore(%arg17 : memref<!tpu.dma_semaphore, #tpu.memory_space<semaphore_mem>>) src(%dma_wait3A_1945 : memref<8x2048xf32, #tpu.memory_space<vmem>>) dst(%dma_wait3A_1941 : memref<8x2048xf32, #tpu.memory_space<hbm>>)
      } else {
      }
      %add3A_171 = arith.constant 2 : i32
      %add3A_172 = arith.addi %add3A_104, %add3A_171 : i32
      %jit3A_173 = arith.constant 4 : i32
      %div3A_174 = arith.divsi %add3A_172, %jit3A_173 : i32
      %sign3A_175 = arith.constant 0 : i32
      %sign3A_176 = arith.cmpi sgt, %add3A_172, %sign3A_175 : i32
      %sign3A_177 = arith.extui %sign3A_176 : i1 to i32
      %sign3A_178 = arith.constant 0 : i32
      %sign3A_179 = arith.cmpi slt, %add3A_172, %sign3A_178 : i32
      %sign3A_180 = arith.extui %sign3A_179 : i1 to i32
      %sign3A_181 = arith.subi %sign3A_177, %sign3A_180 : i32
      %sign3A_182 = arith.constant 0 : i32
      %sign3A_183 = arith.cmpi sgt, %jit3A_173, %sign3A_182 : i32
      %sign3A_184 = arith.extui %sign3A_183 : i1 to i32
      %sign3A_185 = arith.constant 0 : i32
      %sign3A_186 = arith.cmpi slt, %jit3A_173, %sign3A_185 : i32
      %sign3A_187 = arith.extui %sign3A_186 : i1 to i32
      %sign3A_188 = arith.subi %sign3A_184, %sign3A_187 : i32
      %ne3A_189 = arith.cmpi ne, %sign3A_181, %sign3A_188 : i32
      %rem3A_190 = arith.remsi %add3A_172, %jit3A_173 : i32
      %ne3A_191 = arith.constant 0 : i32
      %ne3A_192 = arith.cmpi ne, %rem3A_190, %ne3A_191 : i32
      %and3A_193 = arith.andi %ne3A_189, %ne3A_192 : i1
      %sub3A_194 = arith.constant 1 : i32
      %sub3A_195 = arith.subi %div3A_174, %sub3A_194 : i32
      %select_n3A_196 = arith.select %and3A_193, %sub3A_195, %div3A_174 : i32
      %jit3A_197 = arith.constant 4 : i32
      %eq3A_198 = arith.constant 0 : i32
      %eq3A_199 = arith.cmpi eq, %jit3A_197, %eq3A_198 : i32
      %jit3A_200 = arith.constant 1 : i32
      %select_n3A_201 = arith.select %eq3A_199, %jit3A_200, %jit3A_197 : i32
      %rem3A_202 = arith.remsi %add3A_172, %select_n3A_201 : i32
      %ne3A_203 = arith.constant 0 : i32
      %ne3A_204 = arith.cmpi ne, %rem3A_202, %ne3A_203 : i32
      %lt3A_205 = arith.constant 0 : i32
      %lt3A_206 = arith.cmpi slt, %rem3A_202, %lt3A_205 : i32
      %lt3A_207 = arith.constant 0 : i32
      %lt3A_208 = arith.cmpi slt, %select_n3A_201, %lt3A_207 : i32
      %ne3A_209 = arith.xori %lt3A_206, %lt3A_208 : i1
      %and3A_210 = arith.andi %ne3A_209, %ne3A_204 : i1
      %add3A_211 = arith.addi %rem3A_202, %select_n3A_201 : i32
      %select_n3A_212 = arith.select %and3A_210, %add3A_211, %rem3A_202 : i32
      %mul3A_213 = arith.constant 64 : i32
      %mul3A_214 = arith.muli %select_n3A_212, %mul3A_213 : i32
      %mul3A_215 = arith.constant 8 : i32
      %mul3A_216 = arith.muli %select_n3A_196, %mul3A_215 : i32
      %add3A_217 = arith.addi %mul3A_214, %mul3A_216 : i32
      %dma_start3A_218 = arith.constant 2 : i32
      %dma_start3A_219 = arith.constant 0 : i32
      %dma_start3A_220 = arith.constant 0 : i32
      %dma_start3A_221 = tpu.memref_slice %arg7[%dma_start3A_218, %dma_start3A_219, %dma_start3A_220] : memref<4x8x2048xf32, #tpu.memory_space<vmem>> -> memref<1x8x2048xf32, #tpu.memory_space<vmem>>
      %dma_start3A_222 = tpu.memref_squeeze %dma_start3A_221 : memref<1x8x2048xf32, #tpu.memory_space<vmem>> -> memref<8x2048xf32, #tpu.memory_space<vmem>>
      %dma_start3A_223 = tpu.memref_slice %arg6[%add3A_217] : memref<256xi32, #tpu.memory_space<vmem>> -> memref<8xi32, #tpu.memory_space<vmem>>
      %dma_start3A_224 = arith.constant 0 : i32
      %dma_start3A_225 = arith.constant 0 : i32
      %dma_start3A_226 = tpu.memref_slice %arg3[%dma_start3A_224, %dma_start3A_225] : memref<50304x2048xf32, #tpu.memory_space<hbm>> -> memref<50304x2048xf32, #tpu.memory_space<hbm>>
      tpu.enqueue_indirect_dma source(%dma_start3A_226 : memref<50304x2048xf32, #tpu.memory_space<hbm>>) target(%dma_start3A_222 : memref<8x2048xf32, #tpu.memory_space<vmem>>) offsets(%dma_start3A_223 : memref<8xi32, #tpu.memory_space<vmem>>) semaphore(%arg11 : memref<!tpu.dma_semaphore, #tpu.memory_space<semaphore_mem>>)
      %scan3A_227 = arith.constant 0 : i32
      %scan3A_228 = arith.constant 0 : i32
      %scan3A_229 = arith.constant 128 : i32
      %scan3A_230 = arith.addi %scan3A_228, %scan3A_229 : i32
      %scan3A_231 = arith.constant 1 : i32
      %scan3A_232 = scf.for %scan3A_1885 = %scan3A_228 to %scan3A_230 step %scan3A_231 iter_args(%scan3A_1886 = %scan3A_227) -> (i32)  : i32 {
        %mul3A_1887 = arith.constant 16 : i32
        %mul3A_1888 = arith.muli %scan3A_1885, %mul3A_1887 : i32
        %get3A = arith.constant 0 : i32
        %get3A_1889 = arith.constant 0 : i32
        %get3A_1890 = arith.index_cast %get3A : i32 to index
        %get3A_1891 = arith.index_cast %get3A_1889 : i32 to index
        %get3A_1892 = arith.index_cast %mul3A_1888 : i32 to index
        %get3A_1893 = tpu.vector_load %arg7[%get3A_1890, %get3A_1891, %get3A_1892] {strides = array<i32>} : memref<4x8x2048xf32, #tpu.memory_space<vmem>>, vector<1x1x16xf32>,
        %get3A_1894 = vector.shape_cast %get3A_1893 : vector<1x1x16xf32> to vector<16xf32>
        %get3A_1895 = arith.constant 0 : i32
        %get3A_1896 = arith.constant 0 : i32
        %get3A_1897 = arith.index_cast %get3A_1895 : i32 to index
        %get3A_1898 = arith.index_cast %get3A_1896 : i32 to index
        %get3A_1899 = arith.index_cast %mul3A_1888 : i32 to index
        %get3A_1900 = tpu.vector_load %arg8[%get3A_1897, %get3A_1898, %get3A_1899] {strides = array<i32>} : memref<2x8x2048xf32, #tpu.memory_space<vmem>>, vector<1x1x16xf32>,
        %get3A_1901 = vector.shape_cast %get3A_1900 : vector<1x1x16xf32> to vector<16xf32>
        %add3A_1902 = arith.addf %get3A_1894, %get3A_1901 : vector<16xf32>
        %swap3A = arith.constant 0 : i32
        %swap3A_1903 = arith.constant 0 : i32
        %swap3A_1904 = arith.index_cast %swap3A : i32 to index
        %swap3A_1905 = arith.index_cast %swap3A_1903 : i32 to index
        %swap3A_1906 = arith.index_cast %mul3A_1888 : i32 to index
        %swap3A_1907 = tpu.vector_load %arg7[%swap3A_1904, %swap3A_1905, %swap3A_1906] {strides = array<i32>} : memref<4x8x2048xf32, #tpu.memory_space<vmem>>, vector<1x1x16xf32>,
        %swap3A_1908 = vector.shape_cast %swap3A_1907 : vector<1x1x16xf32> to vector<16xf32>
        %swap3A_1909 = vector.shape_cast %add3A_1902 : vector<16xf32> to vector<1x1x16xf32>
        tpu.vector_store %arg7[%swap3A_1904, %swap3A_1905, %swap3A_1906], %swap3A_1909 {strides = array<i32>} : memref<4x8x2048xf32, #tpu.memory_space<vmem>>, vector<1x1x16xf32>,
        %get3A_1910 = arith.constant 0 : i32
        %get3A_1911 = arith.constant 1 : i32
        %get3A_1912 = arith.index_cast %get3A_1910 : i32 to index
        %get3A_1913 = arith.index_cast %get3A_1911 : i32 to index
        %get3A_1914 = arith.index_cast %mul3A_1888 : i32 to index
        %get3A_1915 = tpu.vector_load %arg7[%get3A_1912, %get3A_1913, %get3A_1914] {strides = array<i32>} : memref<4x8x2048xf32, #tpu.memory_space<vmem>>, vector<1x1x16xf32>,
        %get3A_1916 = vector.shape_cast %get3A_1915 : vector<1x1x16xf32> to vector<16xf32>
        %get3A_1917 = arith.constant 0 : i32
        %get3A_1918 = arith.constant 1 : i32
        %get3A_1919 = arith.index_cast %get3A_1917 : i32 to index
        %get3A_1920 = arith.index_cast %get3A_1918 : i32 to index
        %get3A_1921 = arith.index_cast %mul3A_1888 : i32 to index
        %get3A_1922 = tpu.vector_load %arg8[%get3A_1919, %get3A_1920, %get3A_1921] {strides = array<i32>} : memref<2x8x2048xf32, #tpu.memory_space<vmem>>, vector<1x1x16xf32>,
        %get3A_1923 = vector.shape_cast %get3A_1922 : vector<1x1x16xf32> to vector<16xf32>
        %add3A_1924 = arith.addf %get3A_1916, %get3A_1923 : vector<16xf32>
        %swap3A_1925 = arith.constant 0 : i32
        %swap3A_1926 = arith.constant 1 : i32
        %swap3A_1927 = arith.index_cast %swap3A_1925 : i32 to index
        %swap3A_1928 = arith.index_cast %swap3A_1926 : i32 to index
        %swap3A_1929 = arith.index_cast %mul3A_1888 : i32 to index
        %swap3A_1930 = tpu.vector_load %arg7[%swap3A_1927, %swap3A_1928, %swap3A_1929] {strides = array<i32>} : memref<4x8x2048xf32, #tpu.memory_space<vmem>>, vector<1x1x16xf32>,
        %swap3A_1931 = vector.shape_cast %swap3A_1930 : vector<1x1x16xf32> to vector<16xf32>
        %swap3A_1932 = vector.shape_cast %add3A_1924 : vector<16xf32> to vector<1x1x16xf32>
        tpu.vector_store %arg7[%swap3A_1927, %swap3A_1928, %swap3A_1929], %swap3A_1932 {strides = array<i32>} : memref<4x8x2048xf32, #tpu.memory_space<vmem>>, vector<1x1x16xf32>,
        %get3A_1933 = arith.constant 0 : i32
        %get3A_1934 = arith.constant 2 : i32
        %get3A_1935 = arith.index_cast %get3A_1933 : i32 to index
        %get3A_1936 = arith.index_cast %get3A_1934 : i32 to index
        %get3A_1937 = arith.index_cast %mul3A_1888 : i32 to index
        %get3A_1938 = tpu.vector_load %arg7[%get3A_1935, %get3A_1936, %get3A_1937] {strides = array<i32>} : memref<4x8x2048xf32, #tpu.memory_space<vmem>>, vector<1x1x16xf32>,
        %get3A_1939 = vector.shape_cast %get3A_1938 : vector<1x1x16xf32> to vector<16xf32>
        %get3A_1940 = arith.constant 0 : i32
        %get3A_1941 = arith.constant 2 : i32
        %get3A_1942 = arith.index_cast %get3A_1940 : i32 to index
        %get3A_1943 = arith.index_cast %get3A_1941 : i32 to index
        %get3A_1944 = arith.index_cast %mul3A_1888 : i32 to index
        %get3A_1945 = tpu.vector_load %arg8[%get3A_1942, %get3A_1943, %get3A_1944] {strides = array<i32>} : memref<2x8x2048xf32, #tpu.memory_space<vmem>>, vector<1x1x16xf32>,
        %get3A_1946 = vector.shape_cast %get3A_1945 : vector<1x1x16xf32> to vector<16xf32>
        %add3A_1947 = arith.addf %get3A_1939, %get3A_1946 : vector<16xf32>
        %swap3A_1948 = arith.constant 0 : i32
        %swap3A_1949 = arith.constant 2 : i32
        %swap3A_1950 = arith.index_cast %swap3A_1948 : i32 to index
        %swap3A_1951 = arith.index_cast %swap3A_1949 : i32 to index
        %swap3A_1952 = arith.index_cast %mul3A_1888 : i32 to index
        %swap3A_1953 = tpu.vector_load %arg7[%swap3A_1950, %swap3A_1951, %swap3A_1952] {strides = array<i32>} : memref<4x8x2048xf32, #tpu.memory_space<vmem>>, vector<1x1x16xf32>,
        %swap3A_1954 = vector.shape_cast %swap3A_1953 : vector<1x1x16xf32> to vector<16xf32>
        %swap3A_1955 = vector.shape_cast %add3A_1947 : vector<16xf32> to vector<1x1x16xf32>
        tpu.vector_store %arg7[%swap3A_1950, %swap3A_1951, %swap3A_1952], %swap3A_1955 {strides = array<i32>} : memref<4x8x2048xf32, #tpu.memory_space<vmem>>, vector<1x1x16xf32>,
        %get3A_1956 = arith.constant 0 : i32
        %get3A_1957 = arith.constant 3 : i32
        %get3A_1958 = arith.index_cast %get3A_1956 : i32 to index
        %get3A_1959 = arith.index_cast %get3A_1957 : i32 to index
        %get3A_1960 = arith.index_cast %mul3A_1888 : i32 to index
        %get3A_1961 = tpu.vector_load %arg7[%get3A_1958, %get3A_1959, %get3A_1960] {strides = array<i32>} : memref<4x8x2048xf32, #tpu.memory_space<vmem>>, vector<1x1x16xf32>,
        %get3A_1962 = vector.shape_cast %get3A_1961 : vector<1x1x16xf32> to vector<16xf32>
        %get3A_1963 = arith.constant 0 : i32
        %get3A_1964 = arith.constant 3 : i32
        %get3A_1965 = arith.index_cast %get3A_1963 : i32 to index
        %get3A_1966 = arith.index_cast %get3A_1964 : i32 to index
        %get3A_1967 = arith.index_cast %mul3A_1888 : i32 to index
        %get3A_1968 = tpu.vector_load %arg8[%get3A_1965, %get3A_1966, %get3A_1967] {strides = array<i32>} : memref<2x8x2048xf32, #tpu.memory_space<vmem>>, vector<1x1x16xf32>,
        %get3A_1969 = vector.shape_cast %get3A_1968 : vector<1x1x16xf32> to vector<16xf32>
        %add3A_1970 = arith.addf %get3A_1962, %get3A_1969 : vector<16xf32>
        %swap3A_1971 = arith.constant 0 : i32
        %swap3A_1972 = arith.constant 3 : i32
        %swap3A_1973 = arith.index_cast %swap3A_1971 : i32 to index
        %swap3A_1974 = arith.index_cast %swap3A_1972 : i32 to index
        %swap3A_1975 = arith.index_cast %mul3A_1888 : i32 to index
        %swap3A_1976 = tpu.vector_load %arg7[%swap3A_1973, %swap3A_1974, %swap3A_1975] {strides = array<i32>} : memref<4x8x2048xf32, #tpu.memory_space<vmem>>, vector<1x1x16xf32>,
        %swap3A_1977 = vector.shape_cast %swap3A_1976 : vector<1x1x16xf32> to vector<16xf32>
        %swap3A_1978 = vector.shape_cast %add3A_1970 : vector<16xf32> to vector<1x1x16xf32>
        tpu.vector_store %arg7[%swap3A_1973, %swap3A_1974, %swap3A_1975], %swap3A_1978 {strides = array<i32>} : memref<4x8x2048xf32, #tpu.memory_space<vmem>>, vector<1x1x16xf32>,
        %get3A_1979 = arith.constant 0 : i32
        %get3A_1980 = arith.constant 4 : i32
        %get3A_1981 = arith.index_cast %get3A_1979 : i32 to index
        %get3A_1982 = arith.index_cast %get3A_1980 : i32 to index
        %get3A_1983 = arith.index_cast %mul3A_1888 : i32 to index
        %get3A_1984 = tpu.vector_load %arg7[%get3A_1981, %get3A_1982, %get3A_1983] {strides = array<i32>} : memref<4x8x2048xf32, #tpu.memory_space<vmem>>, vector<1x1x16xf32>,
        %get3A_1985 = vector.shape_cast %get3A_1984 : vector<1x1x16xf32> to vector<16xf32>
        %get3A_1986 = arith.constant 0 : i32
        %get3A_1987 = arith.constant 4 : i32
        %get3A_1988 = arith.index_cast %get3A_1986 : i32 to index
        %get3A_1989 = arith.index_cast %get3A_1987 : i32 to index
        %get3A_1990 = arith.index_cast %mul3A_1888 : i32 to index
        %get3A_1991 = tpu.vector_load %arg8[%get3A_1988, %get3A_1989, %get3A_1990] {strides = array<i32>} : memref<2x8x2048xf32, #tpu.memory_space<vmem>>, vector<1x1x16xf32>,
        %get3A_1992 = vector.shape_cast %get3A_1991 : vector<1x1x16xf32> to vector<16xf32>
        %add3A_1993 = arith.addf %get3A_1985, %get3A_1992 : vector<16xf32>
        %swap3A_1994 = arith.constant 0 : i32
        %swap3A_1995 = arith.constant 4 : i32
        %swap3A_1996 = arith.index_cast %swap3A_1994 : i32 to index
        %swap3A_1997 = arith.index_cast %swap3A_1995 : i32 to index
        %swap3A_1998 = arith.index_cast %mul3A_1888 : i32 to index
        %swap3A_1999 = tpu.vector_load %arg7[%swap3A_1996, %swap3A_1997, %swap3A_1998] {strides = array<i32>} : memref<4x8x2048xf32, #tpu.memory_space<vmem>>, vector<1x1x16xf32>,
        %swap3A_2000 = vector.shape_cast %swap3A_1999 : vector<1x1x16xf32> to vector<16xf32>
        %swap3A_2001 = vector.shape_cast %add3A_1993 : vector<16xf32> to vector<1x1x16xf32>
        tpu.vector_store %arg7[%swap3A_1996, %swap3A_1997, %swap3A_1998], %swap3A_2001 {strides = array<i32>} : memref<4x8x2048xf32, #tpu.memory_space<vmem>>, vector<1x1x16xf32>,
        %get3A_2002 = arith.constant 0 : i32
        %get3A_2003 = arith.constant 5 : i32
        %get3A_2004 = arith.index_cast %get3A_2002 : i32 to index
        %get3A_2005 = arith.index_cast %get3A_2003 : i32 to index
        %get3A_2006 = arith.index_cast %mul3A_1888 : i32 to index
        %get3A_2007 = tpu.vector_load %arg7[%get3A_2004, %get3A_2005, %get3A_2006] {strides = array<i32>} : memref<4x8x2048xf32, #tpu.memory_space<vmem>>, vector<1x1x16xf32>,
        %get3A_2008 = vector.shape_cast %get3A_2007 : vector<1x1x16xf32> to vector<16xf32>
        %get3A_2009 = arith.constant 0 : i32
        %get3A_2010 = arith.constant 5 : i32
        %get3A_2011 = arith.index_cast %get3A_2009 : i32 to index
        %get3A_2012 = arith.index_cast %get3A_2010 : i32 to index
        %get3A_2013 = arith.index_cast %mul3A_1888 : i32 to index
        %get3A_2014 = tpu.vector_load %arg8[%get3A_2011, %get3A_2012, %get3A_2013] {strides = array<i32>} : memref<2x8x2048xf32, #tpu.memory_space<vmem>>, vector<1x1x16xf32>,
        %get3A_2015 = vector.shape_cast %get3A_2014 : vector<1x1x16xf32> to vector<16xf32>
        %add3A_2016 = arith.addf %get3A_2008, %get3A_2015 : vector<16xf32>
        %swap3A_2017 = arith.constant 0 : i32
        %swap3A_2018 = arith.constant 5 : i32
        %swap3A_2019 = arith.index_cast %swap3A_2017 : i32 to index
        %swap3A_2020 = arith.index_cast %swap3A_2018 : i32 to index
        %swap3A_2021 = arith.index_cast %mul3A_1888 : i32 to index
        %swap3A_2022 = tpu.vector_load %arg7[%swap3A_2019, %swap3A_2020, %swap3A_2021] {strides = array<i32>} : memref<4x8x2048xf32, #tpu.memory_space<vmem>>, vector<1x1x16xf32>,
        %swap3A_2023 = vector.shape_cast %swap3A_2022 : vector<1x1x16xf32> to vector<16xf32>
        %swap3A_2024 = vector.shape_cast %add3A_2016 : vector<16xf32> to vector<1x1x16xf32>
        tpu.vector_store %arg7[%swap3A_2019, %swap3A_2020, %swap3A_2021], %swap3A_2024 {strides = array<i32>} : memref<4x8x2048xf32, #tpu.memory_space<vmem>>, vector<1x1x16xf32>,
        %get3A_2025 = arith.constant 0 : i32
        %get3A_2026 = arith.constant 6 : i32
        %get3A_2027 = arith.index_cast %get3A_2025 : i32 to index
        %get3A_2028 = arith.index_cast %get3A_2026 : i32 to index
        %get3A_2029 = arith.index_cast %mul3A_1888 : i32 to index
        %get3A_2030 = tpu.vector_load %arg7[%get3A_2027, %get3A_2028, %get3A_2029] {strides = array<i32>} : memref<4x8x2048xf32, #tpu.memory_space<vmem>>, vector<1x1x16xf32>,
        %get3A_2031 = vector.shape_cast %get3A_2030 : vector<1x1x16xf32> to vector<16xf32>
        %get3A_2032 = arith.constant 0 : i32
        %get3A_2033 = arith.constant 6 : i32
        %get3A_2034 = arith.index_cast %get3A_2032 : i32 to index
        %get3A_2035 = arith.index_cast %get3A_2033 : i32 to index
        %get3A_2036 = arith.index_cast %mul3A_1888 : i32 to index
        %get3A_2037 = tpu.vector_load %arg8[%get3A_2034, %get3A_2035, %get3A_2036] {strides = array<i32>} : memref<2x8x2048xf32, #tpu.memory_space<vmem>>, vector<1x1x16xf32>,
        %get3A_2038 = vector.shape_cast %get3A_2037 : vector<1x1x16xf32> to vector<16xf32>
        %add3A_2039 = arith.addf %get3A_2031, %get3A_2038 : vector<16xf32>
        %swap3A_2040 = arith.constant 0 : i32
        %swap3A_2041 = arith.constant 6 : i32
        %swap3A_2042 = arith.index_cast %swap3A_2040 : i32 to index
        %swap3A_2043 = arith.index_cast %swap3A_2041 : i32 to index
        %swap3A_2044 = arith.index_cast %mul3A_1888 : i32 to index
        %swap3A_2045 = tpu.vector_load %arg7[%swap3A_2042, %swap3A_2043, %swap3A_2044] {strides = array<i32>} : memref<4x8x2048xf32, #tpu.memory_space<vmem>>, vector<1x1x16xf32>,
        %swap3A_2046 = vector.shape_cast %swap3A_2045 : vector<1x1x16xf32> to vector<16xf32>
        %swap3A_2047 = vector.shape_cast %add3A_2039 : vector<16xf32> to vector<1x1x16xf32>
        tpu.vector_store %arg7[%swap3A_2042, %swap3A_2043, %swap3A_2044], %swap3A_2047 {strides = array<i32>} : memref<4x8x2048xf32, #tpu.memory_space<vmem>>, vector<1x1x16xf32>,
        %get3A_2048 = arith.constant 0 : i32
        %get3A_2049 = arith.constant 7 : i32
        %get3A_2050 = arith.index_cast %get3A_2048 : i32 to index
        %get3A_2051 = arith.index_cast %get3A_2049 : i32 to index
        %get3A_2052 = arith.index_cast %mul3A_1888 : i32 to index
        %get3A_2053 = tpu.vector_load %arg7[%get3A_2050, %get3A_2051, %get3A_2052] {strides = array<i32>} : memref<4x8x2048xf32, #tpu.memory_space<vmem>>, vector<1x1x16xf32>,
        %get3A_2054 = vector.shape_cast %get3A_2053 : vector<1x1x16xf32> to vector<16xf32>
        %get3A_2055 = arith.constant 0 : i32
        %get3A_2056 = arith.constant 7 : i32
        %get3A_2057 = arith.index_cast %get3A_2055 : i32 to index
        %get3A_2058 = arith.index_cast %get3A_2056 : i32 to index
        %get3A_2059 = arith.index_cast %mul3A_1888 : i32 to index
        %get3A_2060 = tpu.vector_load %arg8[%get3A_2057, %get3A_2058, %get3A_2059] {strides = array<i32>} : memref<2x8x2048xf32, #tpu.memory_space<vmem>>, vector<1x1x16xf32>,
        %get3A_2061 = vector.shape_cast %get3A_2060 : vector<1x1x16xf32> to vector<16xf32>
        %add3A_2062 = arith.addf %get3A_2054, %get3A_2061 : vector<16xf32>
        %swap3A_2063 = arith.constant 0 : i32
        %swap3A_2064 = arith.constant 7 : i32
        %swap3A_2065 = arith.index_cast %swap3A_2063 : i32 to index
        %swap3A_2066 = arith.index_cast %swap3A_2064 : i32 to index
        %swap3A_2067 = arith.index_cast %mul3A_1888 : i32 to index
        %swap3A_2068 = tpu.vector_load %arg7[%swap3A_2065, %swap3A_2066, %swap3A_2067] {strides = array<i32>} : memref<4x8x2048xf32, #tpu.memory_space<vmem>>, vector<1x1x16xf32>,
        %swap3A_2069 = vector.shape_cast %swap3A_2068 : vector<1x1x16xf32> to vector<16xf32>
        %swap3A_2070 = vector.shape_cast %add3A_2062 : vector<16xf32> to vector<1x1x16xf32>
        tpu.vector_store %arg7[%swap3A_2065, %swap3A_2066, %swap3A_2067], %swap3A_2070 {strides = array<i32>} : memref<4x8x2048xf32, #tpu.memory_space<vmem>>, vector<1x1x16xf32>,
        %scan3A_2071 = arith.constant 0 : i32
        scf.yield %scan3A_2071 : i32
      }
      %scan3A_233 = arith.constant 128 : i32
      %jit3A_234 = arith.constant 4 : i32
      %div3A_235 = arith.divsi %add3A_104, %jit3A_234 : i32
      %sign3A_236 = arith.constant 0 : i32
      %sign3A_237 = arith.cmpi sgt, %add3A_104, %sign3A_236 : i32
      %sign3A_238 = arith.extui %sign3A_237 : i1 to i32
      %sign3A_239 = arith.constant 0 : i32
      %sign3A_240 = arith.cmpi slt, %add3A_104, %sign3A_239 : i32
      %sign3A_241 = arith.extui %sign3A_240 : i1 to i32
      %sign3A_242 = arith.subi %sign3A_238, %sign3A_241 : i32
      %sign3A_243 = arith.constant 0 : i32
      %sign3A_244 = arith.cmpi sgt, %jit3A_234, %sign3A_243 : i32
      %sign3A_245 = arith.extui %sign3A_244 : i1 to i32
      %sign3A_246 = arith.constant 0 : i32
      %sign3A_247 = arith.cmpi slt, %jit3A_234, %sign3A_246 : i32
      %sign3A_248 = arith.extui %sign3A_247 : i1 to i32
      %sign3A_249 = arith.subi %sign3A_245, %sign3A_248 : i32
      %ne3A_250 = arith.cmpi ne, %sign3A_242, %sign3A_249 : i32
      %rem3A_251 = arith.remsi %add3A_104, %jit3A_234 : i32
      %ne3A_252 = arith.constant 0 : i32
      %ne3A_253 = arith.cmpi ne, %rem3A_251, %ne3A_252 : i32
      %and3A_254 = arith.andi %ne3A_250, %ne3A_253 : i1
      %sub3A_255 = arith.constant 1 : i32
      %sub3A_256 = arith.subi %div3A_235, %sub3A_255 : i32
      %select_n3A_257 = arith.select %and3A_254, %sub3A_256, %div3A_235 : i32
      %jit3A_258 = arith.constant 4 : i32
      %eq3A_259 = arith.constant 0 : i32
      %eq3A_260 = arith.cmpi eq, %jit3A_258, %eq3A_259 : i32
      %jit3A_261 = arith.constant 1 : i32
      %select_n3A_262 = arith.select %eq3A_260, %jit3A_261, %jit3A_258 : i32
      %rem3A_263 = arith.remsi %add3A_104, %select_n3A_262 : i32
      %ne3A_264 = arith.constant 0 : i32
      %ne3A_265 = arith.cmpi ne, %rem3A_263, %ne3A_264 : i32
      %lt3A_266 = arith.constant 0 : i32
      %lt3A_267 = arith.cmpi slt, %rem3A_263, %lt3A_266 : i32
      %lt3A_268 = arith.constant 0 : i32
      %lt3A_269 = arith.cmpi slt, %select_n3A_262, %lt3A_268 : i32
      %ne3A_270 = arith.xori %lt3A_267, %lt3A_269 : i1
      %and3A_271 = arith.andi %ne3A_270, %ne3A_265 : i1
      %add3A_272 = arith.addi %rem3A_263, %select_n3A_262 : i32
      %select_n3A_273 = arith.select %and3A_271, %add3A_272, %rem3A_263 : i32
      %mul3A_274 = arith.constant 2048 : i32
      %mul3A_275 = arith.muli %select_n3A_273, %mul3A_274 : i32
      %add3A_276 = arith.addi %mul3A_275, %mul3A_2 : i32
      %mul3A_277 = arith.constant 8 : i32
      %mul3A_278 = arith.muli %select_n3A_257, %mul3A_277 : i32
      %add3A_279 = arith.addi %add3A_276, %mul3A_278 : i32
      %dma_start3A_280 = arith.constant 0 : i32
      %dma_start3A_281 = arith.constant 0 : i32
      %dma_start3A_282 = arith.constant 0 : i32
      %dma_start3A_283 = tpu.memref_slice %arg7[%dma_start3A_280, %dma_start3A_281, %dma_start3A_282] : memref<4x8x2048xf32, #tpu.memory_space<vmem>> -> memref<1x8x2048xf32, #tpu.memory_space<vmem>>
      %dma_start3A_284 = tpu.memref_squeeze %dma_start3A_283 : memref<1x8x2048xf32, #tpu.memory_space<vmem>> -> memref<8x2048xf32, #tpu.memory_space<vmem>>
      %dma_start3A_285 = arith.constant 0 : i32
      %dma_start3A_286 = tpu.memref_slice %arg5[%add3A_279, %dma_start3A_285] : memref<8192x2048xf32, #tpu.memory_space<hbm>> -> memref<8x2048xf32, #tpu.memory_space<hbm>>
      %dma_start3A_287 = arith.constant 0 : i32
      %dma_start3A_288 = tpu.memref_slice %arg5[%add3A_279, %dma_start3A_287] : memref<8192x2048xf32, #tpu.memory_space<hbm>> -> memref<8x2048xf32, #tpu.memory_space<hbm>>
      %dma_start3A_289 = arith.constant 0 : i32
      %dma_start3A_290 = arith.constant 0 : i32
      %dma_start3A_291 = tpu.memref_slice %arg7[%dma_start3A_280, %dma_start3A_289, %dma_start3A_290] : memref<4x8x2048xf32, #tpu.memory_space<vmem>> -> memref<1x8x2048xf32, #tpu.memory_space<vmem>>
      %dma_start3A_292 = tpu.memref_squeeze %dma_start3A_291 : memref<1x8x2048xf32, #tpu.memory_space<vmem>> -> memref<8x2048xf32, #tpu.memory_space<vmem>>
      tpu.enqueue_dma source(%dma_start3A_292 : memref<8x2048xf32, #tpu.memory_space<vmem>>) target(%dma_start3A_288 : memref<8x2048xf32, #tpu.memory_space<hbm>>) target_semaphore(%arg15 : memref<!tpu.dma_semaphore, #tpu.memory_space<semaphore_mem>>)
      %mul3A_293 = arith.constant 8 : i32
      %mul3A_294 = arith.muli %scan3A_99, %mul3A_293 : i32
      %add3A_295 = arith.constant 1 : i32
      %add3A_296 = arith.addi %mul3A_294, %add3A_295 : i32
      %mul3A_297 = arith.constant 2 : i32
      %mul3A_298 = arith.muli %scan3A_99, %mul3A_297 : i32
      %add3A_299 = arith.constant 0 : i32
      %add3A_300 = arith.addi %mul3A_298, %add3A_299 : i32
      %jit3A_301 = arith.constant 4 : i32
      %div3A_302 = arith.divsi %add3A_296, %jit3A_301 : i32
      %sign3A_303 = arith.constant 0 : i32
      %sign3A_304 = arith.cmpi sgt, %add3A_296, %sign3A_303 : i32
      %sign3A_305 = arith.extui %sign3A_304 : i1 to i32
      %sign3A_306 = arith.constant 0 : i32
      %sign3A_307 = arith.cmpi slt, %add3A_296, %sign3A_306 : i32
      %sign3A_308 = arith.extui %sign3A_307 : i1 to i32
      %sign3A_309 = arith.subi %sign3A_305, %sign3A_308 : i32
      %sign3A_310 = arith.constant 0 : i32
      %sign3A_311 = arith.cmpi sgt, %jit3A_301, %sign3A_310 : i32
      %sign3A_312 = arith.extui %sign3A_311 : i1 to i32
      %sign3A_313 = arith.constant 0 : i32
      %sign3A_314 = arith.cmpi slt, %jit3A_301, %sign3A_313 : i32
      %sign3A_315 = arith.extui %sign3A_314 : i1 to i32
      %sign3A_316 = arith.subi %sign3A_312, %sign3A_315 : i32
      %ne3A_317 = arith.cmpi ne, %sign3A_309, %sign3A_316 : i32
      %rem3A_318 = arith.remsi %add3A_296, %jit3A_301 : i32
      %ne3A_319 = arith.constant 0 : i32
      %ne3A_320 = arith.cmpi ne, %rem3A_318, %ne3A_319 : i32
      %and3A_321 = arith.andi %ne3A_317, %ne3A_320 : i1
      %sub3A_322 = arith.constant 1 : i32
      %sub3A_323 = arith.subi %div3A_302, %sub3A_322 : i32
      %select_n3A_324 = arith.select %and3A_321, %sub3A_323, %div3A_302 : i32
      %jit3A_325 = arith.constant 4 : i32
      %eq3A_326 = arith.constant 0 : i32
      %eq3A_327 = arith.cmpi eq, %jit3A_325, %eq3A_326 : i32
      %jit3A_328 = arith.constant 1 : i32
      %select_n3A_329 = arith.select %eq3A_327, %jit3A_328, %jit3A_325 : i32
      %rem3A_330 = arith.remsi %add3A_296, %select_n3A_329 : i32
      %ne3A_331 = arith.constant 0 : i32
      %ne3A_332 = arith.cmpi ne, %rem3A_330, %ne3A_331 : i32
      %lt3A_333 = arith.constant 0 : i32
      %lt3A_334 = arith.cmpi slt, %rem3A_330, %lt3A_333 : i32
      %lt3A_335 = arith.constant 0 : i32
      %lt3A_336 = arith.cmpi slt, %select_n3A_329, %lt3A_335 : i32
      %ne3A_337 = arith.xori %lt3A_334, %lt3A_336 : i1
      %and3A_338 = arith.andi %ne3A_337, %ne3A_332 : i1
      %add3A_339 = arith.addi %rem3A_330, %select_n3A_329 : i32
      %select_n3A_340 = arith.select %and3A_338, %add3A_339, %rem3A_330 : i32
      %mul3A_341 = arith.constant 64 : i32
      %mul3A_342 = arith.muli %select_n3A_340, %mul3A_341 : i32
      %mul3A_343 = arith.constant 8 : i32
      %mul3A_344 = arith.muli %select_n3A_324, %mul3A_343 : i32
      %add3A_345 = arith.addi %mul3A_342, %mul3A_344 : i32
      %dma_wait3A_346 = arith.constant 1 : i32
      %dma_wait3A_347 = arith.constant 0 : i32
      %dma_wait3A_348 = arith.constant 0 : i32
      %dma_wait3A_349 = tpu.memref_slice %arg7[%dma_wait3A_346, %dma_wait3A_347, %dma_wait3A_348] : memref<4x8x2048xf32, #tpu.memory_space<vmem>> -> memref<1x8x2048xf32, #tpu.memory_space<vmem>>
      %dma_wait3A_350 = tpu.memref_squeeze %dma_wait3A_349 : memref<1x8x2048xf32, #tpu.memory_space<vmem>> -> memref<8x2048xf32, #tpu.memory_space<vmem>>
      %dma_wait3A_351 = tpu.memref_slice %arg6[%add3A_345] : memref<256xi32, #tpu.memory_space<vmem>> -> memref<8xi32, #tpu.memory_space<vmem>>
      %dma_wait3A_352 = arith.constant 0 : i32
      %dma_wait3A_353 = arith.constant 0 : i32
      %dma_wait3A_354 = tpu.memref_slice %arg3[%dma_wait3A_352, %dma_wait3A_353] : memref<50304x2048xf32, #tpu.memory_space<hbm>> -> memref<50304x2048xf32, #tpu.memory_space<hbm>>
      tpu.wait_indirect_dma semaphore(%arg10 : memref<!tpu.dma_semaphore, #tpu.memory_space<semaphore_mem>>) src(%dma_wait3A_354 : memref<50304x2048xf32, #tpu.memory_space<hbm>>) dst(%dma_wait3A_350 : memref<8x2048xf32, #tpu.memory_space<vmem>>)
      %ge3A_355 = arith.constant 2 : i32
      %ge3A_356 = arith.cmpi sge, %add3A_296, %ge3A_355 : i32
      %convert_element_type3A_357 = arith.extui %ge3A_356 : i1 to i32
      %cond3A_358 = arith.constant 0 : i32
      %cond3A_359 = arith.cmpi ne, %convert_element_type3A_357, %cond3A_358 : i32
      scf.if %cond3A_359 {
        %sub3A_1885 = arith.constant 2 : i32
        %sub3A_1886 = arith.subi %add3A_296, %sub3A_1885 : i32
        %jit3A_1887 = arith.constant 4 : i32
        %div3A_1888 = arith.divsi %sub3A_1886, %jit3A_1887 : i32
        %sign3A_1889 = arith.constant 0 : i32
        %sign3A_1890 = arith.cmpi sgt, %sub3A_1886, %sign3A_1889 : i32
        %sign3A_1891 = arith.extui %sign3A_1890 : i1 to i32
        %sign3A_1892 = arith.constant 0 : i32
        %sign3A_1893 = arith.cmpi slt, %sub3A_1886, %sign3A_1892 : i32
        %sign3A_1894 = arith.extui %sign3A_1893 : i1 to i32
        %sign3A_1895 = arith.subi %sign3A_1891, %sign3A_1894 : i32
        %sign3A_1896 = arith.constant 0 : i32
        %sign3A_1897 = arith.cmpi sgt, %jit3A_1887, %sign3A_1896 : i32
        %sign3A_1898 = arith.extui %sign3A_1897 : i1 to i32
        %sign3A_1899 = arith.constant 0 : i32
        %sign3A_1900 = arith.cmpi slt, %jit3A_1887, %sign3A_1899 : i32
        %sign3A_1901 = arith.extui %sign3A_1900 : i1 to i32
        %sign3A_1902 = arith.subi %sign3A_1898, %sign3A_1901 : i32
        %ne3A_1903 = arith.cmpi ne, %sign3A_1895, %sign3A_1902 : i32
        %rem3A_1904 = arith.remsi %sub3A_1886, %jit3A_1887 : i32
        %ne3A_1905 = arith.constant 0 : i32
        %ne3A_1906 = arith.cmpi ne, %rem3A_1904, %ne3A_1905 : i32
        %and3A_1907 = arith.andi %ne3A_1903, %ne3A_1906 : i1
        %sub3A_1908 = arith.constant 1 : i32
        %sub3A_1909 = arith.subi %div3A_1888, %sub3A_1908 : i32
        %select_n3A_1910 = arith.select %and3A_1907, %sub3A_1909, %div3A_1888 : i32
        %jit3A_1911 = arith.constant 4 : i32
        %eq3A_1912 = arith.constant 0 : i32
        %eq3A_1913 = arith.cmpi eq, %jit3A_1911, %eq3A_1912 : i32
        %jit3A_1914 = arith.constant 1 : i32
        %select_n3A_1915 = arith.select %eq3A_1913, %jit3A_1914, %jit3A_1911 : i32
        %rem3A_1916 = arith.remsi %sub3A_1886, %select_n3A_1915 : i32
        %ne3A_1917 = arith.constant 0 : i32
        %ne3A_1918 = arith.cmpi ne, %rem3A_1916, %ne3A_1917 : i32
        %lt3A_1919 = arith.constant 0 : i32
        %lt3A_1920 = arith.cmpi slt, %rem3A_1916, %lt3A_1919 : i32
        %lt3A_1921 = arith.constant 0 : i32
        %lt3A_1922 = arith.cmpi slt, %select_n3A_1915, %lt3A_1921 : i32
        %ne3A_1923 = arith.xori %lt3A_1920, %lt3A_1922 : i1
        %and3A_1924 = arith.andi %ne3A_1923, %ne3A_1918 : i1
        %add3A_1925 = arith.addi %rem3A_1916, %select_n3A_1915 : i32
        %select_n3A_1926 = arith.select %and3A_1924, %add3A_1925, %rem3A_1916 : i32
        %mul3A_1927 = arith.constant 2048 : i32
        %mul3A_1928 = arith.muli %select_n3A_1926, %mul3A_1927 : i32
        %add3A_1929 = arith.addi %mul3A_1928, %mul3A_2 : i32
        %mul3A_1930 = arith.constant 8 : i32
        %mul3A_1931 = arith.muli %select_n3A_1910, %mul3A_1930 : i32
        %add3A_1932 = arith.addi %add3A_1929, %mul3A_1931 : i32
        %dma_wait3A_1933 = arith.constant 3 : i32
        %dma_wait3A_1934 = arith.constant 0 : i32
        %dma_wait3A_1935 = arith.constant 0 : i32
        %dma_wait3A_1936 = tpu.memref_slice %arg7[%dma_wait3A_1933, %dma_wait3A_1934, %dma_wait3A_1935] : memref<4x8x2048xf32, #tpu.memory_space<vmem>> -> memref<1x8x2048xf32, #tpu.memory_space<vmem>>
        %dma_wait3A_1937 = tpu.memref_squeeze %dma_wait3A_1936 : memref<1x8x2048xf32, #tpu.memory_space<vmem>> -> memref<8x2048xf32, #tpu.memory_space<vmem>>
        %dma_wait3A_1938 = arith.constant 0 : i32
        %dma_wait3A_1939 = tpu.memref_slice %arg5[%add3A_1932, %dma_wait3A_1938] : memref<8192x2048xf32, #tpu.memory_space<hbm>> -> memref<8x2048xf32, #tpu.memory_space<hbm>>
        %dma_wait3A_1940 = arith.constant 0 : i32
        %dma_wait3A_1941 = tpu.memref_slice %arg5[%add3A_1932, %dma_wait3A_1940] : memref<8192x2048xf32, #tpu.memory_space<hbm>> -> memref<8x2048xf32, #tpu.memory_space<hbm>>
        %dma_wait3A_1942 = arith.constant 0 : i32
        %dma_wait3A_1943 = arith.constant 0 : i32
        %dma_wait3A_1944 = tpu.memref_slice %arg7[%dma_wait3A_1933, %dma_wait3A_1942, %dma_wait3A_1943] : memref<4x8x2048xf32, #tpu.memory_space<vmem>> -> memref<1x8x2048xf32, #tpu.memory_space<vmem>>
        %dma_wait3A_1945 = tpu.memref_squeeze %dma_wait3A_1944 : memref<1x8x2048xf32, #tpu.memory_space<vmem>> -> memref<8x2048xf32, #tpu.memory_space<vmem>>
        tpu.wait_dma2 semaphore(%arg18 : memref<!tpu.dma_semaphore, #tpu.memory_space<semaphore_mem>>) src(%dma_wait3A_1945 : memref<8x2048xf32, #tpu.memory_space<vmem>>) dst(%dma_wait3A_1941 : memref<8x2048xf32, #tpu.memory_space<hbm>>)
      } else {
      }
      %add3A_360 = arith.constant 2 : i32
      %add3A_361 = arith.addi %add3A_296, %add3A_360 : i32
      %jit3A_362 = arith.constant 4 : i32
      %div3A_363 = arith.divsi %add3A_361, %jit3A_362 : i32
      %sign3A_364 = arith.constant 0 : i32
      %sign3A_365 = arith.cmpi sgt, %add3A_361, %sign3A_364 : i32
      %sign3A_366 = arith.extui %sign3A_365 : i1 to i32
      %sign3A_367 = arith.constant 0 : i32
      %sign3A_368 = arith.cmpi slt, %add3A_361, %sign3A_367 : i32
      %sign3A_369 = arith.extui %sign3A_368 : i1 to i32
      %sign3A_370 = arith.subi %sign3A_366, %sign3A_369 : i32
      %sign3A_371 = arith.constant 0 : i32
      %sign3A_372 = arith.cmpi sgt, %jit3A_362, %sign3A_371 : i32
      %sign3A_373 = arith.extui %sign3A_372 : i1 to i32
      %sign3A_374 = arith.constant 0 : i32
      %sign3A_375 = arith.cmpi slt, %jit3A_362, %sign3A_374 : i32
      %sign3A_376 = arith.extui %sign3A_375 : i1 to i32
      %sign3A_377 = arith.subi %sign3A_373, %sign3A_376 : i32
      %ne3A_378 = arith.cmpi ne, %sign3A_370, %sign3A_377 : i32
      %rem3A_379 = arith.remsi %add3A_361, %jit3A_362 : i32
      %ne3A_380 = arith.constant 0 : i32
      %ne3A_381 = arith.cmpi ne, %rem3A_379, %ne3A_380 : i32
      %and3A_382 = arith.andi %ne3A_378, %ne3A_381 : i1
      %sub3A_383 = arith.constant 1 : i32
      %sub3A_384 = arith.subi %div3A_363, %sub3A_383 : i32
      %select_n3A_385 = arith.select %and3A_382, %sub3A_384, %div3A_363 : i32
      %jit3A_386 = arith.constant 4 : i32
      %eq3A_387 = arith.constant 0 : i32
      %eq3A_388 = arith.cmpi eq, %jit3A_386, %eq3A_387 : i32
      %jit3A_389 = arith.constant 1 : i32
      %select_n3A_390 = arith.select %eq3A_388, %jit3A_389, %jit3A_386 : i32
      %rem3A_391 = arith.remsi %add3A_361, %select_n3A_390 : i32
      %ne3A_392 = arith.constant 0 : i32
      %ne3A_393 = arith.cmpi ne, %rem3A_391, %ne3A_392 : i32
      %lt3A_394 = arith.constant 0 : i32
      %lt3A_395 = arith.cmpi slt, %rem3A_391, %lt3A_394 : i32
      %lt3A_396 = arith.constant 0 : i32
      %lt3A_397 = arith.cmpi slt, %select_n3A_390, %lt3A_396 : i32
      %ne3A_398 = arith.xori %lt3A_395, %lt3A_397 : i1
      %and3A_399 = arith.andi %ne3A_398, %ne3A_393 : i1
      %add3A_400 = arith.addi %rem3A_391, %select_n3A_390 : i32
      %select_n3A_401 = arith.select %and3A_399, %add3A_400, %rem3A_391 : i32
      %mul3A_402 = arith.constant 64 : i32
      %mul3A_403 = arith.muli %select_n3A_401, %mul3A_402 : i32
      %mul3A_404 = arith.constant 8 : i32
      %mul3A_405 = arith.muli %select_n3A_385, %mul3A_404 : i32
      %add3A_406 = arith.addi %mul3A_403, %mul3A_405 : i32
      %dma_start3A_407 = arith.constant 3 : i32
      %dma_start3A_408 = arith.constant 0 : i32
      %dma_start3A_409 = arith.constant 0 : i32
      %dma_start3A_410 = tpu.memref_slice %arg7[%dma_start3A_407, %dma_start3A_408, %dma_start3A_409] : memref<4x8x2048xf32, #tpu.memory_space<vmem>> -> memref<1x8x2048xf32, #tpu.memory_space<vmem>>
      %dma_start3A_411 = tpu.memref_squeeze %dma_start3A_410 : memref<1x8x2048xf32, #tpu.memory_space<vmem>> -> memref<8x2048xf32, #tpu.memory_space<vmem>>
      %dma_start3A_412 = tpu.memref_slice %arg6[%add3A_406] : memref<256xi32, #tpu.memory_space<vmem>> -> memref<8xi32, #tpu.memory_space<vmem>>
      %dma_start3A_413 = arith.constant 0 : i32
      %dma_start3A_414 = arith.constant 0 : i32
      %dma_start3A_415 = tpu.memref_slice %arg3[%dma_start3A_413, %dma_start3A_414] : memref<50304x2048xf32, #tpu.memory_space<hbm>> -> memref<50304x2048xf32, #tpu.memory_space<hbm>>
      tpu.enqueue_indirect_dma source(%dma_start3A_415 : memref<50304x2048xf32, #tpu.memory_space<hbm>>) target(%dma_start3A_411 : memref<8x2048xf32, #tpu.memory_space<vmem>>) offsets(%dma_start3A_412 : memref<8xi32, #tpu.memory_space<vmem>>) semaphore(%arg12 : memref<!tpu.dma_semaphore, #tpu.memory_space<semaphore_mem>>)
      %scan3A_416 = arith.constant 0 : i32
      %scan3A_417 = arith.constant 0 : i32
      %scan3A_418 = arith.constant 128 : i32
      %scan3A_419 = arith.addi %scan3A_417, %scan3A_418 : i32
      %scan3A_420 = arith.constant 1 : i32
      %scan3A_421 = scf.for %scan3A_1885 = %scan3A_417 to %scan3A_419 step %scan3A_420 iter_args(%scan3A_1886 = %scan3A_416) -> (i32)  : i32 {
        %mul3A_1887 = arith.constant 16 : i32
        %mul3A_1888 = arith.muli %scan3A_1885, %mul3A_1887 : i32
        %get3A = arith.constant 1 : i32
        %get3A_1889 = arith.constant 0 : i32
        %get3A_1890 = arith.index_cast %get3A : i32 to index
        %get3A_1891 = arith.index_cast %get3A_1889 : i32 to index
        %get3A_1892 = arith.index_cast %mul3A_1888 : i32 to index
        %get3A_1893 = tpu.vector_load %arg7[%get3A_1890, %get3A_1891, %get3A_1892] {strides = array<i32>} : memref<4x8x2048xf32, #tpu.memory_space<vmem>>, vector<1x1x16xf32>,
        %get3A_1894 = vector.shape_cast %get3A_1893 : vector<1x1x16xf32> to vector<16xf32>
        %get3A_1895 = arith.constant 0 : i32
        %get3A_1896 = arith.constant 0 : i32
        %get3A_1897 = arith.index_cast %get3A_1895 : i32 to index
        %get3A_1898 = arith.index_cast %get3A_1896 : i32 to index
        %get3A_1899 = arith.index_cast %mul3A_1888 : i32 to index
        %get3A_1900 = tpu.vector_load %arg8[%get3A_1897, %get3A_1898, %get3A_1899] {strides = array<i32>} : memref<2x8x2048xf32, #tpu.memory_space<vmem>>, vector<1x1x16xf32>,
        %get3A_1901 = vector.shape_cast %get3A_1900 : vector<1x1x16xf32> to vector<16xf32>
        %add3A_1902 = arith.addf %get3A_1894, %get3A_1901 : vector<16xf32>
        %swap3A = arith.constant 1 : i32
        %swap3A_1903 = arith.constant 0 : i32
        %swap3A_1904 = arith.index_cast %swap3A : i32 to index
        %swap3A_1905 = arith.index_cast %swap3A_1903 : i32 to index
        %swap3A_1906 = arith.index_cast %mul3A_1888 : i32 to index
        %swap3A_1907 = tpu.vector_load %arg7[%swap3A_1904, %swap3A_1905, %swap3A_1906] {strides = array<i32>} : memref<4x8x2048xf32, #tpu.memory_space<vmem>>, vector<1x1x16xf32>,
        %swap3A_1908 = vector.shape_cast %swap3A_1907 : vector<1x1x16xf32> to vector<16xf32>
        %swap3A_1909 = vector.shape_cast %add3A_1902 : vector<16xf32> to vector<1x1x16xf32>
        tpu.vector_store %arg7[%swap3A_1904, %swap3A_1905, %swap3A_1906], %swap3A_1909 {strides = array<i32>} : memref<4x8x2048xf32, #tpu.memory_space<vmem>>, vector<1x1x16xf32>,
        %get3A_1910 = arith.constant 1 : i32
        %get3A_1911 = arith.constant 1 : i32
        %get3A_1912 = arith.index_cast %get3A_1910 : i32 to index
        %get3A_1913 = arith.index_cast %get3A_1911 : i32 to index
        %get3A_1914 = arith.index_cast %mul3A_1888 : i32 to index
        %get3A_1915 = tpu.vector_load %arg7[%get3A_1912, %get3A_1913, %get3A_1914] {strides = array<i32>} : memref<4x8x2048xf32, #tpu.memory_space<vmem>>, vector<1x1x16xf32>,
        %get3A_1916 = vector.shape_cast %get3A_1915 : vector<1x1x16xf32> to vector<16xf32>
        %get3A_1917 = arith.constant 0 : i32
        %get3A_1918 = arith.constant 1 : i32
        %get3A_1919 = arith.index_cast %get3A_1917 : i32 to index
        %get3A_1920 = arith.index_cast %get3A_1918 : i32 to index
        %get3A_1921 = arith.index_cast %mul3A_1888 : i32 to index
        %get3A_1922 = tpu.vector_load %arg8[%get3A_1919, %get3A_1920, %get3A_1921] {strides = array<i32>} : memref<2x8x2048xf32, #tpu.memory_space<vmem>>, vector<1x1x16xf32>,
        %get3A_1923 = vector.shape_cast %get3A_1922 : vector<1x1x16xf32> to vector<16xf32>
        %add3A_1924 = arith.addf %get3A_1916, %get3A_1923 : vector<16xf32>
        %swap3A_1925 = arith.constant 1 : i32
        %swap3A_1926 = arith.constant 1 : i32
        %swap3A_1927 = arith.index_cast %swap3A_1925 : i32 to index
        %swap3A_1928 = arith.index_cast %swap3A_1926 : i32 to index
        %swap3A_1929 = arith.index_cast %mul3A_1888 : i32 to index
        %swap3A_1930 = tpu.vector_load %arg7[%swap3A_1927, %swap3A_1928, %swap3A_1929] {strides = array<i32>} : memref<4x8x2048xf32, #tpu.memory_space<vmem>>, vector<1x1x16xf32>,
        %swap3A_1931 = vector.shape_cast %swap3A_1930 : vector<1x1x16xf32> to vector<16xf32>
        %swap3A_1932 = vector.shape_cast %add3A_1924 : vector<16xf32> to vector<1x1x16xf32>
        tpu.vector_store %arg7[%swap3A_1927, %swap3A_1928, %swap3A_1929], %swap3A_1932 {strides = array<i32>} : memref<4x8x2048xf32, #tpu.memory_space<vmem>>, vector<1x1x16xf32>,
        %get3A_1933 = arith.constant 1 : i32
        %get3A_1934 = arith.constant 2 : i32
        %get3A_1935 = arith.index_cast %get3A_1933 : i32 to index
        %get3A_1936 = arith.index_cast %get3A_1934 : i32 to index
        %get3A_1937 = arith.index_cast %mul3A_1888 : i32 to index
        %get3A_1938 = tpu.vector_load %arg7[%get3A_1935, %get3A_1936, %get3A_1937] {strides = array<i32>} : memref<4x8x2048xf32, #tpu.memory_space<vmem>>, vector<1x1x16xf32>,
        %get3A_1939 = vector.shape_cast %get3A_1938 : vector<1x1x16xf32> to vector<16xf32>
        %get3A_1940 = arith.constant 0 : i32
        %get3A_1941 = arith.constant 2 : i32
        %get3A_1942 = arith.index_cast %get3A_1940 : i32 to index
        %get3A_1943 = arith.index_cast %get3A_1941 : i32 to index
        %get3A_1944 = arith.index_cast %mul3A_1888 : i32 to index
        %get3A_1945 = tpu.vector_load %arg8[%get3A_1942, %get3A_1943, %get3A_1944] {strides = array<i32>} : memref<2x8x2048xf32, #tpu.memory_space<vmem>>, vector<1x1x16xf32>,
        %get3A_1946 = vector.shape_cast %get3A_1945 : vector<1x1x16xf32> to vector<16xf32>
        %add3A_1947 = arith.addf %get3A_1939, %get3A_1946 : vector<16xf32>
        %swap3A_1948 = arith.constant 1 : i32
        %swap3A_1949 = arith.constant 2 : i32
        %swap3A_1950 = arith.index_cast %swap3A_1948 : i32 to index
        %swap3A_1951 = arith.index_cast %swap3A_1949 : i32 to index
        %swap3A_1952 = arith.index_cast %mul3A_1888 : i32 to index
        %swap3A_1953 = tpu.vector_load %arg7[%swap3A_1950, %swap3A_1951, %swap3A_1952] {strides = array<i32>} : memref<4x8x2048xf32, #tpu.memory_space<vmem>>, vector<1x1x16xf32>,
        %swap3A_1954 = vector.shape_cast %swap3A_1953 : vector<1x1x16xf32> to vector<16xf32>
        %swap3A_1955 = vector.shape_cast %add3A_1947 : vector<16xf32> to vector<1x1x16xf32>
        tpu.vector_store %arg7[%swap3A_1950, %swap3A_1951, %swap3A_1952], %swap3A_1955 {strides = array<i32>} : memref<4x8x2048xf32, #tpu.memory_space<vmem>>, vector<1x1x16xf32>,
        %get3A_1956 = arith.constant 1 : i32
        %get3A_1957 = arith.constant 3 : i32
        %get3A_1958 = arith.index_cast %get3A_1956 : i32 to index
        %get3A_1959 = arith.index_cast %get3A_1957 : i32 to index
        %get3A_1960 = arith.index_cast %mul3A_1888 : i32 to index
        %get3A_1961 = tpu.vector_load %arg7[%get3A_1958, %get3A_1959, %get3A_1960] {strides = array<i32>} : memref<4x8x2048xf32, #tpu.memory_space<vmem>>, vector<1x1x16xf32>,
        %get3A_1962 = vector.shape_cast %get3A_1961 : vector<1x1x16xf32> to vector<16xf32>
        %get3A_1963 = arith.constant 0 : i32
        %get3A_1964 = arith.constant 3 : i32
        %get3A_1965 = arith.index_cast %get3A_1963 : i32 to index
        %get3A_1966 = arith.index_cast %get3A_1964 : i32 to index
        %get3A_1967 = arith.index_cast %mul3A_1888 : i32 to index
        %get3A_1968 = tpu.vector_load %arg8[%get3A_1965, %get3A_1966, %get3A_1967] {strides = array<i32>} : memref<2x8x2048xf32, #tpu.memory_space<vmem>>, vector<1x1x16xf32>,
        %get3A_1969 = vector.shape_cast %get3A_1968 : vector<1x1x16xf32> to vector<16xf32>
        %add3A_1970 = arith.addf %get3A_1962, %get3A_1969 : vector<16xf32>
        %swap3A_1971 = arith.constant 1 : i32
        %swap3A_1972 = arith.constant 3 : i32
        %swap3A_1973 = arith.index_cast %swap3A_1971 : i32 to index
        %swap3A_1974 = arith.index_cast %swap3A_1972 : i32 to index
        %swap3A_1975 = arith.index_cast %mul3A_1888 : i32 to index
        %swap3A_1976 = tpu.vector_load %arg7[%swap3A_1973, %swap3A_1974, %swap3A_1975] {strides = array<i32>} : memref<4x8x2048xf32, #tpu.memory_space<vmem>>, vector<1x1x16xf32>,
        %swap3A_1977 = vector.shape_cast %swap3A_1976 : vector<1x1x16xf32> to vector<16xf32>
        %swap3A_1978 = vector.shape_cast %add3A_1970 : vector<16xf32> to vector<1x1x16xf32>
        tpu.vector_store %arg7[%swap3A_1973, %swap3A_1974, %swap3A_1975], %swap3A_1978 {strides = array<i32>} : memref<4x8x2048xf32, #tpu.memory_space<vmem>>, vector<1x1x16xf32>,
        %get3A_1979 = arith.constant 1 : i32
        %get3A_1980 = arith.constant 4 : i32
        %get3A_1981 = arith.index_cast %get3A_1979 : i32 to index
        %get3A_1982 = arith.index_cast %get3A_1980 : i32 to index
        %get3A_1983 = arith.index_cast %mul3A_1888 : i32 to index
        %get3A_1984 = tpu.vector_load %arg7[%get3A_1981, %get3A_1982, %get3A_1983] {strides = array<i32>} : memref<4x8x2048xf32, #tpu.memory_space<vmem>>, vector<1x1x16xf32>,
        %get3A_1985 = vector.shape_cast %get3A_1984 : vector<1x1x16xf32> to vector<16xf32>
        %get3A_1986 = arith.constant 0 : i32
        %get3A_1987 = arith.constant 4 : i32
        %get3A_1988 = arith.index_cast %get3A_1986 : i32 to index
        %get3A_1989 = arith.index_cast %get3A_1987 : i32 to index
        %get3A_1990 = arith.index_cast %mul3A_1888 : i32 to index
        %get3A_1991 = tpu.vector_load %arg8[%get3A_1988, %get3A_1989, %get3A_1990] {strides = array<i32>} : memref<2x8x2048xf32, #tpu.memory_space<vmem>>, vector<1x1x16xf32>,
        %get3A_1992 = vector.shape_cast %get3A_1991 : vector<1x1x16xf32> to vector<16xf32>
        %add3A_1993 = arith.addf %get3A_1985, %get3A_1992 : vector<16xf32>
        %swap3A_1994 = arith.constant 1 : i32
        %swap3A_1995 = arith.constant 4 : i32
        %swap3A_1996 = arith.index_cast %swap3A_1994 : i32 to index
        %swap3A_1997 = arith.index_cast %swap3A_1995 : i32 to index
        %swap3A_1998 = arith.index_cast %mul3A_1888 : i32 to index
        %swap3A_1999 = tpu.vector_load %arg7[%swap3A_1996, %swap3A_1997, %swap3A_1998] {strides = array<i32>} : memref<4x8x2048xf32, #tpu.memory_space<vmem>>, vector<1x1x16xf32>,
        %swap3A_2000 = vector.shape_cast %swap3A_1999 : vector<1x1x16xf32> to vector<16xf32>
        %swap3A_2001 = vector.shape_cast %add3A_1993 : vector<16xf32> to vector<1x1x16xf32>
        tpu.vector_store %arg7[%swap3A_1996, %swap3A_1997, %swap3A_1998], %swap3A_2001 {strides = array<i32>} : memref<4x8x2048xf32, #tpu.memory_space<vmem>>, vector<1x1x16xf32>,
        %get3A_2002 = arith.constant 1 : i32
        %get3A_2003 = arith.constant 5 : i32
        %get3A_2004 = arith.index_cast %get3A_2002 : i32 to index
        %get3A_2005 = arith.index_cast %get3A_2003 : i32 to index
        %get3A_2006 = arith.index_cast %mul3A_1888 : i32 to index
        %get3A_2007 = tpu.vector_load %arg7[%get3A_2004, %get3A_2005, %get3A_2006] {strides = array<i32>} : memref<4x8x2048xf32, #tpu.memory_space<vmem>>, vector<1x1x16xf32>,
        %get3A_2008 = vector.shape_cast %get3A_2007 : vector<1x1x16xf32> to vector<16xf32>
        %get3A_2009 = arith.constant 0 : i32
        %get3A_2010 = arith.constant 5 : i32
        %get3A_2011 = arith.index_cast %get3A_2009 : i32 to index
        %get3A_2012 = arith.index_cast %get3A_2010 : i32 to index
        %get3A_2013 = arith.index_cast %mul3A_1888 : i32 to index
        %get3A_2014 = tpu.vector_load %arg8[%get3A_2011, %get3A_2012, %get3A_2013] {strides = array<i32>} : memref<2x8x2048xf32, #tpu.memory_space<vmem>>, vector<1x1x16xf32>,
        %get3A_2015 = vector.shape_cast %get3A_2014 : vector<1x1x16xf32> to vector<16xf32>
        %add3A_2016 = arith.addf %get3A_2008, %get3A_2015 : vector<16xf32>
        %swap3A_2017 = arith.constant 1 : i32
        %swap3A_2018 = arith.constant 5 : i32
        %swap3A_2019 = arith.index_cast %swap3A_2017 : i32 to index
        %swap3A_2020 = arith.index_cast %swap3A_2018 : i32 to index
        %swap3A_2021 = arith.index_cast %mul3A_1888 : i32 to index
        %swap3A_2022 = tpu.vector_load %arg7[%swap3A_2019, %swap3A_2020, %swap3A_2021] {strides = array<i32>} : memref<4x8x2048xf32, #tpu.memory_space<vmem>>, vector<1x1x16xf32>,
        %swap3A_2023 = vector.shape_cast %swap3A_2022 : vector<1x1x16xf32> to vector<16xf32>
        %swap3A_2024 = vector.shape_cast %add3A_2016 : vector<16xf32> to vector<1x1x16xf32>
        tpu.vector_store %arg7[%swap3A_2019, %swap3A_2020, %swap3A_2021], %swap3A_2024 {strides = array<i32>} : memref<4x8x2048xf32, #tpu.memory_space<vmem>>, vector<1x1x16xf32>,
        %get3A_2025 = arith.constant 1 : i32
        %get3A_2026 = arith.constant 6 : i32
        %get3A_2027 = arith.index_cast %get3A_2025 : i32 to index
        %get3A_2028 = arith.index_cast %get3A_2026 : i32 to index
        %get3A_2029 = arith.index_cast %mul3A_1888 : i32 to index
        %get3A_2030 = tpu.vector_load %arg7[%get3A_2027, %get3A_2028, %get3A_2029] {strides = array<i32>} : memref<4x8x2048xf32, #tpu.memory_space<vmem>>, vector<1x1x16xf32>,
        %get3A_2031 = vector.shape_cast %get3A_2030 : vector<1x1x16xf32> to vector<16xf32>
        %get3A_2032 = arith.constant 0 : i32
        %get3A_2033 = arith.constant 6 : i32
        %get3A_2034 = arith.index_cast %get3A_2032 : i32 to index
        %get3A_2035 = arith.index_cast %get3A_2033 : i32 to index
        %get3A_2036 = arith.index_cast %mul3A_1888 : i32 to index
        %get3A_2037 = tpu.vector_load %arg8[%get3A_2034, %get3A_2035, %get3A_2036] {strides = array<i32>} : memref<2x8x2048xf32, #tpu.memory_space<vmem>>, vector<1x1x16xf32>,
        %get3A_2038 = vector.shape_cast %get3A_2037 : vector<1x1x16xf32> to vector<16xf32>
        %add3A_2039 = arith.addf %get3A_2031, %get3A_2038 : vector<16xf32>
        %swap3A_2040 = arith.constant 1 : i32
        %swap3A_2041 = arith.constant 6 : i32
        %swap3A_2042 = arith.index_cast %swap3A_2040 : i32 to index
        %swap3A_2043 = arith.index_cast %swap3A_2041 : i32 to index
        %swap3A_2044 = arith.index_cast %mul3A_1888 : i32 to index
        %swap3A_2045 = tpu.vector_load %arg7[%swap3A_2042, %swap3A_2043, %swap3A_2044] {strides = array<i32>} : memref<4x8x2048xf32, #tpu.memory_space<vmem>>, vector<1x1x16xf32>,
        %swap3A_2046 = vector.shape_cast %swap3A_2045 : vector<1x1x16xf32> to vector<16xf32>
        %swap3A_2047 = vector.shape_cast %add3A_2039 : vector<16xf32> to vector<1x1x16xf32>
        tpu.vector_store %arg7[%swap3A_2042, %swap3A_2043, %swap3A_2044], %swap3A_2047 {strides = array<i32>} : memref<4x8x2048xf32, #tpu.memory_space<vmem>>, vector<1x1x16xf32>,
        %get3A_2048 = arith.constant 1 : i32
        %get3A_2049 = arith.constant 7 : i32
        %get3A_2050 = arith.index_cast %get3A_2048 : i32 to index
        %get3A_2051 = arith.index_cast %get3A_2049 : i32 to index
        %get3A_2052 = arith.index_cast %mul3A_1888 : i32 to index
        %get3A_2053 = tpu.vector_load %arg7[%get3A_2050, %get3A_2051, %get3A_2052] {strides = array<i32>} : memref<4x8x2048xf32, #tpu.memory_space<vmem>>, vector<1x1x16xf32>,
        %get3A_2054 = vector.shape_cast %get3A_2053 : vector<1x1x16xf32> to vector<16xf32>
        %get3A_2055 = arith.constant 0 : i32
        %get3A_2056 = arith.constant 7 : i32
        %get3A_2057 = arith.index_cast %get3A_2055 : i32 to index
        %get3A_2058 = arith.index_cast %get3A_2056 : i32 to index
        %get3A_2059 = arith.index_cast %mul3A_1888 : i32 to index
        %get3A_2060 = tpu.vector_load %arg8[%get3A_2057, %get3A_2058, %get3A_2059] {strides = array<i32>} : memref<2x8x2048xf32, #tpu.memory_space<vmem>>, vector<1x1x16xf32>,
        %get3A_2061 = vector.shape_cast %get3A_2060 : vector<1x1x16xf32> to vector<16xf32>
        %add3A_2062 = arith.addf %get3A_2054, %get3A_2061 : vector<16xf32>
        %swap3A_2063 = arith.constant 1 : i32
        %swap3A_2064 = arith.constant 7 : i32
        %swap3A_2065 = arith.index_cast %swap3A_2063 : i32 to index
        %swap3A_2066 = arith.index_cast %swap3A_2064 : i32 to index
        %swap3A_2067 = arith.index_cast %mul3A_1888 : i32 to index
        %swap3A_2068 = tpu.vector_load %arg7[%swap3A_2065, %swap3A_2066, %swap3A_2067] {strides = array<i32>} : memref<4x8x2048xf32, #tpu.memory_space<vmem>>, vector<1x1x16xf32>,
        %swap3A_2069 = vector.shape_cast %swap3A_2068 : vector<1x1x16xf32> to vector<16xf32>
        %swap3A_2070 = vector.shape_cast %add3A_2062 : vector<16xf32> to vector<1x1x16xf32>
        tpu.vector_store %arg7[%swap3A_2065, %swap3A_2066, %swap3A_2067], %swap3A_2070 {strides = array<i32>} : memref<4x8x2048xf32, #tpu.memory_space<vmem>>, vector<1x1x16xf32>,
        %scan3A_2071 = arith.constant 0 : i32
        scf.yield %scan3A_2071 : i32
      }
      %scan3A_422 = arith.constant 128 : i32
      %jit3A_423 = arith.constant 4 : i32
      %div3A_424 = arith.divsi %add3A_296, %jit3A_423 : i32
      %sign3A_425 = arith.constant 0 : i32
      %sign3A_426 = arith.cmpi sgt, %add3A_296, %sign3A_425 : i32
      %sign3A_427 = arith.extui %sign3A_426 : i1 to i32
      %sign3A_428 = arith.constant 0 : i32
      %sign3A_429 = arith.cmpi slt, %add3A_296, %sign3A_428 : i32
      %sign3A_430 = arith.extui %sign3A_429 : i1 to i32
      %sign3A_431 = arith.subi %sign3A_427, %sign3A_430 : i32
      %sign3A_432 = arith.constant 0 : i32
      %sign3A_433 = arith.cmpi sgt, %jit3A_423, %sign3A_432 : i32
      %sign3A_434 = arith.extui %sign3A_433 : i1 to i32
      %sign3A_435 = arith.constant 0 : i32
      %sign3A_436 = arith.cmpi slt, %jit3A_423, %sign3A_435 : i32
      %sign3A_437 = arith.extui %sign3A_436 : i1 to i32
      %sign3A_438 = arith.subi %sign3A_434, %sign3A_437 : i32
      %ne3A_439 = arith.cmpi ne, %sign3A_431, %sign3A_438 : i32
      %rem3A_440 = arith.remsi %add3A_296, %jit3A_423 : i32
      %ne3A_441 = arith.constant 0 : i32
      %ne3A_442 = arith.cmpi ne, %rem3A_440, %ne3A_441 : i32
      %and3A_443 = arith.andi %ne3A_439, %ne3A_442 : i1
      %sub3A_444 = arith.constant 1 : i32
      %sub3A_445 = arith.subi %div3A_424, %sub3A_444 : i32
      %select_n3A_446 = arith.select %and3A_443, %sub3A_445, %div3A_424 : i32
      %jit3A_447 = arith.constant 4 : i32
      %eq3A_448 = arith.constant 0 : i32
      %eq3A_449 = arith.cmpi eq, %jit3A_447, %eq3A_448 : i32
      %jit3A_450 = arith.constant 1 : i32
      %select_n3A_451 = arith.select %eq3A_449, %jit3A_450, %jit3A_447 : i32
      %rem3A_452 = arith.remsi %add3A_296, %select_n3A_451 : i32
      %ne3A_453 = arith.constant 0 : i32
      %ne3A_454 = arith.cmpi ne, %rem3A_452, %ne3A_453 : i32
      %lt3A_455 = arith.constant 0 : i32
      %lt3A_456 = arith.cmpi slt, %rem3A_452, %lt3A_455 : i32
      %lt3A_457 = arith.constant 0 : i32
      %lt3A_458 = arith.cmpi slt, %select_n3A_451, %lt3A_457 : i32
      %ne3A_459 = arith.xori %lt3A_456, %lt3A_458 : i1
      %and3A_460 = arith.andi %ne3A_459, %ne3A_454 : i1
      %add3A_461 = arith.addi %rem3A_452, %select_n3A_451 : i32
      %select_n3A_462 = arith.select %and3A_460, %add3A_461, %rem3A_452 : i32
      %mul3A_463 = arith.constant 2048 : i32
      %mul3A_464 = arith.muli %select_n3A_462, %mul3A_463 : i32
      %add3A_465 = arith.addi %mul3A_464, %mul3A_2 : i32
      %mul3A_466 = arith.constant 8 : i32
      %mul3A_467 = arith.muli %select_n3A_446, %mul3A_466 : i32
      %add3A_468 = arith.addi %add3A_465, %mul3A_467 : i32
      %dma_start3A_469 = arith.constant 1 : i32
      %dma_start3A_470 = arith.constant 0 : i32
      %dma_start3A_471 = arith.constant 0 : i32
      %dma_start3A_472 = tpu.memref_slice %arg7[%dma_start3A_469, %dma_start3A_470, %dma_start3A_471] : memref<4x8x2048xf32, #tpu.memory_space<vmem>> -> memref<1x8x2048xf32, #tpu.memory_space<vmem>>
      %dma_start3A_473 = tpu.memref_squeeze %dma_start3A_472 : memref<1x8x2048xf32, #tpu.memory_space<vmem>> -> memref<8x2048xf32, #tpu.memory_space<vmem>>
      %dma_start3A_474 = arith.constant 0 : i32
      %dma_start3A_475 = tpu.memref_slice %arg5[%add3A_468, %dma_start3A_474] : memref<8192x2048xf32, #tpu.memory_space<hbm>> -> memref<8x2048xf32, #tpu.memory_space<hbm>>
      %dma_start3A_476 = arith.constant 0 : i32
      %dma_start3A_477 = tpu.memref_slice %arg5[%add3A_468, %dma_start3A_476] : memref<8192x2048xf32, #tpu.memory_space<hbm>> -> memref<8x2048xf32, #tpu.memory_space<hbm>>
      %dma_start3A_478 = arith.constant 0 : i32
      %dma_start3A_479 = arith.constant 0 : i32
      %dma_start3A_480 = tpu.memref_slice %arg7[%dma_start3A_469, %dma_start3A_478, %dma_start3A_479] : memref<4x8x2048xf32, #tpu.memory_space<vmem>> -> memref<1x8x2048xf32, #tpu.memory_space<vmem>>
      %dma_start3A_481 = tpu.memref_squeeze %dma_start3A_480 : memref<1x8x2048xf32, #tpu.memory_space<vmem>> -> memref<8x2048xf32, #tpu.memory_space<vmem>>
      tpu.enqueue_dma source(%dma_start3A_481 : memref<8x2048xf32, #tpu.memory_space<vmem>>) target(%dma_start3A_477 : memref<8x2048xf32, #tpu.memory_space<hbm>>) target_semaphore(%arg16 : memref<!tpu.dma_semaphore, #tpu.memory_space<semaphore_mem>>)
      %mul3A_482 = arith.constant 8 : i32
      %mul3A_483 = arith.muli %scan3A_99, %mul3A_482 : i32
      %add3A_484 = arith.constant 2 : i32
      %add3A_485 = arith.addi %mul3A_483, %add3A_484 : i32
      %mul3A_486 = arith.constant 2 : i32
      %mul3A_487 = arith.muli %scan3A_99, %mul3A_486 : i32
      %add3A_488 = arith.constant 0 : i32
      %add3A_489 = arith.addi %mul3A_487, %add3A_488 : i32
      %jit3A_490 = arith.constant 4 : i32
      %div3A_491 = arith.divsi %add3A_485, %jit3A_490 : i32
      %sign3A_492 = arith.constant 0 : i32
      %sign3A_493 = arith.cmpi sgt, %add3A_485, %sign3A_492 : i32
      %sign3A_494 = arith.extui %sign3A_493 : i1 to i32
      %sign3A_495 = arith.constant 0 : i32
      %sign3A_496 = arith.cmpi slt, %add3A_485, %sign3A_495 : i32
      %sign3A_497 = arith.extui %sign3A_496 : i1 to i32
      %sign3A_498 = arith.subi %sign3A_494, %sign3A_497 : i32
      %sign3A_499 = arith.constant 0 : i32
      %sign3A_500 = arith.cmpi sgt, %jit3A_490, %sign3A_499 : i32
      %sign3A_501 = arith.extui %sign3A_500 : i1 to i32
      %sign3A_502 = arith.constant 0 : i32
      %sign3A_503 = arith.cmpi slt, %jit3A_490, %sign3A_502 : i32
      %sign3A_504 = arith.extui %sign3A_503 : i1 to i32
      %sign3A_505 = arith.subi %sign3A_501, %sign3A_504 : i32
      %ne3A_506 = arith.cmpi ne, %sign3A_498, %sign3A_505 : i32
      %rem3A_507 = arith.remsi %add3A_485, %jit3A_490 : i32
      %ne3A_508 = arith.constant 0 : i32
      %ne3A_509 = arith.cmpi ne, %rem3A_507, %ne3A_508 : i32
      %and3A_510 = arith.andi %ne3A_506, %ne3A_509 : i1
      %sub3A_511 = arith.constant 1 : i32
      %sub3A_512 = arith.subi %div3A_491, %sub3A_511 : i32
      %select_n3A_513 = arith.select %and3A_510, %sub3A_512, %div3A_491 : i32
      %jit3A_514 = arith.constant 4 : i32
      %eq3A_515 = arith.constant 0 : i32
      %eq3A_516 = arith.cmpi eq, %jit3A_514, %eq3A_515 : i32
      %jit3A_517 = arith.constant 1 : i32
      %select_n3A_518 = arith.select %eq3A_516, %jit3A_517, %jit3A_514 : i32
      %rem3A_519 = arith.remsi %add3A_485, %select_n3A_518 : i32
      %ne3A_520 = arith.constant 0 : i32
      %ne3A_521 = arith.cmpi ne, %rem3A_519, %ne3A_520 : i32
      %lt3A_522 = arith.constant 0 : i32
      %lt3A_523 = arith.cmpi slt, %rem3A_519, %lt3A_522 : i32
      %lt3A_524 = arith.constant 0 : i32
      %lt3A_525 = arith.cmpi slt, %select_n3A_518, %lt3A_524 : i32
      %ne3A_526 = arith.xori %lt3A_523, %lt3A_525 : i1
      %and3A_527 = arith.andi %ne3A_526, %ne3A_521 : i1
      %add3A_528 = arith.addi %rem3A_519, %select_n3A_518 : i32
      %select_n3A_529 = arith.select %and3A_527, %add3A_528, %rem3A_519 : i32
      %mul3A_530 = arith.constant 64 : i32
      %mul3A_531 = arith.muli %select_n3A_529, %mul3A_530 : i32
      %mul3A_532 = arith.constant 8 : i32
      %mul3A_533 = arith.muli %select_n3A_513, %mul3A_532 : i32
      %add3A_534 = arith.addi %mul3A_531, %mul3A_533 : i32
      %dma_wait3A_535 = arith.constant 2 : i32
      %dma_wait3A_536 = arith.constant 0 : i32
      %dma_wait3A_537 = arith.constant 0 : i32
      %dma_wait3A_538 = tpu.memref_slice %arg7[%dma_wait3A_535, %dma_wait3A_536, %dma_wait3A_537] : memref<4x8x2048xf32, #tpu.memory_space<vmem>> -> memref<1x8x2048xf32, #tpu.memory_space<vmem>>
      %dma_wait3A_539 = tpu.memref_squeeze %dma_wait3A_538 : memref<1x8x2048xf32, #tpu.memory_space<vmem>> -> memref<8x2048xf32, #tpu.memory_space<vmem>>
      %dma_wait3A_540 = tpu.memref_slice %arg6[%add3A_534] : memref<256xi32, #tpu.memory_space<vmem>> -> memref<8xi32, #tpu.memory_space<vmem>>
      %dma_wait3A_541 = arith.constant 0 : i32
      %dma_wait3A_542 = arith.constant 0 : i32
      %dma_wait3A_543 = tpu.memref_slice %arg3[%dma_wait3A_541, %dma_wait3A_542] : memref<50304x2048xf32, #tpu.memory_space<hbm>> -> memref<50304x2048xf32, #tpu.memory_space<hbm>>
      tpu.wait_indirect_dma semaphore(%arg11 : memref<!tpu.dma_semaphore, #tpu.memory_space<semaphore_mem>>) src(%dma_wait3A_543 : memref<50304x2048xf32, #tpu.memory_space<hbm>>) dst(%dma_wait3A_539 : memref<8x2048xf32, #tpu.memory_space<vmem>>)
      %sub3A_544 = arith.constant 2 : i32
      %sub3A_545 = arith.subi %add3A_485, %sub3A_544 : i32
      %jit3A_546 = arith.constant 4 : i32
      %div3A_547 = arith.divsi %sub3A_545, %jit3A_546 : i32
      %sign3A_548 = arith.constant 0 : i32
      %sign3A_549 = arith.cmpi sgt, %sub3A_545, %sign3A_548 : i32
      %sign3A_550 = arith.extui %sign3A_549 : i1 to i32
      %sign3A_551 = arith.constant 0 : i32
      %sign3A_552 = arith.cmpi slt, %sub3A_545, %sign3A_551 : i32
      %sign3A_553 = arith.extui %sign3A_552 : i1 to i32
      %sign3A_554 = arith.subi %sign3A_550, %sign3A_553 : i32
      %sign3A_555 = arith.constant 0 : i32
      %sign3A_556 = arith.cmpi sgt, %jit3A_546, %sign3A_555 : i32
      %sign3A_557 = arith.extui %sign3A_556 : i1 to i32
      %sign3A_558 = arith.constant 0 : i32
      %sign3A_559 = arith.cmpi slt, %jit3A_546, %sign3A_558 : i32
      %sign3A_560 = arith.extui %sign3A_559 : i1 to i32
      %sign3A_561 = arith.subi %sign3A_557, %sign3A_560 : i32
      %ne3A_562 = arith.cmpi ne, %sign3A_554, %sign3A_561 : i32
      %rem3A_563 = arith.remsi %sub3A_545, %jit3A_546 : i32
      %ne3A_564 = arith.constant 0 : i32
      %ne3A_565 = arith.cmpi ne, %rem3A_563, %ne3A_564 : i32
      %and3A_566 = arith.andi %ne3A_562, %ne3A_565 : i1
      %sub3A_567 = arith.constant 1 : i32
      %sub3A_568 = arith.subi %div3A_547, %sub3A_567 : i32
      %select_n3A_569 = arith.select %and3A_566, %sub3A_568, %div3A_547 : i32
      %jit3A_570 = arith.constant 4 : i32
      %eq3A_571 = arith.constant 0 : i32
      %eq3A_572 = arith.cmpi eq, %jit3A_570, %eq3A_571 : i32
      %jit3A_573 = arith.constant 1 : i32
      %select_n3A_574 = arith.select %eq3A_572, %jit3A_573, %jit3A_570 : i32
      %rem3A_575 = arith.remsi %sub3A_545, %select_n3A_574 : i32
      %ne3A_576 = arith.constant 0 : i32
      %ne3A_577 = arith.cmpi ne, %rem3A_575, %ne3A_576 : i32
      %lt3A_578 = arith.constant 0 : i32
      %lt3A_579 = arith.cmpi slt, %rem3A_575, %lt3A_578 : i32
      %lt3A_580 = arith.constant 0 : i32
      %lt3A_581 = arith.cmpi slt, %select_n3A_574, %lt3A_580 : i32
      %ne3A_582 = arith.xori %lt3A_579, %lt3A_581 : i1
      %and3A_583 = arith.andi %ne3A_582, %ne3A_577 : i1
      %add3A_584 = arith.addi %rem3A_575, %select_n3A_574 : i32
      %select_n3A_585 = arith.select %and3A_583, %add3A_584, %rem3A_575 : i32
      %mul3A_586 = arith.constant 2048 : i32
      %mul3A_587 = arith.muli %select_n3A_585, %mul3A_586 : i32
      %add3A_588 = arith.addi %mul3A_587, %mul3A_2 : i32
      %mul3A_589 = arith.constant 8 : i32
      %mul3A_590 = arith.muli %select_n3A_569, %mul3A_589 : i32
      %add3A_591 = arith.addi %add3A_588, %mul3A_590 : i32
      %dma_wait3A_592 = arith.constant 0 : i32
      %dma_wait3A_593 = arith.constant 0 : i32
      %dma_wait3A_594 = arith.constant 0 : i32
      %dma_wait3A_595 = tpu.memref_slice %arg7[%dma_wait3A_592, %dma_wait3A_593, %dma_wait3A_594] : memref<4x8x2048xf32, #tpu.memory_space<vmem>> -> memref<1x8x2048xf32, #tpu.memory_space<vmem>>
      %dma_wait3A_596 = tpu.memref_squeeze %dma_wait3A_595 : memref<1x8x2048xf32, #tpu.memory_space<vmem>> -> memref<8x2048xf32, #tpu.memory_space<vmem>>
      %dma_wait3A_597 = arith.constant 0 : i32
      %dma_wait3A_598 = tpu.memref_slice %arg5[%add3A_591, %dma_wait3A_597] : memref<8192x2048xf32, #tpu.memory_space<hbm>> -> memref<8x2048xf32, #tpu.memory_space<hbm>>
      %dma_wait3A_599 = arith.constant 0 : i32
      %dma_wait3A_600 = tpu.memref_slice %arg5[%add3A_591, %dma_wait3A_599] : memref<8192x2048xf32, #tpu.memory_space<hbm>> -> memref<8x2048xf32, #tpu.memory_space<hbm>>
      %dma_wait3A_601 = arith.constant 0 : i32
      %dma_wait3A_602 = arith.constant 0 : i32
      %dma_wait3A_603 = tpu.memref_slice %arg7[%dma_wait3A_592, %dma_wait3A_601, %dma_wait3A_602] : memref<4x8x2048xf32, #tpu.memory_space<vmem>> -> memref<1x8x2048xf32, #tpu.memory_space<vmem>>
      %dma_wait3A_604 = tpu.memref_squeeze %dma_wait3A_603 : memref<1x8x2048xf32, #tpu.memory_space<vmem>> -> memref<8x2048xf32, #tpu.memory_space<vmem>>
      tpu.wait_dma2 semaphore(%arg15 : memref<!tpu.dma_semaphore, #tpu.memory_space<semaphore_mem>>) src(%dma_wait3A_604 : memref<8x2048xf32, #tpu.memory_space<vmem>>) dst(%dma_wait3A_600 : memref<8x2048xf32, #tpu.memory_space<hbm>>)
      %add3A_605 = arith.constant 2 : i32
      %add3A_606 = arith.addi %add3A_485, %add3A_605 : i32
      %jit3A_607 = arith.constant 4 : i32
      %div3A_608 = arith.divsi %add3A_606, %jit3A_607 : i32
      %sign3A_609 = arith.constant 0 : i32
      %sign3A_610 = arith.cmpi sgt, %add3A_606, %sign3A_609 : i32
      %sign3A_611 = arith.extui %sign3A_610 : i1 to i32
      %sign3A_612 = arith.constant 0 : i32
      %sign3A_613 = arith.cmpi slt, %add3A_606, %sign3A_612 : i32
      %sign3A_614 = arith.extui %sign3A_613 : i1 to i32
      %sign3A_615 = arith.subi %sign3A_611, %sign3A_614 : i32
      %sign3A_616 = arith.constant 0 : i32
      %sign3A_617 = arith.cmpi sgt, %jit3A_607, %sign3A_616 : i32
      %sign3A_618 = arith.extui %sign3A_617 : i1 to i32
      %sign3A_619 = arith.constant 0 : i32
      %sign3A_620 = arith.cmpi slt, %jit3A_607, %sign3A_619 : i32
      %sign3A_621 = arith.extui %sign3A_620 : i1 to i32
      %sign3A_622 = arith.subi %sign3A_618, %sign3A_621 : i32
      %ne3A_623 = arith.cmpi ne, %sign3A_615, %sign3A_622 : i32
      %rem3A_624 = arith.remsi %add3A_606, %jit3A_607 : i32
      %ne3A_625 = arith.constant 0 : i32
      %ne3A_626 = arith.cmpi ne, %rem3A_624, %ne3A_625 : i32
      %and3A_627 = arith.andi %ne3A_623, %ne3A_626 : i1
      %sub3A_628 = arith.constant 1 : i32
      %sub3A_629 = arith.subi %div3A_608, %sub3A_628 : i32
      %select_n3A_630 = arith.select %and3A_627, %sub3A_629, %div3A_608 : i32
      %jit3A_631 = arith.constant 4 : i32
      %eq3A_632 = arith.constant 0 : i32
      %eq3A_633 = arith.cmpi eq, %jit3A_631, %eq3A_632 : i32
      %jit3A_634 = arith.constant 1 : i32
      %select_n3A_635 = arith.select %eq3A_633, %jit3A_634, %jit3A_631 : i32
      %rem3A_636 = arith.remsi %add3A_606, %select_n3A_635 : i32
      %ne3A_637 = arith.constant 0 : i32
      %ne3A_638 = arith.cmpi ne, %rem3A_636, %ne3A_637 : i32
      %lt3A_639 = arith.constant 0 : i32
      %lt3A_640 = arith.cmpi slt, %rem3A_636, %lt3A_639 : i32
      %lt3A_641 = arith.constant 0 : i32
      %lt3A_642 = arith.cmpi slt, %select_n3A_635, %lt3A_641 : i32
      %ne3A_643 = arith.xori %lt3A_640, %lt3A_642 : i1
      %and3A_644 = arith.andi %ne3A_643, %ne3A_638 : i1
      %add3A_645 = arith.addi %rem3A_636, %select_n3A_635 : i32
      %select_n3A_646 = arith.select %and3A_644, %add3A_645, %rem3A_636 : i32
      %mul3A_647 = arith.constant 64 : i32
      %mul3A_648 = arith.muli %select_n3A_646, %mul3A_647 : i32
      %mul3A_649 = arith.constant 8 : i32
      %mul3A_650 = arith.muli %select_n3A_630, %mul3A_649 : i32
      %add3A_651 = arith.addi %mul3A_648, %mul3A_650 : i32
      %dma_start3A_652 = arith.constant 0 : i32
      %dma_start3A_653 = arith.constant 0 : i32
      %dma_start3A_654 = arith.constant 0 : i32
      %dma_start3A_655 = tpu.memref_slice %arg7[%dma_start3A_652, %dma_start3A_653, %dma_start3A_654] : memref<4x8x2048xf32, #tpu.memory_space<vmem>> -> memref<1x8x2048xf32, #tpu.memory_space<vmem>>
      %dma_start3A_656 = tpu.memref_squeeze %dma_start3A_655 : memref<1x8x2048xf32, #tpu.memory_space<vmem>> -> memref<8x2048xf32, #tpu.memory_space<vmem>>
      %dma_start3A_657 = tpu.memref_slice %arg6[%add3A_651] : memref<256xi32, #tpu.memory_space<vmem>> -> memref<8xi32, #tpu.memory_space<vmem>>
      %dma_start3A_658 = arith.constant 0 : i32
      %dma_start3A_659 = arith.constant 0 : i32
      %dma_start3A_660 = tpu.memref_slice %arg3[%dma_start3A_658, %dma_start3A_659] : memref<50304x2048xf32, #tpu.memory_space<hbm>> -> memref<50304x2048xf32, #tpu.memory_space<hbm>>
      tpu.enqueue_indirect_dma source(%dma_start3A_660 : memref<50304x2048xf32, #tpu.memory_space<hbm>>) target(%dma_start3A_656 : memref<8x2048xf32, #tpu.memory_space<vmem>>) offsets(%dma_start3A_657 : memref<8xi32, #tpu.memory_space<vmem>>) semaphore(%arg9 : memref<!tpu.dma_semaphore, #tpu.memory_space<semaphore_mem>>)
      %scan3A_661 = arith.constant 0 : i32
      %scan3A_662 = arith.constant 0 : i32
      %scan3A_663 = arith.constant 128 : i32
      %scan3A_664 = arith.addi %scan3A_662, %scan3A_663 : i32
      %scan3A_665 = arith.constant 1 : i32
      %scan3A_666 = scf.for %scan3A_1885 = %scan3A_662 to %scan3A_664 step %scan3A_665 iter_args(%scan3A_1886 = %scan3A_661) -> (i32)  : i32 {
        %mul3A_1887 = arith.constant 16 : i32
        %mul3A_1888 = arith.muli %scan3A_1885, %mul3A_1887 : i32
        %get3A = arith.constant 2 : i32
        %get3A_1889 = arith.constant 0 : i32
        %get3A_1890 = arith.index_cast %get3A : i32 to index
        %get3A_1891 = arith.index_cast %get3A_1889 : i32 to index
        %get3A_1892 = arith.index_cast %mul3A_1888 : i32 to index
        %get3A_1893 = tpu.vector_load %arg7[%get3A_1890, %get3A_1891, %get3A_1892] {strides = array<i32>} : memref<4x8x2048xf32, #tpu.memory_space<vmem>>, vector<1x1x16xf32>,
        %get3A_1894 = vector.shape_cast %get3A_1893 : vector<1x1x16xf32> to vector<16xf32>
        %get3A_1895 = arith.constant 0 : i32
        %get3A_1896 = arith.constant 0 : i32
        %get3A_1897 = arith.index_cast %get3A_1895 : i32 to index
        %get3A_1898 = arith.index_cast %get3A_1896 : i32 to index
        %get3A_1899 = arith.index_cast %mul3A_1888 : i32 to index
        %get3A_1900 = tpu.vector_load %arg8[%get3A_1897, %get3A_1898, %get3A_1899] {strides = array<i32>} : memref<2x8x2048xf32, #tpu.memory_space<vmem>>, vector<1x1x16xf32>,
        %get3A_1901 = vector.shape_cast %get3A_1900 : vector<1x1x16xf32> to vector<16xf32>
        %add3A_1902 = arith.addf %get3A_1894, %get3A_1901 : vector<16xf32>
        %swap3A = arith.constant 2 : i32
        %swap3A_1903 = arith.constant 0 : i32
        %swap3A_1904 = arith.index_cast %swap3A : i32 to index
        %swap3A_1905 = arith.index_cast %swap3A_1903 : i32 to index
        %swap3A_1906 = arith.index_cast %mul3A_1888 : i32 to index
        %swap3A_1907 = tpu.vector_load %arg7[%swap3A_1904, %swap3A_1905, %swap3A_1906] {strides = array<i32>} : memref<4x8x2048xf32, #tpu.memory_space<vmem>>, vector<1x1x16xf32>,
        %swap3A_1908 = vector.shape_cast %swap3A_1907 : vector<1x1x16xf32> to vector<16xf32>
        %swap3A_1909 = vector.shape_cast %add3A_1902 : vector<16xf32> to vector<1x1x16xf32>
        tpu.vector_store %arg7[%swap3A_1904, %swap3A_1905, %swap3A_1906], %swap3A_1909 {strides = array<i32>} : memref<4x8x2048xf32, #tpu.memory_space<vmem>>, vector<1x1x16xf32>,
        %get3A_1910 = arith.constant 2 : i32
        %get3A_1911 = arith.constant 1 : i32
        %get3A_1912 = arith.index_cast %get3A_1910 : i32 to index
        %get3A_1913 = arith.index_cast %get3A_1911 : i32 to index
        %get3A_1914 = arith.index_cast %mul3A_1888 : i32 to index
        %get3A_1915 = tpu.vector_load %arg7[%get3A_1912, %get3A_1913, %get3A_1914] {strides = array<i32>} : memref<4x8x2048xf32, #tpu.memory_space<vmem>>, vector<1x1x16xf32>,
        %get3A_1916 = vector.shape_cast %get3A_1915 : vector<1x1x16xf32> to vector<16xf32>
        %get3A_1917 = arith.constant 0 : i32
        %get3A_1918 = arith.constant 1 : i32
        %get3A_1919 = arith.index_cast %get3A_1917 : i32 to index
        %get3A_1920 = arith.index_cast %get3A_1918 : i32 to index
        %get3A_1921 = arith.index_cast %mul3A_1888 : i32 to index
        %get3A_1922 = tpu.vector_load %arg8[%get3A_1919, %get3A_1920, %get3A_1921] {strides = array<i32>} : memref<2x8x2048xf32, #tpu.memory_space<vmem>>, vector<1x1x16xf32>,
        %get3A_1923 = vector.shape_cast %get3A_1922 : vector<1x1x16xf32> to vector<16xf32>
        %add3A_1924 = arith.addf %get3A_1916, %get3A_1923 : vector<16xf32>
        %swap3A_1925 = arith.constant 2 : i32
        %swap3A_1926 = arith.constant 1 : i32
        %swap3A_1927 = arith.index_cast %swap3A_1925 : i32 to index
        %swap3A_1928 = arith.index_cast %swap3A_1926 : i32 to index
        %swap3A_1929 = arith.index_cast %mul3A_1888 : i32 to index
        %swap3A_1930 = tpu.vector_load %arg7[%swap3A_1927, %swap3A_1928, %swap3A_1929] {strides = array<i32>} : memref<4x8x2048xf32, #tpu.memory_space<vmem>>, vector<1x1x16xf32>,
        %swap3A_1931 = vector.shape_cast %swap3A_1930 : vector<1x1x16xf32> to vector<16xf32>
        %swap3A_1932 = vector.shape_cast %add3A_1924 : vector<16xf32> to vector<1x1x16xf32>
        tpu.vector_store %arg7[%swap3A_1927, %swap3A_1928, %swap3A_1929], %swap3A_1932 {strides = array<i32>} : memref<4x8x2048xf32, #tpu.memory_space<vmem>>, vector<1x1x16xf32>,
        %get3A_1933 = arith.constant 2 : i32
        %get3A_1934 = arith.constant 2 : i32
        %get3A_1935 = arith.index_cast %get3A_1933 : i32 to index
        %get3A_1936 = arith.index_cast %get3A_1934 : i32 to index
        %get3A_1937 = arith.index_cast %mul3A_1888 : i32 to index
        %get3A_1938 = tpu.vector_load %arg7[%get3A_1935, %get3A_1936, %get3A_1937] {strides = array<i32>} : memref<4x8x2048xf32, #tpu.memory_space<vmem>>, vector<1x1x16xf32>,
        %get3A_1939 = vector.shape_cast %get3A_1938 : vector<1x1x16xf32> to vector<16xf32>
        %get3A_1940 = arith.constant 0 : i32
        %get3A_1941 = arith.constant 2 : i32
        %get3A_1942 = arith.index_cast %get3A_1940 : i32 to index
        %get3A_1943 = arith.index_cast %get3A_1941 : i32 to index
        %get3A_1944 = arith.index_cast %mul3A_1888 : i32 to index
        %get3A_1945 = tpu.vector_load %arg8[%get3A_1942, %get3A_1943, %get3A_1944] {strides = array<i32>} : memref<2x8x2048xf32, #tpu.memory_space<vmem>>, vector<1x1x16xf32>,
        %get3A_1946 = vector.shape_cast %get3A_1945 : vector<1x1x16xf32> to vector<16xf32>
        %add3A_1947 = arith.addf %get3A_1939, %get3A_1946 : vector<16xf32>
        %swap3A_1948 = arith.constant 2 : i32
        %swap3A_1949 = arith.constant 2 : i32
        %swap3A_1950 = arith.index_cast %swap3A_1948 : i32 to index
        %swap3A_1951 = arith.index_cast %swap3A_1949 : i32 to index
        %swap3A_1952 = arith.index_cast %mul3A_1888 : i32 to index
        %swap3A_1953 = tpu.vector_load %arg7[%swap3A_1950, %swap3A_1951, %swap3A_1952] {strides = array<i32>} : memref<4x8x2048xf32, #tpu.memory_space<vmem>>, vector<1x1x16xf32>,
        %swap3A_1954 = vector.shape_cast %swap3A_1953 : vector<1x1x16xf32> to vector<16xf32>
        %swap3A_1955 = vector.shape_cast %add3A_1947 : vector<16xf32> to vector<1x1x16xf32>
        tpu.vector_store %arg7[%swap3A_1950, %swap3A_1951, %swap3A_1952], %swap3A_1955 {strides = array<i32>} : memref<4x8x2048xf32, #tpu.memory_space<vmem>>, vector<1x1x16xf32>,
        %get3A_1956 = arith.constant 2 : i32
        %get3A_1957 = arith.constant 3 : i32
        %get3A_1958 = arith.index_cast %get3A_1956 : i32 to index
        %get3A_1959 = arith.index_cast %get3A_1957 : i32 to index
        %get3A_1960 = arith.index_cast %mul3A_1888 : i32 to index
        %get3A_1961 = tpu.vector_load %arg7[%get3A_1958, %get3A_1959, %get3A_1960] {strides = array<i32>} : memref<4x8x2048xf32, #tpu.memory_space<vmem>>, vector<1x1x16xf32>,
        %get3A_1962 = vector.shape_cast %get3A_1961 : vector<1x1x16xf32> to vector<16xf32>
        %get3A_1963 = arith.constant 0 : i32
        %get3A_1964 = arith.constant 3 : i32
        %get3A_1965 = arith.index_cast %get3A_1963 : i32 to index
        %get3A_1966 = arith.index_cast %get3A_1964 : i32 to index
        %get3A_1967 = arith.index_cast %mul3A_1888 : i32 to index
        %get3A_1968 = tpu.vector_load %arg8[%get3A_1965, %get3A_1966, %get3A_1967] {strides = array<i32>} : memref<2x8x2048xf32, #tpu.memory_space<vmem>>, vector<1x1x16xf32>,
        %get3A_1969 = vector.shape_cast %get3A_1968 : vector<1x1x16xf32> to vector<16xf32>
        %add3A_1970 = arith.addf %get3A_1962, %get3A_1969 : vector<16xf32>
        %swap3A_1971 = arith.constant 2 : i32
        %swap3A_1972 = arith.constant 3 : i32
        %swap3A_1973 = arith.index_cast %swap3A_1971 : i32 to index
        %swap3A_1974 = arith.index_cast %swap3A_1972 : i32 to index
        %swap3A_1975 = arith.index_cast %mul3A_1888 : i32 to index
        %swap3A_1976 = tpu.vector_load %arg7[%swap3A_1973, %swap3A_1974, %swap3A_1975] {strides = array<i32>} : memref<4x8x2048xf32, #tpu.memory_space<vmem>>, vector<1x1x16xf32>,
        %swap3A_1977 = vector.shape_cast %swap3A_1976 : vector<1x1x16xf32> to vector<16xf32>
        %swap3A_1978 = vector.shape_cast %add3A_1970 : vector<16xf32> to vector<1x1x16xf32>
        tpu.vector_store %arg7[%swap3A_1973, %swap3A_1974, %swap3A_1975], %swap3A_1978 {strides = array<i32>} : memref<4x8x2048xf32, #tpu.memory_space<vmem>>, vector<1x1x16xf32>,
        %get3A_1979 = arith.constant 2 : i32
        %get3A_1980 = arith.constant 4 : i32
        %get3A_1981 = arith.index_cast %get3A_1979 : i32 to index
        %get3A_1982 = arith.index_cast %get3A_1980 : i32 to index
        %get3A_1983 = arith.index_cast %mul3A_1888 : i32 to index
        %get3A_1984 = tpu.vector_load %arg7[%get3A_1981, %get3A_1982, %get3A_1983] {strides = array<i32>} : memref<4x8x2048xf32, #tpu.memory_space<vmem>>, vector<1x1x16xf32>,
        %get3A_1985 = vector.shape_cast %get3A_1984 : vector<1x1x16xf32> to vector<16xf32>
        %get3A_1986 = arith.constant 0 : i32
        %get3A_1987 = arith.constant 4 : i32
        %get3A_1988 = arith.index_cast %get3A_1986 : i32 to index
        %get3A_1989 = arith.index_cast %get3A_1987 : i32 to index
        %get3A_1990 = arith.index_cast %mul3A_1888 : i32 to index
        %get3A_1991 = tpu.vector_load %arg8[%get3A_1988, %get3A_1989, %get3A_1990] {strides = array<i32>} : memref<2x8x2048xf32, #tpu.memory_space<vmem>>, vector<1x1x16xf32>,
        %get3A_1992 = vector.shape_cast %get3A_1991 : vector<1x1x16xf32> to vector<16xf32>
        %add3A_1993 = arith.addf %get3A_1985, %get3A_1992 : vector<16xf32>
        %swap3A_1994 = arith.constant 2 : i32
        %swap3A_1995 = arith.constant 4 : i32
        %swap3A_1996 = arith.index_cast %swap3A_1994 : i32 to index
        %swap3A_1997 = arith.index_cast %swap3A_1995 : i32 to index
        %swap3A_1998 = arith.index_cast %mul3A_1888 : i32 to index
        %swap3A_1999 = tpu.vector_load %arg7[%swap3A_1996, %swap3A_1997, %swap3A_1998] {strides = array<i32>} : memref<4x8x2048xf32, #tpu.memory_space<vmem>>, vector<1x1x16xf32>,
        %swap3A_2000 = vector.shape_cast %swap3A_1999 : vector<1x1x16xf32> to vector<16xf32>
        %swap3A_2001 = vector.shape_cast %add3A_1993 : vector<16xf32> to vector<1x1x16xf32>
        tpu.vector_store %arg7[%swap3A_1996, %swap3A_1997, %swap3A_1998], %swap3A_2001 {strides = array<i32>} : memref<4x8x2048xf32, #tpu.memory_space<vmem>>, vector<1x1x16xf32>,
        %get3A_2002 = arith.constant 2 : i32
        %get3A_2003 = arith.constant 5 : i32
        %get3A_2004 = arith.index_cast %get3A_2002 : i32 to index
        %get3A_2005 = arith.index_cast %get3A_2003 : i32 to index
        %get3A_2006 = arith.index_cast %mul3A_1888 : i32 to index
        %get3A_2007 = tpu.vector_load %arg7[%get3A_2004, %get3A_2005, %get3A_2006] {strides = array<i32>} : memref<4x8x2048xf32, #tpu.memory_space<vmem>>, vector<1x1x16xf32>,
        %get3A_2008 = vector.shape_cast %get3A_2007 : vector<1x1x16xf32> to vector<16xf32>
        %get3A_2009 = arith.constant 0 : i32
        %get3A_2010 = arith.constant 5 : i32
        %get3A_2011 = arith.index_cast %get3A_2009 : i32 to index
        %get3A_2012 = arith.index_cast %get3A_2010 : i32 to index
        %get3A_2013 = arith.index_cast %mul3A_1888 : i32 to index
        %get3A_2014 = tpu.vector_load %arg8[%get3A_2011, %get3A_2012, %get3A_2013] {strides = array<i32>} : memref<2x8x2048xf32, #tpu.memory_space<vmem>>, vector<1x1x16xf32>,
        %get3A_2015 = vector.shape_cast %get3A_2014 : vector<1x1x16xf32> to vector<16xf32>
        %add3A_2016 = arith.addf %get3A_2008, %get3A_2015 : vector<16xf32>
        %swap3A_2017 = arith.constant 2 : i32
        %swap3A_2018 = arith.constant 5 : i32
        %swap3A_2019 = arith.index_cast %swap3A_2017 : i32 to index
        %swap3A_2020 = arith.index_cast %swap3A_2018 : i32 to index
        %swap3A_2021 = arith.index_cast %mul3A_1888 : i32 to index
        %swap3A_2022 = tpu.vector_load %arg7[%swap3A_2019, %swap3A_2020, %swap3A_2021] {strides = array<i32>} : memref<4x8x2048xf32, #tpu.memory_space<vmem>>, vector<1x1x16xf32>,
        %swap3A_2023 = vector.shape_cast %swap3A_2022 : vector<1x1x16xf32> to vector<16xf32>
        %swap3A_2024 = vector.shape_cast %add3A_2016 : vector<16xf32> to vector<1x1x16xf32>
        tpu.vector_store %arg7[%swap3A_2019, %swap3A_2020, %swap3A_2021], %swap3A_2024 {strides = array<i32>} : memref<4x8x2048xf32, #tpu.memory_space<vmem>>, vector<1x1x16xf32>,
        %get3A_2025 = arith.constant 2 : i32
        %get3A_2026 = arith.constant 6 : i32
        %get3A_2027 = arith.index_cast %get3A_2025 : i32 to index
        %get3A_2028 = arith.index_cast %get3A_2026 : i32 to index
        %get3A_2029 = arith.index_cast %mul3A_1888 : i32 to index
        %get3A_2030 = tpu.vector_load %arg7[%get3A_2027, %get3A_2028, %get3A_2029] {strides = array<i32>} : memref<4x8x2048xf32, #tpu.memory_space<vmem>>, vector<1x1x16xf32>,
        %get3A_2031 = vector.shape_cast %get3A_2030 : vector<1x1x16xf32> to vector<16xf32>
        %get3A_2032 = arith.constant 0 : i32
        %get3A_2033 = arith.constant 6 : i32
        %get3A_2034 = arith.index_cast %get3A_2032 : i32 to index
        %get3A_2035 = arith.index_cast %get3A_2033 : i32 to index
        %get3A_2036 = arith.index_cast %mul3A_1888 : i32 to index
        %get3A_2037 = tpu.vector_load %arg8[%get3A_2034, %get3A_2035, %get3A_2036] {strides = array<i32>} : memref<2x8x2048xf32, #tpu.memory_space<vmem>>, vector<1x1x16xf32>,
        %get3A_2038 = vector.shape_cast %get3A_2037 : vector<1x1x16xf32> to vector<16xf32>
        %add3A_2039 = arith.addf %get3A_2031, %get3A_2038 : vector<16xf32>
        %swap3A_2040 = arith.constant 2 : i32
        %swap3A_2041 = arith.constant 6 : i32
        %swap3A_2042 = arith.index_cast %swap3A_2040 : i32 to index
        %swap3A_2043 = arith.index_cast %swap3A_2041 : i32 to index
        %swap3A_2044 = arith.index_cast %mul3A_1888 : i32 to index
        %swap3A_2045 = tpu.vector_load %arg7[%swap3A_2042, %swap3A_2043, %swap3A_2044] {strides = array<i32>} : memref<4x8x2048xf32, #tpu.memory_space<vmem>>, vector<1x1x16xf32>,
        %swap3A_2046 = vector.shape_cast %swap3A_2045 : vector<1x1x16xf32> to vector<16xf32>
        %swap3A_2047 = vector.shape_cast %add3A_2039 : vector<16xf32> to vector<1x1x16xf32>
        tpu.vector_store %arg7[%swap3A_2042, %swap3A_2043, %swap3A_2044], %swap3A_2047 {strides = array<i32>} : memref<4x8x2048xf32, #tpu.memory_space<vmem>>, vector<1x1x16xf32>,
        %get3A_2048 = arith.constant 2 : i32
        %get3A_2049 = arith.constant 7 : i32
        %get3A_2050 = arith.index_cast %get3A_2048 : i32 to index
        %get3A_2051 = arith.index_cast %get3A_2049 : i32 to index
        %get3A_2052 = arith.index_cast %mul3A_1888 : i32 to index
        %get3A_2053 = tpu.vector_load %arg7[%get3A_2050, %get3A_2051, %get3A_2052] {strides = array<i32>} : memref<4x8x2048xf32, #tpu.memory_space<vmem>>, vector<1x1x16xf32>,
        %get3A_2054 = vector.shape_cast %get3A_2053 : vector<1x1x16xf32> to vector<16xf32>
        %get3A_2055 = arith.constant 0 : i32
        %get3A_2056 = arith.constant 7 : i32
        %get3A_2057 = arith.index_cast %get3A_2055 : i32 to index
        %get3A_2058 = arith.index_cast %get3A_2056 : i32 to index
        %get3A_2059 = arith.index_cast %mul3A_1888 : i32 to index
        %get3A_2060 = tpu.vector_load %arg8[%get3A_2057, %get3A_2058, %get3A_2059] {strides = array<i32>} : memref<2x8x2048xf32, #tpu.memory_space<vmem>>, vector<1x1x16xf32>,
        %get3A_2061 = vector.shape_cast %get3A_2060 : vector<1x1x16xf32> to vector<16xf32>
        %add3A_2062 = arith.addf %get3A_2054, %get3A_2061 : vector<16xf32>
        %swap3A_2063 = arith.constant 2 : i32
        %swap3A_2064 = arith.constant 7 : i32
        %swap3A_2065 = arith.index_cast %swap3A_2063 : i32 to index
        %swap3A_2066 = arith.index_cast %swap3A_2064 : i32 to index
        %swap3A_2067 = arith.index_cast %mul3A_1888 : i32 to index
        %swap3A_2068 = tpu.vector_load %arg7[%swap3A_2065, %swap3A_2066, %swap3A_2067] {strides = array<i32>} : memref<4x8x2048xf32, #tpu.memory_space<vmem>>, vector<1x1x16xf32>,
        %swap3A_2069 = vector.shape_cast %swap3A_2068 : vector<1x1x16xf32> to vector<16xf32>
        %swap3A_2070 = vector.shape_cast %add3A_2062 : vector<16xf32> to vector<1x1x16xf32>
        tpu.vector_store %arg7[%swap3A_2065, %swap3A_2066, %swap3A_2067], %swap3A_2070 {strides = array<i32>} : memref<4x8x2048xf32, #tpu.memory_space<vmem>>, vector<1x1x16xf32>,
        %scan3A_2071 = arith.constant 0 : i32
        scf.yield %scan3A_2071 : i32
      }
      %scan3A_667 = arith.constant 128 : i32
      %jit3A_668 = arith.constant 4 : i32
      %div3A_669 = arith.divsi %add3A_485, %jit3A_668 : i32
      %sign3A_670 = arith.constant 0 : i32
      %sign3A_671 = arith.cmpi sgt, %add3A_485, %sign3A_670 : i32
      %sign3A_672 = arith.extui %sign3A_671 : i1 to i32
      %sign3A_673 = arith.constant 0 : i32
      %sign3A_674 = arith.cmpi slt, %add3A_485, %sign3A_673 : i32
      %sign3A_675 = arith.extui %sign3A_674 : i1 to i32
      %sign3A_676 = arith.subi %sign3A_672, %sign3A_675 : i32
      %sign3A_677 = arith.constant 0 : i32
      %sign3A_678 = arith.cmpi sgt, %jit3A_668, %sign3A_677 : i32
      %sign3A_679 = arith.extui %sign3A_678 : i1 to i32
      %sign3A_680 = arith.constant 0 : i32
      %sign3A_681 = arith.cmpi slt, %jit3A_668, %sign3A_680 : i32
      %sign3A_682 = arith.extui %sign3A_681 : i1 to i32
      %sign3A_683 = arith.subi %sign3A_679, %sign3A_682 : i32
      %ne3A_684 = arith.cmpi ne, %sign3A_676, %sign3A_683 : i32
      %rem3A_685 = arith.remsi %add3A_485, %jit3A_668 : i32
      %ne3A_686 = arith.constant 0 : i32
      %ne3A_687 = arith.cmpi ne, %rem3A_685, %ne3A_686 : i32
      %and3A_688 = arith.andi %ne3A_684, %ne3A_687 : i1
      %sub3A_689 = arith.constant 1 : i32
      %sub3A_690 = arith.subi %div3A_669, %sub3A_689 : i32
      %select_n3A_691 = arith.select %and3A_688, %sub3A_690, %div3A_669 : i32
      %jit3A_692 = arith.constant 4 : i32
      %eq3A_693 = arith.constant 0 : i32
      %eq3A_694 = arith.cmpi eq, %jit3A_692, %eq3A_693 : i32
      %jit3A_695 = arith.constant 1 : i32
      %select_n3A_696 = arith.select %eq3A_694, %jit3A_695, %jit3A_692 : i32
      %rem3A_697 = arith.remsi %add3A_485, %select_n3A_696 : i32
      %ne3A_698 = arith.constant 0 : i32
      %ne3A_699 = arith.cmpi ne, %rem3A_697, %ne3A_698 : i32
      %lt3A_700 = arith.constant 0 : i32
      %lt3A_701 = arith.cmpi slt, %rem3A_697, %lt3A_700 : i32
      %lt3A_702 = arith.constant 0 : i32
      %lt3A_703 = arith.cmpi slt, %select_n3A_696, %lt3A_702 : i32
      %ne3A_704 = arith.xori %lt3A_701, %lt3A_703 : i1
      %and3A_705 = arith.andi %ne3A_704, %ne3A_699 : i1
      %add3A_706 = arith.addi %rem3A_697, %select_n3A_696 : i32
      %select_n3A_707 = arith.select %and3A_705, %add3A_706, %rem3A_697 : i32
      %mul3A_708 = arith.constant 2048 : i32
      %mul3A_709 = arith.muli %select_n3A_707, %mul3A_708 : i32
      %add3A_710 = arith.addi %mul3A_709, %mul3A_2 : i32
      %mul3A_711 = arith.constant 8 : i32
      %mul3A_712 = arith.muli %select_n3A_691, %mul3A_711 : i32
      %add3A_713 = arith.addi %add3A_710, %mul3A_712 : i32
      %dma_start3A_714 = arith.constant 2 : i32
      %dma_start3A_715 = arith.constant 0 : i32
      %dma_start3A_716 = arith.constant 0 : i32
      %dma_start3A_717 = tpu.memref_slice %arg7[%dma_start3A_714, %dma_start3A_715, %dma_start3A_716] : memref<4x8x2048xf32, #tpu.memory_space<vmem>> -> memref<1x8x2048xf32, #tpu.memory_space<vmem>>
      %dma_start3A_718 = tpu.memref_squeeze %dma_start3A_717 : memref<1x8x2048xf32, #tpu.memory_space<vmem>> -> memref<8x2048xf32, #tpu.memory_space<vmem>>
      %dma_start3A_719 = arith.constant 0 : i32
      %dma_start3A_720 = tpu.memref_slice %arg5[%add3A_713, %dma_start3A_719] : memref<8192x2048xf32, #tpu.memory_space<hbm>> -> memref<8x2048xf32, #tpu.memory_space<hbm>>
      %dma_start3A_721 = arith.constant 0 : i32
      %dma_start3A_722 = tpu.memref_slice %arg5[%add3A_713, %dma_start3A_721] : memref<8192x2048xf32, #tpu.memory_space<hbm>> -> memref<8x2048xf32, #tpu.memory_space<hbm>>
      %dma_start3A_723 = arith.constant 0 : i32
      %dma_start3A_724 = arith.constant 0 : i32
      %dma_start3A_725 = tpu.memref_slice %arg7[%dma_start3A_714, %dma_start3A_723, %dma_start3A_724] : memref<4x8x2048xf32, #tpu.memory_space<vmem>> -> memref<1x8x2048xf32, #tpu.memory_space<vmem>>
      %dma_start3A_726 = tpu.memref_squeeze %dma_start3A_725 : memref<1x8x2048xf32, #tpu.memory_space<vmem>> -> memref<8x2048xf32, #tpu.memory_space<vmem>>
      tpu.enqueue_dma source(%dma_start3A_726 : memref<8x2048xf32, #tpu.memory_space<vmem>>) target(%dma_start3A_722 : memref<8x2048xf32, #tpu.memory_space<hbm>>) target_semaphore(%arg17 : memref<!tpu.dma_semaphore, #tpu.memory_space<semaphore_mem>>)
      %mul3A_727 = arith.constant 8 : i32
      %mul3A_728 = arith.muli %scan3A_99, %mul3A_727 : i32
      %add3A_729 = arith.constant 3 : i32
      %add3A_730 = arith.addi %mul3A_728, %add3A_729 : i32
      %mul3A_731 = arith.constant 2 : i32
      %mul3A_732 = arith.muli %scan3A_99, %mul3A_731 : i32
      %add3A_733 = arith.constant 0 : i32
      %add3A_734 = arith.addi %mul3A_732, %add3A_733 : i32
      %jit3A_735 = arith.constant 4 : i32
      %div3A_736 = arith.divsi %add3A_730, %jit3A_735 : i32
      %sign3A_737 = arith.constant 0 : i32
      %sign3A_738 = arith.cmpi sgt, %add3A_730, %sign3A_737 : i32
      %sign3A_739 = arith.extui %sign3A_738 : i1 to i32
      %sign3A_740 = arith.constant 0 : i32
      %sign3A_741 = arith.cmpi slt, %add3A_730, %sign3A_740 : i32
      %sign3A_742 = arith.extui %sign3A_741 : i1 to i32
      %sign3A_743 = arith.subi %sign3A_739, %sign3A_742 : i32
      %sign3A_744 = arith.constant 0 : i32
      %sign3A_745 = arith.cmpi sgt, %jit3A_735, %sign3A_744 : i32
      %sign3A_746 = arith.extui %sign3A_745 : i1 to i32
      %sign3A_747 = arith.constant 0 : i32
      %sign3A_748 = arith.cmpi slt, %jit3A_735, %sign3A_747 : i32
      %sign3A_749 = arith.extui %sign3A_748 : i1 to i32
      %sign3A_750 = arith.subi %sign3A_746, %sign3A_749 : i32
      %ne3A_751 = arith.cmpi ne, %sign3A_743, %sign3A_750 : i32
      %rem3A_752 = arith.remsi %add3A_730, %jit3A_735 : i32
      %ne3A_753 = arith.constant 0 : i32
      %ne3A_754 = arith.cmpi ne, %rem3A_752, %ne3A_753 : i32
      %and3A_755 = arith.andi %ne3A_751, %ne3A_754 : i1
      %sub3A_756 = arith.constant 1 : i32
      %sub3A_757 = arith.subi %div3A_736, %sub3A_756 : i32
      %select_n3A_758 = arith.select %and3A_755, %sub3A_757, %div3A_736 : i32
      %jit3A_759 = arith.constant 4 : i32
      %eq3A_760 = arith.constant 0 : i32
      %eq3A_761 = arith.cmpi eq, %jit3A_759, %eq3A_760 : i32
      %jit3A_762 = arith.constant 1 : i32
      %select_n3A_763 = arith.select %eq3A_761, %jit3A_762, %jit3A_759 : i32
      %rem3A_764 = arith.remsi %add3A_730, %select_n3A_763 : i32
      %ne3A_765 = arith.constant 0 : i32
      %ne3A_766 = arith.cmpi ne, %rem3A_764, %ne3A_765 : i32
      %lt3A_767 = arith.constant 0 : i32
      %lt3A_768 = arith.cmpi slt, %rem3A_764, %lt3A_767 : i32
      %lt3A_769 = arith.constant 0 : i32
      %lt3A_770 = arith.cmpi slt, %select_n3A_763, %lt3A_769 : i32
      %ne3A_771 = arith.xori %lt3A_768, %lt3A_770 : i1
      %and3A_772 = arith.andi %ne3A_771, %ne3A_766 : i1
      %add3A_773 = arith.addi %rem3A_764, %select_n3A_763 : i32
      %select_n3A_774 = arith.select %and3A_772, %add3A_773, %rem3A_764 : i32
      %mul3A_775 = arith.constant 64 : i32
      %mul3A_776 = arith.muli %select_n3A_774, %mul3A_775 : i32
      %mul3A_777 = arith.constant 8 : i32
      %mul3A_778 = arith.muli %select_n3A_758, %mul3A_777 : i32
      %add3A_779 = arith.addi %mul3A_776, %mul3A_778 : i32
      %dma_wait3A_780 = arith.constant 3 : i32
      %dma_wait3A_781 = arith.constant 0 : i32
      %dma_wait3A_782 = arith.constant 0 : i32
      %dma_wait3A_783 = tpu.memref_slice %arg7[%dma_wait3A_780, %dma_wait3A_781, %dma_wait3A_782] : memref<4x8x2048xf32, #tpu.memory_space<vmem>> -> memref<1x8x2048xf32, #tpu.memory_space<vmem>>
      %dma_wait3A_784 = tpu.memref_squeeze %dma_wait3A_783 : memref<1x8x2048xf32, #tpu.memory_space<vmem>> -> memref<8x2048xf32, #tpu.memory_space<vmem>>
      %dma_wait3A_785 = tpu.memref_slice %arg6[%add3A_779] : memref<256xi32, #tpu.memory_space<vmem>> -> memref<8xi32, #tpu.memory_space<vmem>>
      %dma_wait3A_786 = arith.constant 0 : i32
      %dma_wait3A_787 = arith.constant 0 : i32
      %dma_wait3A_788 = tpu.memref_slice %arg3[%dma_wait3A_786, %dma_wait3A_787] : memref<50304x2048xf32, #tpu.memory_space<hbm>> -> memref<50304x2048xf32, #tpu.memory_space<hbm>>
      tpu.wait_indirect_dma semaphore(%arg12 : memref<!tpu.dma_semaphore, #tpu.memory_space<semaphore_mem>>) src(%dma_wait3A_788 : memref<50304x2048xf32, #tpu.memory_space<hbm>>) dst(%dma_wait3A_784 : memref<8x2048xf32, #tpu.memory_space<vmem>>)
      %sub3A_789 = arith.constant 2 : i32
      %sub3A_790 = arith.subi %add3A_730, %sub3A_789 : i32
      %jit3A_791 = arith.constant 4 : i32
      %div3A_792 = arith.divsi %sub3A_790, %jit3A_791 : i32
      %sign3A_793 = arith.constant 0 : i32
      %sign3A_794 = arith.cmpi sgt, %sub3A_790, %sign3A_793 : i32
      %sign3A_795 = arith.extui %sign3A_794 : i1 to i32
      %sign3A_796 = arith.constant 0 : i32
      %sign3A_797 = arith.cmpi slt, %sub3A_790, %sign3A_796 : i32
      %sign3A_798 = arith.extui %sign3A_797 : i1 to i32
      %sign3A_799 = arith.subi %sign3A_795, %sign3A_798 : i32
      %sign3A_800 = arith.constant 0 : i32
      %sign3A_801 = arith.cmpi sgt, %jit3A_791, %sign3A_800 : i32
      %sign3A_802 = arith.extui %sign3A_801 : i1 to i32
      %sign3A_803 = arith.constant 0 : i32
      %sign3A_804 = arith.cmpi slt, %jit3A_791, %sign3A_803 : i32
      %sign3A_805 = arith.extui %sign3A_804 : i1 to i32
      %sign3A_806 = arith.subi %sign3A_802, %sign3A_805 : i32
      %ne3A_807 = arith.cmpi ne, %sign3A_799, %sign3A_806 : i32
      %rem3A_808 = arith.remsi %sub3A_790, %jit3A_791 : i32
      %ne3A_809 = arith.constant 0 : i32
      %ne3A_810 = arith.cmpi ne, %rem3A_808, %ne3A_809 : i32
      %and3A_811 = arith.andi %ne3A_807, %ne3A_810 : i1
      %sub3A_812 = arith.constant 1 : i32
      %sub3A_813 = arith.subi %div3A_792, %sub3A_812 : i32
      %select_n3A_814 = arith.select %and3A_811, %sub3A_813, %div3A_792 : i32
      %jit3A_815 = arith.constant 4 : i32
      %eq3A_816 = arith.constant 0 : i32
      %eq3A_817 = arith.cmpi eq, %jit3A_815, %eq3A_816 : i32
      %jit3A_818 = arith.constant 1 : i32
      %select_n3A_819 = arith.select %eq3A_817, %jit3A_818, %jit3A_815 : i32
      %rem3A_820 = arith.remsi %sub3A_790, %select_n3A_819 : i32
      %ne3A_821 = arith.constant 0 : i32
      %ne3A_822 = arith.cmpi ne, %rem3A_820, %ne3A_821 : i32
      %lt3A_823 = arith.constant 0 : i32
      %lt3A_824 = arith.cmpi slt, %rem3A_820, %lt3A_823 : i32
      %lt3A_825 = arith.constant 0 : i32
      %lt3A_826 = arith.cmpi slt, %select_n3A_819, %lt3A_825 : i32
      %ne3A_827 = arith.xori %lt3A_824, %lt3A_826 : i1
      %and3A_828 = arith.andi %ne3A_827, %ne3A_822 : i1
      %add3A_829 = arith.addi %rem3A_820, %select_n3A_819 : i32
      %select_n3A_830 = arith.select %and3A_828, %add3A_829, %rem3A_820 : i32
      %mul3A_831 = arith.constant 2048 : i32
      %mul3A_832 = arith.muli %select_n3A_830, %mul3A_831 : i32
      %add3A_833 = arith.addi %mul3A_832, %mul3A_2 : i32
      %mul3A_834 = arith.constant 8 : i32
      %mul3A_835 = arith.muli %select_n3A_814, %mul3A_834 : i32
      %add3A_836 = arith.addi %add3A_833, %mul3A_835 : i32
      %dma_wait3A_837 = arith.constant 1 : i32
      %dma_wait3A_838 = arith.constant 0 : i32
      %dma_wait3A_839 = arith.constant 0 : i32
      %dma_wait3A_840 = tpu.memref_slice %arg7[%dma_wait3A_837, %dma_wait3A_838, %dma_wait3A_839] : memref<4x8x2048xf32, #tpu.memory_space<vmem>> -> memref<1x8x2048xf32, #tpu.memory_space<vmem>>
      %dma_wait3A_841 = tpu.memref_squeeze %dma_wait3A_840 : memref<1x8x2048xf32, #tpu.memory_space<vmem>> -> memref<8x2048xf32, #tpu.memory_space<vmem>>
      %dma_wait3A_842 = arith.constant 0 : i32
      %dma_wait3A_843 = tpu.memref_slice %arg5[%add3A_836, %dma_wait3A_842] : memref<8192x2048xf32, #tpu.memory_space<hbm>> -> memref<8x2048xf32, #tpu.memory_space<hbm>>
      %dma_wait3A_844 = arith.constant 0 : i32
      %dma_wait3A_845 = tpu.memref_slice %arg5[%add3A_836, %dma_wait3A_844] : memref<8192x2048xf32, #tpu.memory_space<hbm>> -> memref<8x2048xf32, #tpu.memory_space<hbm>>
      %dma_wait3A_846 = arith.constant 0 : i32
      %dma_wait3A_847 = arith.constant 0 : i32
      %dma_wait3A_848 = tpu.memref_slice %arg7[%dma_wait3A_837, %dma_wait3A_846, %dma_wait3A_847] : memref<4x8x2048xf32, #tpu.memory_space<vmem>> -> memref<1x8x2048xf32, #tpu.memory_space<vmem>>
      %dma_wait3A_849 = tpu.memref_squeeze %dma_wait3A_848 : memref<1x8x2048xf32, #tpu.memory_space<vmem>> -> memref<8x2048xf32, #tpu.memory_space<vmem>>
      tpu.wait_dma2 semaphore(%arg16 : memref<!tpu.dma_semaphore, #tpu.memory_space<semaphore_mem>>) src(%dma_wait3A_849 : memref<8x2048xf32, #tpu.memory_space<vmem>>) dst(%dma_wait3A_845 : memref<8x2048xf32, #tpu.memory_space<hbm>>)
      %add3A_850 = arith.constant 2 : i32
      %add3A_851 = arith.addi %add3A_730, %add3A_850 : i32
      %jit3A_852 = arith.constant 4 : i32
      %div3A_853 = arith.divsi %add3A_851, %jit3A_852 : i32
      %sign3A_854 = arith.constant 0 : i32
      %sign3A_855 = arith.cmpi sgt, %add3A_851, %sign3A_854 : i32
      %sign3A_856 = arith.extui %sign3A_855 : i1 to i32
      %sign3A_857 = arith.constant 0 : i32
      %sign3A_858 = arith.cmpi slt, %add3A_851, %sign3A_857 : i32
      %sign3A_859 = arith.extui %sign3A_858 : i1 to i32
      %sign3A_860 = arith.subi %sign3A_856, %sign3A_859 : i32
      %sign3A_861 = arith.constant 0 : i32
      %sign3A_862 = arith.cmpi sgt, %jit3A_852, %sign3A_861 : i32
      %sign3A_863 = arith.extui %sign3A_862 : i1 to i32
      %sign3A_864 = arith.constant 0 : i32
      %sign3A_865 = arith.cmpi slt, %jit3A_852, %sign3A_864 : i32
      %sign3A_866 = arith.extui %sign3A_865 : i1 to i32
      %sign3A_867 = arith.subi %sign3A_863, %sign3A_866 : i32
      %ne3A_868 = arith.cmpi ne, %sign3A_860, %sign3A_867 : i32
      %rem3A_869 = arith.remsi %add3A_851, %jit3A_852 : i32
      %ne3A_870 = arith.constant 0 : i32
      %ne3A_871 = arith.cmpi ne, %rem3A_869, %ne3A_870 : i32
      %and3A_872 = arith.andi %ne3A_868, %ne3A_871 : i1
      %sub3A_873 = arith.constant 1 : i32
      %sub3A_874 = arith.subi %div3A_853, %sub3A_873 : i32
      %select_n3A_875 = arith.select %and3A_872, %sub3A_874, %div3A_853 : i32
      %jit3A_876 = arith.constant 4 : i32
      %eq3A_877 = arith.constant 0 : i32
      %eq3A_878 = arith.cmpi eq, %jit3A_876, %eq3A_877 : i32
      %jit3A_879 = arith.constant 1 : i32
      %select_n3A_880 = arith.select %eq3A_878, %jit3A_879, %jit3A_876 : i32
      %rem3A_881 = arith.remsi %add3A_851, %select_n3A_880 : i32
      %ne3A_882 = arith.constant 0 : i32
      %ne3A_883 = arith.cmpi ne, %rem3A_881, %ne3A_882 : i32
      %lt3A_884 = arith.constant 0 : i32
      %lt3A_885 = arith.cmpi slt, %rem3A_881, %lt3A_884 : i32
      %lt3A_886 = arith.constant 0 : i32
      %lt3A_887 = arith.cmpi slt, %select_n3A_880, %lt3A_886 : i32
      %ne3A_888 = arith.xori %lt3A_885, %lt3A_887 : i1
      %and3A_889 = arith.andi %ne3A_888, %ne3A_883 : i1
      %add3A_890 = arith.addi %rem3A_881, %select_n3A_880 : i32
      %select_n3A_891 = arith.select %and3A_889, %add3A_890, %rem3A_881 : i32
      %mul3A_892 = arith.constant 64 : i32
      %mul3A_893 = arith.muli %select_n3A_891, %mul3A_892 : i32
      %mul3A_894 = arith.constant 8 : i32
      %mul3A_895 = arith.muli %select_n3A_875, %mul3A_894 : i32
      %add3A_896 = arith.addi %mul3A_893, %mul3A_895 : i32
      %dma_start3A_897 = arith.constant 1 : i32
      %dma_start3A_898 = arith.constant 0 : i32
      %dma_start3A_899 = arith.constant 0 : i32
      %dma_start3A_900 = tpu.memref_slice %arg7[%dma_start3A_897, %dma_start3A_898, %dma_start3A_899] : memref<4x8x2048xf32, #tpu.memory_space<vmem>> -> memref<1x8x2048xf32, #tpu.memory_space<vmem>>
      %dma_start3A_901 = tpu.memref_squeeze %dma_start3A_900 : memref<1x8x2048xf32, #tpu.memory_space<vmem>> -> memref<8x2048xf32, #tpu.memory_space<vmem>>
      %dma_start3A_902 = tpu.memref_slice %arg6[%add3A_896] : memref<256xi32, #tpu.memory_space<vmem>> -> memref<8xi32, #tpu.memory_space<vmem>>
      %dma_start3A_903 = arith.constant 0 : i32
      %dma_start3A_904 = arith.constant 0 : i32
      %dma_start3A_905 = tpu.memref_slice %arg3[%dma_start3A_903, %dma_start3A_904] : memref<50304x2048xf32, #tpu.memory_space<hbm>> -> memref<50304x2048xf32, #tpu.memory_space<hbm>>
      tpu.enqueue_indirect_dma source(%dma_start3A_905 : memref<50304x2048xf32, #tpu.memory_space<hbm>>) target(%dma_start3A_901 : memref<8x2048xf32, #tpu.memory_space<vmem>>) offsets(%dma_start3A_902 : memref<8xi32, #tpu.memory_space<vmem>>) semaphore(%arg10 : memref<!tpu.dma_semaphore, #tpu.memory_space<semaphore_mem>>)
      %scan3A_906 = arith.constant 0 : i32
      %scan3A_907 = arith.constant 0 : i32
      %scan3A_908 = arith.constant 128 : i32
      %scan3A_909 = arith.addi %scan3A_907, %scan3A_908 : i32
      %scan3A_910 = arith.constant 1 : i32
      %scan3A_911 = scf.for %scan3A_1885 = %scan3A_907 to %scan3A_909 step %scan3A_910 iter_args(%scan3A_1886 = %scan3A_906) -> (i32)  : i32 {
        %mul3A_1887 = arith.constant 16 : i32
        %mul3A_1888 = arith.muli %scan3A_1885, %mul3A_1887 : i32
        %get3A = arith.constant 3 : i32
        %get3A_1889 = arith.constant 0 : i32
        %get3A_1890 = arith.index_cast %get3A : i32 to index
        %get3A_1891 = arith.index_cast %get3A_1889 : i32 to index
        %get3A_1892 = arith.index_cast %mul3A_1888 : i32 to index
        %get3A_1893 = tpu.vector_load %arg7[%get3A_1890, %get3A_1891, %get3A_1892] {strides = array<i32>} : memref<4x8x2048xf32, #tpu.memory_space<vmem>>, vector<1x1x16xf32>,
        %get3A_1894 = vector.shape_cast %get3A_1893 : vector<1x1x16xf32> to vector<16xf32>
        %get3A_1895 = arith.constant 0 : i32
        %get3A_1896 = arith.constant 0 : i32
        %get3A_1897 = arith.index_cast %get3A_1895 : i32 to index
        %get3A_1898 = arith.index_cast %get3A_1896 : i32 to index
        %get3A_1899 = arith.index_cast %mul3A_1888 : i32 to index
        %get3A_1900 = tpu.vector_load %arg8[%get3A_1897, %get3A_1898, %get3A_1899] {strides = array<i32>} : memref<2x8x2048xf32, #tpu.memory_space<vmem>>, vector<1x1x16xf32>,
        %get3A_1901 = vector.shape_cast %get3A_1900 : vector<1x1x16xf32> to vector<16xf32>
        %add3A_1902 = arith.addf %get3A_1894, %get3A_1901 : vector<16xf32>
        %swap3A = arith.constant 3 : i32
        %swap3A_1903 = arith.constant 0 : i32
        %swap3A_1904 = arith.index_cast %swap3A : i32 to index
        %swap3A_1905 = arith.index_cast %swap3A_1903 : i32 to index
        %swap3A_1906 = arith.index_cast %mul3A_1888 : i32 to index
        %swap3A_1907 = tpu.vector_load %arg7[%swap3A_1904, %swap3A_1905, %swap3A_1906] {strides = array<i32>} : memref<4x8x2048xf32, #tpu.memory_space<vmem>>, vector<1x1x16xf32>,
        %swap3A_1908 = vector.shape_cast %swap3A_1907 : vector<1x1x16xf32> to vector<16xf32>
        %swap3A_1909 = vector.shape_cast %add3A_1902 : vector<16xf32> to vector<1x1x16xf32>
        tpu.vector_store %arg7[%swap3A_1904, %swap3A_1905, %swap3A_1906], %swap3A_1909 {strides = array<i32>} : memref<4x8x2048xf32, #tpu.memory_space<vmem>>, vector<1x1x16xf32>,
        %get3A_1910 = arith.constant 3 : i32
        %get3A_1911 = arith.constant 1 : i32
        %get3A_1912 = arith.index_cast %get3A_1910 : i32 to index
        %get3A_1913 = arith.index_cast %get3A_1911 : i32 to index
        %get3A_1914 = arith.index_cast %mul3A_1888 : i32 to index
        %get3A_1915 = tpu.vector_load %arg7[%get3A_1912, %get3A_1913, %get3A_1914] {strides = array<i32>} : memref<4x8x2048xf32, #tpu.memory_space<vmem>>, vector<1x1x16xf32>,
        %get3A_1916 = vector.shape_cast %get3A_1915 : vector<1x1x16xf32> to vector<16xf32>
        %get3A_1917 = arith.constant 0 : i32
        %get3A_1918 = arith.constant 1 : i32
        %get3A_1919 = arith.index_cast %get3A_1917 : i32 to index
        %get3A_1920 = arith.index_cast %get3A_1918 : i32 to index
        %get3A_1921 = arith.index_cast %mul3A_1888 : i32 to index
        %get3A_1922 = tpu.vector_load %arg8[%get3A_1919, %get3A_1920, %get3A_1921] {strides = array<i32>} : memref<2x8x2048xf32, #tpu.memory_space<vmem>>, vector<1x1x16xf32>,
        %get3A_1923 = vector.shape_cast %get3A_1922 : vector<1x1x16xf32> to vector<16xf32>
        %add3A_1924 = arith.addf %get3A_1916, %get3A_1923 : vector<16xf32>
        %swap3A_1925 = arith.constant 3 : i32
        %swap3A_1926 = arith.constant 1 : i32
        %swap3A_1927 = arith.index_cast %swap3A_1925 : i32 to index
        %swap3A_1928 = arith.index_cast %swap3A_1926 : i32 to index
        %swap3A_1929 = arith.index_cast %mul3A_1888 : i32 to index
        %swap3A_1930 = tpu.vector_load %arg7[%swap3A_1927, %swap3A_1928, %swap3A_1929] {strides = array<i32>} : memref<4x8x2048xf32, #tpu.memory_space<vmem>>, vector<1x1x16xf32>,
        %swap3A_1931 = vector.shape_cast %swap3A_1930 : vector<1x1x16xf32> to vector<16xf32>
        %swap3A_1932 = vector.shape_cast %add3A_1924 : vector<16xf32> to vector<1x1x16xf32>
        tpu.vector_store %arg7[%swap3A_1927, %swap3A_1928, %swap3A_1929], %swap3A_1932 {strides = array<i32>} : memref<4x8x2048xf32, #tpu.memory_space<vmem>>, vector<1x1x16xf32>,
        %get3A_1933 = arith.constant 3 : i32
        %get3A_1934 = arith.constant 2 : i32
        %get3A_1935 = arith.index_cast %get3A_1933 : i32 to index
        %get3A_1936 = arith.index_cast %get3A_1934 : i32 to index
        %get3A_1937 = arith.index_cast %mul3A_1888 : i32 to index
        %get3A_1938 = tpu.vector_load %arg7[%get3A_1935, %get3A_1936, %get3A_1937] {strides = array<i32>} : memref<4x8x2048xf32, #tpu.memory_space<vmem>>, vector<1x1x16xf32>,
        %get3A_1939 = vector.shape_cast %get3A_1938 : vector<1x1x16xf32> to vector<16xf32>
        %get3A_1940 = arith.constant 0 : i32
        %get3A_1941 = arith.constant 2 : i32
        %get3A_1942 = arith.index_cast %get3A_1940 : i32 to index
        %get3A_1943 = arith.index_cast %get3A_1941 : i32 to index
        %get3A_1944 = arith.index_cast %mul3A_1888 : i32 to index
        %get3A_1945 = tpu.vector_load %arg8[%get3A_1942, %get3A_1943, %get3A_1944] {strides = array<i32>} : memref<2x8x2048xf32, #tpu.memory_space<vmem>>, vector<1x1x16xf32>,
        %get3A_1946 = vector.shape_cast %get3A_1945 : vector<1x1x16xf32> to vector<16xf32>
        %add3A_1947 = arith.addf %get3A_1939, %get3A_1946 : vector<16xf32>
        %swap3A_1948 = arith.constant 3 : i32
        %swap3A_1949 = arith.constant 2 : i32
        %swap3A_1950 = arith.index_cast %swap3A_1948 : i32 to index
        %swap3A_1951 = arith.index_cast %swap3A_1949 : i32 to index
        %swap3A_1952 = arith.index_cast %mul3A_1888 : i32 to index
        %swap3A_1953 = tpu.vector_load %arg7[%swap3A_1950, %swap3A_1951, %swap3A_1952] {strides = array<i32>} : memref<4x8x2048xf32, #tpu.memory_space<vmem>>, vector<1x1x16xf32>,
        %swap3A_1954 = vector.shape_cast %swap3A_1953 : vector<1x1x16xf32> to vector<16xf32>
        %swap3A_1955 = vector.shape_cast %add3A_1947 : vector<16xf32> to vector<1x1x16xf32>
        tpu.vector_store %arg7[%swap3A_1950, %swap3A_1951, %swap3A_1952], %swap3A_1955 {strides = array<i32>} : memref<4x8x2048xf32, #tpu.memory_space<vmem>>, vector<1x1x16xf32>,
        %get3A_1956 = arith.constant 3 : i32
        %get3A_1957 = arith.constant 3 : i32
        %get3A_1958 = arith.index_cast %get3A_1956 : i32 to index
        %get3A_1959 = arith.index_cast %get3A_1957 : i32 to index
        %get3A_1960 = arith.index_cast %mul3A_1888 : i32 to index
        %get3A_1961 = tpu.vector_load %arg7[%get3A_1958, %get3A_1959, %get3A_1960] {strides = array<i32>} : memref<4x8x2048xf32, #tpu.memory_space<vmem>>, vector<1x1x16xf32>,
        %get3A_1962 = vector.shape_cast %get3A_1961 : vector<1x1x16xf32> to vector<16xf32>
        %get3A_1963 = arith.constant 0 : i32
        %get3A_1964 = arith.constant 3 : i32
        %get3A_1965 = arith.index_cast %get3A_1963 : i32 to index
        %get3A_1966 = arith.index_cast %get3A_1964 : i32 to index
        %get3A_1967 = arith.index_cast %mul3A_1888 : i32 to index
        %get3A_1968 = tpu.vector_load %arg8[%get3A_1965, %get3A_1966, %get3A_1967] {strides = array<i32>} : memref<2x8x2048xf32, #tpu.memory_space<vmem>>, vector<1x1x16xf32>,
        %get3A_1969 = vector.shape_cast %get3A_1968 : vector<1x1x16xf32> to vector<16xf32>
        %add3A_1970 = arith.addf %get3A_1962, %get3A_1969 : vector<16xf32>
        %swap3A_1971 = arith.constant 3 : i32
        %swap3A_1972 = arith.constant 3 : i32
        %swap3A_1973 = arith.index_cast %swap3A_1971 : i32 to index
        %swap3A_1974 = arith.index_cast %swap3A_1972 : i32 to index
        %swap3A_1975 = arith.index_cast %mul3A_1888 : i32 to index
        %swap3A_1976 = tpu.vector_load %arg7[%swap3A_1973, %swap3A_1974, %swap3A_1975] {strides = array<i32>} : memref<4x8x2048xf32, #tpu.memory_space<vmem>>, vector<1x1x16xf32>,
        %swap3A_1977 = vector.shape_cast %swap3A_1976 : vector<1x1x16xf32> to vector<16xf32>
        %swap3A_1978 = vector.shape_cast %add3A_1970 : vector<16xf32> to vector<1x1x16xf32>
        tpu.vector_store %arg7[%swap3A_1973, %swap3A_1974, %swap3A_1975], %swap3A_1978 {strides = array<i32>} : memref<4x8x2048xf32, #tpu.memory_space<vmem>>, vector<1x1x16xf32>,
        %get3A_1979 = arith.constant 3 : i32
        %get3A_1980 = arith.constant 4 : i32
        %get3A_1981 = arith.index_cast %get3A_1979 : i32 to index
        %get3A_1982 = arith.index_cast %get3A_1980 : i32 to index
        %get3A_1983 = arith.index_cast %mul3A_1888 : i32 to index
        %get3A_1984 = tpu.vector_load %arg7[%get3A_1981, %get3A_1982, %get3A_1983] {strides = array<i32>} : memref<4x8x2048xf32, #tpu.memory_space<vmem>>, vector<1x1x16xf32>,
        %get3A_1985 = vector.shape_cast %get3A_1984 : vector<1x1x16xf32> to vector<16xf32>
        %get3A_1986 = arith.constant 0 : i32
        %get3A_1987 = arith.constant 4 : i32
        %get3A_1988 = arith.index_cast %get3A_1986 : i32 to index
        %get3A_1989 = arith.index_cast %get3A_1987 : i32 to index
        %get3A_1990 = arith.index_cast %mul3A_1888 : i32 to index
        %get3A_1991 = tpu.vector_load %arg8[%get3A_1988, %get3A_1989, %get3A_1990] {strides = array<i32>} : memref<2x8x2048xf32, #tpu.memory_space<vmem>>, vector<1x1x16xf32>,
        %get3A_1992 = vector.shape_cast %get3A_1991 : vector<1x1x16xf32> to vector<16xf32>
        %add3A_1993 = arith.addf %get3A_1985, %get3A_1992 : vector<16xf32>
        %swap3A_1994 = arith.constant 3 : i32
        %swap3A_1995 = arith.constant 4 : i32
        %swap3A_1996 = arith.index_cast %swap3A_1994 : i32 to index
        %swap3A_1997 = arith.index_cast %swap3A_1995 : i32 to index
        %swap3A_1998 = arith.index_cast %mul3A_1888 : i32 to index
        %swap3A_1999 = tpu.vector_load %arg7[%swap3A_1996, %swap3A_1997, %swap3A_1998] {strides = array<i32>} : memref<4x8x2048xf32, #tpu.memory_space<vmem>>, vector<1x1x16xf32>,
        %swap3A_2000 = vector.shape_cast %swap3A_1999 : vector<1x1x16xf32> to vector<16xf32>
        %swap3A_2001 = vector.shape_cast %add3A_1993 : vector<16xf32> to vector<1x1x16xf32>
        tpu.vector_store %arg7[%swap3A_1996, %swap3A_1997, %swap3A_1998], %swap3A_2001 {strides = array<i32>} : memref<4x8x2048xf32, #tpu.memory_space<vmem>>, vector<1x1x16xf32>,
        %get3A_2002 = arith.constant 3 : i32
        %get3A_2003 = arith.constant 5 : i32
        %get3A_2004 = arith.index_cast %get3A_2002 : i32 to index
        %get3A_2005 = arith.index_cast %get3A_2003 : i32 to index
        %get3A_2006 = arith.index_cast %mul3A_1888 : i32 to index
        %get3A_2007 = tpu.vector_load %arg7[%get3A_2004, %get3A_2005, %get3A_2006] {strides = array<i32>} : memref<4x8x2048xf32, #tpu.memory_space<vmem>>, vector<1x1x16xf32>,
        %get3A_2008 = vector.shape_cast %get3A_2007 : vector<1x1x16xf32> to vector<16xf32>
        %get3A_2009 = arith.constant 0 : i32
        %get3A_2010 = arith.constant 5 : i32
        %get3A_2011 = arith.index_cast %get3A_2009 : i32 to index
        %get3A_2012 = arith.index_cast %get3A_2010 : i32 to index
        %get3A_2013 = arith.index_cast %mul3A_1888 : i32 to index
        %get3A_2014 = tpu.vector_load %arg8[%get3A_2011, %get3A_2012, %get3A_2013] {strides = array<i32>} : memref<2x8x2048xf32, #tpu.memory_space<vmem>>, vector<1x1x16xf32>,
        %get3A_2015 = vector.shape_cast %get3A_2014 : vector<1x1x16xf32> to vector<16xf32>
        %add3A_2016 = arith.addf %get3A_2008, %get3A_2015 : vector<16xf32>
        %swap3A_2017 = arith.constant 3 : i32
        %swap3A_2018 = arith.constant 5 : i32
        %swap3A_2019 = arith.index_cast %swap3A_2017 : i32 to index
        %swap3A_2020 = arith.index_cast %swap3A_2018 : i32 to index
        %swap3A_2021 = arith.index_cast %mul3A_1888 : i32 to index
        %swap3A_2022 = tpu.vector_load %arg7[%swap3A_2019, %swap3A_2020, %swap3A_2021] {strides = array<i32>} : memref<4x8x2048xf32, #tpu.memory_space<vmem>>, vector<1x1x16xf32>,
        %swap3A_2023 = vector.shape_cast %swap3A_2022 : vector<1x1x16xf32> to vector<16xf32>
        %swap3A_2024 = vector.shape_cast %add3A_2016 : vector<16xf32> to vector<1x1x16xf32>
        tpu.vector_store %arg7[%swap3A_2019, %swap3A_2020, %swap3A_2021], %swap3A_2024 {strides = array<i32>} : memref<4x8x2048xf32, #tpu.memory_space<vmem>>, vector<1x1x16xf32>,
        %get3A_2025 = arith.constant 3 : i32
        %get3A_2026 = arith.constant 6 : i32
        %get3A_2027 = arith.index_cast %get3A_2025 : i32 to index
        %get3A_2028 = arith.index_cast %get3A_2026 : i32 to index
        %get3A_2029 = arith.index_cast %mul3A_1888 : i32 to index
        %get3A_2030 = tpu.vector_load %arg7[%get3A_2027, %get3A_2028, %get3A_2029] {strides = array<i32>} : memref<4x8x2048xf32, #tpu.memory_space<vmem>>, vector<1x1x16xf32>,
        %get3A_2031 = vector.shape_cast %get3A_2030 : vector<1x1x16xf32> to vector<16xf32>
        %get3A_2032 = arith.constant 0 : i32
        %get3A_2033 = arith.constant 6 : i32
        %get3A_2034 = arith.index_cast %get3A_2032 : i32 to index
        %get3A_2035 = arith.index_cast %get3A_2033 : i32 to index
        %get3A_2036 = arith.index_cast %mul3A_1888 : i32 to index
        %get3A_2037 = tpu.vector_load %arg8[%get3A_2034, %get3A_2035, %get3A_2036] {strides = array<i32>} : memref<2x8x2048xf32, #tpu.memory_space<vmem>>, vector<1x1x16xf32>,
        %get3A_2038 = vector.shape_cast %get3A_2037 : vector<1x1x16xf32> to vector<16xf32>
        %add3A_2039 = arith.addf %get3A_2031, %get3A_2038 : vector<16xf32>
        %swap3A_2040 = arith.constant 3 : i32
        %swap3A_2041 = arith.constant 6 : i32
        %swap3A_2042 = arith.index_cast %swap3A_2040 : i32 to index
        %swap3A_2043 = arith.index_cast %swap3A_2041 : i32 to index
        %swap3A_2044 = arith.index_cast %mul3A_1888 : i32 to index
        %swap3A_2045 = tpu.vector_load %arg7[%swap3A_2042, %swap3A_2043, %swap3A_2044] {strides = array<i32>} : memref<4x8x2048xf32, #tpu.memory_space<vmem>>, vector<1x1x16xf32>,
        %swap3A_2046 = vector.shape_cast %swap3A_2045 : vector<1x1x16xf32> to vector<16xf32>
        %swap3A_2047 = vector.shape_cast %add3A_2039 : vector<16xf32> to vector<1x1x16xf32>
        tpu.vector_store %arg7[%swap3A_2042, %swap3A_2043, %swap3A_2044], %swap3A_2047 {strides = array<i32>} : memref<4x8x2048xf32, #tpu.memory_space<vmem>>, vector<1x1x16xf32>,
        %get3A_2048 = arith.constant 3 : i32
        %get3A_2049 = arith.constant 7 : i32
        %get3A_2050 = arith.index_cast %get3A_2048 : i32 to index
        %get3A_2051 = arith.index_cast %get3A_2049 : i32 to index
        %get3A_2052 = arith.index_cast %mul3A_1888 : i32 to index
        %get3A_2053 = tpu.vector_load %arg7[%get3A_2050, %get3A_2051, %get3A_2052] {strides = array<i32>} : memref<4x8x2048xf32, #tpu.memory_space<vmem>>, vector<1x1x16xf32>,
        %get3A_2054 = vector.shape_cast %get3A_2053 : vector<1x1x16xf32> to vector<16xf32>
        %get3A_2055 = arith.constant 0 : i32
        %get3A_2056 = arith.constant 7 : i32
        %get3A_2057 = arith.index_cast %get3A_2055 : i32 to index
        %get3A_2058 = arith.index_cast %get3A_2056 : i32 to index
        %get3A_2059 = arith.index_cast %mul3A_1888 : i32 to index
        %get3A_2060 = tpu.vector_load %arg8[%get3A_2057, %get3A_2058, %get3A_2059] {strides = array<i32>} : memref<2x8x2048xf32, #tpu.memory_space<vmem>>, vector<1x1x16xf32>,
        %get3A_2061 = vector.shape_cast %get3A_2060 : vector<1x1x16xf32> to vector<16xf32>
        %add3A_2062 = arith.addf %get3A_2054, %get3A_2061 : vector<16xf32>
        %swap3A_2063 = arith.constant 3 : i32
        %swap3A_2064 = arith.constant 7 : i32
        %swap3A_2065 = arith.index_cast %swap3A_2063 : i32 to index
        %swap3A_2066 = arith.index_cast %swap3A_2064 : i32 to index
        %swap3A_2067 = arith.index_cast %mul3A_1888 : i32 to index
        %swap3A_2068 = tpu.vector_load %arg7[%swap3A_2065, %swap3A_2066, %swap3A_2067] {strides = array<i32>} : memref<4x8x2048xf32, #tpu.memory_space<vmem>>, vector<1x1x16xf32>,
        %swap3A_2069 = vector.shape_cast %swap3A_2068 : vector<1x1x16xf32> to vector<16xf32>
        %swap3A_2070 = vector.shape_cast %add3A_2062 : vector<16xf32> to vector<1x1x16xf32>
        tpu.vector_store %arg7[%swap3A_2065, %swap3A_2066, %swap3A_2067], %swap3A_2070 {strides = array<i32>} : memref<4x8x2048xf32, #tpu.memory_space<vmem>>, vector<1x1x16xf32>,
        %scan3A_2071 = arith.constant 0 : i32
        scf.yield %scan3A_2071 : i32
      }
      %scan3A_912 = arith.constant 128 : i32
      %jit3A_913 = arith.constant 4 : i32
      %div3A_914 = arith.divsi %add3A_730, %jit3A_913 : i32
      %sign3A_915 = arith.constant 0 : i32
      %sign3A_916 = arith.cmpi sgt, %add3A_730, %sign3A_915 : i32
      %sign3A_917 = arith.extui %sign3A_916 : i1 to i32
      %sign3A_918 = arith.constant 0 : i32
      %sign3A_919 = arith.cmpi slt, %add3A_730, %sign3A_918 : i32
      %sign3A_920 = arith.extui %sign3A_919 : i1 to i32
      %sign3A_921 = arith.subi %sign3A_917, %sign3A_920 : i32
      %sign3A_922 = arith.constant 0 : i32
      %sign3A_923 = arith.cmpi sgt, %jit3A_913, %sign3A_922 : i32
      %sign3A_924 = arith.extui %sign3A_923 : i1 to i32
      %sign3A_925 = arith.constant 0 : i32
      %sign3A_926 = arith.cmpi slt, %jit3A_913, %sign3A_925 : i32
      %sign3A_927 = arith.extui %sign3A_926 : i1 to i32
      %sign3A_928 = arith.subi %sign3A_924, %sign3A_927 : i32
      %ne3A_929 = arith.cmpi ne, %sign3A_921, %sign3A_928 : i32
      %rem3A_930 = arith.remsi %add3A_730, %jit3A_913 : i32
      %ne3A_931 = arith.constant 0 : i32
      %ne3A_932 = arith.cmpi ne, %rem3A_930, %ne3A_931 : i32
      %and3A_933 = arith.andi %ne3A_929, %ne3A_932 : i1
      %sub3A_934 = arith.constant 1 : i32
      %sub3A_935 = arith.subi %div3A_914, %sub3A_934 : i32
      %select_n3A_936 = arith.select %and3A_933, %sub3A_935, %div3A_914 : i32
      %jit3A_937 = arith.constant 4 : i32
      %eq3A_938 = arith.constant 0 : i32
      %eq3A_939 = arith.cmpi eq, %jit3A_937, %eq3A_938 : i32
      %jit3A_940 = arith.constant 1 : i32
      %select_n3A_941 = arith.select %eq3A_939, %jit3A_940, %jit3A_937 : i32
      %rem3A_942 = arith.remsi %add3A_730, %select_n3A_941 : i32
      %ne3A_943 = arith.constant 0 : i32
      %ne3A_944 = arith.cmpi ne, %rem3A_942, %ne3A_943 : i32
      %lt3A_945 = arith.constant 0 : i32
      %lt3A_946 = arith.cmpi slt, %rem3A_942, %lt3A_945 : i32
      %lt3A_947 = arith.constant 0 : i32
      %lt3A_948 = arith.cmpi slt, %select_n3A_941, %lt3A_947 : i32
      %ne3A_949 = arith.xori %lt3A_946, %lt3A_948 : i1
      %and3A_950 = arith.andi %ne3A_949, %ne3A_944 : i1
      %add3A_951 = arith.addi %rem3A_942, %select_n3A_941 : i32
      %select_n3A_952 = arith.select %and3A_950, %add3A_951, %rem3A_942 : i32
      %mul3A_953 = arith.constant 2048 : i32
      %mul3A_954 = arith.muli %select_n3A_952, %mul3A_953 : i32
      %add3A_955 = arith.addi %mul3A_954, %mul3A_2 : i32
      %mul3A_956 = arith.constant 8 : i32
      %mul3A_957 = arith.muli %select_n3A_936, %mul3A_956 : i32
      %add3A_958 = arith.addi %add3A_955, %mul3A_957 : i32
      %dma_start3A_959 = arith.constant 3 : i32
      %dma_start3A_960 = arith.constant 0 : i32
      %dma_start3A_961 = arith.constant 0 : i32
      %dma_start3A_962 = tpu.memref_slice %arg7[%dma_start3A_959, %dma_start3A_960, %dma_start3A_961] : memref<4x8x2048xf32, #tpu.memory_space<vmem>> -> memref<1x8x2048xf32, #tpu.memory_space<vmem>>
      %dma_start3A_963 = tpu.memref_squeeze %dma_start3A_962 : memref<1x8x2048xf32, #tpu.memory_space<vmem>> -> memref<8x2048xf32, #tpu.memory_space<vmem>>
      %dma_start3A_964 = arith.constant 0 : i32
      %dma_start3A_965 = tpu.memref_slice %arg5[%add3A_958, %dma_start3A_964] : memref<8192x2048xf32, #tpu.memory_space<hbm>> -> memref<8x2048xf32, #tpu.memory_space<hbm>>
      %dma_start3A_966 = arith.constant 0 : i32
      %dma_start3A_967 = tpu.memref_slice %arg5[%add3A_958, %dma_start3A_966] : memref<8192x2048xf32, #tpu.memory_space<hbm>> -> memref<8x2048xf32, #tpu.memory_space<hbm>>
      %dma_start3A_968 = arith.constant 0 : i32
      %dma_start3A_969 = arith.constant 0 : i32
      %dma_start3A_970 = tpu.memref_slice %arg7[%dma_start3A_959, %dma_start3A_968, %dma_start3A_969] : memref<4x8x2048xf32, #tpu.memory_space<vmem>> -> memref<1x8x2048xf32, #tpu.memory_space<vmem>>
      %dma_start3A_971 = tpu.memref_squeeze %dma_start3A_970 : memref<1x8x2048xf32, #tpu.memory_space<vmem>> -> memref<8x2048xf32, #tpu.memory_space<vmem>>
      tpu.enqueue_dma source(%dma_start3A_971 : memref<8x2048xf32, #tpu.memory_space<vmem>>) target(%dma_start3A_967 : memref<8x2048xf32, #tpu.memory_space<hbm>>) target_semaphore(%arg18 : memref<!tpu.dma_semaphore, #tpu.memory_space<semaphore_mem>>)
      %add3A_972 = arith.constant 2 : i32
      %add3A_973 = arith.addi %add3A_734, %add3A_972 : i32
      %lt3A_974 = arith.constant 8 : i32
      %lt3A_975 = arith.cmpi slt, %add3A_973, %lt3A_974 : i32
      %convert_element_type3A_976 = arith.extui %lt3A_975 : i1 to i32
      %cond3A_977 = arith.constant 0 : i32
      %cond3A_978 = arith.cmpi ne, %convert_element_type3A_976, %cond3A_977 : i32
      scf.if %cond3A_978 {
        %add3A_1885 = arith.constant 2 : i32
        %add3A_1886 = arith.addi %add3A_734, %add3A_1885 : i32
        %mul3A_1887 = arith.constant 8 : i32
        %mul3A_1888 = arith.muli %add3A_1886, %mul3A_1887 : i32
        %add3A_1889 = arith.addi %mul3A_2, %mul3A_1888 : i32
        %dma_start3A_1890 = arith.constant 0 : i32
        %dma_start3A_1891 = arith.constant 0 : i32
        %dma_start3A_1892 = arith.constant 0 : i32
        %dma_start3A_1893 = tpu.memref_slice %arg8[%dma_start3A_1890, %dma_start3A_1891, %dma_start3A_1892] : memref<2x8x2048xf32, #tpu.memory_space<vmem>> -> memref<1x8x2048xf32, #tpu.memory_space<vmem>>
        %dma_start3A_1894 = tpu.memref_squeeze %dma_start3A_1893 : memref<1x8x2048xf32, #tpu.memory_space<vmem>> -> memref<8x2048xf32, #tpu.memory_space<vmem>>
        %dma_start3A_1895 = arith.constant 0 : i32
        %dma_start3A_1896 = tpu.memref_slice %arg4[%add3A_1889, %dma_start3A_1895] : memref<2048x2048xf32, #tpu.memory_space<hbm>> -> memref<8x2048xf32, #tpu.memory_space<hbm>>
        %dma_start3A_1897 = arith.constant 0 : i32
        %dma_start3A_1898 = arith.constant 0 : i32
        %dma_start3A_1899 = tpu.memref_slice %arg8[%dma_start3A_1890, %dma_start3A_1897, %dma_start3A_1898] : memref<2x8x2048xf32, #tpu.memory_space<vmem>> -> memref<1x8x2048xf32, #tpu.memory_space<vmem>>
        %dma_start3A_1900 = tpu.memref_squeeze %dma_start3A_1899 : memref<1x8x2048xf32, #tpu.memory_space<vmem>> -> memref<8x2048xf32, #tpu.memory_space<vmem>>
        %dma_start3A_1901 = arith.constant 0 : i32
        %dma_start3A_1902 = tpu.memref_slice %arg4[%add3A_1889, %dma_start3A_1901] : memref<2048x2048xf32, #tpu.memory_space<hbm>> -> memref<8x2048xf32, #tpu.memory_space<hbm>>
        tpu.enqueue_dma source(%dma_start3A_1902 : memref<8x2048xf32, #tpu.memory_space<hbm>>) target(%dma_start3A_1900 : memref<8x2048xf32, #tpu.memory_space<vmem>>) target_semaphore(%arg13 : memref<!tpu.dma_semaphore, #tpu.memory_space<semaphore_mem>>)
      } else {
      }
      %mul3A_979 = arith.constant 8 : i32
      %mul3A_980 = arith.muli %scan3A_99, %mul3A_979 : i32
      %add3A_981 = arith.constant 4 : i32
      %add3A_982 = arith.addi %mul3A_980, %add3A_981 : i32
      %mul3A_983 = arith.constant 2 : i32
      %mul3A_984 = arith.muli %scan3A_99, %mul3A_983 : i32
      %add3A_985 = arith.constant 1 : i32
      %add3A_986 = arith.addi %mul3A_984, %add3A_985 : i32
      %mul3A_987 = arith.constant 8 : i32
      %mul3A_988 = arith.muli %add3A_986, %mul3A_987 : i32
      %add3A_989 = arith.addi %mul3A_2, %mul3A_988 : i32
      %dma_wait3A_990 = arith.constant 1 : i32
      %dma_wait3A_991 = arith.constant 0 : i32
      %dma_wait3A_992 = arith.constant 0 : i32
      %dma_wait3A_993 = tpu.memref_slice %arg8[%dma_wait3A_990, %dma_wait3A_991, %dma_wait3A_992] : memref<2x8x2048xf32, #tpu.memory_space<vmem>> -> memref<1x8x2048xf32, #tpu.memory_space<vmem>>
      %dma_wait3A_994 = tpu.memref_squeeze %dma_wait3A_993 : memref<1x8x2048xf32, #tpu.memory_space<vmem>> -> memref<8x2048xf32, #tpu.memory_space<vmem>>
      %dma_wait3A_995 = arith.constant 0 : i32
      %dma_wait3A_996 = tpu.memref_slice %arg4[%add3A_989, %dma_wait3A_995] : memref<2048x2048xf32, #tpu.memory_space<hbm>> -> memref<8x2048xf32, #tpu.memory_space<hbm>>
      %dma_wait3A_997 = arith.constant 0 : i32
      %dma_wait3A_998 = arith.constant 0 : i32
      %dma_wait3A_999 = tpu.memref_slice %arg8[%dma_wait3A_990, %dma_wait3A_997, %dma_wait3A_998] : memref<2x8x2048xf32, #tpu.memory_space<vmem>> -> memref<1x8x2048xf32, #tpu.memory_space<vmem>>
      %dma_wait3A_1000 = tpu.memref_squeeze %dma_wait3A_999 : memref<1x8x2048xf32, #tpu.memory_space<vmem>> -> memref<8x2048xf32, #tpu.memory_space<vmem>>
      %dma_wait3A_1001 = arith.constant 0 : i32
      %dma_wait3A_1002 = tpu.memref_slice %arg4[%add3A_989, %dma_wait3A_1001] : memref<2048x2048xf32, #tpu.memory_space<hbm>> -> memref<8x2048xf32, #tpu.memory_space<hbm>>
      tpu.wait_dma2 semaphore(%arg14 : memref<!tpu.dma_semaphore, #tpu.memory_space<semaphore_mem>>) src(%dma_wait3A_1002 : memref<8x2048xf32, #tpu.memory_space<hbm>>) dst(%dma_wait3A_1000 : memref<8x2048xf32, #tpu.memory_space<vmem>>)
      %jit3A_1003 = arith.constant 4 : i32
      %div3A_1004 = arith.divsi %add3A_982, %jit3A_1003 : i32
      %sign3A_1005 = arith.constant 0 : i32
      %sign3A_1006 = arith.cmpi sgt, %add3A_982, %sign3A_1005 : i32
      %sign3A_1007 = arith.extui %sign3A_1006 : i1 to i32
      %sign3A_1008 = arith.constant 0 : i32
      %sign3A_1009 = arith.cmpi slt, %add3A_982, %sign3A_1008 : i32
      %sign3A_1010 = arith.extui %sign3A_1009 : i1 to i32
      %sign3A_1011 = arith.subi %sign3A_1007, %sign3A_1010 : i32
      %sign3A_1012 = arith.constant 0 : i32
      %sign3A_1013 = arith.cmpi sgt, %jit3A_1003, %sign3A_1012 : i32
      %sign3A_1014 = arith.extui %sign3A_1013 : i1 to i32
      %sign3A_1015 = arith.constant 0 : i32
      %sign3A_1016 = arith.cmpi slt, %jit3A_1003, %sign3A_1015 : i32
      %sign3A_1017 = arith.extui %sign3A_1016 : i1 to i32
      %sign3A_1018 = arith.subi %sign3A_1014, %sign3A_1017 : i32
      %ne3A_1019 = arith.cmpi ne, %sign3A_1011, %sign3A_1018 : i32
      %rem3A_1020 = arith.remsi %add3A_982, %jit3A_1003 : i32
      %ne3A_1021 = arith.constant 0 : i32
      %ne3A_1022 = arith.cmpi ne, %rem3A_1020, %ne3A_1021 : i32
      %and3A_1023 = arith.andi %ne3A_1019, %ne3A_1022 : i1
      %sub3A_1024 = arith.constant 1 : i32
      %sub3A_1025 = arith.subi %div3A_1004, %sub3A_1024 : i32
      %select_n3A_1026 = arith.select %and3A_1023, %sub3A_1025, %div3A_1004 : i32
      %jit3A_1027 = arith.constant 4 : i32
      %eq3A_1028 = arith.constant 0 : i32
      %eq3A_1029 = arith.cmpi eq, %jit3A_1027, %eq3A_1028 : i32
      %jit3A_1030 = arith.constant 1 : i32
      %select_n3A_1031 = arith.select %eq3A_1029, %jit3A_1030, %jit3A_1027 : i32
      %rem3A_1032 = arith.remsi %add3A_982, %select_n3A_1031 : i32
      %ne3A_1033 = arith.constant 0 : i32
      %ne3A_1034 = arith.cmpi ne, %rem3A_1032, %ne3A_1033 : i32
      %lt3A_1035 = arith.constant 0 : i32
      %lt3A_1036 = arith.cmpi slt, %rem3A_1032, %lt3A_1035 : i32
      %lt3A_1037 = arith.constant 0 : i32
      %lt3A_1038 = arith.cmpi slt, %select_n3A_1031, %lt3A_1037 : i32
      %ne3A_1039 = arith.xori %lt3A_1036, %lt3A_1038 : i1
      %and3A_1040 = arith.andi %ne3A_1039, %ne3A_1034 : i1
      %add3A_1041 = arith.addi %rem3A_1032, %select_n3A_1031 : i32
      %select_n3A_1042 = arith.select %and3A_1040, %add3A_1041, %rem3A_1032 : i32
      %mul3A_1043 = arith.constant 64 : i32
      %mul3A_1044 = arith.muli %select_n3A_1042, %mul3A_1043 : i32
      %mul3A_1045 = arith.constant 8 : i32
      %mul3A_1046 = arith.muli %select_n3A_1026, %mul3A_1045 : i32
      %add3A_1047 = arith.addi %mul3A_1044, %mul3A_1046 : i32
      %dma_wait3A_1048 = arith.constant 0 : i32
      %dma_wait3A_1049 = arith.constant 0 : i32
      %dma_wait3A_1050 = arith.constant 0 : i32
      %dma_wait3A_1051 = tpu.memref_slice %arg7[%dma_wait3A_1048, %dma_wait3A_1049, %dma_wait3A_1050] : memref<4x8x2048xf32, #tpu.memory_space<vmem>> -> memref<1x8x2048xf32, #tpu.memory_space<vmem>>
      %dma_wait3A_1052 = tpu.memref_squeeze %dma_wait3A_1051 : memref<1x8x2048xf32, #tpu.memory_space<vmem>> -> memref<8x2048xf32, #tpu.memory_space<vmem>>
      %dma_wait3A_1053 = tpu.memref_slice %arg6[%add3A_1047] : memref<256xi32, #tpu.memory_space<vmem>> -> memref<8xi32, #tpu.memory_space<vmem>>
      %dma_wait3A_1054 = arith.constant 0 : i32
      %dma_wait3A_1055 = arith.constant 0 : i32
      %dma_wait3A_1056 = tpu.memref_slice %arg3[%dma_wait3A_1054, %dma_wait3A_1055] : memref<50304x2048xf32, #tpu.memory_space<hbm>> -> memref<50304x2048xf32, #tpu.memory_space<hbm>>
      tpu.wait_indirect_dma semaphore(%arg9 : memref<!tpu.dma_semaphore, #tpu.memory_space<semaphore_mem>>) src(%dma_wait3A_1056 : memref<50304x2048xf32, #tpu.memory_space<hbm>>) dst(%dma_wait3A_1052 : memref<8x2048xf32, #tpu.memory_space<vmem>>)
      %sub3A_1057 = arith.constant 2 : i32
      %sub3A_1058 = arith.subi %add3A_982, %sub3A_1057 : i32
      %jit3A_1059 = arith.constant 4 : i32
      %div3A_1060 = arith.divsi %sub3A_1058, %jit3A_1059 : i32
      %sign3A_1061 = arith.constant 0 : i32
      %sign3A_1062 = arith.cmpi sgt, %sub3A_1058, %sign3A_1061 : i32
      %sign3A_1063 = arith.extui %sign3A_1062 : i1 to i32
      %sign3A_1064 = arith.constant 0 : i32
      %sign3A_1065 = arith.cmpi slt, %sub3A_1058, %sign3A_1064 : i32
      %sign3A_1066 = arith.extui %sign3A_1065 : i1 to i32
      %sign3A_1067 = arith.subi %sign3A_1063, %sign3A_1066 : i32
      %sign3A_1068 = arith.constant 0 : i32
      %sign3A_1069 = arith.cmpi sgt, %jit3A_1059, %sign3A_1068 : i32
      %sign3A_1070 = arith.extui %sign3A_1069 : i1 to i32
      %sign3A_1071 = arith.constant 0 : i32
      %sign3A_1072 = arith.cmpi slt, %jit3A_1059, %sign3A_1071 : i32
      %sign3A_1073 = arith.extui %sign3A_1072 : i1 to i32
      %sign3A_1074 = arith.subi %sign3A_1070, %sign3A_1073 : i32
      %ne3A_1075 = arith.cmpi ne, %sign3A_1067, %sign3A_1074 : i32
      %rem3A_1076 = arith.remsi %sub3A_1058, %jit3A_1059 : i32
      %ne3A_1077 = arith.constant 0 : i32
      %ne3A_1078 = arith.cmpi ne, %rem3A_1076, %ne3A_1077 : i32
      %and3A_1079 = arith.andi %ne3A_1075, %ne3A_1078 : i1
      %sub3A_1080 = arith.constant 1 : i32
      %sub3A_1081 = arith.subi %div3A_1060, %sub3A_1080 : i32
      %select_n3A_1082 = arith.select %and3A_1079, %sub3A_1081, %div3A_1060 : i32
      %jit3A_1083 = arith.constant 4 : i32
      %eq3A_1084 = arith.constant 0 : i32
      %eq3A_1085 = arith.cmpi eq, %jit3A_1083, %eq3A_1084 : i32
      %jit3A_1086 = arith.constant 1 : i32
      %select_n3A_1087 = arith.select %eq3A_1085, %jit3A_1086, %jit3A_1083 : i32
      %rem3A_1088 = arith.remsi %sub3A_1058, %select_n3A_1087 : i32
      %ne3A_1089 = arith.constant 0 : i32
      %ne3A_1090 = arith.cmpi ne, %rem3A_1088, %ne3A_1089 : i32
      %lt3A_1091 = arith.constant 0 : i32
      %lt3A_1092 = arith.cmpi slt, %rem3A_1088, %lt3A_1091 : i32
      %lt3A_1093 = arith.constant 0 : i32
      %lt3A_1094 = arith.cmpi slt, %select_n3A_1087, %lt3A_1093 : i32
      %ne3A_1095 = arith.xori %lt3A_1092, %lt3A_1094 : i1
      %and3A_1096 = arith.andi %ne3A_1095, %ne3A_1090 : i1
      %add3A_1097 = arith.addi %rem3A_1088, %select_n3A_1087 : i32
      %select_n3A_1098 = arith.select %and3A_1096, %add3A_1097, %rem3A_1088 : i32
      %mul3A_1099 = arith.constant 2048 : i32
      %mul3A_1100 = arith.muli %select_n3A_1098, %mul3A_1099 : i32
      %add3A_1101 = arith.addi %mul3A_1100, %mul3A_2 : i32
      %mul3A_1102 = arith.constant 8 : i32
      %mul3A_1103 = arith.muli %select_n3A_1082, %mul3A_1102 : i32
      %add3A_1104 = arith.addi %add3A_1101, %mul3A_1103 : i32
      %dma_wait3A_1105 = arith.constant 2 : i32
      %dma_wait3A_1106 = arith.constant 0 : i32
      %dma_wait3A_1107 = arith.constant 0 : i32
      %dma_wait3A_1108 = tpu.memref_slice %arg7[%dma_wait3A_1105, %dma_wait3A_1106, %dma_wait3A_1107] : memref<4x8x2048xf32, #tpu.memory_space<vmem>> -> memref<1x8x2048xf32, #tpu.memory_space<vmem>>
      %dma_wait3A_1109 = tpu.memref_squeeze %dma_wait3A_1108 : memref<1x8x2048xf32, #tpu.memory_space<vmem>> -> memref<8x2048xf32, #tpu.memory_space<vmem>>
      %dma_wait3A_1110 = arith.constant 0 : i32
      %dma_wait3A_1111 = tpu.memref_slice %arg5[%add3A_1104, %dma_wait3A_1110] : memref<8192x2048xf32, #tpu.memory_space<hbm>> -> memref<8x2048xf32, #tpu.memory_space<hbm>>
      %dma_wait3A_1112 = arith.constant 0 : i32
      %dma_wait3A_1113 = tpu.memref_slice %arg5[%add3A_1104, %dma_wait3A_1112] : memref<8192x2048xf32, #tpu.memory_space<hbm>> -> memref<8x2048xf32, #tpu.memory_space<hbm>>
      %dma_wait3A_1114 = arith.constant 0 : i32
      %dma_wait3A_1115 = arith.constant 0 : i32
      %dma_wait3A_1116 = tpu.memref_slice %arg7[%dma_wait3A_1105, %dma_wait3A_1114, %dma_wait3A_1115] : memref<4x8x2048xf32, #tpu.memory_space<vmem>> -> memref<1x8x2048xf32, #tpu.memory_space<vmem>>
      %dma_wait3A_1117 = tpu.memref_squeeze %dma_wait3A_1116 : memref<1x8x2048xf32, #tpu.memory_space<vmem>> -> memref<8x2048xf32, #tpu.memory_space<vmem>>
      tpu.wait_dma2 semaphore(%arg17 : memref<!tpu.dma_semaphore, #tpu.memory_space<semaphore_mem>>) src(%dma_wait3A_1117 : memref<8x2048xf32, #tpu.memory_space<vmem>>) dst(%dma_wait3A_1113 : memref<8x2048xf32, #tpu.memory_space<hbm>>)
      %add3A_1118 = arith.constant 2 : i32
      %add3A_1119 = arith.addi %add3A_982, %add3A_1118 : i32
      %jit3A_1120 = arith.constant 4 : i32
      %div3A_1121 = arith.divsi %add3A_1119, %jit3A_1120 : i32
      %sign3A_1122 = arith.constant 0 : i32
      %sign3A_1123 = arith.cmpi sgt, %add3A_1119, %sign3A_1122 : i32
      %sign3A_1124 = arith.extui %sign3A_1123 : i1 to i32
      %sign3A_1125 = arith.constant 0 : i32
      %sign3A_1126 = arith.cmpi slt, %add3A_1119, %sign3A_1125 : i32
      %sign3A_1127 = arith.extui %sign3A_1126 : i1 to i32
      %sign3A_1128 = arith.subi %sign3A_1124, %sign3A_1127 : i32
      %sign3A_1129 = arith.constant 0 : i32
      %sign3A_1130 = arith.cmpi sgt, %jit3A_1120, %sign3A_1129 : i32
      %sign3A_1131 = arith.extui %sign3A_1130 : i1 to i32
      %sign3A_1132 = arith.constant 0 : i32
      %sign3A_1133 = arith.cmpi slt, %jit3A_1120, %sign3A_1132 : i32
      %sign3A_1134 = arith.extui %sign3A_1133 : i1 to i32
      %sign3A_1135 = arith.subi %sign3A_1131, %sign3A_1134 : i32
      %ne3A_1136 = arith.cmpi ne, %sign3A_1128, %sign3A_1135 : i32
      %rem3A_1137 = arith.remsi %add3A_1119, %jit3A_1120 : i32
      %ne3A_1138 = arith.constant 0 : i32
      %ne3A_1139 = arith.cmpi ne, %rem3A_1137, %ne3A_1138 : i32
      %and3A_1140 = arith.andi %ne3A_1136, %ne3A_1139 : i1
      %sub3A_1141 = arith.constant 1 : i32
      %sub3A_1142 = arith.subi %div3A_1121, %sub3A_1141 : i32
      %select_n3A_1143 = arith.select %and3A_1140, %sub3A_1142, %div3A_1121 : i32
      %jit3A_1144 = arith.constant 4 : i32
      %eq3A_1145 = arith.constant 0 : i32
      %eq3A_1146 = arith.cmpi eq, %jit3A_1144, %eq3A_1145 : i32
      %jit3A_1147 = arith.constant 1 : i32
      %select_n3A_1148 = arith.select %eq3A_1146, %jit3A_1147, %jit3A_1144 : i32
      %rem3A_1149 = arith.remsi %add3A_1119, %select_n3A_1148 : i32
      %ne3A_1150 = arith.constant 0 : i32
      %ne3A_1151 = arith.cmpi ne, %rem3A_1149, %ne3A_1150 : i32
      %lt3A_1152 = arith.constant 0 : i32
      %lt3A_1153 = arith.cmpi slt, %rem3A_1149, %lt3A_1152 : i32
      %lt3A_1154 = arith.constant 0 : i32
      %lt3A_1155 = arith.cmpi slt, %select_n3A_1148, %lt3A_1154 : i32
      %ne3A_1156 = arith.xori %lt3A_1153, %lt3A_1155 : i1
      %and3A_1157 = arith.andi %ne3A_1156, %ne3A_1151 : i1
      %add3A_1158 = arith.addi %rem3A_1149, %select_n3A_1148 : i32
      %select_n3A_1159 = arith.select %and3A_1157, %add3A_1158, %rem3A_1149 : i32
      %mul3A_1160 = arith.constant 64 : i32
      %mul3A_1161 = arith.muli %select_n3A_1159, %mul3A_1160 : i32
      %mul3A_1162 = arith.constant 8 : i32
      %mul3A_1163 = arith.muli %select_n3A_1143, %mul3A_1162 : i32
      %add3A_1164 = arith.addi %mul3A_1161, %mul3A_1163 : i32
      %dma_start3A_1165 = arith.constant 2 : i32
      %dma_start3A_1166 = arith.constant 0 : i32
      %dma_start3A_1167 = arith.constant 0 : i32
      %dma_start3A_1168 = tpu.memref_slice %arg7[%dma_start3A_1165, %dma_start3A_1166, %dma_start3A_1167] : memref<4x8x2048xf32, #tpu.memory_space<vmem>> -> memref<1x8x2048xf32, #tpu.memory_space<vmem>>
      %dma_start3A_1169 = tpu.memref_squeeze %dma_start3A_1168 : memref<1x8x2048xf32, #tpu.memory_space<vmem>> -> memref<8x2048xf32, #tpu.memory_space<vmem>>
      %dma_start3A_1170 = tpu.memref_slice %arg6[%add3A_1164] : memref<256xi32, #tpu.memory_space<vmem>> -> memref<8xi32, #tpu.memory_space<vmem>>
      %dma_start3A_1171 = arith.constant 0 : i32
      %dma_start3A_1172 = arith.constant 0 : i32
      %dma_start3A_1173 = tpu.memref_slice %arg3[%dma_start3A_1171, %dma_start3A_1172] : memref<50304x2048xf32, #tpu.memory_space<hbm>> -> memref<50304x2048xf32, #tpu.memory_space<hbm>>
      tpu.enqueue_indirect_dma source(%dma_start3A_1173 : memref<50304x2048xf32, #tpu.memory_space<hbm>>) target(%dma_start3A_1169 : memref<8x2048xf32, #tpu.memory_space<vmem>>) offsets(%dma_start3A_1170 : memref<8xi32, #tpu.memory_space<vmem>>) semaphore(%arg11 : memref<!tpu.dma_semaphore, #tpu.memory_space<semaphore_mem>>)
      %scan3A_1174 = arith.constant 0 : i32
      %scan3A_1175 = arith.constant 0 : i32
      %scan3A_1176 = arith.constant 128 : i32
      %scan3A_1177 = arith.addi %scan3A_1175, %scan3A_1176 : i32
      %scan3A_1178 = arith.constant 1 : i32
      %scan3A_1179 = scf.for %scan3A_1885 = %scan3A_1175 to %scan3A_1177 step %scan3A_1178 iter_args(%scan3A_1886 = %scan3A_1174) -> (i32)  : i32 {
        %mul3A_1887 = arith.constant 16 : i32
        %mul3A_1888 = arith.muli %scan3A_1885, %mul3A_1887 : i32
        %get3A = arith.constant 0 : i32
        %get3A_1889 = arith.constant 0 : i32
        %get3A_1890 = arith.index_cast %get3A : i32 to index
        %get3A_1891 = arith.index_cast %get3A_1889 : i32 to index
        %get3A_1892 = arith.index_cast %mul3A_1888 : i32 to index
        %get3A_1893 = tpu.vector_load %arg7[%get3A_1890, %get3A_1891, %get3A_1892] {strides = array<i32>} : memref<4x8x2048xf32, #tpu.memory_space<vmem>>, vector<1x1x16xf32>,
        %get3A_1894 = vector.shape_cast %get3A_1893 : vector<1x1x16xf32> to vector<16xf32>
        %get3A_1895 = arith.constant 1 : i32
        %get3A_1896 = arith.constant 0 : i32
        %get3A_1897 = arith.index_cast %get3A_1895 : i32 to index
        %get3A_1898 = arith.index_cast %get3A_1896 : i32 to index
        %get3A_1899 = arith.index_cast %mul3A_1888 : i32 to index
        %get3A_1900 = tpu.vector_load %arg8[%get3A_1897, %get3A_1898, %get3A_1899] {strides = array<i32>} : memref<2x8x2048xf32, #tpu.memory_space<vmem>>, vector<1x1x16xf32>,
        %get3A_1901 = vector.shape_cast %get3A_1900 : vector<1x1x16xf32> to vector<16xf32>
        %add3A_1902 = arith.addf %get3A_1894, %get3A_1901 : vector<16xf32>
        %swap3A = arith.constant 0 : i32
        %swap3A_1903 = arith.constant 0 : i32
        %swap3A_1904 = arith.index_cast %swap3A : i32 to index
        %swap3A_1905 = arith.index_cast %swap3A_1903 : i32 to index
        %swap3A_1906 = arith.index_cast %mul3A_1888 : i32 to index
        %swap3A_1907 = tpu.vector_load %arg7[%swap3A_1904, %swap3A_1905, %swap3A_1906] {strides = array<i32>} : memref<4x8x2048xf32, #tpu.memory_space<vmem>>, vector<1x1x16xf32>,
        %swap3A_1908 = vector.shape_cast %swap3A_1907 : vector<1x1x16xf32> to vector<16xf32>
        %swap3A_1909 = vector.shape_cast %add3A_1902 : vector<16xf32> to vector<1x1x16xf32>
        tpu.vector_store %arg7[%swap3A_1904, %swap3A_1905, %swap3A_1906], %swap3A_1909 {strides = array<i32>} : memref<4x8x2048xf32, #tpu.memory_space<vmem>>, vector<1x1x16xf32>,
        %get3A_1910 = arith.constant 0 : i32
        %get3A_1911 = arith.constant 1 : i32
        %get3A_1912 = arith.index_cast %get3A_1910 : i32 to index
        %get3A_1913 = arith.index_cast %get3A_1911 : i32 to index
        %get3A_1914 = arith.index_cast %mul3A_1888 : i32 to index
        %get3A_1915 = tpu.vector_load %arg7[%get3A_1912, %get3A_1913, %get3A_1914] {strides = array<i32>} : memref<4x8x2048xf32, #tpu.memory_space<vmem>>, vector<1x1x16xf32>,
        %get3A_1916 = vector.shape_cast %get3A_1915 : vector<1x1x16xf32> to vector<16xf32>
        %get3A_1917 = arith.constant 1 : i32
        %get3A_1918 = arith.constant 1 : i32
        %get3A_1919 = arith.index_cast %get3A_1917 : i32 to index
        %get3A_1920 = arith.index_cast %get3A_1918 : i32 to index
        %get3A_1921 = arith.index_cast %mul3A_1888 : i32 to index
        %get3A_1922 = tpu.vector_load %arg8[%get3A_1919, %get3A_1920, %get3A_1921] {strides = array<i32>} : memref<2x8x2048xf32, #tpu.memory_space<vmem>>, vector<1x1x16xf32>,
        %get3A_1923 = vector.shape_cast %get3A_1922 : vector<1x1x16xf32> to vector<16xf32>
        %add3A_1924 = arith.addf %get3A_1916, %get3A_1923 : vector<16xf32>
        %swap3A_1925 = arith.constant 0 : i32
        %swap3A_1926 = arith.constant 1 : i32
        %swap3A_1927 = arith.index_cast %swap3A_1925 : i32 to index
        %swap3A_1928 = arith.index_cast %swap3A_1926 : i32 to index
        %swap3A_1929 = arith.index_cast %mul3A_1888 : i32 to index
        %swap3A_1930 = tpu.vector_load %arg7[%swap3A_1927, %swap3A_1928, %swap3A_1929] {strides = array<i32>} : memref<4x8x2048xf32, #tpu.memory_space<vmem>>, vector<1x1x16xf32>,
        %swap3A_1931 = vector.shape_cast %swap3A_1930 : vector<1x1x16xf32> to vector<16xf32>
        %swap3A_1932 = vector.shape_cast %add3A_1924 : vector<16xf32> to vector<1x1x16xf32>
        tpu.vector_store %arg7[%swap3A_1927, %swap3A_1928, %swap3A_1929], %swap3A_1932 {strides = array<i32>} : memref<4x8x2048xf32, #tpu.memory_space<vmem>>, vector<1x1x16xf32>,
        %get3A_1933 = arith.constant 0 : i32
        %get3A_1934 = arith.constant 2 : i32
        %get3A_1935 = arith.index_cast %get3A_1933 : i32 to index
        %get3A_1936 = arith.index_cast %get3A_1934 : i32 to index
        %get3A_1937 = arith.index_cast %mul3A_1888 : i32 to index
        %get3A_1938 = tpu.vector_load %arg7[%get3A_1935, %get3A_1936, %get3A_1937] {strides = array<i32>} : memref<4x8x2048xf32, #tpu.memory_space<vmem>>, vector<1x1x16xf32>,
        %get3A_1939 = vector.shape_cast %get3A_1938 : vector<1x1x16xf32> to vector<16xf32>
        %get3A_1940 = arith.constant 1 : i32
        %get3A_1941 = arith.constant 2 : i32
        %get3A_1942 = arith.index_cast %get3A_1940 : i32 to index
        %get3A_1943 = arith.index_cast %get3A_1941 : i32 to index
        %get3A_1944 = arith.index_cast %mul3A_1888 : i32 to index
        %get3A_1945 = tpu.vector_load %arg8[%get3A_1942, %get3A_1943, %get3A_1944] {strides = array<i32>} : memref<2x8x2048xf32, #tpu.memory_space<vmem>>, vector<1x1x16xf32>,
        %get3A_1946 = vector.shape_cast %get3A_1945 : vector<1x1x16xf32> to vector<16xf32>
        %add3A_1947 = arith.addf %get3A_1939, %get3A_1946 : vector<16xf32>
        %swap3A_1948 = arith.constant 0 : i32
        %swap3A_1949 = arith.constant 2 : i32
        %swap3A_1950 = arith.index_cast %swap3A_1948 : i32 to index
        %swap3A_1951 = arith.index_cast %swap3A_1949 : i32 to index
        %swap3A_1952 = arith.index_cast %mul3A_1888 : i32 to index
        %swap3A_1953 = tpu.vector_load %arg7[%swap3A_1950, %swap3A_1951, %swap3A_1952] {strides = array<i32>} : memref<4x8x2048xf32, #tpu.memory_space<vmem>>, vector<1x1x16xf32>,
        %swap3A_1954 = vector.shape_cast %swap3A_1953 : vector<1x1x16xf32> to vector<16xf32>
        %swap3A_1955 = vector.shape_cast %add3A_1947 : vector<16xf32> to vector<1x1x16xf32>
        tpu.vector_store %arg7[%swap3A_1950, %swap3A_1951, %swap3A_1952], %swap3A_1955 {strides = array<i32>} : memref<4x8x2048xf32, #tpu.memory_space<vmem>>, vector<1x1x16xf32>,
        %get3A_1956 = arith.constant 0 : i32
        %get3A_1957 = arith.constant 3 : i32
        %get3A_1958 = arith.index_cast %get3A_1956 : i32 to index
        %get3A_1959 = arith.index_cast %get3A_1957 : i32 to index
        %get3A_1960 = arith.index_cast %mul3A_1888 : i32 to index
        %get3A_1961 = tpu.vector_load %arg7[%get3A_1958, %get3A_1959, %get3A_1960] {strides = array<i32>} : memref<4x8x2048xf32, #tpu.memory_space<vmem>>, vector<1x1x16xf32>,
        %get3A_1962 = vector.shape_cast %get3A_1961 : vector<1x1x16xf32> to vector<16xf32>
        %get3A_1963 = arith.constant 1 : i32
        %get3A_1964 = arith.constant 3 : i32
        %get3A_1965 = arith.index_cast %get3A_1963 : i32 to index
        %get3A_1966 = arith.index_cast %get3A_1964 : i32 to index
        %get3A_1967 = arith.index_cast %mul3A_1888 : i32 to index
        %get3A_1968 = tpu.vector_load %arg8[%get3A_1965, %get3A_1966, %get3A_1967] {strides = array<i32>} : memref<2x8x2048xf32, #tpu.memory_space<vmem>>, vector<1x1x16xf32>,
        %get3A_1969 = vector.shape_cast %get3A_1968 : vector<1x1x16xf32> to vector<16xf32>
        %add3A_1970 = arith.addf %get3A_1962, %get3A_1969 : vector<16xf32>
        %swap3A_1971 = arith.constant 0 : i32
        %swap3A_1972 = arith.constant 3 : i32
        %swap3A_1973 = arith.index_cast %swap3A_1971 : i32 to index
        %swap3A_1974 = arith.index_cast %swap3A_1972 : i32 to index
        %swap3A_1975 = arith.index_cast %mul3A_1888 : i32 to index
        %swap3A_1976 = tpu.vector_load %arg7[%swap3A_1973, %swap3A_1974, %swap3A_1975] {strides = array<i32>} : memref<4x8x2048xf32, #tpu.memory_space<vmem>>, vector<1x1x16xf32>,
        %swap3A_1977 = vector.shape_cast %swap3A_1976 : vector<1x1x16xf32> to vector<16xf32>
        %swap3A_1978 = vector.shape_cast %add3A_1970 : vector<16xf32> to vector<1x1x16xf32>
        tpu.vector_store %arg7[%swap3A_1973, %swap3A_1974, %swap3A_1975], %swap3A_1978 {strides = array<i32>} : memref<4x8x2048xf32, #tpu.memory_space<vmem>>, vector<1x1x16xf32>,
        %get3A_1979 = arith.constant 0 : i32
        %get3A_1980 = arith.constant 4 : i32
        %get3A_1981 = arith.index_cast %get3A_1979 : i32 to index
        %get3A_1982 = arith.index_cast %get3A_1980 : i32 to index
        %get3A_1983 = arith.index_cast %mul3A_1888 : i32 to index
        %get3A_1984 = tpu.vector_load %arg7[%get3A_1981, %get3A_1982, %get3A_1983] {strides = array<i32>} : memref<4x8x2048xf32, #tpu.memory_space<vmem>>, vector<1x1x16xf32>,
        %get3A_1985 = vector.shape_cast %get3A_1984 : vector<1x1x16xf32> to vector<16xf32>
        %get3A_1986 = arith.constant 1 : i32
        %get3A_1987 = arith.constant 4 : i32
        %get3A_1988 = arith.index_cast %get3A_1986 : i32 to index
        %get3A_1989 = arith.index_cast %get3A_1987 : i32 to index
        %get3A_1990 = arith.index_cast %mul3A_1888 : i32 to index
        %get3A_1991 = tpu.vector_load %arg8[%get3A_1988, %get3A_1989, %get3A_1990] {strides = array<i32>} : memref<2x8x2048xf32, #tpu.memory_space<vmem>>, vector<1x1x16xf32>,
        %get3A_1992 = vector.shape_cast %get3A_1991 : vector<1x1x16xf32> to vector<16xf32>
        %add3A_1993 = arith.addf %get3A_1985, %get3A_1992 : vector<16xf32>
        %swap3A_1994 = arith.constant 0 : i32
        %swap3A_1995 = arith.constant 4 : i32
        %swap3A_1996 = arith.index_cast %swap3A_1994 : i32 to index
        %swap3A_1997 = arith.index_cast %swap3A_1995 : i32 to index
        %swap3A_1998 = arith.index_cast %mul3A_1888 : i32 to index
        %swap3A_1999 = tpu.vector_load %arg7[%swap3A_1996, %swap3A_1997, %swap3A_1998] {strides = array<i32>} : memref<4x8x2048xf32, #tpu.memory_space<vmem>>, vector<1x1x16xf32>,
        %swap3A_2000 = vector.shape_cast %swap3A_1999 : vector<1x1x16xf32> to vector<16xf32>
        %swap3A_2001 = vector.shape_cast %add3A_1993 : vector<16xf32> to vector<1x1x16xf32>
        tpu.vector_store %arg7[%swap3A_1996, %swap3A_1997, %swap3A_1998], %swap3A_2001 {strides = array<i32>} : memref<4x8x2048xf32, #tpu.memory_space<vmem>>, vector<1x1x16xf32>,
        %get3A_2002 = arith.constant 0 : i32
        %get3A_2003 = arith.constant 5 : i32
        %get3A_2004 = arith.index_cast %get3A_2002 : i32 to index
        %get3A_2005 = arith.index_cast %get3A_2003 : i32 to index
        %get3A_2006 = arith.index_cast %mul3A_1888 : i32 to index
        %get3A_2007 = tpu.vector_load %arg7[%get3A_2004, %get3A_2005, %get3A_2006] {strides = array<i32>} : memref<4x8x2048xf32, #tpu.memory_space<vmem>>, vector<1x1x16xf32>,
        %get3A_2008 = vector.shape_cast %get3A_2007 : vector<1x1x16xf32> to vector<16xf32>
        %get3A_2009 = arith.constant 1 : i32
        %get3A_2010 = arith.constant 5 : i32
        %get3A_2011 = arith.index_cast %get3A_2009 : i32 to index
        %get3A_2012 = arith.index_cast %get3A_2010 : i32 to index
        %get3A_2013 = arith.index_cast %mul3A_1888 : i32 to index
        %get3A_2014 = tpu.vector_load %arg8[%get3A_2011, %get3A_2012, %get3A_2013] {strides = array<i32>} : memref<2x8x2048xf32, #tpu.memory_space<vmem>>, vector<1x1x16xf32>,
        %get3A_2015 = vector.shape_cast %get3A_2014 : vector<1x1x16xf32> to vector<16xf32>
        %add3A_2016 = arith.addf %get3A_2008, %get3A_2015 : vector<16xf32>
        %swap3A_2017 = arith.constant 0 : i32
        %swap3A_2018 = arith.constant 5 : i32
        %swap3A_2019 = arith.index_cast %swap3A_2017 : i32 to index
        %swap3A_2020 = arith.index_cast %swap3A_2018 : i32 to index
        %swap3A_2021 = arith.index_cast %mul3A_1888 : i32 to index
        %swap3A_2022 = tpu.vector_load %arg7[%swap3A_2019, %swap3A_2020, %swap3A_2021] {strides = array<i32>} : memref<4x8x2048xf32, #tpu.memory_space<vmem>>, vector<1x1x16xf32>,
        %swap3A_2023 = vector.shape_cast %swap3A_2022 : vector<1x1x16xf32> to vector<16xf32>
        %swap3A_2024 = vector.shape_cast %add3A_2016 : vector<16xf32> to vector<1x1x16xf32>
        tpu.vector_store %arg7[%swap3A_2019, %swap3A_2020, %swap3A_2021], %swap3A_2024 {strides = array<i32>} : memref<4x8x2048xf32, #tpu.memory_space<vmem>>, vector<1x1x16xf32>,
        %get3A_2025 = arith.constant 0 : i32
        %get3A_2026 = arith.constant 6 : i32
        %get3A_2027 = arith.index_cast %get3A_2025 : i32 to index
        %get3A_2028 = arith.index_cast %get3A_2026 : i32 to index
        %get3A_2029 = arith.index_cast %mul3A_1888 : i32 to index
        %get3A_2030 = tpu.vector_load %arg7[%get3A_2027, %get3A_2028, %get3A_2029] {strides = array<i32>} : memref<4x8x2048xf32, #tpu.memory_space<vmem>>, vector<1x1x16xf32>,
        %get3A_2031 = vector.shape_cast %get3A_2030 : vector<1x1x16xf32> to vector<16xf32>
        %get3A_2032 = arith.constant 1 : i32
        %get3A_2033 = arith.constant 6 : i32
        %get3A_2034 = arith.index_cast %get3A_2032 : i32 to index
        %get3A_2035 = arith.index_cast %get3A_2033 : i32 to index
        %get3A_2036 = arith.index_cast %mul3A_1888 : i32 to index
        %get3A_2037 = tpu.vector_load %arg8[%get3A_2034, %get3A_2035, %get3A_2036] {strides = array<i32>} : memref<2x8x2048xf32, #tpu.memory_space<vmem>>, vector<1x1x16xf32>,
        %get3A_2038 = vector.shape_cast %get3A_2037 : vector<1x1x16xf32> to vector<16xf32>
        %add3A_2039 = arith.addf %get3A_2031, %get3A_2038 : vector<16xf32>
        %swap3A_2040 = arith.constant 0 : i32
        %swap3A_2041 = arith.constant 6 : i32
        %swap3A_2042 = arith.index_cast %swap3A_2040 : i32 to index
        %swap3A_2043 = arith.index_cast %swap3A_2041 : i32 to index
        %swap3A_2044 = arith.index_cast %mul3A_1888 : i32 to index
        %swap3A_2045 = tpu.vector_load %arg7[%swap3A_2042, %swap3A_2043, %swap3A_2044] {strides = array<i32>} : memref<4x8x2048xf32, #tpu.memory_space<vmem>>, vector<1x1x16xf32>,
        %swap3A_2046 = vector.shape_cast %swap3A_2045 : vector<1x1x16xf32> to vector<16xf32>
        %swap3A_2047 = vector.shape_cast %add3A_2039 : vector<16xf32> to vector<1x1x16xf32>
        tpu.vector_store %arg7[%swap3A_2042, %swap3A_2043, %swap3A_2044], %swap3A_2047 {strides = array<i32>} : memref<4x8x2048xf32, #tpu.memory_space<vmem>>, vector<1x1x16xf32>,
        %get3A_2048 = arith.constant 0 : i32
        %get3A_2049 = arith.constant 7 : i32
        %get3A_2050 = arith.index_cast %get3A_2048 : i32 to index
        %get3A_2051 = arith.index_cast %get3A_2049 : i32 to index
        %get3A_2052 = arith.index_cast %mul3A_1888 : i32 to index
        %get3A_2053 = tpu.vector_load %arg7[%get3A_2050, %get3A_2051, %get3A_2052] {strides = array<i32>} : memref<4x8x2048xf32, #tpu.memory_space<vmem>>, vector<1x1x16xf32>,
        %get3A_2054 = vector.shape_cast %get3A_2053 : vector<1x1x16xf32> to vector<16xf32>
        %get3A_2055 = arith.constant 1 : i32
        %get3A_2056 = arith.constant 7 : i32
        %get3A_2057 = arith.index_cast %get3A_2055 : i32 to index
        %get3A_2058 = arith.index_cast %get3A_2056 : i32 to index
        %get3A_2059 = arith.index_cast %mul3A_1888 : i32 to index
        %get3A_2060 = tpu.vector_load %arg8[%get3A_2057, %get3A_2058, %get3A_2059] {strides = array<i32>} : memref<2x8x2048xf32, #tpu.memory_space<vmem>>, vector<1x1x16xf32>,
        %get3A_2061 = vector.shape_cast %get3A_2060 : vector<1x1x16xf32> to vector<16xf32>
        %add3A_2062 = arith.addf %get3A_2054, %get3A_2061 : vector<16xf32>
        %swap3A_2063 = arith.constant 0 : i32
        %swap3A_2064 = arith.constant 7 : i32
        %swap3A_2065 = arith.index_cast %swap3A_2063 : i32 to index
        %swap3A_2066 = arith.index_cast %swap3A_2064 : i32 to index
        %swap3A_2067 = arith.index_cast %mul3A_1888 : i32 to index
        %swap3A_2068 = tpu.vector_load %arg7[%swap3A_2065, %swap3A_2066, %swap3A_2067] {strides = array<i32>} : memref<4x8x2048xf32, #tpu.memory_space<vmem>>, vector<1x1x16xf32>,
        %swap3A_2069 = vector.shape_cast %swap3A_2068 : vector<1x1x16xf32> to vector<16xf32>
        %swap3A_2070 = vector.shape_cast %add3A_2062 : vector<16xf32> to vector<1x1x16xf32>
        tpu.vector_store %arg7[%swap3A_2065, %swap3A_2066, %swap3A_2067], %swap3A_2070 {strides = array<i32>} : memref<4x8x2048xf32, #tpu.memory_space<vmem>>, vector<1x1x16xf32>,
        %scan3A_2071 = arith.constant 0 : i32
        scf.yield %scan3A_2071 : i32
      }
      %scan3A_1180 = arith.constant 128 : i32
      %jit3A_1181 = arith.constant 4 : i32
      %div3A_1182 = arith.divsi %add3A_982, %jit3A_1181 : i32
      %sign3A_1183 = arith.constant 0 : i32
      %sign3A_1184 = arith.cmpi sgt, %add3A_982, %sign3A_1183 : i32
      %sign3A_1185 = arith.extui %sign3A_1184 : i1 to i32
      %sign3A_1186 = arith.constant 0 : i32
      %sign3A_1187 = arith.cmpi slt, %add3A_982, %sign3A_1186 : i32
      %sign3A_1188 = arith.extui %sign3A_1187 : i1 to i32
      %sign3A_1189 = arith.subi %sign3A_1185, %sign3A_1188 : i32
      %sign3A_1190 = arith.constant 0 : i32
      %sign3A_1191 = arith.cmpi sgt, %jit3A_1181, %sign3A_1190 : i32
      %sign3A_1192 = arith.extui %sign3A_1191 : i1 to i32
      %sign3A_1193 = arith.constant 0 : i32
      %sign3A_1194 = arith.cmpi slt, %jit3A_1181, %sign3A_1193 : i32
      %sign3A_1195 = arith.extui %sign3A_1194 : i1 to i32
      %sign3A_1196 = arith.subi %sign3A_1192, %sign3A_1195 : i32
      %ne3A_1197 = arith.cmpi ne, %sign3A_1189, %sign3A_1196 : i32
      %rem3A_1198 = arith.remsi %add3A_982, %jit3A_1181 : i32
      %ne3A_1199 = arith.constant 0 : i32
      %ne3A_1200 = arith.cmpi ne, %rem3A_1198, %ne3A_1199 : i32
      %and3A_1201 = arith.andi %ne3A_1197, %ne3A_1200 : i1
      %sub3A_1202 = arith.constant 1 : i32
      %sub3A_1203 = arith.subi %div3A_1182, %sub3A_1202 : i32
      %select_n3A_1204 = arith.select %and3A_1201, %sub3A_1203, %div3A_1182 : i32
      %jit3A_1205 = arith.constant 4 : i32
      %eq3A_1206 = arith.constant 0 : i32
      %eq3A_1207 = arith.cmpi eq, %jit3A_1205, %eq3A_1206 : i32
      %jit3A_1208 = arith.constant 1 : i32
      %select_n3A_1209 = arith.select %eq3A_1207, %jit3A_1208, %jit3A_1205 : i32
      %rem3A_1210 = arith.remsi %add3A_982, %select_n3A_1209 : i32
      %ne3A_1211 = arith.constant 0 : i32
      %ne3A_1212 = arith.cmpi ne, %rem3A_1210, %ne3A_1211 : i32
      %lt3A_1213 = arith.constant 0 : i32
      %lt3A_1214 = arith.cmpi slt, %rem3A_1210, %lt3A_1213 : i32
      %lt3A_1215 = arith.constant 0 : i32
      %lt3A_1216 = arith.cmpi slt, %select_n3A_1209, %lt3A_1215 : i32
      %ne3A_1217 = arith.xori %lt3A_1214, %lt3A_1216 : i1
      %and3A_1218 = arith.andi %ne3A_1217, %ne3A_1212 : i1
      %add3A_1219 = arith.addi %rem3A_1210, %select_n3A_1209 : i32
      %select_n3A_1220 = arith.select %and3A_1218, %add3A_1219, %rem3A_1210 : i32
      %mul3A_1221 = arith.constant 2048 : i32
      %mul3A_1222 = arith.muli %select_n3A_1220, %mul3A_1221 : i32
      %add3A_1223 = arith.addi %mul3A_1222, %mul3A_2 : i32
      %mul3A_1224 = arith.constant 8 : i32
      %mul3A_1225 = arith.muli %select_n3A_1204, %mul3A_1224 : i32
      %add3A_1226 = arith.addi %add3A_1223, %mul3A_1225 : i32
      %dma_start3A_1227 = arith.constant 0 : i32
      %dma_start3A_1228 = arith.constant 0 : i32
      %dma_start3A_1229 = arith.constant 0 : i32
      %dma_start3A_1230 = tpu.memref_slice %arg7[%dma_start3A_1227, %dma_start3A_1228, %dma_start3A_1229] : memref<4x8x2048xf32, #tpu.memory_space<vmem>> -> memref<1x8x2048xf32, #tpu.memory_space<vmem>>
      %dma_start3A_1231 = tpu.memref_squeeze %dma_start3A_1230 : memref<1x8x2048xf32, #tpu.memory_space<vmem>> -> memref<8x2048xf32, #tpu.memory_space<vmem>>
      %dma_start3A_1232 = arith.constant 0 : i32
      %dma_start3A_1233 = tpu.memref_slice %arg5[%add3A_1226, %dma_start3A_1232] : memref<8192x2048xf32, #tpu.memory_space<hbm>> -> memref<8x2048xf32, #tpu.memory_space<hbm>>
      %dma_start3A_1234 = arith.constant 0 : i32
      %dma_start3A_1235 = tpu.memref_slice %arg5[%add3A_1226, %dma_start3A_1234] : memref<8192x2048xf32, #tpu.memory_space<hbm>> -> memref<8x2048xf32, #tpu.memory_space<hbm>>
      %dma_start3A_1236 = arith.constant 0 : i32
      %dma_start3A_1237 = arith.constant 0 : i32
      %dma_start3A_1238 = tpu.memref_slice %arg7[%dma_start3A_1227, %dma_start3A_1236, %dma_start3A_1237] : memref<4x8x2048xf32, #tpu.memory_space<vmem>> -> memref<1x8x2048xf32, #tpu.memory_space<vmem>>
      %dma_start3A_1239 = tpu.memref_squeeze %dma_start3A_1238 : memref<1x8x2048xf32, #tpu.memory_space<vmem>> -> memref<8x2048xf32, #tpu.memory_space<vmem>>
      tpu.enqueue_dma source(%dma_start3A_1239 : memref<8x2048xf32, #tpu.memory_space<vmem>>) target(%dma_start3A_1235 : memref<8x2048xf32, #tpu.memory_space<hbm>>) target_semaphore(%arg15 : memref<!tpu.dma_semaphore, #tpu.memory_space<semaphore_mem>>)
      %mul3A_1240 = arith.constant 8 : i32
      %mul3A_1241 = arith.muli %scan3A_99, %mul3A_1240 : i32
      %add3A_1242 = arith.constant 5 : i32
      %add3A_1243 = arith.addi %mul3A_1241, %add3A_1242 : i32
      %mul3A_1244 = arith.constant 2 : i32
      %mul3A_1245 = arith.muli %scan3A_99, %mul3A_1244 : i32
      %add3A_1246 = arith.constant 1 : i32
      %add3A_1247 = arith.addi %mul3A_1245, %add3A_1246 : i32
      %jit3A_1248 = arith.constant 4 : i32
      %div3A_1249 = arith.divsi %add3A_1243, %jit3A_1248 : i32
      %sign3A_1250 = arith.constant 0 : i32
      %sign3A_1251 = arith.cmpi sgt, %add3A_1243, %sign3A_1250 : i32
      %sign3A_1252 = arith.extui %sign3A_1251 : i1 to i32
      %sign3A_1253 = arith.constant 0 : i32
      %sign3A_1254 = arith.cmpi slt, %add3A_1243, %sign3A_1253 : i32
      %sign3A_1255 = arith.extui %sign3A_1254 : i1 to i32
      %sign3A_1256 = arith.subi %sign3A_1252, %sign3A_1255 : i32
      %sign3A_1257 = arith.constant 0 : i32
      %sign3A_1258 = arith.cmpi sgt, %jit3A_1248, %sign3A_1257 : i32
      %sign3A_1259 = arith.extui %sign3A_1258 : i1 to i32
      %sign3A_1260 = arith.constant 0 : i32
      %sign3A_1261 = arith.cmpi slt, %jit3A_1248, %sign3A_1260 : i32
      %sign3A_1262 = arith.extui %sign3A_1261 : i1 to i32
      %sign3A_1263 = arith.subi %sign3A_1259, %sign3A_1262 : i32
      %ne3A_1264 = arith.cmpi ne, %sign3A_1256, %sign3A_1263 : i32
      %rem3A_1265 = arith.remsi %add3A_1243, %jit3A_1248 : i32
      %ne3A_1266 = arith.constant 0 : i32
      %ne3A_1267 = arith.cmpi ne, %rem3A_1265, %ne3A_1266 : i32
      %and3A_1268 = arith.andi %ne3A_1264, %ne3A_1267 : i1
      %sub3A_1269 = arith.constant 1 : i32
      %sub3A_1270 = arith.subi %div3A_1249, %sub3A_1269 : i32
      %select_n3A_1271 = arith.select %and3A_1268, %sub3A_1270, %div3A_1249 : i32
      %jit3A_1272 = arith.constant 4 : i32
      %eq3A_1273 = arith.constant 0 : i32
      %eq3A_1274 = arith.cmpi eq, %jit3A_1272, %eq3A_1273 : i32
      %jit3A_1275 = arith.constant 1 : i32
      %select_n3A_1276 = arith.select %eq3A_1274, %jit3A_1275, %jit3A_1272 : i32
      %rem3A_1277 = arith.remsi %add3A_1243, %select_n3A_1276 : i32
      %ne3A_1278 = arith.constant 0 : i32
      %ne3A_1279 = arith.cmpi ne, %rem3A_1277, %ne3A_1278 : i32
      %lt3A_1280 = arith.constant 0 : i32
      %lt3A_1281 = arith.cmpi slt, %rem3A_1277, %lt3A_1280 : i32
      %lt3A_1282 = arith.constant 0 : i32
      %lt3A_1283 = arith.cmpi slt, %select_n3A_1276, %lt3A_1282 : i32
      %ne3A_1284 = arith.xori %lt3A_1281, %lt3A_1283 : i1
      %and3A_1285 = arith.andi %ne3A_1284, %ne3A_1279 : i1
      %add3A_1286 = arith.addi %rem3A_1277, %select_n3A_1276 : i32
      %select_n3A_1287 = arith.select %and3A_1285, %add3A_1286, %rem3A_1277 : i32
      %mul3A_1288 = arith.constant 64 : i32
      %mul3A_1289 = arith.muli %select_n3A_1287, %mul3A_1288 : i32
      %mul3A_1290 = arith.constant 8 : i32
      %mul3A_1291 = arith.muli %select_n3A_1271, %mul3A_1290 : i32
      %add3A_1292 = arith.addi %mul3A_1289, %mul3A_1291 : i32
      %dma_wait3A_1293 = arith.constant 1 : i32
      %dma_wait3A_1294 = arith.constant 0 : i32
      %dma_wait3A_1295 = arith.constant 0 : i32
      %dma_wait3A_1296 = tpu.memref_slice %arg7[%dma_wait3A_1293, %dma_wait3A_1294, %dma_wait3A_1295] : memref<4x8x2048xf32, #tpu.memory_space<vmem>> -> memref<1x8x2048xf32, #tpu.memory_space<vmem>>
      %dma_wait3A_1297 = tpu.memref_squeeze %dma_wait3A_1296 : memref<1x8x2048xf32, #tpu.memory_space<vmem>> -> memref<8x2048xf32, #tpu.memory_space<vmem>>
      %dma_wait3A_1298 = tpu.memref_slice %arg6[%add3A_1292] : memref<256xi32, #tpu.memory_space<vmem>> -> memref<8xi32, #tpu.memory_space<vmem>>
      %dma_wait3A_1299 = arith.constant 0 : i32
      %dma_wait3A_1300 = arith.constant 0 : i32
      %dma_wait3A_1301 = tpu.memref_slice %arg3[%dma_wait3A_1299, %dma_wait3A_1300] : memref<50304x2048xf32, #tpu.memory_space<hbm>> -> memref<50304x2048xf32, #tpu.memory_space<hbm>>
      tpu.wait_indirect_dma semaphore(%arg10 : memref<!tpu.dma_semaphore, #tpu.memory_space<semaphore_mem>>) src(%dma_wait3A_1301 : memref<50304x2048xf32, #tpu.memory_space<hbm>>) dst(%dma_wait3A_1297 : memref<8x2048xf32, #tpu.memory_space<vmem>>)
      %sub3A_1302 = arith.constant 2 : i32
      %sub3A_1303 = arith.subi %add3A_1243, %sub3A_1302 : i32
      %jit3A_1304 = arith.constant 4 : i32
      %div3A_1305 = arith.divsi %sub3A_1303, %jit3A_1304 : i32
      %sign3A_1306 = arith.constant 0 : i32
      %sign3A_1307 = arith.cmpi sgt, %sub3A_1303, %sign3A_1306 : i32
      %sign3A_1308 = arith.extui %sign3A_1307 : i1 to i32
      %sign3A_1309 = arith.constant 0 : i32
      %sign3A_1310 = arith.cmpi slt, %sub3A_1303, %sign3A_1309 : i32
      %sign3A_1311 = arith.extui %sign3A_1310 : i1 to i32
      %sign3A_1312 = arith.subi %sign3A_1308, %sign3A_1311 : i32
      %sign3A_1313 = arith.constant 0 : i32
      %sign3A_1314 = arith.cmpi sgt, %jit3A_1304, %sign3A_1313 : i32
      %sign3A_1315 = arith.extui %sign3A_1314 : i1 to i32
      %sign3A_1316 = arith.constant 0 : i32
      %sign3A_1317 = arith.cmpi slt, %jit3A_1304, %sign3A_1316 : i32
      %sign3A_1318 = arith.extui %sign3A_1317 : i1 to i32
      %sign3A_1319 = arith.subi %sign3A_1315, %sign3A_1318 : i32
      %ne3A_1320 = arith.cmpi ne, %sign3A_1312, %sign3A_1319 : i32
      %rem3A_1321 = arith.remsi %sub3A_1303, %jit3A_1304 : i32
      %ne3A_1322 = arith.constant 0 : i32
      %ne3A_1323 = arith.cmpi ne, %rem3A_1321, %ne3A_1322 : i32
      %and3A_1324 = arith.andi %ne3A_1320, %ne3A_1323 : i1
      %sub3A_1325 = arith.constant 1 : i32
      %sub3A_1326 = arith.subi %div3A_1305, %sub3A_1325 : i32
      %select_n3A_1327 = arith.select %and3A_1324, %sub3A_1326, %div3A_1305 : i32
      %jit3A_1328 = arith.constant 4 : i32
      %eq3A_1329 = arith.constant 0 : i32
      %eq3A_1330 = arith.cmpi eq, %jit3A_1328, %eq3A_1329 : i32
      %jit3A_1331 = arith.constant 1 : i32
      %select_n3A_1332 = arith.select %eq3A_1330, %jit3A_1331, %jit3A_1328 : i32
      %rem3A_1333 = arith.remsi %sub3A_1303, %select_n3A_1332 : i32
      %ne3A_1334 = arith.constant 0 : i32
      %ne3A_1335 = arith.cmpi ne, %rem3A_1333, %ne3A_1334 : i32
      %lt3A_1336 = arith.constant 0 : i32
      %lt3A_1337 = arith.cmpi slt, %rem3A_1333, %lt3A_1336 : i32
      %lt3A_1338 = arith.constant 0 : i32
      %lt3A_1339 = arith.cmpi slt, %select_n3A_1332, %lt3A_1338 : i32
      %ne3A_1340 = arith.xori %lt3A_1337, %lt3A_1339 : i1
      %and3A_1341 = arith.andi %ne3A_1340, %ne3A_1335 : i1
      %add3A_1342 = arith.addi %rem3A_1333, %select_n3A_1332 : i32
      %select_n3A_1343 = arith.select %and3A_1341, %add3A_1342, %rem3A_1333 : i32
      %mul3A_1344 = arith.constant 2048 : i32
      %mul3A_1345 = arith.muli %select_n3A_1343, %mul3A_1344 : i32
      %add3A_1346 = arith.addi %mul3A_1345, %mul3A_2 : i32
      %mul3A_1347 = arith.constant 8 : i32
      %mul3A_1348 = arith.muli %select_n3A_1327, %mul3A_1347 : i32
      %add3A_1349 = arith.addi %add3A_1346, %mul3A_1348 : i32
      %dma_wait3A_1350 = arith.constant 3 : i32
      %dma_wait3A_1351 = arith.constant 0 : i32
      %dma_wait3A_1352 = arith.constant 0 : i32
      %dma_wait3A_1353 = tpu.memref_slice %arg7[%dma_wait3A_1350, %dma_wait3A_1351, %dma_wait3A_1352] : memref<4x8x2048xf32, #tpu.memory_space<vmem>> -> memref<1x8x2048xf32, #tpu.memory_space<vmem>>
      %dma_wait3A_1354 = tpu.memref_squeeze %dma_wait3A_1353 : memref<1x8x2048xf32, #tpu.memory_space<vmem>> -> memref<8x2048xf32, #tpu.memory_space<vmem>>
      %dma_wait3A_1355 = arith.constant 0 : i32
      %dma_wait3A_1356 = tpu.memref_slice %arg5[%add3A_1349, %dma_wait3A_1355] : memref<8192x2048xf32, #tpu.memory_space<hbm>> -> memref<8x2048xf32, #tpu.memory_space<hbm>>
      %dma_wait3A_1357 = arith.constant 0 : i32
      %dma_wait3A_1358 = tpu.memref_slice %arg5[%add3A_1349, %dma_wait3A_1357] : memref<8192x2048xf32, #tpu.memory_space<hbm>> -> memref<8x2048xf32, #tpu.memory_space<hbm>>
      %dma_wait3A_1359 = arith.constant 0 : i32
      %dma_wait3A_1360 = arith.constant 0 : i32
      %dma_wait3A_1361 = tpu.memref_slice %arg7[%dma_wait3A_1350, %dma_wait3A_1359, %dma_wait3A_1360] : memref<4x8x2048xf32, #tpu.memory_space<vmem>> -> memref<1x8x2048xf32, #tpu.memory_space<vmem>>
      %dma_wait3A_1362 = tpu.memref_squeeze %dma_wait3A_1361 : memref<1x8x2048xf32, #tpu.memory_space<vmem>> -> memref<8x2048xf32, #tpu.memory_space<vmem>>
      tpu.wait_dma2 semaphore(%arg18 : memref<!tpu.dma_semaphore, #tpu.memory_space<semaphore_mem>>) src(%dma_wait3A_1362 : memref<8x2048xf32, #tpu.memory_space<vmem>>) dst(%dma_wait3A_1358 : memref<8x2048xf32, #tpu.memory_space<hbm>>)
      %add3A_1363 = arith.constant 2 : i32
      %add3A_1364 = arith.addi %add3A_1243, %add3A_1363 : i32
      %jit3A_1365 = arith.constant 4 : i32
      %div3A_1366 = arith.divsi %add3A_1364, %jit3A_1365 : i32
      %sign3A_1367 = arith.constant 0 : i32
      %sign3A_1368 = arith.cmpi sgt, %add3A_1364, %sign3A_1367 : i32
      %sign3A_1369 = arith.extui %sign3A_1368 : i1 to i32
      %sign3A_1370 = arith.constant 0 : i32
      %sign3A_1371 = arith.cmpi slt, %add3A_1364, %sign3A_1370 : i32
      %sign3A_1372 = arith.extui %sign3A_1371 : i1 to i32
      %sign3A_1373 = arith.subi %sign3A_1369, %sign3A_1372 : i32
      %sign3A_1374 = arith.constant 0 : i32
      %sign3A_1375 = arith.cmpi sgt, %jit3A_1365, %sign3A_1374 : i32
      %sign3A_1376 = arith.extui %sign3A_1375 : i1 to i32
      %sign3A_1377 = arith.constant 0 : i32
      %sign3A_1378 = arith.cmpi slt, %jit3A_1365, %sign3A_1377 : i32
      %sign3A_1379 = arith.extui %sign3A_1378 : i1 to i32
      %sign3A_1380 = arith.subi %sign3A_1376, %sign3A_1379 : i32
      %ne3A_1381 = arith.cmpi ne, %sign3A_1373, %sign3A_1380 : i32
      %rem3A_1382 = arith.remsi %add3A_1364, %jit3A_1365 : i32
      %ne3A_1383 = arith.constant 0 : i32
      %ne3A_1384 = arith.cmpi ne, %rem3A_1382, %ne3A_1383 : i32
      %and3A_1385 = arith.andi %ne3A_1381, %ne3A_1384 : i1
      %sub3A_1386 = arith.constant 1 : i32
      %sub3A_1387 = arith.subi %div3A_1366, %sub3A_1386 : i32
      %select_n3A_1388 = arith.select %and3A_1385, %sub3A_1387, %div3A_1366 : i32
      %jit3A_1389 = arith.constant 4 : i32
      %eq3A_1390 = arith.constant 0 : i32
      %eq3A_1391 = arith.cmpi eq, %jit3A_1389, %eq3A_1390 : i32
      %jit3A_1392 = arith.constant 1 : i32
      %select_n3A_1393 = arith.select %eq3A_1391, %jit3A_1392, %jit3A_1389 : i32
      %rem3A_1394 = arith.remsi %add3A_1364, %select_n3A_1393 : i32
      %ne3A_1395 = arith.constant 0 : i32
      %ne3A_1396 = arith.cmpi ne, %rem3A_1394, %ne3A_1395 : i32
      %lt3A_1397 = arith.constant 0 : i32
      %lt3A_1398 = arith.cmpi slt, %rem3A_1394, %lt3A_1397 : i32
      %lt3A_1399 = arith.constant 0 : i32
      %lt3A_1400 = arith.cmpi slt, %select_n3A_1393, %lt3A_1399 : i32
      %ne3A_1401 = arith.xori %lt3A_1398, %lt3A_1400 : i1
      %and3A_1402 = arith.andi %ne3A_1401, %ne3A_1396 : i1
      %add3A_1403 = arith.addi %rem3A_1394, %select_n3A_1393 : i32
      %select_n3A_1404 = arith.select %and3A_1402, %add3A_1403, %rem3A_1394 : i32
      %mul3A_1405 = arith.constant 64 : i32
      %mul3A_1406 = arith.muli %select_n3A_1404, %mul3A_1405 : i32
      %mul3A_1407 = arith.constant 8 : i32
      %mul3A_1408 = arith.muli %select_n3A_1388, %mul3A_1407 : i32
      %add3A_1409 = arith.addi %mul3A_1406, %mul3A_1408 : i32
      %dma_start3A_1410 = arith.constant 3 : i32
      %dma_start3A_1411 = arith.constant 0 : i32
      %dma_start3A_1412 = arith.constant 0 : i32
      %dma_start3A_1413 = tpu.memref_slice %arg7[%dma_start3A_1410, %dma_start3A_1411, %dma_start3A_1412] : memref<4x8x2048xf32, #tpu.memory_space<vmem>> -> memref<1x8x2048xf32, #tpu.memory_space<vmem>>
      %dma_start3A_1414 = tpu.memref_squeeze %dma_start3A_1413 : memref<1x8x2048xf32, #tpu.memory_space<vmem>> -> memref<8x2048xf32, #tpu.memory_space<vmem>>
      %dma_start3A_1415 = tpu.memref_slice %arg6[%add3A_1409] : memref<256xi32, #tpu.memory_space<vmem>> -> memref<8xi32, #tpu.memory_space<vmem>>
      %dma_start3A_1416 = arith.constant 0 : i32
      %dma_start3A_1417 = arith.constant 0 : i32
      %dma_start3A_1418 = tpu.memref_slice %arg3[%dma_start3A_1416, %dma_start3A_1417] : memref<50304x2048xf32, #tpu.memory_space<hbm>> -> memref<50304x2048xf32, #tpu.memory_space<hbm>>
      tpu.enqueue_indirect_dma source(%dma_start3A_1418 : memref<50304x2048xf32, #tpu.memory_space<hbm>>) target(%dma_start3A_1414 : memref<8x2048xf32, #tpu.memory_space<vmem>>) offsets(%dma_start3A_1415 : memref<8xi32, #tpu.memory_space<vmem>>) semaphore(%arg12 : memref<!tpu.dma_semaphore, #tpu.memory_space<semaphore_mem>>)
      %scan3A_1419 = arith.constant 0 : i32
      %scan3A_1420 = arith.constant 0 : i32
      %scan3A_1421 = arith.constant 128 : i32
      %scan3A_1422 = arith.addi %scan3A_1420, %scan3A_1421 : i32
      %scan3A_1423 = arith.constant 1 : i32
      %scan3A_1424 = scf.for %scan3A_1885 = %scan3A_1420 to %scan3A_1422 step %scan3A_1423 iter_args(%scan3A_1886 = %scan3A_1419) -> (i32)  : i32 {
        %mul3A_1887 = arith.constant 16 : i32
        %mul3A_1888 = arith.muli %scan3A_1885, %mul3A_1887 : i32
        %get3A = arith.constant 1 : i32
        %get3A_1889 = arith.constant 0 : i32
        %get3A_1890 = arith.index_cast %get3A : i32 to index
        %get3A_1891 = arith.index_cast %get3A_1889 : i32 to index
        %get3A_1892 = arith.index_cast %mul3A_1888 : i32 to index
        %get3A_1893 = tpu.vector_load %arg7[%get3A_1890, %get3A_1891, %get3A_1892] {strides = array<i32>} : memref<4x8x2048xf32, #tpu.memory_space<vmem>>, vector<1x1x16xf32>,
        %get3A_1894 = vector.shape_cast %get3A_1893 : vector<1x1x16xf32> to vector<16xf32>
        %get3A_1895 = arith.constant 1 : i32
        %get3A_1896 = arith.constant 0 : i32
        %get3A_1897 = arith.index_cast %get3A_1895 : i32 to index
        %get3A_1898 = arith.index_cast %get3A_1896 : i32 to index
        %get3A_1899 = arith.index_cast %mul3A_1888 : i32 to index
        %get3A_1900 = tpu.vector_load %arg8[%get3A_1897, %get3A_1898, %get3A_1899] {strides = array<i32>} : memref<2x8x2048xf32, #tpu.memory_space<vmem>>, vector<1x1x16xf32>,
        %get3A_1901 = vector.shape_cast %get3A_1900 : vector<1x1x16xf32> to vector<16xf32>
        %add3A_1902 = arith.addf %get3A_1894, %get3A_1901 : vector<16xf32>
        %swap3A = arith.constant 1 : i32
        %swap3A_1903 = arith.constant 0 : i32
        %swap3A_1904 = arith.index_cast %swap3A : i32 to index
        %swap3A_1905 = arith.index_cast %swap3A_1903 : i32 to index
        %swap3A_1906 = arith.index_cast %mul3A_1888 : i32 to index
        %swap3A_1907 = tpu.vector_load %arg7[%swap3A_1904, %swap3A_1905, %swap3A_1906] {strides = array<i32>} : memref<4x8x2048xf32, #tpu.memory_space<vmem>>, vector<1x1x16xf32>,
        %swap3A_1908 = vector.shape_cast %swap3A_1907 : vector<1x1x16xf32> to vector<16xf32>
        %swap3A_1909 = vector.shape_cast %add3A_1902 : vector<16xf32> to vector<1x1x16xf32>
        tpu.vector_store %arg7[%swap3A_1904, %swap3A_1905, %swap3A_1906], %swap3A_1909 {strides = array<i32>} : memref<4x8x2048xf32, #tpu.memory_space<vmem>>, vector<1x1x16xf32>,
        %get3A_1910 = arith.constant 1 : i32
        %get3A_1911 = arith.constant 1 : i32
        %get3A_1912 = arith.index_cast %get3A_1910 : i32 to index
        %get3A_1913 = arith.index_cast %get3A_1911 : i32 to index
        %get3A_1914 = arith.index_cast %mul3A_1888 : i32 to index
        %get3A_1915 = tpu.vector_load %arg7[%get3A_1912, %get3A_1913, %get3A_1914] {strides = array<i32>} : memref<4x8x2048xf32, #tpu.memory_space<vmem>>, vector<1x1x16xf32>,
        %get3A_1916 = vector.shape_cast %get3A_1915 : vector<1x1x16xf32> to vector<16xf32>
        %get3A_1917 = arith.constant 1 : i32
        %get3A_1918 = arith.constant 1 : i32
        %get3A_1919 = arith.index_cast %get3A_1917 : i32 to index
        %get3A_1920 = arith.index_cast %get3A_1918 : i32 to index
        %get3A_1921 = arith.index_cast %mul3A_1888 : i32 to index
        %get3A_1922 = tpu.vector_load %arg8[%get3A_1919, %get3A_1920, %get3A_1921] {strides = array<i32>} : memref<2x8x2048xf32, #tpu.memory_space<vmem>>, vector<1x1x16xf32>,
        %get3A_1923 = vector.shape_cast %get3A_1922 : vector<1x1x16xf32> to vector<16xf32>
        %add3A_1924 = arith.addf %get3A_1916, %get3A_1923 : vector<16xf32>
        %swap3A_1925 = arith.constant 1 : i32
        %swap3A_1926 = arith.constant 1 : i32
        %swap3A_1927 = arith.index_cast %swap3A_1925 : i32 to index
        %swap3A_1928 = arith.index_cast %swap3A_1926 : i32 to index
        %swap3A_1929 = arith.index_cast %mul3A_1888 : i32 to index
        %swap3A_1930 = tpu.vector_load %arg7[%swap3A_1927, %swap3A_1928, %swap3A_1929] {strides = array<i32>} : memref<4x8x2048xf32, #tpu.memory_space<vmem>>, vector<1x1x16xf32>,
        %swap3A_1931 = vector.shape_cast %swap3A_1930 : vector<1x1x16xf32> to vector<16xf32>
        %swap3A_1932 = vector.shape_cast %add3A_1924 : vector<16xf32> to vector<1x1x16xf32>
        tpu.vector_store %arg7[%swap3A_1927, %swap3A_1928, %swap3A_1929], %swap3A_1932 {strides = array<i32>} : memref<4x8x2048xf32, #tpu.memory_space<vmem>>, vector<1x1x16xf32>,
        %get3A_1933 = arith.constant 1 : i32
        %get3A_1934 = arith.constant 2 : i32
        %get3A_1935 = arith.index_cast %get3A_1933 : i32 to index
        %get3A_1936 = arith.index_cast %get3A_1934 : i32 to index
        %get3A_1937 = arith.index_cast %mul3A_1888 : i32 to index
        %get3A_1938 = tpu.vector_load %arg7[%get3A_1935, %get3A_1936, %get3A_1937] {strides = array<i32>} : memref<4x8x2048xf32, #tpu.memory_space<vmem>>, vector<1x1x16xf32>,
        %get3A_1939 = vector.shape_cast %get3A_1938 : vector<1x1x16xf32> to vector<16xf32>
        %get3A_1940 = arith.constant 1 : i32
        %get3A_1941 = arith.constant 2 : i32
        %get3A_1942 = arith.index_cast %get3A_1940 : i32 to index
        %get3A_1943 = arith.index_cast %get3A_1941 : i32 to index
        %get3A_1944 = arith.index_cast %mul3A_1888 : i32 to index
        %get3A_1945 = tpu.vector_load %arg8[%get3A_1942, %get3A_1943, %get3A_1944] {strides = array<i32>} : memref<2x8x2048xf32, #tpu.memory_space<vmem>>, vector<1x1x16xf32>,
        %get3A_1946 = vector.shape_cast %get3A_1945 : vector<1x1x16xf32> to vector<16xf32>
        %add3A_1947 = arith.addf %get3A_1939, %get3A_1946 : vector<16xf32>
        %swap3A_1948 = arith.constant 1 : i32
        %swap3A_1949 = arith.constant 2 : i32
        %swap3A_1950 = arith.index_cast %swap3A_1948 : i32 to index
        %swap3A_1951 = arith.index_cast %swap3A_1949 : i32 to index
        %swap3A_1952 = arith.index_cast %mul3A_1888 : i32 to index
        %swap3A_1953 = tpu.vector_load %arg7[%swap3A_1950, %swap3A_1951, %swap3A_1952] {strides = array<i32>} : memref<4x8x2048xf32, #tpu.memory_space<vmem>>, vector<1x1x16xf32>,
        %swap3A_1954 = vector.shape_cast %swap3A_1953 : vector<1x1x16xf32> to vector<16xf32>
        %swap3A_1955 = vector.shape_cast %add3A_1947 : vector<16xf32> to vector<1x1x16xf32>
        tpu.vector_store %arg7[%swap3A_1950, %swap3A_1951, %swap3A_1952], %swap3A_1955 {strides = array<i32>} : memref<4x8x2048xf32, #tpu.memory_space<vmem>>, vector<1x1x16xf32>,
        %get3A_1956 = arith.constant 1 : i32
        %get3A_1957 = arith.constant 3 : i32
        %get3A_1958 = arith.index_cast %get3A_1956 : i32 to index
        %get3A_1959 = arith.index_cast %get3A_1957 : i32 to index
        %get3A_1960 = arith.index_cast %mul3A_1888 : i32 to index
        %get3A_1961 = tpu.vector_load %arg7[%get3A_1958, %get3A_1959, %get3A_1960] {strides = array<i32>} : memref<4x8x2048xf32, #tpu.memory_space<vmem>>, vector<1x1x16xf32>,
        %get3A_1962 = vector.shape_cast %get3A_1961 : vector<1x1x16xf32> to vector<16xf32>
        %get3A_1963 = arith.constant 1 : i32
        %get3A_1964 = arith.constant 3 : i32
        %get3A_1965 = arith.index_cast %get3A_1963 : i32 to index
        %get3A_1966 = arith.index_cast %get3A_1964 : i32 to index
        %get3A_1967 = arith.index_cast %mul3A_1888 : i32 to index
        %get3A_1968 = tpu.vector_load %arg8[%get3A_1965, %get3A_1966, %get3A_1967] {strides = array<i32>} : memref<2x8x2048xf32, #tpu.memory_space<vmem>>, vector<1x1x16xf32>,
        %get3A_1969 = vector.shape_cast %get3A_1968 : vector<1x1x16xf32> to vector<16xf32>
        %add3A_1970 = arith.addf %get3A_1962, %get3A_1969 : vector<16xf32>
        %swap3A_1971 = arith.constant 1 : i32
        %swap3A_1972 = arith.constant 3 : i32
        %swap3A_1973 = arith.index_cast %swap3A_1971 : i32 to index
        %swap3A_1974 = arith.index_cast %swap3A_1972 : i32 to index
        %swap3A_1975 = arith.index_cast %mul3A_1888 : i32 to index
        %swap3A_1976 = tpu.vector_load %arg7[%swap3A_1973, %swap3A_1974, %swap3A_1975] {strides = array<i32>} : memref<4x8x2048xf32, #tpu.memory_space<vmem>>, vector<1x1x16xf32>,
        %swap3A_1977 = vector.shape_cast %swap3A_1976 : vector<1x1x16xf32> to vector<16xf32>
        %swap3A_1978 = vector.shape_cast %add3A_1970 : vector<16xf32> to vector<1x1x16xf32>
        tpu.vector_store %arg7[%swap3A_1973, %swap3A_1974, %swap3A_1975], %swap3A_1978 {strides = array<i32>} : memref<4x8x2048xf32, #tpu.memory_space<vmem>>, vector<1x1x16xf32>,
        %get3A_1979 = arith.constant 1 : i32
        %get3A_1980 = arith.constant 4 : i32
        %get3A_1981 = arith.index_cast %get3A_1979 : i32 to index
        %get3A_1982 = arith.index_cast %get3A_1980 : i32 to index
        %get3A_1983 = arith.index_cast %mul3A_1888 : i32 to index
        %get3A_1984 = tpu.vector_load %arg7[%get3A_1981, %get3A_1982, %get3A_1983] {strides = array<i32>} : memref<4x8x2048xf32, #tpu.memory_space<vmem>>, vector<1x1x16xf32>,
        %get3A_1985 = vector.shape_cast %get3A_1984 : vector<1x1x16xf32> to vector<16xf32>
        %get3A_1986 = arith.constant 1 : i32
        %get3A_1987 = arith.constant 4 : i32
        %get3A_1988 = arith.index_cast %get3A_1986 : i32 to index
        %get3A_1989 = arith.index_cast %get3A_1987 : i32 to index
        %get3A_1990 = arith.index_cast %mul3A_1888 : i32 to index
        %get3A_1991 = tpu.vector_load %arg8[%get3A_1988, %get3A_1989, %get3A_1990] {strides = array<i32>} : memref<2x8x2048xf32, #tpu.memory_space<vmem>>, vector<1x1x16xf32>,
        %get3A_1992 = vector.shape_cast %get3A_1991 : vector<1x1x16xf32> to vector<16xf32>
        %add3A_1993 = arith.addf %get3A_1985, %get3A_1992 : vector<16xf32>
        %swap3A_1994 = arith.constant 1 : i32
        %swap3A_1995 = arith.constant 4 : i32
        %swap3A_1996 = arith.index_cast %swap3A_1994 : i32 to index
        %swap3A_1997 = arith.index_cast %swap3A_1995 : i32 to index
        %swap3A_1998 = arith.index_cast %mul3A_1888 : i32 to index
        %swap3A_1999 = tpu.vector_load %arg7[%swap3A_1996, %swap3A_1997, %swap3A_1998] {strides = array<i32>} : memref<4x8x2048xf32, #tpu.memory_space<vmem>>, vector<1x1x16xf32>,
        %swap3A_2000 = vector.shape_cast %swap3A_1999 : vector<1x1x16xf32> to vector<16xf32>
        %swap3A_2001 = vector.shape_cast %add3A_1993 : vector<16xf32> to vector<1x1x16xf32>
        tpu.vector_store %arg7[%swap3A_1996, %swap3A_1997, %swap3A_1998], %swap3A_2001 {strides = array<i32>} : memref<4x8x2048xf32, #tpu.memory_space<vmem>>, vector<1x1x16xf32>,
        %get3A_2002 = arith.constant 1 : i32
        %get3A_2003 = arith.constant 5 : i32
        %get3A_2004 = arith.index_cast %get3A_2002 : i32 to index
        %get3A_2005 = arith.index_cast %get3A_2003 : i32 to index
        %get3A_2006 = arith.index_cast %mul3A_1888 : i32 to index
        %get3A_2007 = tpu.vector_load %arg7[%get3A_2004, %get3A_2005, %get3A_2006] {strides = array<i32>} : memref<4x8x2048xf32, #tpu.memory_space<vmem>>, vector<1x1x16xf32>,
        %get3A_2008 = vector.shape_cast %get3A_2007 : vector<1x1x16xf32> to vector<16xf32>
        %get3A_2009 = arith.constant 1 : i32
        %get3A_2010 = arith.constant 5 : i32
        %get3A_2011 = arith.index_cast %get3A_2009 : i32 to index
        %get3A_2012 = arith.index_cast %get3A_2010 : i32 to index
        %get3A_2013 = arith.index_cast %mul3A_1888 : i32 to index
        %get3A_2014 = tpu.vector_load %arg8[%get3A_2011, %get3A_2012, %get3A_2013] {strides = array<i32>} : memref<2x8x2048xf32, #tpu.memory_space<vmem>>, vector<1x1x16xf32>,
        %get3A_2015 = vector.shape_cast %get3A_2014 : vector<1x1x16xf32> to vector<16xf32>
        %add3A_2016 = arith.addf %get3A_2008, %get3A_2015 : vector<16xf32>
        %swap3A_2017 = arith.constant 1 : i32
        %swap3A_2018 = arith.constant 5 : i32
        %swap3A_2019 = arith.index_cast %swap3A_2017 : i32 to index
        %swap3A_2020 = arith.index_cast %swap3A_2018 : i32 to index
        %swap3A_2021 = arith.index_cast %mul3A_1888 : i32 to index
        %swap3A_2022 = tpu.vector_load %arg7[%swap3A_2019, %swap3A_2020, %swap3A_2021] {strides = array<i32>} : memref<4x8x2048xf32, #tpu.memory_space<vmem>>, vector<1x1x16xf32>,
        %swap3A_2023 = vector.shape_cast %swap3A_2022 : vector<1x1x16xf32> to vector<16xf32>
        %swap3A_2024 = vector.shape_cast %add3A_2016 : vector<16xf32> to vector<1x1x16xf32>
        tpu.vector_store %arg7[%swap3A_2019, %swap3A_2020, %swap3A_2021], %swap3A_2024 {strides = array<i32>} : memref<4x8x2048xf32, #tpu.memory_space<vmem>>, vector<1x1x16xf32>,
        %get3A_2025 = arith.constant 1 : i32
        %get3A_2026 = arith.constant 6 : i32
        %get3A_2027 = arith.index_cast %get3A_2025 : i32 to index
        %get3A_2028 = arith.index_cast %get3A_2026 : i32 to index
        %get3A_2029 = arith.index_cast %mul3A_1888 : i32 to index
        %get3A_2030 = tpu.vector_load %arg7[%get3A_2027, %get3A_2028, %get3A_2029] {strides = array<i32>} : memref<4x8x2048xf32, #tpu.memory_space<vmem>>, vector<1x1x16xf32>,
        %get3A_2031 = vector.shape_cast %get3A_2030 : vector<1x1x16xf32> to vector<16xf32>
        %get3A_2032 = arith.constant 1 : i32
        %get3A_2033 = arith.constant 6 : i32
        %get3A_2034 = arith.index_cast %get3A_2032 : i32 to index
        %get3A_2035 = arith.index_cast %get3A_2033 : i32 to index
        %get3A_2036 = arith.index_cast %mul3A_1888 : i32 to index
        %get3A_2037 = tpu.vector_load %arg8[%get3A_2034, %get3A_2035, %get3A_2036] {strides = array<i32>} : memref<2x8x2048xf32, #tpu.memory_space<vmem>>, vector<1x1x16xf32>,
        %get3A_2038 = vector.shape_cast %get3A_2037 : vector<1x1x16xf32> to vector<16xf32>
        %add3A_2039 = arith.addf %get3A_2031, %get3A_2038 : vector<16xf32>
        %swap3A_2040 = arith.constant 1 : i32
        %swap3A_2041 = arith.constant 6 : i32
        %swap3A_2042 = arith.index_cast %swap3A_2040 : i32 to index
        %swap3A_2043 = arith.index_cast %swap3A_2041 : i32 to index
        %swap3A_2044 = arith.index_cast %mul3A_1888 : i32 to index
        %swap3A_2045 = tpu.vector_load %arg7[%swap3A_2042, %swap3A_2043, %swap3A_2044] {strides = array<i32>} : memref<4x8x2048xf32, #tpu.memory_space<vmem>>, vector<1x1x16xf32>,
        %swap3A_2046 = vector.shape_cast %swap3A_2045 : vector<1x1x16xf32> to vector<16xf32>
        %swap3A_2047 = vector.shape_cast %add3A_2039 : vector<16xf32> to vector<1x1x16xf32>
        tpu.vector_store %arg7[%swap3A_2042, %swap3A_2043, %swap3A_2044], %swap3A_2047 {strides = array<i32>} : memref<4x8x2048xf32, #tpu.memory_space<vmem>>, vector<1x1x16xf32>,
        %get3A_2048 = arith.constant 1 : i32
        %get3A_2049 = arith.constant 7 : i32
        %get3A_2050 = arith.index_cast %get3A_2048 : i32 to index
        %get3A_2051 = arith.index_cast %get3A_2049 : i32 to index
        %get3A_2052 = arith.index_cast %mul3A_1888 : i32 to index
        %get3A_2053 = tpu.vector_load %arg7[%get3A_2050, %get3A_2051, %get3A_2052] {strides = array<i32>} : memref<4x8x2048xf32, #tpu.memory_space<vmem>>, vector<1x1x16xf32>,
        %get3A_2054 = vector.shape_cast %get3A_2053 : vector<1x1x16xf32> to vector<16xf32>
        %get3A_2055 = arith.constant 1 : i32
        %get3A_2056 = arith.constant 7 : i32
        %get3A_2057 = arith.index_cast %get3A_2055 : i32 to index
        %get3A_2058 = arith.index_cast %get3A_2056 : i32 to index
        %get3A_2059 = arith.index_cast %mul3A_1888 : i32 to index
        %get3A_2060 = tpu.vector_load %arg8[%get3A_2057, %get3A_2058, %get3A_2059] {strides = array<i32>} : memref<2x8x2048xf32, #tpu.memory_space<vmem>>, vector<1x1x16xf32>,
        %get3A_2061 = vector.shape_cast %get3A_2060 : vector<1x1x16xf32> to vector<16xf32>
        %add3A_2062 = arith.addf %get3A_2054, %get3A_2061 : vector<16xf32>
        %swap3A_2063 = arith.constant 1 : i32
        %swap3A_2064 = arith.constant 7 : i32
        %swap3A_2065 = arith.index_cast %swap3A_2063 : i32 to index
        %swap3A_2066 = arith.index_cast %swap3A_2064 : i32 to index
        %swap3A_2067 = arith.index_cast %mul3A_1888 : i32 to index
        %swap3A_2068 = tpu.vector_load %arg7[%swap3A_2065, %swap3A_2066, %swap3A_2067] {strides = array<i32>} : memref<4x8x2048xf32, #tpu.memory_space<vmem>>, vector<1x1x16xf32>,
        %swap3A_2069 = vector.shape_cast %swap3A_2068 : vector<1x1x16xf32> to vector<16xf32>
        %swap3A_2070 = vector.shape_cast %add3A_2062 : vector<16xf32> to vector<1x1x16xf32>
        tpu.vector_store %arg7[%swap3A_2065, %swap3A_2066, %swap3A_2067], %swap3A_2070 {strides = array<i32>} : memref<4x8x2048xf32, #tpu.memory_space<vmem>>, vector<1x1x16xf32>,
        %scan3A_2071 = arith.constant 0 : i32
        scf.yield %scan3A_2071 : i32
      }
      %scan3A_1425 = arith.constant 128 : i32
      %jit3A_1426 = arith.constant 4 : i32
      %div3A_1427 = arith.divsi %add3A_1243, %jit3A_1426 : i32
      %sign3A_1428 = arith.constant 0 : i32
      %sign3A_1429 = arith.cmpi sgt, %add3A_1243, %sign3A_1428 : i32
      %sign3A_1430 = arith.extui %sign3A_1429 : i1 to i32
      %sign3A_1431 = arith.constant 0 : i32
      %sign3A_1432 = arith.cmpi slt, %add3A_1243, %sign3A_1431 : i32
      %sign3A_1433 = arith.extui %sign3A_1432 : i1 to i32
      %sign3A_1434 = arith.subi %sign3A_1430, %sign3A_1433 : i32
      %sign3A_1435 = arith.constant 0 : i32
      %sign3A_1436 = arith.cmpi sgt, %jit3A_1426, %sign3A_1435 : i32
      %sign3A_1437 = arith.extui %sign3A_1436 : i1 to i32
      %sign3A_1438 = arith.constant 0 : i32
      %sign3A_1439 = arith.cmpi slt, %jit3A_1426, %sign3A_1438 : i32
      %sign3A_1440 = arith.extui %sign3A_1439 : i1 to i32
      %sign3A_1441 = arith.subi %sign3A_1437, %sign3A_1440 : i32
      %ne3A_1442 = arith.cmpi ne, %sign3A_1434, %sign3A_1441 : i32
      %rem3A_1443 = arith.remsi %add3A_1243, %jit3A_1426 : i32
      %ne3A_1444 = arith.constant 0 : i32
      %ne3A_1445 = arith.cmpi ne, %rem3A_1443, %ne3A_1444 : i32
      %and3A_1446 = arith.andi %ne3A_1442, %ne3A_1445 : i1
      %sub3A_1447 = arith.constant 1 : i32
      %sub3A_1448 = arith.subi %div3A_1427, %sub3A_1447 : i32
      %select_n3A_1449 = arith.select %and3A_1446, %sub3A_1448, %div3A_1427 : i32
      %jit3A_1450 = arith.constant 4 : i32
      %eq3A_1451 = arith.constant 0 : i32
      %eq3A_1452 = arith.cmpi eq, %jit3A_1450, %eq3A_1451 : i32
      %jit3A_1453 = arith.constant 1 : i32
      %select_n3A_1454 = arith.select %eq3A_1452, %jit3A_1453, %jit3A_1450 : i32
      %rem3A_1455 = arith.remsi %add3A_1243, %select_n3A_1454 : i32
      %ne3A_1456 = arith.constant 0 : i32
      %ne3A_1457 = arith.cmpi ne, %rem3A_1455, %ne3A_1456 : i32
      %lt3A_1458 = arith.constant 0 : i32
      %lt3A_1459 = arith.cmpi slt, %rem3A_1455, %lt3A_1458 : i32
      %lt3A_1460 = arith.constant 0 : i32
      %lt3A_1461 = arith.cmpi slt, %select_n3A_1454, %lt3A_1460 : i32
      %ne3A_1462 = arith.xori %lt3A_1459, %lt3A_1461 : i1
      %and3A_1463 = arith.andi %ne3A_1462, %ne3A_1457 : i1
      %add3A_1464 = arith.addi %rem3A_1455, %select_n3A_1454 : i32
      %select_n3A_1465 = arith.select %and3A_1463, %add3A_1464, %rem3A_1455 : i32
      %mul3A_1466 = arith.constant 2048 : i32
      %mul3A_1467 = arith.muli %select_n3A_1465, %mul3A_1466 : i32
      %add3A_1468 = arith.addi %mul3A_1467, %mul3A_2 : i32
      %mul3A_1469 = arith.constant 8 : i32
      %mul3A_1470 = arith.muli %select_n3A_1449, %mul3A_1469 : i32
      %add3A_1471 = arith.addi %add3A_1468, %mul3A_1470 : i32
      %dma_start3A_1472 = arith.constant 1 : i32
      %dma_start3A_1473 = arith.constant 0 : i32
      %dma_start3A_1474 = arith.constant 0 : i32
      %dma_start3A_1475 = tpu.memref_slice %arg7[%dma_start3A_1472, %dma_start3A_1473, %dma_start3A_1474] : memref<4x8x2048xf32, #tpu.memory_space<vmem>> -> memref<1x8x2048xf32, #tpu.memory_space<vmem>>
      %dma_start3A_1476 = tpu.memref_squeeze %dma_start3A_1475 : memref<1x8x2048xf32, #tpu.memory_space<vmem>> -> memref<8x2048xf32, #tpu.memory_space<vmem>>
      %dma_start3A_1477 = arith.constant 0 : i32
      %dma_start3A_1478 = tpu.memref_slice %arg5[%add3A_1471, %dma_start3A_1477] : memref<8192x2048xf32, #tpu.memory_space<hbm>> -> memref<8x2048xf32, #tpu.memory_space<hbm>>
      %dma_start3A_1479 = arith.constant 0 : i32
      %dma_start3A_1480 = tpu.memref_slice %arg5[%add3A_1471, %dma_start3A_1479] : memref<8192x2048xf32, #tpu.memory_space<hbm>> -> memref<8x2048xf32, #tpu.memory_space<hbm>>
      %dma_start3A_1481 = arith.constant 0 : i32
      %dma_start3A_1482 = arith.constant 0 : i32
      %dma_start3A_1483 = tpu.memref_slice %arg7[%dma_start3A_1472, %dma_start3A_1481, %dma_start3A_1482] : memref<4x8x2048xf32, #tpu.memory_space<vmem>> -> memref<1x8x2048xf32, #tpu.memory_space<vmem>>
      %dma_start3A_1484 = tpu.memref_squeeze %dma_start3A_1483 : memref<1x8x2048xf32, #tpu.memory_space<vmem>> -> memref<8x2048xf32, #tpu.memory_space<vmem>>
      tpu.enqueue_dma source(%dma_start3A_1484 : memref<8x2048xf32, #tpu.memory_space<vmem>>) target(%dma_start3A_1480 : memref<8x2048xf32, #tpu.memory_space<hbm>>) target_semaphore(%arg16 : memref<!tpu.dma_semaphore, #tpu.memory_space<semaphore_mem>>)
      %mul3A_1485 = arith.constant 8 : i32
      %mul3A_1486 = arith.muli %scan3A_99, %mul3A_1485 : i32
      %add3A_1487 = arith.constant 6 : i32
      %add3A_1488 = arith.addi %mul3A_1486, %add3A_1487 : i32
      %mul3A_1489 = arith.constant 2 : i32
      %mul3A_1490 = arith.muli %scan3A_99, %mul3A_1489 : i32
      %add3A_1491 = arith.constant 1 : i32
      %add3A_1492 = arith.addi %mul3A_1490, %add3A_1491 : i32
      %jit3A_1493 = arith.constant 4 : i32
      %div3A_1494 = arith.divsi %add3A_1488, %jit3A_1493 : i32
      %sign3A_1495 = arith.constant 0 : i32
      %sign3A_1496 = arith.cmpi sgt, %add3A_1488, %sign3A_1495 : i32
      %sign3A_1497 = arith.extui %sign3A_1496 : i1 to i32
      %sign3A_1498 = arith.constant 0 : i32
      %sign3A_1499 = arith.cmpi slt, %add3A_1488, %sign3A_1498 : i32
      %sign3A_1500 = arith.extui %sign3A_1499 : i1 to i32
      %sign3A_1501 = arith.subi %sign3A_1497, %sign3A_1500 : i32
      %sign3A_1502 = arith.constant 0 : i32
      %sign3A_1503 = arith.cmpi sgt, %jit3A_1493, %sign3A_1502 : i32
      %sign3A_1504 = arith.extui %sign3A_1503 : i1 to i32
      %sign3A_1505 = arith.constant 0 : i32
      %sign3A_1506 = arith.cmpi slt, %jit3A_1493, %sign3A_1505 : i32
      %sign3A_1507 = arith.extui %sign3A_1506 : i1 to i32
      %sign3A_1508 = arith.subi %sign3A_1504, %sign3A_1507 : i32
      %ne3A_1509 = arith.cmpi ne, %sign3A_1501, %sign3A_1508 : i32
      %rem3A_1510 = arith.remsi %add3A_1488, %jit3A_1493 : i32
      %ne3A_1511 = arith.constant 0 : i32
      %ne3A_1512 = arith.cmpi ne, %rem3A_1510, %ne3A_1511 : i32
      %and3A_1513 = arith.andi %ne3A_1509, %ne3A_1512 : i1
      %sub3A_1514 = arith.constant 1 : i32
      %sub3A_1515 = arith.subi %div3A_1494, %sub3A_1514 : i32
      %select_n3A_1516 = arith.select %and3A_1513, %sub3A_1515, %div3A_1494 : i32
      %jit3A_1517 = arith.constant 4 : i32
      %eq3A_1518 = arith.constant 0 : i32
      %eq3A_1519 = arith.cmpi eq, %jit3A_1517, %eq3A_1518 : i32
      %jit3A_1520 = arith.constant 1 : i32
      %select_n3A_1521 = arith.select %eq3A_1519, %jit3A_1520, %jit3A_1517 : i32
      %rem3A_1522 = arith.remsi %add3A_1488, %select_n3A_1521 : i32
      %ne3A_1523 = arith.constant 0 : i32
      %ne3A_1524 = arith.cmpi ne, %rem3A_1522, %ne3A_1523 : i32
      %lt3A_1525 = arith.constant 0 : i32
      %lt3A_1526 = arith.cmpi slt, %rem3A_1522, %lt3A_1525 : i32
      %lt3A_1527 = arith.constant 0 : i32
      %lt3A_1528 = arith.cmpi slt, %select_n3A_1521, %lt3A_1527 : i32
      %ne3A_1529 = arith.xori %lt3A_1526, %lt3A_1528 : i1
      %and3A_1530 = arith.andi %ne3A_1529, %ne3A_1524 : i1
      %add3A_1531 = arith.addi %rem3A_1522, %select_n3A_1521 : i32
      %select_n3A_1532 = arith.select %and3A_1530, %add3A_1531, %rem3A_1522 : i32
      %mul3A_1533 = arith.constant 64 : i32
      %mul3A_1534 = arith.muli %select_n3A_1532, %mul3A_1533 : i32
      %mul3A_1535 = arith.constant 8 : i32
      %mul3A_1536 = arith.muli %select_n3A_1516, %mul3A_1535 : i32
      %add3A_1537 = arith.addi %mul3A_1534, %mul3A_1536 : i32
      %dma_wait3A_1538 = arith.constant 2 : i32
      %dma_wait3A_1539 = arith.constant 0 : i32
      %dma_wait3A_1540 = arith.constant 0 : i32
      %dma_wait3A_1541 = tpu.memref_slice %arg7[%dma_wait3A_1538, %dma_wait3A_1539, %dma_wait3A_1540] : memref<4x8x2048xf32, #tpu.memory_space<vmem>> -> memref<1x8x2048xf32, #tpu.memory_space<vmem>>
      %dma_wait3A_1542 = tpu.memref_squeeze %dma_wait3A_1541 : memref<1x8x2048xf32, #tpu.memory_space<vmem>> -> memref<8x2048xf32, #tpu.memory_space<vmem>>
      %dma_wait3A_1543 = tpu.memref_slice %arg6[%add3A_1537] : memref<256xi32, #tpu.memory_space<vmem>> -> memref<8xi32, #tpu.memory_space<vmem>>
      %dma_wait3A_1544 = arith.constant 0 : i32
      %dma_wait3A_1545 = arith.constant 0 : i32
      %dma_wait3A_1546 = tpu.memref_slice %arg3[%dma_wait3A_1544, %dma_wait3A_1545] : memref<50304x2048xf32, #tpu.memory_space<hbm>> -> memref<50304x2048xf32, #tpu.memory_space<hbm>>
      tpu.wait_indirect_dma semaphore(%arg11 : memref<!tpu.dma_semaphore, #tpu.memory_space<semaphore_mem>>) src(%dma_wait3A_1546 : memref<50304x2048xf32, #tpu.memory_space<hbm>>) dst(%dma_wait3A_1542 : memref<8x2048xf32, #tpu.memory_space<vmem>>)
      %sub3A_1547 = arith.constant 2 : i32
      %sub3A_1548 = arith.subi %add3A_1488, %sub3A_1547 : i32
      %jit3A_1549 = arith.constant 4 : i32
      %div3A_1550 = arith.divsi %sub3A_1548, %jit3A_1549 : i32
      %sign3A_1551 = arith.constant 0 : i32
      %sign3A_1552 = arith.cmpi sgt, %sub3A_1548, %sign3A_1551 : i32
      %sign3A_1553 = arith.extui %sign3A_1552 : i1 to i32
      %sign3A_1554 = arith.constant 0 : i32
      %sign3A_1555 = arith.cmpi slt, %sub3A_1548, %sign3A_1554 : i32
      %sign3A_1556 = arith.extui %sign3A_1555 : i1 to i32
      %sign3A_1557 = arith.subi %sign3A_1553, %sign3A_1556 : i32
      %sign3A_1558 = arith.constant 0 : i32
      %sign3A_1559 = arith.cmpi sgt, %jit3A_1549, %sign3A_1558 : i32
      %sign3A_1560 = arith.extui %sign3A_1559 : i1 to i32
      %sign3A_1561 = arith.constant 0 : i32
      %sign3A_1562 = arith.cmpi slt, %jit3A_1549, %sign3A_1561 : i32
      %sign3A_1563 = arith.extui %sign3A_1562 : i1 to i32
      %sign3A_1564 = arith.subi %sign3A_1560, %sign3A_1563 : i32
      %ne3A_1565 = arith.cmpi ne, %sign3A_1557, %sign3A_1564 : i32
      %rem3A_1566 = arith.remsi %sub3A_1548, %jit3A_1549 : i32
      %ne3A_1567 = arith.constant 0 : i32
      %ne3A_1568 = arith.cmpi ne, %rem3A_1566, %ne3A_1567 : i32
      %and3A_1569 = arith.andi %ne3A_1565, %ne3A_1568 : i1
      %sub3A_1570 = arith.constant 1 : i32
      %sub3A_1571 = arith.subi %div3A_1550, %sub3A_1570 : i32
      %select_n3A_1572 = arith.select %and3A_1569, %sub3A_1571, %div3A_1550 : i32
      %jit3A_1573 = arith.constant 4 : i32
      %eq3A_1574 = arith.constant 0 : i32
      %eq3A_1575 = arith.cmpi eq, %jit3A_1573, %eq3A_1574 : i32
      %jit3A_1576 = arith.constant 1 : i32
      %select_n3A_1577 = arith.select %eq3A_1575, %jit3A_1576, %jit3A_1573 : i32
      %rem3A_1578 = arith.remsi %sub3A_1548, %select_n3A_1577 : i32
      %ne3A_1579 = arith.constant 0 : i32
      %ne3A_1580 = arith.cmpi ne, %rem3A_1578, %ne3A_1579 : i32
      %lt3A_1581 = arith.constant 0 : i32
      %lt3A_1582 = arith.cmpi slt, %rem3A_1578, %lt3A_1581 : i32
      %lt3A_1583 = arith.constant 0 : i32
      %lt3A_1584 = arith.cmpi slt, %select_n3A_1577, %lt3A_1583 : i32
      %ne3A_1585 = arith.xori %lt3A_1582, %lt3A_1584 : i1
      %and3A_1586 = arith.andi %ne3A_1585, %ne3A_1580 : i1
      %add3A_1587 = arith.addi %rem3A_1578, %select_n3A_1577 : i32
      %select_n3A_1588 = arith.select %and3A_1586, %add3A_1587, %rem3A_1578 : i32
      %mul3A_1589 = arith.constant 2048 : i32
      %mul3A_1590 = arith.muli %select_n3A_1588, %mul3A_1589 : i32
      %add3A_1591 = arith.addi %mul3A_1590, %mul3A_2 : i32
      %mul3A_1592 = arith.constant 8 : i32
      %mul3A_1593 = arith.muli %select_n3A_1572, %mul3A_1592 : i32
      %add3A_1594 = arith.addi %add3A_1591, %mul3A_1593 : i32
      %dma_wait3A_1595 = arith.constant 0 : i32
      %dma_wait3A_1596 = arith.constant 0 : i32
      %dma_wait3A_1597 = arith.constant 0 : i32
      %dma_wait3A_1598 = tpu.memref_slice %arg7[%dma_wait3A_1595, %dma_wait3A_1596, %dma_wait3A_1597] : memref<4x8x2048xf32, #tpu.memory_space<vmem>> -> memref<1x8x2048xf32, #tpu.memory_space<vmem>>
      %dma_wait3A_1599 = tpu.memref_squeeze %dma_wait3A_1598 : memref<1x8x2048xf32, #tpu.memory_space<vmem>> -> memref<8x2048xf32, #tpu.memory_space<vmem>>
      %dma_wait3A_1600 = arith.constant 0 : i32
      %dma_wait3A_1601 = tpu.memref_slice %arg5[%add3A_1594, %dma_wait3A_1600] : memref<8192x2048xf32, #tpu.memory_space<hbm>> -> memref<8x2048xf32, #tpu.memory_space<hbm>>
      %dma_wait3A_1602 = arith.constant 0 : i32
      %dma_wait3A_1603 = tpu.memref_slice %arg5[%add3A_1594, %dma_wait3A_1602] : memref<8192x2048xf32, #tpu.memory_space<hbm>> -> memref<8x2048xf32, #tpu.memory_space<hbm>>
      %dma_wait3A_1604 = arith.constant 0 : i32
      %dma_wait3A_1605 = arith.constant 0 : i32
      %dma_wait3A_1606 = tpu.memref_slice %arg7[%dma_wait3A_1595, %dma_wait3A_1604, %dma_wait3A_1605] : memref<4x8x2048xf32, #tpu.memory_space<vmem>> -> memref<1x8x2048xf32, #tpu.memory_space<vmem>>
      %dma_wait3A_1607 = tpu.memref_squeeze %dma_wait3A_1606 : memref<1x8x2048xf32, #tpu.memory_space<vmem>> -> memref<8x2048xf32, #tpu.memory_space<vmem>>
      tpu.wait_dma2 semaphore(%arg15 : memref<!tpu.dma_semaphore, #tpu.memory_space<semaphore_mem>>) src(%dma_wait3A_1607 : memref<8x2048xf32, #tpu.memory_space<vmem>>) dst(%dma_wait3A_1603 : memref<8x2048xf32, #tpu.memory_space<hbm>>)
      %add3A_1608 = arith.constant 2 : i32
      %add3A_1609 = arith.addi %add3A_1488, %add3A_1608 : i32
      %lt3A_1610 = arith.constant 32 : i32
      %lt3A_1611 = arith.cmpi slt, %add3A_1609, %lt3A_1610 : i32
      %convert_element_type3A_1612 = arith.extui %lt3A_1611 : i1 to i32
      %cond3A_1613 = arith.constant 0 : i32
      %cond3A_1614 = arith.cmpi ne, %convert_element_type3A_1612, %cond3A_1613 : i32
      scf.if %cond3A_1614 {
        %add3A_1885 = arith.constant 2 : i32
        %add3A_1886 = arith.addi %add3A_1488, %add3A_1885 : i32
        %jit3A_1887 = arith.constant 4 : i32
        %div3A_1888 = arith.divsi %add3A_1886, %jit3A_1887 : i32
        %sign3A_1889 = arith.constant 0 : i32
        %sign3A_1890 = arith.cmpi sgt, %add3A_1886, %sign3A_1889 : i32
        %sign3A_1891 = arith.extui %sign3A_1890 : i1 to i32
        %sign3A_1892 = arith.constant 0 : i32
        %sign3A_1893 = arith.cmpi slt, %add3A_1886, %sign3A_1892 : i32
        %sign3A_1894 = arith.extui %sign3A_1893 : i1 to i32
        %sign3A_1895 = arith.subi %sign3A_1891, %sign3A_1894 : i32
        %sign3A_1896 = arith.constant 0 : i32
        %sign3A_1897 = arith.cmpi sgt, %jit3A_1887, %sign3A_1896 : i32
        %sign3A_1898 = arith.extui %sign3A_1897 : i1 to i32
        %sign3A_1899 = arith.constant 0 : i32
        %sign3A_1900 = arith.cmpi slt, %jit3A_1887, %sign3A_1899 : i32
        %sign3A_1901 = arith.extui %sign3A_1900 : i1 to i32
        %sign3A_1902 = arith.subi %sign3A_1898, %sign3A_1901 : i32
        %ne3A_1903 = arith.cmpi ne, %sign3A_1895, %sign3A_1902 : i32
        %rem3A_1904 = arith.remsi %add3A_1886, %jit3A_1887 : i32
        %ne3A_1905 = arith.constant 0 : i32
        %ne3A_1906 = arith.cmpi ne, %rem3A_1904, %ne3A_1905 : i32
        %and3A_1907 = arith.andi %ne3A_1903, %ne3A_1906 : i1
        %sub3A_1908 = arith.constant 1 : i32
        %sub3A_1909 = arith.subi %div3A_1888, %sub3A_1908 : i32
        %select_n3A_1910 = arith.select %and3A_1907, %sub3A_1909, %div3A_1888 : i32
        %jit3A_1911 = arith.constant 4 : i32
        %eq3A_1912 = arith.constant 0 : i32
        %eq3A_1913 = arith.cmpi eq, %jit3A_1911, %eq3A_1912 : i32
        %jit3A_1914 = arith.constant 1 : i32
        %select_n3A_1915 = arith.select %eq3A_1913, %jit3A_1914, %jit3A_1911 : i32
        %rem3A_1916 = arith.remsi %add3A_1886, %select_n3A_1915 : i32
        %ne3A_1917 = arith.constant 0 : i32
        %ne3A_1918 = arith.cmpi ne, %rem3A_1916, %ne3A_1917 : i32
        %lt3A_1919 = arith.constant 0 : i32
        %lt3A_1920 = arith.cmpi slt, %rem3A_1916, %lt3A_1919 : i32
        %lt3A_1921 = arith.constant 0 : i32
        %lt3A_1922 = arith.cmpi slt, %select_n3A_1915, %lt3A_1921 : i32
        %ne3A_1923 = arith.xori %lt3A_1920, %lt3A_1922 : i1
        %and3A_1924 = arith.andi %ne3A_1923, %ne3A_1918 : i1
        %add3A_1925 = arith.addi %rem3A_1916, %select_n3A_1915 : i32
        %select_n3A_1926 = arith.select %and3A_1924, %add3A_1925, %rem3A_1916 : i32
        %mul3A_1927 = arith.constant 64 : i32
        %mul3A_1928 = arith.muli %select_n3A_1926, %mul3A_1927 : i32
        %mul3A_1929 = arith.constant 8 : i32
        %mul3A_1930 = arith.muli %select_n3A_1910, %mul3A_1929 : i32
        %add3A_1931 = arith.addi %mul3A_1928, %mul3A_1930 : i32
        %dma_start3A_1932 = arith.constant 0 : i32
        %dma_start3A_1933 = arith.constant 0 : i32
        %dma_start3A_1934 = arith.constant 0 : i32
        %dma_start3A_1935 = tpu.memref_slice %arg7[%dma_start3A_1932, %dma_start3A_1933, %dma_start3A_1934] : memref<4x8x2048xf32, #tpu.memory_space<vmem>> -> memref<1x8x2048xf32, #tpu.memory_space<vmem>>
        %dma_start3A_1936 = tpu.memref_squeeze %dma_start3A_1935 : memref<1x8x2048xf32, #tpu.memory_space<vmem>> -> memref<8x2048xf32, #tpu.memory_space<vmem>>
        %dma_start3A_1937 = tpu.memref_slice %arg6[%add3A_1931] : memref<256xi32, #tpu.memory_space<vmem>> -> memref<8xi32, #tpu.memory_space<vmem>>
        %dma_start3A_1938 = arith.constant 0 : i32
        %dma_start3A_1939 = arith.constant 0 : i32
        %dma_start3A_1940 = tpu.memref_slice %arg3[%dma_start3A_1938, %dma_start3A_1939] : memref<50304x2048xf32, #tpu.memory_space<hbm>> -> memref<50304x2048xf32, #tpu.memory_space<hbm>>
        tpu.enqueue_indirect_dma source(%dma_start3A_1940 : memref<50304x2048xf32, #tpu.memory_space<hbm>>) target(%dma_start3A_1936 : memref<8x2048xf32, #tpu.memory_space<vmem>>) offsets(%dma_start3A_1937 : memref<8xi32, #tpu.memory_space<vmem>>) semaphore(%arg9 : memref<!tpu.dma_semaphore, #tpu.memory_space<semaphore_mem>>)
      } else {
      }
      %scan3A_1615 = arith.constant 0 : i32
      %scan3A_1616 = arith.constant 0 : i32
      %scan3A_1617 = arith.constant 128 : i32
      %scan3A_1618 = arith.addi %scan3A_1616, %scan3A_1617 : i32
      %scan3A_1619 = arith.constant 1 : i32
      %scan3A_1620 = scf.for %scan3A_1885 = %scan3A_1616 to %scan3A_1618 step %scan3A_1619 iter_args(%scan3A_1886 = %scan3A_1615) -> (i32)  : i32 {
        %mul3A_1887 = arith.constant 16 : i32
        %mul3A_1888 = arith.muli %scan3A_1885, %mul3A_1887 : i32
        %get3A = arith.constant 2 : i32
        %get3A_1889 = arith.constant 0 : i32
        %get3A_1890 = arith.index_cast %get3A : i32 to index
        %get3A_1891 = arith.index_cast %get3A_1889 : i32 to index
        %get3A_1892 = arith.index_cast %mul3A_1888 : i32 to index
        %get3A_1893 = tpu.vector_load %arg7[%get3A_1890, %get3A_1891, %get3A_1892] {strides = array<i32>} : memref<4x8x2048xf32, #tpu.memory_space<vmem>>, vector<1x1x16xf32>,
        %get3A_1894 = vector.shape_cast %get3A_1893 : vector<1x1x16xf32> to vector<16xf32>
        %get3A_1895 = arith.constant 1 : i32
        %get3A_1896 = arith.constant 0 : i32
        %get3A_1897 = arith.index_cast %get3A_1895 : i32 to index
        %get3A_1898 = arith.index_cast %get3A_1896 : i32 to index
        %get3A_1899 = arith.index_cast %mul3A_1888 : i32 to index
        %get3A_1900 = tpu.vector_load %arg8[%get3A_1897, %get3A_1898, %get3A_1899] {strides = array<i32>} : memref<2x8x2048xf32, #tpu.memory_space<vmem>>, vector<1x1x16xf32>,
        %get3A_1901 = vector.shape_cast %get3A_1900 : vector<1x1x16xf32> to vector<16xf32>
        %add3A_1902 = arith.addf %get3A_1894, %get3A_1901 : vector<16xf32>
        %swap3A = arith.constant 2 : i32
        %swap3A_1903 = arith.constant 0 : i32
        %swap3A_1904 = arith.index_cast %swap3A : i32 to index
        %swap3A_1905 = arith.index_cast %swap3A_1903 : i32 to index
        %swap3A_1906 = arith.index_cast %mul3A_1888 : i32 to index
        %swap3A_1907 = tpu.vector_load %arg7[%swap3A_1904, %swap3A_1905, %swap3A_1906] {strides = array<i32>} : memref<4x8x2048xf32, #tpu.memory_space<vmem>>, vector<1x1x16xf32>,
        %swap3A_1908 = vector.shape_cast %swap3A_1907 : vector<1x1x16xf32> to vector<16xf32>
        %swap3A_1909 = vector.shape_cast %add3A_1902 : vector<16xf32> to vector<1x1x16xf32>
        tpu.vector_store %arg7[%swap3A_1904, %swap3A_1905, %swap3A_1906], %swap3A_1909 {strides = array<i32>} : memref<4x8x2048xf32, #tpu.memory_space<vmem>>, vector<1x1x16xf32>,
        %get3A_1910 = arith.constant 2 : i32
        %get3A_1911 = arith.constant 1 : i32
        %get3A_1912 = arith.index_cast %get3A_1910 : i32 to index
        %get3A_1913 = arith.index_cast %get3A_1911 : i32 to index
        %get3A_1914 = arith.index_cast %mul3A_1888 : i32 to index
        %get3A_1915 = tpu.vector_load %arg7[%get3A_1912, %get3A_1913, %get3A_1914] {strides = array<i32>} : memref<4x8x2048xf32, #tpu.memory_space<vmem>>, vector<1x1x16xf32>,
        %get3A_1916 = vector.shape_cast %get3A_1915 : vector<1x1x16xf32> to vector<16xf32>
        %get3A_1917 = arith.constant 1 : i32
        %get3A_1918 = arith.constant 1 : i32
        %get3A_1919 = arith.index_cast %get3A_1917 : i32 to index
        %get3A_1920 = arith.index_cast %get3A_1918 : i32 to index
        %get3A_1921 = arith.index_cast %mul3A_1888 : i32 to index
        %get3A_1922 = tpu.vector_load %arg8[%get3A_1919, %get3A_1920, %get3A_1921] {strides = array<i32>} : memref<2x8x2048xf32, #tpu.memory_space<vmem>>, vector<1x1x16xf32>,
        %get3A_1923 = vector.shape_cast %get3A_1922 : vector<1x1x16xf32> to vector<16xf32>
        %add3A_1924 = arith.addf %get3A_1916, %get3A_1923 : vector<16xf32>
        %swap3A_1925 = arith.constant 2 : i32
        %swap3A_1926 = arith.constant 1 : i32
        %swap3A_1927 = arith.index_cast %swap3A_1925 : i32 to index
        %swap3A_1928 = arith.index_cast %swap3A_1926 : i32 to index
        %swap3A_1929 = arith.index_cast %mul3A_1888 : i32 to index
        %swap3A_1930 = tpu.vector_load %arg7[%swap3A_1927, %swap3A_1928, %swap3A_1929] {strides = array<i32>} : memref<4x8x2048xf32, #tpu.memory_space<vmem>>, vector<1x1x16xf32>,
        %swap3A_1931 = vector.shape_cast %swap3A_1930 : vector<1x1x16xf32> to vector<16xf32>
        %swap3A_1932 = vector.shape_cast %add3A_1924 : vector<16xf32> to vector<1x1x16xf32>
        tpu.vector_store %arg7[%swap3A_1927, %swap3A_1928, %swap3A_1929], %swap3A_1932 {strides = array<i32>} : memref<4x8x2048xf32, #tpu.memory_space<vmem>>, vector<1x1x16xf32>,
        %get3A_1933 = arith.constant 2 : i32
        %get3A_1934 = arith.constant 2 : i32
        %get3A_1935 = arith.index_cast %get3A_1933 : i32 to index
        %get3A_1936 = arith.index_cast %get3A_1934 : i32 to index
        %get3A_1937 = arith.index_cast %mul3A_1888 : i32 to index
        %get3A_1938 = tpu.vector_load %arg7[%get3A_1935, %get3A_1936, %get3A_1937] {strides = array<i32>} : memref<4x8x2048xf32, #tpu.memory_space<vmem>>, vector<1x1x16xf32>,
        %get3A_1939 = vector.shape_cast %get3A_1938 : vector<1x1x16xf32> to vector<16xf32>
        %get3A_1940 = arith.constant 1 : i32
        %get3A_1941 = arith.constant 2 : i32
        %get3A_1942 = arith.index_cast %get3A_1940 : i32 to index
        %get3A_1943 = arith.index_cast %get3A_1941 : i32 to index
        %get3A_1944 = arith.index_cast %mul3A_1888 : i32 to index
        %get3A_1945 = tpu.vector_load %arg8[%get3A_1942, %get3A_1943, %get3A_1944] {strides = array<i32>} : memref<2x8x2048xf32, #tpu.memory_space<vmem>>, vector<1x1x16xf32>,
        %get3A_1946 = vector.shape_cast %get3A_1945 : vector<1x1x16xf32> to vector<16xf32>
        %add3A_1947 = arith.addf %get3A_1939, %get3A_1946 : vector<16xf32>
        %swap3A_1948 = arith.constant 2 : i32
        %swap3A_1949 = arith.constant 2 : i32
        %swap3A_1950 = arith.index_cast %swap3A_1948 : i32 to index
        %swap3A_1951 = arith.index_cast %swap3A_1949 : i32 to index
        %swap3A_1952 = arith.index_cast %mul3A_1888 : i32 to index
        %swap3A_1953 = tpu.vector_load %arg7[%swap3A_1950, %swap3A_1951, %swap3A_1952] {strides = array<i32>} : memref<4x8x2048xf32, #tpu.memory_space<vmem>>, vector<1x1x16xf32>,
        %swap3A_1954 = vector.shape_cast %swap3A_1953 : vector<1x1x16xf32> to vector<16xf32>
        %swap3A_1955 = vector.shape_cast %add3A_1947 : vector<16xf32> to vector<1x1x16xf32>
        tpu.vector_store %arg7[%swap3A_1950, %swap3A_1951, %swap3A_1952], %swap3A_1955 {strides = array<i32>} : memref<4x8x2048xf32, #tpu.memory_space<vmem>>, vector<1x1x16xf32>,
        %get3A_1956 = arith.constant 2 : i32
        %get3A_1957 = arith.constant 3 : i32
        %get3A_1958 = arith.index_cast %get3A_1956 : i32 to index
        %get3A_1959 = arith.index_cast %get3A_1957 : i32 to index
        %get3A_1960 = arith.index_cast %mul3A_1888 : i32 to index
        %get3A_1961 = tpu.vector_load %arg7[%get3A_1958, %get3A_1959, %get3A_1960] {strides = array<i32>} : memref<4x8x2048xf32, #tpu.memory_space<vmem>>, vector<1x1x16xf32>,
        %get3A_1962 = vector.shape_cast %get3A_1961 : vector<1x1x16xf32> to vector<16xf32>
        %get3A_1963 = arith.constant 1 : i32
        %get3A_1964 = arith.constant 3 : i32
        %get3A_1965 = arith.index_cast %get3A_1963 : i32 to index
        %get3A_1966 = arith.index_cast %get3A_1964 : i32 to index
        %get3A_1967 = arith.index_cast %mul3A_1888 : i32 to index
        %get3A_1968 = tpu.vector_load %arg8[%get3A_1965, %get3A_1966, %get3A_1967] {strides = array<i32>} : memref<2x8x2048xf32, #tpu.memory_space<vmem>>, vector<1x1x16xf32>,
        %get3A_1969 = vector.shape_cast %get3A_1968 : vector<1x1x16xf32> to vector<16xf32>
        %add3A_1970 = arith.addf %get3A_1962, %get3A_1969 : vector<16xf32>
        %swap3A_1971 = arith.constant 2 : i32
        %swap3A_1972 = arith.constant 3 : i32
        %swap3A_1973 = arith.index_cast %swap3A_1971 : i32 to index
        %swap3A_1974 = arith.index_cast %swap3A_1972 : i32 to index
        %swap3A_1975 = arith.index_cast %mul3A_1888 : i32 to index
        %swap3A_1976 = tpu.vector_load %arg7[%swap3A_1973, %swap3A_1974, %swap3A_1975] {strides = array<i32>} : memref<4x8x2048xf32, #tpu.memory_space<vmem>>, vector<1x1x16xf32>,
        %swap3A_1977 = vector.shape_cast %swap3A_1976 : vector<1x1x16xf32> to vector<16xf32>
        %swap3A_1978 = vector.shape_cast %add3A_1970 : vector<16xf32> to vector<1x1x16xf32>
        tpu.vector_store %arg7[%swap3A_1973, %swap3A_1974, %swap3A_1975], %swap3A_1978 {strides = array<i32>} : memref<4x8x2048xf32, #tpu.memory_space<vmem>>, vector<1x1x16xf32>,
        %get3A_1979 = arith.constant 2 : i32
        %get3A_1980 = arith.constant 4 : i32
        %get3A_1981 = arith.index_cast %get3A_1979 : i32 to index
        %get3A_1982 = arith.index_cast %get3A_1980 : i32 to index
        %get3A_1983 = arith.index_cast %mul3A_1888 : i32 to index
        %get3A_1984 = tpu.vector_load %arg7[%get3A_1981, %get3A_1982, %get3A_1983] {strides = array<i32>} : memref<4x8x2048xf32, #tpu.memory_space<vmem>>, vector<1x1x16xf32>,
        %get3A_1985 = vector.shape_cast %get3A_1984 : vector<1x1x16xf32> to vector<16xf32>
        %get3A_1986 = arith.constant 1 : i32
        %get3A_1987 = arith.constant 4 : i32
        %get3A_1988 = arith.index_cast %get3A_1986 : i32 to index
        %get3A_1989 = arith.index_cast %get3A_1987 : i32 to index
        %get3A_1990 = arith.index_cast %mul3A_1888 : i32 to index
        %get3A_1991 = tpu.vector_load %arg8[%get3A_1988, %get3A_1989, %get3A_1990] {strides = array<i32>} : memref<2x8x2048xf32, #tpu.memory_space<vmem>>, vector<1x1x16xf32>,
        %get3A_1992 = vector.shape_cast %get3A_1991 : vector<1x1x16xf32> to vector<16xf32>
        %add3A_1993 = arith.addf %get3A_1985, %get3A_1992 : vector<16xf32>
        %swap3A_1994 = arith.constant 2 : i32
        %swap3A_1995 = arith.constant 4 : i32
        %swap3A_1996 = arith.index_cast %swap3A_1994 : i32 to index
        %swap3A_1997 = arith.index_cast %swap3A_1995 : i32 to index
        %swap3A_1998 = arith.index_cast %mul3A_1888 : i32 to index
        %swap3A_1999 = tpu.vector_load %arg7[%swap3A_1996, %swap3A_1997, %swap3A_1998] {strides = array<i32>} : memref<4x8x2048xf32, #tpu.memory_space<vmem>>, vector<1x1x16xf32>,
        %swap3A_2000 = vector.shape_cast %swap3A_1999 : vector<1x1x16xf32> to vector<16xf32>
        %swap3A_2001 = vector.shape_cast %add3A_1993 : vector<16xf32> to vector<1x1x16xf32>
        tpu.vector_store %arg7[%swap3A_1996, %swap3A_1997, %swap3A_1998], %swap3A_2001 {strides = array<i32>} : memref<4x8x2048xf32, #tpu.memory_space<vmem>>, vector<1x1x16xf32>,
        %get3A_2002 = arith.constant 2 : i32
        %get3A_2003 = arith.constant 5 : i32
        %get3A_2004 = arith.index_cast %get3A_2002 : i32 to index
        %get3A_2005 = arith.index_cast %get3A_2003 : i32 to index
        %get3A_2006 = arith.index_cast %mul3A_1888 : i32 to index
        %get3A_2007 = tpu.vector_load %arg7[%get3A_2004, %get3A_2005, %get3A_2006] {strides = array<i32>} : memref<4x8x2048xf32, #tpu.memory_space<vmem>>, vector<1x1x16xf32>,
        %get3A_2008 = vector.shape_cast %get3A_2007 : vector<1x1x16xf32> to vector<16xf32>
        %get3A_2009 = arith.constant 1 : i32
        %get3A_2010 = arith.constant 5 : i32
        %get3A_2011 = arith.index_cast %get3A_2009 : i32 to index
        %get3A_2012 = arith.index_cast %get3A_2010 : i32 to index
        %get3A_2013 = arith.index_cast %mul3A_1888 : i32 to index
        %get3A_2014 = tpu.vector_load %arg8[%get3A_2011, %get3A_2012, %get3A_2013] {strides = array<i32>} : memref<2x8x2048xf32, #tpu.memory_space<vmem>>, vector<1x1x16xf32>,
        %get3A_2015 = vector.shape_cast %get3A_2014 : vector<1x1x16xf32> to vector<16xf32>
        %add3A_2016 = arith.addf %get3A_2008, %get3A_2015 : vector<16xf32>
        %swap3A_2017 = arith.constant 2 : i32
        %swap3A_2018 = arith.constant 5 : i32
        %swap3A_2019 = arith.index_cast %swap3A_2017 : i32 to index
        %swap3A_2020 = arith.index_cast %swap3A_2018 : i32 to index
        %swap3A_2021 = arith.index_cast %mul3A_1888 : i32 to index
        %swap3A_2022 = tpu.vector_load %arg7[%swap3A_2019, %swap3A_2020, %swap3A_2021] {strides = array<i32>} : memref<4x8x2048xf32, #tpu.memory_space<vmem>>, vector<1x1x16xf32>,
        %swap3A_2023 = vector.shape_cast %swap3A_2022 : vector<1x1x16xf32> to vector<16xf32>
        %swap3A_2024 = vector.shape_cast %add3A_2016 : vector<16xf32> to vector<1x1x16xf32>
        tpu.vector_store %arg7[%swap3A_2019, %swap3A_2020, %swap3A_2021], %swap3A_2024 {strides = array<i32>} : memref<4x8x2048xf32, #tpu.memory_space<vmem>>, vector<1x1x16xf32>,
        %get3A_2025 = arith.constant 2 : i32
        %get3A_2026 = arith.constant 6 : i32
        %get3A_2027 = arith.index_cast %get3A_2025 : i32 to index
        %get3A_2028 = arith.index_cast %get3A_2026 : i32 to index
        %get3A_2029 = arith.index_cast %mul3A_1888 : i32 to index
        %get3A_2030 = tpu.vector_load %arg7[%get3A_2027, %get3A_2028, %get3A_2029] {strides = array<i32>} : memref<4x8x2048xf32, #tpu.memory_space<vmem>>, vector<1x1x16xf32>,
        %get3A_2031 = vector.shape_cast %get3A_2030 : vector<1x1x16xf32> to vector<16xf32>
        %get3A_2032 = arith.constant 1 : i32
        %get3A_2033 = arith.constant 6 : i32
        %get3A_2034 = arith.index_cast %get3A_2032 : i32 to index
        %get3A_2035 = arith.index_cast %get3A_2033 : i32 to index
        %get3A_2036 = arith.index_cast %mul3A_1888 : i32 to index
        %get3A_2037 = tpu.vector_load %arg8[%get3A_2034, %get3A_2035, %get3A_2036] {strides = array<i32>} : memref<2x8x2048xf32, #tpu.memory_space<vmem>>, vector<1x1x16xf32>,
        %get3A_2038 = vector.shape_cast %get3A_2037 : vector<1x1x16xf32> to vector<16xf32>
        %add3A_2039 = arith.addf %get3A_2031, %get3A_2038 : vector<16xf32>
        %swap3A_2040 = arith.constant 2 : i32
        %swap3A_2041 = arith.constant 6 : i32
        %swap3A_2042 = arith.index_cast %swap3A_2040 : i32 to index
        %swap3A_2043 = arith.index_cast %swap3A_2041 : i32 to index
        %swap3A_2044 = arith.index_cast %mul3A_1888 : i32 to index
        %swap3A_2045 = tpu.vector_load %arg7[%swap3A_2042, %swap3A_2043, %swap3A_2044] {strides = array<i32>} : memref<4x8x2048xf32, #tpu.memory_space<vmem>>, vector<1x1x16xf32>,
        %swap3A_2046 = vector.shape_cast %swap3A_2045 : vector<1x1x16xf32> to vector<16xf32>
        %swap3A_2047 = vector.shape_cast %add3A_2039 : vector<16xf32> to vector<1x1x16xf32>
        tpu.vector_store %arg7[%swap3A_2042, %swap3A_2043, %swap3A_2044], %swap3A_2047 {strides = array<i32>} : memref<4x8x2048xf32, #tpu.memory_space<vmem>>, vector<1x1x16xf32>,
        %get3A_2048 = arith.constant 2 : i32
        %get3A_2049 = arith.constant 7 : i32
        %get3A_2050 = arith.index_cast %get3A_2048 : i32 to index
        %get3A_2051 = arith.index_cast %get3A_2049 : i32 to index
        %get3A_2052 = arith.index_cast %mul3A_1888 : i32 to index
        %get3A_2053 = tpu.vector_load %arg7[%get3A_2050, %get3A_2051, %get3A_2052] {strides = array<i32>} : memref<4x8x2048xf32, #tpu.memory_space<vmem>>, vector<1x1x16xf32>,
        %get3A_2054 = vector.shape_cast %get3A_2053 : vector<1x1x16xf32> to vector<16xf32>
        %get3A_2055 = arith.constant 1 : i32
        %get3A_2056 = arith.constant 7 : i32
        %get3A_2057 = arith.index_cast %get3A_2055 : i32 to index
        %get3A_2058 = arith.index_cast %get3A_2056 : i32 to index
        %get3A_2059 = arith.index_cast %mul3A_1888 : i32 to index
        %get3A_2060 = tpu.vector_load %arg8[%get3A_2057, %get3A_2058, %get3A_2059] {strides = array<i32>} : memref<2x8x2048xf32, #tpu.memory_space<vmem>>, vector<1x1x16xf32>,
        %get3A_2061 = vector.shape_cast %get3A_2060 : vector<1x1x16xf32> to vector<16xf32>
        %add3A_2062 = arith.addf %get3A_2054, %get3A_2061 : vector<16xf32>
        %swap3A_2063 = arith.constant 2 : i32
        %swap3A_2064 = arith.constant 7 : i32
        %swap3A_2065 = arith.index_cast %swap3A_2063 : i32 to index
        %swap3A_2066 = arith.index_cast %swap3A_2064 : i32 to index
        %swap3A_2067 = arith.index_cast %mul3A_1888 : i32 to index
        %swap3A_2068 = tpu.vector_load %arg7[%swap3A_2065, %swap3A_2066, %swap3A_2067] {strides = array<i32>} : memref<4x8x2048xf32, #tpu.memory_space<vmem>>, vector<1x1x16xf32>,
        %swap3A_2069 = vector.shape_cast %swap3A_2068 : vector<1x1x16xf32> to vector<16xf32>
        %swap3A_2070 = vector.shape_cast %add3A_2062 : vector<16xf32> to vector<1x1x16xf32>
        tpu.vector_store %arg7[%swap3A_2065, %swap3A_2066, %swap3A_2067], %swap3A_2070 {strides = array<i32>} : memref<4x8x2048xf32, #tpu.memory_space<vmem>>, vector<1x1x16xf32>,
        %scan3A_2071 = arith.constant 0 : i32
        scf.yield %scan3A_2071 : i32
      }
      %scan3A_1621 = arith.constant 128 : i32
      %jit3A_1622 = arith.constant 4 : i32
      %div3A_1623 = arith.divsi %add3A_1488, %jit3A_1622 : i32
      %sign3A_1624 = arith.constant 0 : i32
      %sign3A_1625 = arith.cmpi sgt, %add3A_1488, %sign3A_1624 : i32
      %sign3A_1626 = arith.extui %sign3A_1625 : i1 to i32
      %sign3A_1627 = arith.constant 0 : i32
      %sign3A_1628 = arith.cmpi slt, %add3A_1488, %sign3A_1627 : i32
      %sign3A_1629 = arith.extui %sign3A_1628 : i1 to i32
      %sign3A_1630 = arith.subi %sign3A_1626, %sign3A_1629 : i32
      %sign3A_1631 = arith.constant 0 : i32
      %sign3A_1632 = arith.cmpi sgt, %jit3A_1622, %sign3A_1631 : i32
      %sign3A_1633 = arith.extui %sign3A_1632 : i1 to i32
      %sign3A_1634 = arith.constant 0 : i32
      %sign3A_1635 = arith.cmpi slt, %jit3A_1622, %sign3A_1634 : i32
      %sign3A_1636 = arith.extui %sign3A_1635 : i1 to i32
      %sign3A_1637 = arith.subi %sign3A_1633, %sign3A_1636 : i32
      %ne3A_1638 = arith.cmpi ne, %sign3A_1630, %sign3A_1637 : i32
      %rem3A_1639 = arith.remsi %add3A_1488, %jit3A_1622 : i32
      %ne3A_1640 = arith.constant 0 : i32
      %ne3A_1641 = arith.cmpi ne, %rem3A_1639, %ne3A_1640 : i32
      %and3A_1642 = arith.andi %ne3A_1638, %ne3A_1641 : i1
      %sub3A_1643 = arith.constant 1 : i32
      %sub3A_1644 = arith.subi %div3A_1623, %sub3A_1643 : i32
      %select_n3A_1645 = arith.select %and3A_1642, %sub3A_1644, %div3A_1623 : i32
      %jit3A_1646 = arith.constant 4 : i32
      %eq3A_1647 = arith.constant 0 : i32
      %eq3A_1648 = arith.cmpi eq, %jit3A_1646, %eq3A_1647 : i32
      %jit3A_1649 = arith.constant 1 : i32
      %select_n3A_1650 = arith.select %eq3A_1648, %jit3A_1649, %jit3A_1646 : i32
      %rem3A_1651 = arith.remsi %add3A_1488, %select_n3A_1650 : i32
      %ne3A_1652 = arith.constant 0 : i32
      %ne3A_1653 = arith.cmpi ne, %rem3A_1651, %ne3A_1652 : i32
      %lt3A_1654 = arith.constant 0 : i32
      %lt3A_1655 = arith.cmpi slt, %rem3A_1651, %lt3A_1654 : i32
      %lt3A_1656 = arith.constant 0 : i32
      %lt3A_1657 = arith.cmpi slt, %select_n3A_1650, %lt3A_1656 : i32
      %ne3A_1658 = arith.xori %lt3A_1655, %lt3A_1657 : i1
      %and3A_1659 = arith.andi %ne3A_1658, %ne3A_1653 : i1
      %add3A_1660 = arith.addi %rem3A_1651, %select_n3A_1650 : i32
      %select_n3A_1661 = arith.select %and3A_1659, %add3A_1660, %rem3A_1651 : i32
      %mul3A_1662 = arith.constant 2048 : i32
      %mul3A_1663 = arith.muli %select_n3A_1661, %mul3A_1662 : i32
      %add3A_1664 = arith.addi %mul3A_1663, %mul3A_2 : i32
      %mul3A_1665 = arith.constant 8 : i32
      %mul3A_1666 = arith.muli %select_n3A_1645, %mul3A_1665 : i32
      %add3A_1667 = arith.addi %add3A_1664, %mul3A_1666 : i32
      %dma_start3A_1668 = arith.constant 2 : i32
      %dma_start3A_1669 = arith.constant 0 : i32
      %dma_start3A_1670 = arith.constant 0 : i32
      %dma_start3A_1671 = tpu.memref_slice %arg7[%dma_start3A_1668, %dma_start3A_1669, %dma_start3A_1670] : memref<4x8x2048xf32, #tpu.memory_space<vmem>> -> memref<1x8x2048xf32, #tpu.memory_space<vmem>>
      %dma_start3A_1672 = tpu.memref_squeeze %dma_start3A_1671 : memref<1x8x2048xf32, #tpu.memory_space<vmem>> -> memref<8x2048xf32, #tpu.memory_space<vmem>>
      %dma_start3A_1673 = arith.constant 0 : i32
      %dma_start3A_1674 = tpu.memref_slice %arg5[%add3A_1667, %dma_start3A_1673] : memref<8192x2048xf32, #tpu.memory_space<hbm>> -> memref<8x2048xf32, #tpu.memory_space<hbm>>
      %dma_start3A_1675 = arith.constant 0 : i32
      %dma_start3A_1676 = tpu.memref_slice %arg5[%add3A_1667, %dma_start3A_1675] : memref<8192x2048xf32, #tpu.memory_space<hbm>> -> memref<8x2048xf32, #tpu.memory_space<hbm>>
      %dma_start3A_1677 = arith.constant 0 : i32
      %dma_start3A_1678 = arith.constant 0 : i32
      %dma_start3A_1679 = tpu.memref_slice %arg7[%dma_start3A_1668, %dma_start3A_1677, %dma_start3A_1678] : memref<4x8x2048xf32, #tpu.memory_space<vmem>> -> memref<1x8x2048xf32, #tpu.memory_space<vmem>>
      %dma_start3A_1680 = tpu.memref_squeeze %dma_start3A_1679 : memref<1x8x2048xf32, #tpu.memory_space<vmem>> -> memref<8x2048xf32, #tpu.memory_space<vmem>>
      tpu.enqueue_dma source(%dma_start3A_1680 : memref<8x2048xf32, #tpu.memory_space<vmem>>) target(%dma_start3A_1676 : memref<8x2048xf32, #tpu.memory_space<hbm>>) target_semaphore(%arg17 : memref<!tpu.dma_semaphore, #tpu.memory_space<semaphore_mem>>)
      %mul3A_1681 = arith.constant 8 : i32
      %mul3A_1682 = arith.muli %scan3A_99, %mul3A_1681 : i32
      %add3A_1683 = arith.constant 7 : i32
      %add3A_1684 = arith.addi %mul3A_1682, %add3A_1683 : i32
      %mul3A_1685 = arith.constant 2 : i32
      %mul3A_1686 = arith.muli %scan3A_99, %mul3A_1685 : i32
      %add3A_1687 = arith.constant 1 : i32
      %add3A_1688 = arith.addi %mul3A_1686, %add3A_1687 : i32
      %jit3A_1689 = arith.constant 4 : i32
      %div3A_1690 = arith.divsi %add3A_1684, %jit3A_1689 : i32
      %sign3A_1691 = arith.constant 0 : i32
      %sign3A_1692 = arith.cmpi sgt, %add3A_1684, %sign3A_1691 : i32
      %sign3A_1693 = arith.extui %sign3A_1692 : i1 to i32
      %sign3A_1694 = arith.constant 0 : i32
      %sign3A_1695 = arith.cmpi slt, %add3A_1684, %sign3A_1694 : i32
      %sign3A_1696 = arith.extui %sign3A_1695 : i1 to i32
      %sign3A_1697 = arith.subi %sign3A_1693, %sign3A_1696 : i32
      %sign3A_1698 = arith.constant 0 : i32
      %sign3A_1699 = arith.cmpi sgt, %jit3A_1689, %sign3A_1698 : i32
      %sign3A_1700 = arith.extui %sign3A_1699 : i1 to i32
      %sign3A_1701 = arith.constant 0 : i32
      %sign3A_1702 = arith.cmpi slt, %jit3A_1689, %sign3A_1701 : i32
      %sign3A_1703 = arith.extui %sign3A_1702 : i1 to i32
      %sign3A_1704 = arith.subi %sign3A_1700, %sign3A_1703 : i32
      %ne3A_1705 = arith.cmpi ne, %sign3A_1697, %sign3A_1704 : i32
      %rem3A_1706 = arith.remsi %add3A_1684, %jit3A_1689 : i32
      %ne3A_1707 = arith.constant 0 : i32
      %ne3A_1708 = arith.cmpi ne, %rem3A_1706, %ne3A_1707 : i32
      %and3A_1709 = arith.andi %ne3A_1705, %ne3A_1708 : i1
      %sub3A_1710 = arith.constant 1 : i32
      %sub3A_1711 = arith.subi %div3A_1690, %sub3A_1710 : i32
      %select_n3A_1712 = arith.select %and3A_1709, %sub3A_1711, %div3A_1690 : i32
      %jit3A_1713 = arith.constant 4 : i32
      %eq3A_1714 = arith.constant 0 : i32
      %eq3A_1715 = arith.cmpi eq, %jit3A_1713, %eq3A_1714 : i32
      %jit3A_1716 = arith.constant 1 : i32
      %select_n3A_1717 = arith.select %eq3A_1715, %jit3A_1716, %jit3A_1713 : i32
      %rem3A_1718 = arith.remsi %add3A_1684, %select_n3A_1717 : i32
      %ne3A_1719 = arith.constant 0 : i32
      %ne3A_1720 = arith.cmpi ne, %rem3A_1718, %ne3A_1719 : i32
      %lt3A_1721 = arith.constant 0 : i32
      %lt3A_1722 = arith.cmpi slt, %rem3A_1718, %lt3A_1721 : i32
      %lt3A_1723 = arith.constant 0 : i32
      %lt3A_1724 = arith.cmpi slt, %select_n3A_1717, %lt3A_1723 : i32
      %ne3A_1725 = arith.xori %lt3A_1722, %lt3A_1724 : i1
      %and3A_1726 = arith.andi %ne3A_1725, %ne3A_1720 : i1
      %add3A_1727 = arith.addi %rem3A_1718, %select_n3A_1717 : i32
      %select_n3A_1728 = arith.select %and3A_1726, %add3A_1727, %rem3A_1718 : i32
      %mul3A_1729 = arith.constant 64 : i32
      %mul3A_1730 = arith.muli %select_n3A_1728, %mul3A_1729 : i32
      %mul3A_1731 = arith.constant 8 : i32
      %mul3A_1732 = arith.muli %select_n3A_1712, %mul3A_1731 : i32
      %add3A_1733 = arith.addi %mul3A_1730, %mul3A_1732 : i32
      %dma_wait3A_1734 = arith.constant 3 : i32
      %dma_wait3A_1735 = arith.constant 0 : i32
      %dma_wait3A_1736 = arith.constant 0 : i32
      %dma_wait3A_1737 = tpu.memref_slice %arg7[%dma_wait3A_1734, %dma_wait3A_1735, %dma_wait3A_1736] : memref<4x8x2048xf32, #tpu.memory_space<vmem>> -> memref<1x8x2048xf32, #tpu.memory_space<vmem>>
      %dma_wait3A_1738 = tpu.memref_squeeze %dma_wait3A_1737 : memref<1x8x2048xf32, #tpu.memory_space<vmem>> -> memref<8x2048xf32, #tpu.memory_space<vmem>>
      %dma_wait3A_1739 = tpu.memref_slice %arg6[%add3A_1733] : memref<256xi32, #tpu.memory_space<vmem>> -> memref<8xi32, #tpu.memory_space<vmem>>
      %dma_wait3A_1740 = arith.constant 0 : i32
      %dma_wait3A_1741 = arith.constant 0 : i32
      %dma_wait3A_1742 = tpu.memref_slice %arg3[%dma_wait3A_1740, %dma_wait3A_1741] : memref<50304x2048xf32, #tpu.memory_space<hbm>> -> memref<50304x2048xf32, #tpu.memory_space<hbm>>
      tpu.wait_indirect_dma semaphore(%arg12 : memref<!tpu.dma_semaphore, #tpu.memory_space<semaphore_mem>>) src(%dma_wait3A_1742 : memref<50304x2048xf32, #tpu.memory_space<hbm>>) dst(%dma_wait3A_1738 : memref<8x2048xf32, #tpu.memory_space<vmem>>)
      %sub3A_1743 = arith.constant 2 : i32
      %sub3A_1744 = arith.subi %add3A_1684, %sub3A_1743 : i32
      %jit3A_1745 = arith.constant 4 : i32
      %div3A_1746 = arith.divsi %sub3A_1744, %jit3A_1745 : i32
      %sign3A_1747 = arith.constant 0 : i32
      %sign3A_1748 = arith.cmpi sgt, %sub3A_1744, %sign3A_1747 : i32
      %sign3A_1749 = arith.extui %sign3A_1748 : i1 to i32
      %sign3A_1750 = arith.constant 0 : i32
      %sign3A_1751 = arith.cmpi slt, %sub3A_1744, %sign3A_1750 : i32
      %sign3A_1752 = arith.extui %sign3A_1751 : i1 to i32
      %sign3A_1753 = arith.subi %sign3A_1749, %sign3A_1752 : i32
      %sign3A_1754 = arith.constant 0 : i32
      %sign3A_1755 = arith.cmpi sgt, %jit3A_1745, %sign3A_1754 : i32
      %sign3A_1756 = arith.extui %sign3A_1755 : i1 to i32
      %sign3A_1757 = arith.constant 0 : i32
      %sign3A_1758 = arith.cmpi slt, %jit3A_1745, %sign3A_1757 : i32
      %sign3A_1759 = arith.extui %sign3A_1758 : i1 to i32
      %sign3A_1760 = arith.subi %sign3A_1756, %sign3A_1759 : i32
      %ne3A_1761 = arith.cmpi ne, %sign3A_1753, %sign3A_1760 : i32
      %rem3A_1762 = arith.remsi %sub3A_1744, %jit3A_1745 : i32
      %ne3A_1763 = arith.constant 0 : i32
      %ne3A_1764 = arith.cmpi ne, %rem3A_1762, %ne3A_1763 : i32
      %and3A_1765 = arith.andi %ne3A_1761, %ne3A_1764 : i1
      %sub3A_1766 = arith.constant 1 : i32
      %sub3A_1767 = arith.subi %div3A_1746, %sub3A_1766 : i32
      %select_n3A_1768 = arith.select %and3A_1765, %sub3A_1767, %div3A_1746 : i32
      %jit3A_1769 = arith.constant 4 : i32
      %eq3A_1770 = arith.constant 0 : i32
      %eq3A_1771 = arith.cmpi eq, %jit3A_1769, %eq3A_1770 : i32
      %jit3A_1772 = arith.constant 1 : i32
      %select_n3A_1773 = arith.select %eq3A_1771, %jit3A_1772, %jit3A_1769 : i32
      %rem3A_1774 = arith.remsi %sub3A_1744, %select_n3A_1773 : i32
      %ne3A_1775 = arith.constant 0 : i32
      %ne3A_1776 = arith.cmpi ne, %rem3A_1774, %ne3A_1775 : i32
      %lt3A_1777 = arith.constant 0 : i32
      %lt3A_1778 = arith.cmpi slt, %rem3A_1774, %lt3A_1777 : i32
      %lt3A_1779 = arith.constant 0 : i32
      %lt3A_1780 = arith.cmpi slt, %select_n3A_1773, %lt3A_1779 : i32
      %ne3A_1781 = arith.xori %lt3A_1778, %lt3A_1780 : i1
      %and3A_1782 = arith.andi %ne3A_1781, %ne3A_1776 : i1
      %add3A_1783 = arith.addi %rem3A_1774, %select_n3A_1773 : i32
      %select_n3A_1784 = arith.select %and3A_1782, %add3A_1783, %rem3A_1774 : i32
      %mul3A_1785 = arith.constant 2048 : i32
      %mul3A_1786 = arith.muli %select_n3A_1784, %mul3A_1785 : i32
      %add3A_1787 = arith.addi %mul3A_1786, %mul3A_2 : i32
      %mul3A_1788 = arith.constant 8 : i32
      %mul3A_1789 = arith.muli %select_n3A_1768, %mul3A_1788 : i32
      %add3A_1790 = arith.addi %add3A_1787, %mul3A_1789 : i32
      %dma_wait3A_1791 = arith.constant 1 : i32
      %dma_wait3A_1792 = arith.constant 0 : i32
      %dma_wait3A_1793 = arith.constant 0 : i32
      %dma_wait3A_1794 = tpu.memref_slice %arg7[%dma_wait3A_1791, %dma_wait3A_1792, %dma_wait3A_1793] : memref<4x8x2048xf32, #tpu.memory_space<vmem>> -> memref<1x8x2048xf32, #tpu.memory_space<vmem>>
      %dma_wait3A_1795 = tpu.memref_squeeze %dma_wait3A_1794 : memref<1x8x2048xf32, #tpu.memory_space<vmem>> -> memref<8x2048xf32, #tpu.memory_space<vmem>>
      %dma_wait3A_1796 = arith.constant 0 : i32
      %dma_wait3A_1797 = tpu.memref_slice %arg5[%add3A_1790, %dma_wait3A_1796] : memref<8192x2048xf32, #tpu.memory_space<hbm>> -> memref<8x2048xf32, #tpu.memory_space<hbm>>
      %dma_wait3A_1798 = arith.constant 0 : i32
      %dma_wait3A_1799 = tpu.memref_slice %arg5[%add3A_1790, %dma_wait3A_1798] : memref<8192x2048xf32, #tpu.memory_space<hbm>> -> memref<8x2048xf32, #tpu.memory_space<hbm>>
      %dma_wait3A_1800 = arith.constant 0 : i32
      %dma_wait3A_1801 = arith.constant 0 : i32
      %dma_wait3A_1802 = tpu.memref_slice %arg7[%dma_wait3A_1791, %dma_wait3A_1800, %dma_wait3A_1801] : memref<4x8x2048xf32, #tpu.memory_space<vmem>> -> memref<1x8x2048xf32, #tpu.memory_space<vmem>>
      %dma_wait3A_1803 = tpu.memref_squeeze %dma_wait3A_1802 : memref<1x8x2048xf32, #tpu.memory_space<vmem>> -> memref<8x2048xf32, #tpu.memory_space<vmem>>
      tpu.wait_dma2 semaphore(%arg16 : memref<!tpu.dma_semaphore, #tpu.memory_space<semaphore_mem>>) src(%dma_wait3A_1803 : memref<8x2048xf32, #tpu.memory_space<vmem>>) dst(%dma_wait3A_1799 : memref<8x2048xf32, #tpu.memory_space<hbm>>)
      %add3A_1804 = arith.constant 2 : i32
      %add3A_1805 = arith.addi %add3A_1684, %add3A_1804 : i32
      %lt3A_1806 = arith.constant 32 : i32
      %lt3A_1807 = arith.cmpi slt, %add3A_1805, %lt3A_1806 : i32
      %convert_element_type3A_1808 = arith.extui %lt3A_1807 : i1 to i32
      %cond3A_1809 = arith.constant 0 : i32
      %cond3A_1810 = arith.cmpi ne, %convert_element_type3A_1808, %cond3A_1809 : i32
      scf.if %cond3A_1810 {
        %add3A_1885 = arith.constant 2 : i32
        %add3A_1886 = arith.addi %add3A_1684, %add3A_1885 : i32
        %jit3A_1887 = arith.constant 4 : i32
        %div3A_1888 = arith.divsi %add3A_1886, %jit3A_1887 : i32
        %sign3A_1889 = arith.constant 0 : i32
        %sign3A_1890 = arith.cmpi sgt, %add3A_1886, %sign3A_1889 : i32
        %sign3A_1891 = arith.extui %sign3A_1890 : i1 to i32
        %sign3A_1892 = arith.constant 0 : i32
        %sign3A_1893 = arith.cmpi slt, %add3A_1886, %sign3A_1892 : i32
        %sign3A_1894 = arith.extui %sign3A_1893 : i1 to i32
        %sign3A_1895 = arith.subi %sign3A_1891, %sign3A_1894 : i32
        %sign3A_1896 = arith.constant 0 : i32
        %sign3A_1897 = arith.cmpi sgt, %jit3A_1887, %sign3A_1896 : i32
        %sign3A_1898 = arith.extui %sign3A_1897 : i1 to i32
        %sign3A_1899 = arith.constant 0 : i32
        %sign3A_1900 = arith.cmpi slt, %jit3A_1887, %sign3A_1899 : i32
        %sign3A_1901 = arith.extui %sign3A_1900 : i1 to i32
        %sign3A_1902 = arith.subi %sign3A_1898, %sign3A_1901 : i32
        %ne3A_1903 = arith.cmpi ne, %sign3A_1895, %sign3A_1902 : i32
        %rem3A_1904 = arith.remsi %add3A_1886, %jit3A_1887 : i32
        %ne3A_1905 = arith.constant 0 : i32
        %ne3A_1906 = arith.cmpi ne, %rem3A_1904, %ne3A_1905 : i32
        %and3A_1907 = arith.andi %ne3A_1903, %ne3A_1906 : i1
        %sub3A_1908 = arith.constant 1 : i32
        %sub3A_1909 = arith.subi %div3A_1888, %sub3A_1908 : i32
        %select_n3A_1910 = arith.select %and3A_1907, %sub3A_1909, %div3A_1888 : i32
        %jit3A_1911 = arith.constant 4 : i32
        %eq3A_1912 = arith.constant 0 : i32
        %eq3A_1913 = arith.cmpi eq, %jit3A_1911, %eq3A_1912 : i32
        %jit3A_1914 = arith.constant 1 : i32
        %select_n3A_1915 = arith.select %eq3A_1913, %jit3A_1914, %jit3A_1911 : i32
        %rem3A_1916 = arith.remsi %add3A_1886, %select_n3A_1915 : i32
        %ne3A_1917 = arith.constant 0 : i32
        %ne3A_1918 = arith.cmpi ne, %rem3A_1916, %ne3A_1917 : i32
        %lt3A_1919 = arith.constant 0 : i32
        %lt3A_1920 = arith.cmpi slt, %rem3A_1916, %lt3A_1919 : i32
        %lt3A_1921 = arith.constant 0 : i32
        %lt3A_1922 = arith.cmpi slt, %select_n3A_1915, %lt3A_1921 : i32
        %ne3A_1923 = arith.xori %lt3A_1920, %lt3A_1922 : i1
        %and3A_1924 = arith.andi %ne3A_1923, %ne3A_1918 : i1
        %add3A_1925 = arith.addi %rem3A_1916, %select_n3A_1915 : i32
        %select_n3A_1926 = arith.select %and3A_1924, %add3A_1925, %rem3A_1916 : i32
        %mul3A_1927 = arith.constant 64 : i32
        %mul3A_1928 = arith.muli %select_n3A_1926, %mul3A_1927 : i32
        %mul3A_1929 = arith.constant 8 : i32
        %mul3A_1930 = arith.muli %select_n3A_1910, %mul3A_1929 : i32
        %add3A_1931 = arith.addi %mul3A_1928, %mul3A_1930 : i32
        %dma_start3A_1932 = arith.constant 1 : i32
        %dma_start3A_1933 = arith.constant 0 : i32
        %dma_start3A_1934 = arith.constant 0 : i32
        %dma_start3A_1935 = tpu.memref_slice %arg7[%dma_start3A_1932, %dma_start3A_1933, %dma_start3A_1934] : memref<4x8x2048xf32, #tpu.memory_space<vmem>> -> memref<1x8x2048xf32, #tpu.memory_space<vmem>>
        %dma_start3A_1936 = tpu.memref_squeeze %dma_start3A_1935 : memref<1x8x2048xf32, #tpu.memory_space<vmem>> -> memref<8x2048xf32, #tpu.memory_space<vmem>>
        %dma_start3A_1937 = tpu.memref_slice %arg6[%add3A_1931] : memref<256xi32, #tpu.memory_space<vmem>> -> memref<8xi32, #tpu.memory_space<vmem>>
        %dma_start3A_1938 = arith.constant 0 : i32
        %dma_start3A_1939 = arith.constant 0 : i32
        %dma_start3A_1940 = tpu.memref_slice %arg3[%dma_start3A_1938, %dma_start3A_1939] : memref<50304x2048xf32, #tpu.memory_space<hbm>> -> memref<50304x2048xf32, #tpu.memory_space<hbm>>
        tpu.enqueue_indirect_dma source(%dma_start3A_1940 : memref<50304x2048xf32, #tpu.memory_space<hbm>>) target(%dma_start3A_1936 : memref<8x2048xf32, #tpu.memory_space<vmem>>) offsets(%dma_start3A_1937 : memref<8xi32, #tpu.memory_space<vmem>>) semaphore(%arg10 : memref<!tpu.dma_semaphore, #tpu.memory_space<semaphore_mem>>)
      } else {
      }
      %scan3A_1811 = arith.constant 0 : i32
      %scan3A_1812 = arith.constant 0 : i32
      %scan3A_1813 = arith.constant 128 : i32
      %scan3A_1814 = arith.addi %scan3A_1812, %scan3A_1813 : i32
      %scan3A_1815 = arith.constant 1 : i32
      %scan3A_1816 = scf.for %scan3A_1885 = %scan3A_1812 to %scan3A_1814 step %scan3A_1815 iter_args(%scan3A_1886 = %scan3A_1811) -> (i32)  : i32 {
        %mul3A_1887 = arith.constant 16 : i32
        %mul3A_1888 = arith.muli %scan3A_1885, %mul3A_1887 : i32
        %get3A = arith.constant 3 : i32
        %get3A_1889 = arith.constant 0 : i32
        %get3A_1890 = arith.index_cast %get3A : i32 to index
        %get3A_1891 = arith.index_cast %get3A_1889 : i32 to index
        %get3A_1892 = arith.index_cast %mul3A_1888 : i32 to index
        %get3A_1893 = tpu.vector_load %arg7[%get3A_1890, %get3A_1891, %get3A_1892] {strides = array<i32>} : memref<4x8x2048xf32, #tpu.memory_space<vmem>>, vector<1x1x16xf32>,
        %get3A_1894 = vector.shape_cast %get3A_1893 : vector<1x1x16xf32> to vector<16xf32>
        %get3A_1895 = arith.constant 1 : i32
        %get3A_1896 = arith.constant 0 : i32
        %get3A_1897 = arith.index_cast %get3A_1895 : i32 to index
        %get3A_1898 = arith.index_cast %get3A_1896 : i32 to index
        %get3A_1899 = arith.index_cast %mul3A_1888 : i32 to index
        %get3A_1900 = tpu.vector_load %arg8[%get3A_1897, %get3A_1898, %get3A_1899] {strides = array<i32>} : memref<2x8x2048xf32, #tpu.memory_space<vmem>>, vector<1x1x16xf32>,
        %get3A_1901 = vector.shape_cast %get3A_1900 : vector<1x1x16xf32> to vector<16xf32>
        %add3A_1902 = arith.addf %get3A_1894, %get3A_1901 : vector<16xf32>
        %swap3A = arith.constant 3 : i32
        %swap3A_1903 = arith.constant 0 : i32
        %swap3A_1904 = arith.index_cast %swap3A : i32 to index
        %swap3A_1905 = arith.index_cast %swap3A_1903 : i32 to index
        %swap3A_1906 = arith.index_cast %mul3A_1888 : i32 to index
        %swap3A_1907 = tpu.vector_load %arg7[%swap3A_1904, %swap3A_1905, %swap3A_1906] {strides = array<i32>} : memref<4x8x2048xf32, #tpu.memory_space<vmem>>, vector<1x1x16xf32>,
        %swap3A_1908 = vector.shape_cast %swap3A_1907 : vector<1x1x16xf32> to vector<16xf32>
        %swap3A_1909 = vector.shape_cast %add3A_1902 : vector<16xf32> to vector<1x1x16xf32>
        tpu.vector_store %arg7[%swap3A_1904, %swap3A_1905, %swap3A_1906], %swap3A_1909 {strides = array<i32>} : memref<4x8x2048xf32, #tpu.memory_space<vmem>>, vector<1x1x16xf32>,
        %get3A_1910 = arith.constant 3 : i32
        %get3A_1911 = arith.constant 1 : i32
        %get3A_1912 = arith.index_cast %get3A_1910 : i32 to index
        %get3A_1913 = arith.index_cast %get3A_1911 : i32 to index
        %get3A_1914 = arith.index_cast %mul3A_1888 : i32 to index
        %get3A_1915 = tpu.vector_load %arg7[%get3A_1912, %get3A_1913, %get3A_1914] {strides = array<i32>} : memref<4x8x2048xf32, #tpu.memory_space<vmem>>, vector<1x1x16xf32>,
        %get3A_1916 = vector.shape_cast %get3A_1915 : vector<1x1x16xf32> to vector<16xf32>
        %get3A_1917 = arith.constant 1 : i32
        %get3A_1918 = arith.constant 1 : i32
        %get3A_1919 = arith.index_cast %get3A_1917 : i32 to index
        %get3A_1920 = arith.index_cast %get3A_1918 : i32 to index
        %get3A_1921 = arith.index_cast %mul3A_1888 : i32 to index
        %get3A_1922 = tpu.vector_load %arg8[%get3A_1919, %get3A_1920, %get3A_1921] {strides = array<i32>} : memref<2x8x2048xf32, #tpu.memory_space<vmem>>, vector<1x1x16xf32>,
        %get3A_1923 = vector.shape_cast %get3A_1922 : vector<1x1x16xf32> to vector<16xf32>
        %add3A_1924 = arith.addf %get3A_1916, %get3A_1923 : vector<16xf32>
        %swap3A_1925 = arith.constant 3 : i32
        %swap3A_1926 = arith.constant 1 : i32
        %swap3A_1927 = arith.index_cast %swap3A_1925 : i32 to index
        %swap3A_1928 = arith.index_cast %swap3A_1926 : i32 to index
        %swap3A_1929 = arith.index_cast %mul3A_1888 : i32 to index
        %swap3A_1930 = tpu.vector_load %arg7[%swap3A_1927, %swap3A_1928, %swap3A_1929] {strides = array<i32>} : memref<4x8x2048xf32, #tpu.memory_space<vmem>>, vector<1x1x16xf32>,
        %swap3A_1931 = vector.shape_cast %swap3A_1930 : vector<1x1x16xf32> to vector<16xf32>
        %swap3A_1932 = vector.shape_cast %add3A_1924 : vector<16xf32> to vector<1x1x16xf32>
        tpu.vector_store %arg7[%swap3A_1927, %swap3A_1928, %swap3A_1929], %swap3A_1932 {strides = array<i32>} : memref<4x8x2048xf32, #tpu.memory_space<vmem>>, vector<1x1x16xf32>,
        %get3A_1933 = arith.constant 3 : i32
        %get3A_1934 = arith.constant 2 : i32
        %get3A_1935 = arith.index_cast %get3A_1933 : i32 to index
        %get3A_1936 = arith.index_cast %get3A_1934 : i32 to index
        %get3A_1937 = arith.index_cast %mul3A_1888 : i32 to index
        %get3A_1938 = tpu.vector_load %arg7[%get3A_1935, %get3A_1936, %get3A_1937] {strides = array<i32>} : memref<4x8x2048xf32, #tpu.memory_space<vmem>>, vector<1x1x16xf32>,
        %get3A_1939 = vector.shape_cast %get3A_1938 : vector<1x1x16xf32> to vector<16xf32>
        %get3A_1940 = arith.constant 1 : i32
        %get3A_1941 = arith.constant 2 : i32
        %get3A_1942 = arith.index_cast %get3A_1940 : i32 to index
        %get3A_1943 = arith.index_cast %get3A_1941 : i32 to index
        %get3A_1944 = arith.index_cast %mul3A_1888 : i32 to index
        %get3A_1945 = tpu.vector_load %arg8[%get3A_1942, %get3A_1943, %get3A_1944] {strides = array<i32>} : memref<2x8x2048xf32, #tpu.memory_space<vmem>>, vector<1x1x16xf32>,
        %get3A_1946 = vector.shape_cast %get3A_1945 : vector<1x1x16xf32> to vector<16xf32>
        %add3A_1947 = arith.addf %get3A_1939, %get3A_1946 : vector<16xf32>
        %swap3A_1948 = arith.constant 3 : i32
        %swap3A_1949 = arith.constant 2 : i32
        %swap3A_1950 = arith.index_cast %swap3A_1948 : i32 to index
        %swap3A_1951 = arith.index_cast %swap3A_1949 : i32 to index
        %swap3A_1952 = arith.index_cast %mul3A_1888 : i32 to index
        %swap3A_1953 = tpu.vector_load %arg7[%swap3A_1950, %swap3A_1951, %swap3A_1952] {strides = array<i32>} : memref<4x8x2048xf32, #tpu.memory_space<vmem>>, vector<1x1x16xf32>,
        %swap3A_1954 = vector.shape_cast %swap3A_1953 : vector<1x1x16xf32> to vector<16xf32>
        %swap3A_1955 = vector.shape_cast %add3A_1947 : vector<16xf32> to vector<1x1x16xf32>
        tpu.vector_store %arg7[%swap3A_1950, %swap3A_1951, %swap3A_1952], %swap3A_1955 {strides = array<i32>} : memref<4x8x2048xf32, #tpu.memory_space<vmem>>, vector<1x1x16xf32>,
        %get3A_1956 = arith.constant 3 : i32
        %get3A_1957 = arith.constant 3 : i32
        %get3A_1958 = arith.index_cast %get3A_1956 : i32 to index
        %get3A_1959 = arith.index_cast %get3A_1957 : i32 to index
        %get3A_1960 = arith.index_cast %mul3A_1888 : i32 to index
        %get3A_1961 = tpu.vector_load %arg7[%get3A_1958, %get3A_1959, %get3A_1960] {strides = array<i32>} : memref<4x8x2048xf32, #tpu.memory_space<vmem>>, vector<1x1x16xf32>,
        %get3A_1962 = vector.shape_cast %get3A_1961 : vector<1x1x16xf32> to vector<16xf32>
        %get3A_1963 = arith.constant 1 : i32
        %get3A_1964 = arith.constant 3 : i32
        %get3A_1965 = arith.index_cast %get3A_1963 : i32 to index
        %get3A_1966 = arith.index_cast %get3A_1964 : i32 to index
        %get3A_1967 = arith.index_cast %mul3A_1888 : i32 to index
        %get3A_1968 = tpu.vector_load %arg8[%get3A_1965, %get3A_1966, %get3A_1967] {strides = array<i32>} : memref<2x8x2048xf32, #tpu.memory_space<vmem>>, vector<1x1x16xf32>,
        %get3A_1969 = vector.shape_cast %get3A_1968 : vector<1x1x16xf32> to vector<16xf32>
        %add3A_1970 = arith.addf %get3A_1962, %get3A_1969 : vector<16xf32>
        %swap3A_1971 = arith.constant 3 : i32
        %swap3A_1972 = arith.constant 3 : i32
        %swap3A_1973 = arith.index_cast %swap3A_1971 : i32 to index
        %swap3A_1974 = arith.index_cast %swap3A_1972 : i32 to index
        %swap3A_1975 = arith.index_cast %mul3A_1888 : i32 to index
        %swap3A_1976 = tpu.vector_load %arg7[%swap3A_1973, %swap3A_1974, %swap3A_1975] {strides = array<i32>} : memref<4x8x2048xf32, #tpu.memory_space<vmem>>, vector<1x1x16xf32>,
        %swap3A_1977 = vector.shape_cast %swap3A_1976 : vector<1x1x16xf32> to vector<16xf32>
        %swap3A_1978 = vector.shape_cast %add3A_1970 : vector<16xf32> to vector<1x1x16xf32>
        tpu.vector_store %arg7[%swap3A_1973, %swap3A_1974, %swap3A_1975], %swap3A_1978 {strides = array<i32>} : memref<4x8x2048xf32, #tpu.memory_space<vmem>>, vector<1x1x16xf32>,
        %get3A_1979 = arith.constant 3 : i32
        %get3A_1980 = arith.constant 4 : i32
        %get3A_1981 = arith.index_cast %get3A_1979 : i32 to index
        %get3A_1982 = arith.index_cast %get3A_1980 : i32 to index
        %get3A_1983 = arith.index_cast %mul3A_1888 : i32 to index
        %get3A_1984 = tpu.vector_load %arg7[%get3A_1981, %get3A_1982, %get3A_1983] {strides = array<i32>} : memref<4x8x2048xf32, #tpu.memory_space<vmem>>, vector<1x1x16xf32>,
        %get3A_1985 = vector.shape_cast %get3A_1984 : vector<1x1x16xf32> to vector<16xf32>
        %get3A_1986 = arith.constant 1 : i32
        %get3A_1987 = arith.constant 4 : i32
        %get3A_1988 = arith.index_cast %get3A_1986 : i32 to index
        %get3A_1989 = arith.index_cast %get3A_1987 : i32 to index
        %get3A_1990 = arith.index_cast %mul3A_1888 : i32 to index
        %get3A_1991 = tpu.vector_load %arg8[%get3A_1988, %get3A_1989, %get3A_1990] {strides = array<i32>} : memref<2x8x2048xf32, #tpu.memory_space<vmem>>, vector<1x1x16xf32>,
        %get3A_1992 = vector.shape_cast %get3A_1991 : vector<1x1x16xf32> to vector<16xf32>
        %add3A_1993 = arith.addf %get3A_1985, %get3A_1992 : vector<16xf32>
        %swap3A_1994 = arith.constant 3 : i32
        %swap3A_1995 = arith.constant 4 : i32
        %swap3A_1996 = arith.index_cast %swap3A_1994 : i32 to index
        %swap3A_1997 = arith.index_cast %swap3A_1995 : i32 to index
        %swap3A_1998 = arith.index_cast %mul3A_1888 : i32 to index
        %swap3A_1999 = tpu.vector_load %arg7[%swap3A_1996, %swap3A_1997, %swap3A_1998] {strides = array<i32>} : memref<4x8x2048xf32, #tpu.memory_space<vmem>>, vector<1x1x16xf32>,
        %swap3A_2000 = vector.shape_cast %swap3A_1999 : vector<1x1x16xf32> to vector<16xf32>
        %swap3A_2001 = vector.shape_cast %add3A_1993 : vector<16xf32> to vector<1x1x16xf32>
        tpu.vector_store %arg7[%swap3A_1996, %swap3A_1997, %swap3A_1998], %swap3A_2001 {strides = array<i32>} : memref<4x8x2048xf32, #tpu.memory_space<vmem>>, vector<1x1x16xf32>,
        %get3A_2002 = arith.constant 3 : i32
        %get3A_2003 = arith.constant 5 : i32
        %get3A_2004 = arith.index_cast %get3A_2002 : i32 to index
        %get3A_2005 = arith.index_cast %get3A_2003 : i32 to index
        %get3A_2006 = arith.index_cast %mul3A_1888 : i32 to index
        %get3A_2007 = tpu.vector_load %arg7[%get3A_2004, %get3A_2005, %get3A_2006] {strides = array<i32>} : memref<4x8x2048xf32, #tpu.memory_space<vmem>>, vector<1x1x16xf32>,
        %get3A_2008 = vector.shape_cast %get3A_2007 : vector<1x1x16xf32> to vector<16xf32>
        %get3A_2009 = arith.constant 1 : i32
        %get3A_2010 = arith.constant 5 : i32
        %get3A_2011 = arith.index_cast %get3A_2009 : i32 to index
        %get3A_2012 = arith.index_cast %get3A_2010 : i32 to index
        %get3A_2013 = arith.index_cast %mul3A_1888 : i32 to index
        %get3A_2014 = tpu.vector_load %arg8[%get3A_2011, %get3A_2012, %get3A_2013] {strides = array<i32>} : memref<2x8x2048xf32, #tpu.memory_space<vmem>>, vector<1x1x16xf32>,
        %get3A_2015 = vector.shape_cast %get3A_2014 : vector<1x1x16xf32> to vector<16xf32>
        %add3A_2016 = arith.addf %get3A_2008, %get3A_2015 : vector<16xf32>
        %swap3A_2017 = arith.constant 3 : i32
        %swap3A_2018 = arith.constant 5 : i32
        %swap3A_2019 = arith.index_cast %swap3A_2017 : i32 to index
        %swap3A_2020 = arith.index_cast %swap3A_2018 : i32 to index
        %swap3A_2021 = arith.index_cast %mul3A_1888 : i32 to index
        %swap3A_2022 = tpu.vector_load %arg7[%swap3A_2019, %swap3A_2020, %swap3A_2021] {strides = array<i32>} : memref<4x8x2048xf32, #tpu.memory_space<vmem>>, vector<1x1x16xf32>,
        %swap3A_2023 = vector.shape_cast %swap3A_2022 : vector<1x1x16xf32> to vector<16xf32>
        %swap3A_2024 = vector.shape_cast %add3A_2016 : vector<16xf32> to vector<1x1x16xf32>
        tpu.vector_store %arg7[%swap3A_2019, %swap3A_2020, %swap3A_2021], %swap3A_2024 {strides = array<i32>} : memref<4x8x2048xf32, #tpu.memory_space<vmem>>, vector<1x1x16xf32>,
        %get3A_2025 = arith.constant 3 : i32
        %get3A_2026 = arith.constant 6 : i32
        %get3A_2027 = arith.index_cast %get3A_2025 : i32 to index
        %get3A_2028 = arith.index_cast %get3A_2026 : i32 to index
        %get3A_2029 = arith.index_cast %mul3A_1888 : i32 to index
        %get3A_2030 = tpu.vector_load %arg7[%get3A_2027, %get3A_2028, %get3A_2029] {strides = array<i32>} : memref<4x8x2048xf32, #tpu.memory_space<vmem>>, vector<1x1x16xf32>,
        %get3A_2031 = vector.shape_cast %get3A_2030 : vector<1x1x16xf32> to vector<16xf32>
        %get3A_2032 = arith.constant 1 : i32
        %get3A_2033 = arith.constant 6 : i32
        %get3A_2034 = arith.index_cast %get3A_2032 : i32 to index
        %get3A_2035 = arith.index_cast %get3A_2033 : i32 to index
        %get3A_2036 = arith.index_cast %mul3A_1888 : i32 to index
        %get3A_2037 = tpu.vector_load %arg8[%get3A_2034, %get3A_2035, %get3A_2036] {strides = array<i32>} : memref<2x8x2048xf32, #tpu.memory_space<vmem>>, vector<1x1x16xf32>,
        %get3A_2038 = vector.shape_cast %get3A_2037 : vector<1x1x16xf32> to vector<16xf32>
        %add3A_2039 = arith.addf %get3A_2031, %get3A_2038 : vector<16xf32>
        %swap3A_2040 = arith.constant 3 : i32
        %swap3A_2041 = arith.constant 6 : i32
        %swap3A_2042 = arith.index_cast %swap3A_2040 : i32 to index
        %swap3A_2043 = arith.index_cast %swap3A_2041 : i32 to index
        %swap3A_2044 = arith.index_cast %mul3A_1888 : i32 to index
        %swap3A_2045 = tpu.vector_load %arg7[%swap3A_2042, %swap3A_2043, %swap3A_2044] {strides = array<i32>} : memref<4x8x2048xf32, #tpu.memory_space<vmem>>, vector<1x1x16xf32>,
        %swap3A_2046 = vector.shape_cast %swap3A_2045 : vector<1x1x16xf32> to vector<16xf32>
        %swap3A_2047 = vector.shape_cast %add3A_2039 : vector<16xf32> to vector<1x1x16xf32>
        tpu.vector_store %arg7[%swap3A_2042, %swap3A_2043, %swap3A_2044], %swap3A_2047 {strides = array<i32>} : memref<4x8x2048xf32, #tpu.memory_space<vmem>>, vector<1x1x16xf32>,
        %get3A_2048 = arith.constant 3 : i32
        %get3A_2049 = arith.constant 7 : i32
        %get3A_2050 = arith.index_cast %get3A_2048 : i32 to index
        %get3A_2051 = arith.index_cast %get3A_2049 : i32 to index
        %get3A_2052 = arith.index_cast %mul3A_1888 : i32 to index
        %get3A_2053 = tpu.vector_load %arg7[%get3A_2050, %get3A_2051, %get3A_2052] {strides = array<i32>} : memref<4x8x2048xf32, #tpu.memory_space<vmem>>, vector<1x1x16xf32>,
        %get3A_2054 = vector.shape_cast %get3A_2053 : vector<1x1x16xf32> to vector<16xf32>
        %get3A_2055 = arith.constant 1 : i32
        %get3A_2056 = arith.constant 7 : i32
        %get3A_2057 = arith.index_cast %get3A_2055 : i32 to index
        %get3A_2058 = arith.index_cast %get3A_2056 : i32 to index
        %get3A_2059 = arith.index_cast %mul3A_1888 : i32 to index
        %get3A_2060 = tpu.vector_load %arg8[%get3A_2057, %get3A_2058, %get3A_2059] {strides = array<i32>} : memref<2x8x2048xf32, #tpu.memory_space<vmem>>, vector<1x1x16xf32>,
        %get3A_2061 = vector.shape_cast %get3A_2060 : vector<1x1x16xf32> to vector<16xf32>
        %add3A_2062 = arith.addf %get3A_2054, %get3A_2061 : vector<16xf32>
        %swap3A_2063 = arith.constant 3 : i32
        %swap3A_2064 = arith.constant 7 : i32
        %swap3A_2065 = arith.index_cast %swap3A_2063 : i32 to index
        %swap3A_2066 = arith.index_cast %swap3A_2064 : i32 to index
        %swap3A_2067 = arith.index_cast %mul3A_1888 : i32 to index
        %swap3A_2068 = tpu.vector_load %arg7[%swap3A_2065, %swap3A_2066, %swap3A_2067] {strides = array<i32>} : memref<4x8x2048xf32, #tpu.memory_space<vmem>>, vector<1x1x16xf32>,
        %swap3A_2069 = vector.shape_cast %swap3A_2068 : vector<1x1x16xf32> to vector<16xf32>
        %swap3A_2070 = vector.shape_cast %add3A_2062 : vector<16xf32> to vector<1x1x16xf32>
        tpu.vector_store %arg7[%swap3A_2065, %swap3A_2066, %swap3A_2067], %swap3A_2070 {strides = array<i32>} : memref<4x8x2048xf32, #tpu.memory_space<vmem>>, vector<1x1x16xf32>,
        %scan3A_2071 = arith.constant 0 : i32
        scf.yield %scan3A_2071 : i32
      }
      %scan3A_1817 = arith.constant 128 : i32
      %jit3A_1818 = arith.constant 4 : i32
      %div3A_1819 = arith.divsi %add3A_1684, %jit3A_1818 : i32
      %sign3A_1820 = arith.constant 0 : i32
      %sign3A_1821 = arith.cmpi sgt, %add3A_1684, %sign3A_1820 : i32
      %sign3A_1822 = arith.extui %sign3A_1821 : i1 to i32
      %sign3A_1823 = arith.constant 0 : i32
      %sign3A_1824 = arith.cmpi slt, %add3A_1684, %sign3A_1823 : i32
      %sign3A_1825 = arith.extui %sign3A_1824 : i1 to i32
      %sign3A_1826 = arith.subi %sign3A_1822, %sign3A_1825 : i32
      %sign3A_1827 = arith.constant 0 : i32
      %sign3A_1828 = arith.cmpi sgt, %jit3A_1818, %sign3A_1827 : i32
      %sign3A_1829 = arith.extui %sign3A_1828 : i1 to i32
      %sign3A_1830 = arith.constant 0 : i32
      %sign3A_1831 = arith.cmpi slt, %jit3A_1818, %sign3A_1830 : i32
      %sign3A_1832 = arith.extui %sign3A_1831 : i1 to i32
      %sign3A_1833 = arith.subi %sign3A_1829, %sign3A_1832 : i32
      %ne3A_1834 = arith.cmpi ne, %sign3A_1826, %sign3A_1833 : i32
      %rem3A_1835 = arith.remsi %add3A_1684, %jit3A_1818 : i32
      %ne3A_1836 = arith.constant 0 : i32
      %ne3A_1837 = arith.cmpi ne, %rem3A_1835, %ne3A_1836 : i32
      %and3A_1838 = arith.andi %ne3A_1834, %ne3A_1837 : i1
      %sub3A_1839 = arith.constant 1 : i32
      %sub3A_1840 = arith.subi %div3A_1819, %sub3A_1839 : i32
      %select_n3A_1841 = arith.select %and3A_1838, %sub3A_1840, %div3A_1819 : i32
      %jit3A_1842 = arith.constant 4 : i32
      %eq3A_1843 = arith.constant 0 : i32
      %eq3A_1844 = arith.cmpi eq, %jit3A_1842, %eq3A_1843 : i32
      %jit3A_1845 = arith.constant 1 : i32
      %select_n3A_1846 = arith.select %eq3A_1844, %jit3A_1845, %jit3A_1842 : i32
      %rem3A_1847 = arith.remsi %add3A_1684, %select_n3A_1846 : i32
      %ne3A_1848 = arith.constant 0 : i32
      %ne3A_1849 = arith.cmpi ne, %rem3A_1847, %ne3A_1848 : i32
      %lt3A_1850 = arith.constant 0 : i32
      %lt3A_1851 = arith.cmpi slt, %rem3A_1847, %lt3A_1850 : i32
      %lt3A_1852 = arith.constant 0 : i32
      %lt3A_1853 = arith.cmpi slt, %select_n3A_1846, %lt3A_1852 : i32
      %ne3A_1854 = arith.xori %lt3A_1851, %lt3A_1853 : i1
      %and3A_1855 = arith.andi %ne3A_1854, %ne3A_1849 : i1
      %add3A_1856 = arith.addi %rem3A_1847, %select_n3A_1846 : i32
      %select_n3A_1857 = arith.select %and3A_1855, %add3A_1856, %rem3A_1847 : i32
      %mul3A_1858 = arith.constant 2048 : i32
      %mul3A_1859 = arith.muli %select_n3A_1857, %mul3A_1858 : i32
      %add3A_1860 = arith.addi %mul3A_1859, %mul3A_2 : i32
      %mul3A_1861 = arith.constant 8 : i32
      %mul3A_1862 = arith.muli %select_n3A_1841, %mul3A_1861 : i32
      %add3A_1863 = arith.addi %add3A_1860, %mul3A_1862 : i32
      %dma_start3A_1864 = arith.constant 3 : i32
      %dma_start3A_1865 = arith.constant 0 : i32
      %dma_start3A_1866 = arith.constant 0 : i32
      %dma_start3A_1867 = tpu.memref_slice %arg7[%dma_start3A_1864, %dma_start3A_1865, %dma_start3A_1866] : memref<4x8x2048xf32, #tpu.memory_space<vmem>> -> memref<1x8x2048xf32, #tpu.memory_space<vmem>>
      %dma_start3A_1868 = tpu.memref_squeeze %dma_start3A_1867 : memref<1x8x2048xf32, #tpu.memory_space<vmem>> -> memref<8x2048xf32, #tpu.memory_space<vmem>>
      %dma_start3A_1869 = arith.constant 0 : i32
      %dma_start3A_1870 = tpu.memref_slice %arg5[%add3A_1863, %dma_start3A_1869] : memref<8192x2048xf32, #tpu.memory_space<hbm>> -> memref<8x2048xf32, #tpu.memory_space<hbm>>
      %dma_start3A_1871 = arith.constant 0 : i32
      %dma_start3A_1872 = tpu.memref_slice %arg5[%add3A_1863, %dma_start3A_1871] : memref<8192x2048xf32, #tpu.memory_space<hbm>> -> memref<8x2048xf32, #tpu.memory_space<hbm>>
      %dma_start3A_1873 = arith.constant 0 : i32
      %dma_start3A_1874 = arith.constant 0 : i32
      %dma_start3A_1875 = tpu.memref_slice %arg7[%dma_start3A_1864, %dma_start3A_1873, %dma_start3A_1874] : memref<4x8x2048xf32, #tpu.memory_space<vmem>> -> memref<1x8x2048xf32, #tpu.memory_space<vmem>>
      %dma_start3A_1876 = tpu.memref_squeeze %dma_start3A_1875 : memref<1x8x2048xf32, #tpu.memory_space<vmem>> -> memref<8x2048xf32, #tpu.memory_space<vmem>>
      tpu.enqueue_dma source(%dma_start3A_1876 : memref<8x2048xf32, #tpu.memory_space<vmem>>) target(%dma_start3A_1872 : memref<8x2048xf32, #tpu.memory_space<hbm>>) target_semaphore(%arg18 : memref<!tpu.dma_semaphore, #tpu.memory_space<semaphore_mem>>)
      %add3A_1877 = arith.constant 2 : i32
      %add3A_1878 = arith.addi %add3A_1688, %add3A_1877 : i32
      %lt3A_1879 = arith.constant 8 : i32
      %lt3A_1880 = arith.cmpi slt, %add3A_1878, %lt3A_1879 : i32
      %convert_element_type3A_1881 = arith.extui %lt3A_1880 : i1 to i32
      %cond3A_1882 = arith.constant 0 : i32
      %cond3A_1883 = arith.cmpi ne, %convert_element_type3A_1881, %cond3A_1882 : i32
      scf.if %cond3A_1883 {
        %add3A_1885 = arith.constant 2 : i32
        %add3A_1886 = arith.addi %add3A_1688, %add3A_1885 : i32
        %mul3A_1887 = arith.constant 8 : i32
        %mul3A_1888 = arith.muli %add3A_1886, %mul3A_1887 : i32
        %add3A_1889 = arith.addi %mul3A_2, %mul3A_1888 : i32
        %dma_start3A_1890 = arith.constant 1 : i32
        %dma_start3A_1891 = arith.constant 0 : i32
        %dma_start3A_1892 = arith.constant 0 : i32
        %dma_start3A_1893 = tpu.memref_slice %arg8[%dma_start3A_1890, %dma_start3A_1891, %dma_start3A_1892] : memref<2x8x2048xf32, #tpu.memory_space<vmem>> -> memref<1x8x2048xf32, #tpu.memory_space<vmem>>
        %dma_start3A_1894 = tpu.memref_squeeze %dma_start3A_1893 : memref<1x8x2048xf32, #tpu.memory_space<vmem>> -> memref<8x2048xf32, #tpu.memory_space<vmem>>
        %dma_start3A_1895 = arith.constant 0 : i32
        %dma_start3A_1896 = tpu.memref_slice %arg4[%add3A_1889, %dma_start3A_1895] : memref<2048x2048xf32, #tpu.memory_space<hbm>> -> memref<8x2048xf32, #tpu.memory_space<hbm>>
        %dma_start3A_1897 = arith.constant 0 : i32
        %dma_start3A_1898 = arith.constant 0 : i32
        %dma_start3A_1899 = tpu.memref_slice %arg8[%dma_start3A_1890, %dma_start3A_1897, %dma_start3A_1898] : memref<2x8x2048xf32, #tpu.memory_space<vmem>> -> memref<1x8x2048xf32, #tpu.memory_space<vmem>>
        %dma_start3A_1900 = tpu.memref_squeeze %dma_start3A_1899 : memref<1x8x2048xf32, #tpu.memory_space<vmem>> -> memref<8x2048xf32, #tpu.memory_space<vmem>>
        %dma_start3A_1901 = arith.constant 0 : i32
        %dma_start3A_1902 = tpu.memref_slice %arg4[%add3A_1889, %dma_start3A_1901] : memref<2048x2048xf32, #tpu.memory_space<hbm>> -> memref<8x2048xf32, #tpu.memory_space<hbm>>
        tpu.enqueue_dma source(%dma_start3A_1902 : memref<8x2048xf32, #tpu.memory_space<hbm>>) target(%dma_start3A_1900 : memref<8x2048xf32, #tpu.memory_space<vmem>>) target_semaphore(%arg14 : memref<!tpu.dma_semaphore, #tpu.memory_space<semaphore_mem>>)
      } else {
      }
      %scan3A_1884 = arith.constant 0 : i32
      scf.yield %scan3A_1884 : i32
    }
    %scan3A_65 = arith.constant 4 : i32
    %add3A_66 = arith.constant 4096 : i32
    %add3A_67 = arith.addi %add3A_66, %mul3A_2 : i32
    %add3A_68 = arith.constant 56 : i32
    %add3A_69 = arith.addi %add3A_67, %add3A_68 : i32
    %dma_wait3A = arith.constant 2 : i32
    %dma_wait3A_70 = arith.constant 0 : i32
    %dma_wait3A_71 = arith.constant 0 : i32
    %dma_wait3A_72 = tpu.memref_slice %arg7[%dma_wait3A, %dma_wait3A_70, %dma_wait3A_71] : memref<4x8x2048xf32, #tpu.memory_space<vmem>> -> memref<1x8x2048xf32, #tpu.memory_space<vmem>>
    %dma_wait3A_73 = tpu.memref_squeeze %dma_wait3A_72 : memref<1x8x2048xf32, #tpu.memory_space<vmem>> -> memref<8x2048xf32, #tpu.memory_space<vmem>>
    %dma_wait3A_74 = arith.constant 0 : i32
    %dma_wait3A_75 = tpu.memref_slice %arg5[%add3A_69, %dma_wait3A_74] : memref<8192x2048xf32, #tpu.memory_space<hbm>> -> memref<8x2048xf32, #tpu.memory_space<hbm>>
    %dma_wait3A_76 = arith.constant 0 : i32
    %dma_wait3A_77 = tpu.memref_slice %arg5[%add3A_69, %dma_wait3A_76] : memref<8192x2048xf32, #tpu.memory_space<hbm>> -> memref<8x2048xf32, #tpu.memory_space<hbm>>
    %dma_wait3A_78 = arith.constant 0 : i32
    %dma_wait3A_79 = arith.constant 0 : i32
    %dma_wait3A_80 = tpu.memref_slice %arg7[%dma_wait3A, %dma_wait3A_78, %dma_wait3A_79] : memref<4x8x2048xf32, #tpu.memory_space<vmem>> -> memref<1x8x2048xf32, #tpu.memory_space<vmem>>
    %dma_wait3A_81 = tpu.memref_squeeze %dma_wait3A_80 : memref<1x8x2048xf32, #tpu.memory_space<vmem>> -> memref<8x2048xf32, #tpu.memory_space<vmem>>
    tpu.wait_dma2 semaphore(%arg17 : memref<!tpu.dma_semaphore, #tpu.memory_space<semaphore_mem>>) src(%dma_wait3A_81 : memref<8x2048xf32, #tpu.memory_space<vmem>>) dst(%dma_wait3A_77 : memref<8x2048xf32, #tpu.memory_space<hbm>>)
    %add3A_82 = arith.constant 6144 : i32
    %add3A_83 = arith.addi %add3A_82, %mul3A_2 : i32
    %add3A_84 = arith.constant 56 : i32
    %add3A_85 = arith.addi %add3A_83, %add3A_84 : i32
    %dma_wait3A_86 = arith.constant 3 : i32
    %dma_wait3A_87 = arith.constant 0 : i32
    %dma_wait3A_88 = arith.constant 0 : i32
    %dma_wait3A_89 = tpu.memref_slice %arg7[%dma_wait3A_86, %dma_wait3A_87, %dma_wait3A_88] : memref<4x8x2048xf32, #tpu.memory_space<vmem>> -> memref<1x8x2048xf32, #tpu.memory_space<vmem>>
    %dma_wait3A_90 = tpu.memref_squeeze %dma_wait3A_89 : memref<1x8x2048xf32, #tpu.memory_space<vmem>> -> memref<8x2048xf32, #tpu.memory_space<vmem>>
    %dma_wait3A_91 = arith.constant 0 : i32
    %dma_wait3A_92 = tpu.memref_slice %arg5[%add3A_85, %dma_wait3A_91] : memref<8192x2048xf32, #tpu.memory_space<hbm>> -> memref<8x2048xf32, #tpu.memory_space<hbm>>
    %dma_wait3A_93 = arith.constant 0 : i32
    %dma_wait3A_94 = tpu.memref_slice %arg5[%add3A_85, %dma_wait3A_93] : memref<8192x2048xf32, #tpu.memory_space<hbm>> -> memref<8x2048xf32, #tpu.memory_space<hbm>>
    %dma_wait3A_95 = arith.constant 0 : i32
    %dma_wait3A_96 = arith.constant 0 : i32
    %dma_wait3A_97 = tpu.memref_slice %arg7[%dma_wait3A_86, %dma_wait3A_95, %dma_wait3A_96] : memref<4x8x2048xf32, #tpu.memory_space<vmem>> -> memref<1x8x2048xf32, #tpu.memory_space<vmem>>
    %dma_wait3A_98 = tpu.memref_squeeze %dma_wait3A_97 : memref<1x8x2048xf32, #tpu.memory_space<vmem>> -> memref<8x2048xf32, #tpu.memory_space<vmem>>
    tpu.wait_dma2 semaphore(%arg18 : memref<!tpu.dma_semaphore, #tpu.memory_space<semaphore_mem>>) src(%dma_wait3A_98 : memref<8x2048xf32, #tpu.memory_space<vmem>>) dst(%dma_wait3A_94 : memref<8x2048xf32, #tpu.memory_space<hbm>>)
    return
  }
}

</mosaic_0001>

<sc_bundles>
// kernel: kernel.3.cloned.1.call-start
scs
__scs_entry_jumppad:
0x0: {  	(pc) =	sbr.rel $0x88, $3  }
0x1: {  	(tag) =	ssettag $0x0;
	lr =	simm.s32 $0x1  }
0x2: {  	[smem:$0x3F9E] =	sst lr;
	_ =	strace $0xD0000000  }
0x3: {  	_ = 	snop  }
0x4: {  	_ = 	snop  }
0x5: {  	_ = 	snop  }
0x6: {  	_ = 	snop  }
0x7: {  	_ = 	snop  }
__scs_overlays_trampoline_lowered:
0x8: {  	[smem:$0x3FAD] =	sst s0  }
0x9: {  	[smem:$0x3FAE] =	sst s1  }
0xa: {  	[smem:$0x3FAF] =	sst s2  }
0xb: {  	[smem:$0x3FB0] =	sst s3  }
0xc: {  	[smem:$0x3FB1] =	sst s4  }
0xd: {  	[smem:$0x3FB2] =	sst s5  }
0xe: {  	[smem:$0x3FB3] =	sst s6  }
0xf: {  	[smem:$0x3FB4] =	sst s7  }
0x10: {  	[smem:$0x3FB5] =	sst s8  }
0x11: {  	[smem:$0x3FB6] =	sst s9;
	s0 =	simm.s32 @!p0 $0x0  }
0x12: {  	s1 =	sld [smem:$0x3F9C];
	s0 =	simm.s32 @p0 $0x1  }
0x13: {  	[smem:$0x3FB7] =	sst s0;
	s0 =	simm.s32 @!p1 $0x0  }
0x14: {  	s2 =	sld [smem:$0x3F9B];
	s0 =	simm.s32 @p1 $0x1  }
0x15: {  	[smem:$0x3FB8] =	sst s0;
	s0 =	simm.s32 @!p2 $0x0  }
0x16: {  	s3 =	sld [smem:$0x3FDB];
	s0 =	simm.s32 @p2 $0x1  }
0x17: {  	s4 =	simm.s32 $0x1BF5;
	[smem:$0x3FBA] =	sst s0  }
0x18: {  	s0 =	sld [smem:$0x3F9D];
	_ =	swait.ge [sflag:s4], $0x0  }
0x19: {  	s7 =	sld [smem:$0x3F9E]  }
0x1a: {  	s8 =	sadd.s32 $0xFFFFE003, lr  }
0x1b: {  	s9 =	sadd.s32 $0xFFFFFEF7, lr;
	s5 =	simm.s32 $0xFFFFFFFF;
	p2 =	slt.u32 s8, $0xFFFFF086  }
0x1c: {  	p1 =	slt.u32 s9, $0xF7A;
	s5 =	simm.s32 @!p2 $0x0  }
0x1d: {  	s5 =	simm.s32 @p1 $0x1;
	p0 =	seq.s32 s7, s2  }
0x1e: {  	s7 =	smul.u32 @!p0 $0xF7A, s2;
	p2 =	seq.s32 @!p0 s5, $0x0  }
0x1f: {  	s9 =	smul.u32 $0xF7A, s1;
	s8 =	simm.s32 @!p0 $0x1BF5;
	p2 =	por !p2, p0  }
0x20: {  	[sflag:s8] =	ssyncset.s32 @!p0 $0xFFFFF086;
	s6 =	sadd.s32 @!p0 s3, s7;
	s7 =	simm.s32 @!p0 $0x108  }
0x21: {  	s3 =	sadd.s32 s3, s9;
	s6 =	sadd.s32 @!p0 $0x88, s6;
	s7 =	simm.s32 @p2 $0x1082  }
0x22: {  	[simem:s7], [sflag:s8] =	dma.local @!p0 [hbm:s6], $0xF7A  }
0x23: {  	s9 =	sor.u32 $0xD0000000, s2;
	s6 =	simm.s32 $0x108;
	_ =	swait.ge @!p0 [sflag:s8], $0x0  }
0x24: {  	s3 =	sadd.s32 $0x88, s3;
	s6 =	simm.s32 @!p1 $0x1082;
	[sflag:s4] =	ssyncset.s32 $0xFFFFF086  }
0x25: {  	[simem:s6], [sflag:s4] =	dma.local [hbm:s3], $0xF7A  }
0x26: {  	[smem:$0x3F9E] =	sst s1;
	(tag) =	ssettag s2;
	_ =	strace s9  }
0x27: {  	s1 =	sld [smem:$0x3FAE]  }
0x28: {  	s2 =	sld [smem:$0x3FAF]  }
0x29: {  	s4 =	sld [smem:$0x3FB1]  }
0x2a: {  	p0 =	seq.s32 s5, $0x0;
	s5 =	sld [smem:$0x3FB2]  }
0x2b: {  	s6 =	sld [smem:$0x3FB3]  }
0x2c: {  	s7 =	sld [smem:$0x3FB4]  }
0x2d: {  	s3 =	simm.s32 $0x108;
	s8 =	sld [smem:$0x3FB5]  }
0x2e: {  	s3 =	simm.s32 @!p0 $0x1082;
	s9 =	sld [smem:$0x3FB6]  }
0x2f: {  	lr =	sadd.s32 s0, s3;
	s0 =	sld [smem:$0x3FAD]  }
0x30: {  	s3 =	sld [smem:$0x3FB0]  }
0x31: {  	[smem:$0x3FB9] =	sst s10  }
0x32: {  	s10 =	sld [smem:$0x3FB7];
	_ =	sdelay $0x3  }
0x33: {  	p0 =	seq.s32 s10, $0x1;
	s10 =	sld [smem:$0x3FB9];
	_ =	sdelay $0x3  }
0x34: {  	[smem:$0x3FB9] =	sst s10  }
0x35: {  	s10 =	sld [smem:$0x3FB8];
	_ =	sdelay $0x3  }
0x36: {  	p1 =	seq.s32 s10, $0x1;
	s10 =	sld [smem:$0x3FB9];
	_ =	sdelay $0x3  }
0x37: {  	[smem:$0x3FB9] =	sst s10  }
0x38: {  	s10 =	sld [smem:$0x3FBA]  }
0x39: {  	_ = 	snop;
	(pc) =	sbr.ind lr, $3  }
0x3a: {  	_ = 	snop  }
0x3b: {  	_ = 	snop  }
0x3c: {  	p2 =	seq.s32 s10, $0x1;
	s10 =	sld [smem:$0x3FB9]  }
0x3d: {  	_ =	shalt  }
0x3e: {  	_ =	shalt  }
0x3f: {  	_ =	shalt  }
0x40: {  	_ =	shalt  }
0x41: {  	_ =	shalt  }
0x42: {  	_ =	shalt  }
0x43: {  	_ =	shalt  }
0x44: {  	_ =	shalt  }
0x45: {  	_ =	shalt  }
0x46: {  	_ =	shalt  }
0x47: {  	_ =	shalt  }
0x48: {  	_ =	shalt  }
0x49: {  	_ =	shalt  }
0x4a: {  	_ =	shalt  }
0x4b: {  	_ =	shalt  }
0x4c: {  	_ =	shalt  }
0x4d: {  	_ =	shalt  }
0x4e: {  	_ =	shalt  }
0x4f: {  	_ =	shalt  }
0x50: {  	_ =	shalt  }
0x51: {  	_ =	shalt  }
0x52: {  	_ =	shalt  }
0x53: {  	_ =	shalt  }
0x54: {  	_ =	shalt  }
0x55: {  	_ =	shalt  }
0x56: {  	_ =	shalt  }
0x57: {  	_ =	shalt  }
0x58: {  	_ =	shalt  }
0x59: {  	_ =	shalt  }
0x5a: {  	_ =	shalt  }
0x5b: {  	_ =	shalt  }
0x5c: {  	_ =	shalt  }
0x5d: {  	_ =	shalt  }
0x5e: {  	_ =	shalt  }
0x5f: {  	_ =	shalt  }
0x60: {  	_ =	shalt  }
0x61: {  	_ =	shalt  }
0x62: {  	_ =	shalt  }
0x63: {  	_ =	shalt  }
0x64: {  	_ =	shalt  }
0x65: {  	_ =	shalt  }
0x66: {  	_ =	shalt  }
0x67: {  	_ =	shalt  }
0x68: {  	_ =	shalt  }
0x69: {  	_ =	shalt  }
0x6a: {  	_ =	shalt  }
0x6b: {  	_ =	shalt  }
0x6c: {  	_ =	shalt  }
0x6d: {  	_ =	shalt  }
0x6e: {  	_ =	shalt  }
0x6f: {  	_ =	shalt  }
0x70: {  	_ =	shalt  }
0x71: {  	_ =	shalt  }
0x72: {  	_ =	shalt  }
0x73: {  	_ =	shalt  }
0x74: {  	_ =	shalt  }
0x75: {  	_ =	shalt  }
0x76: {  	_ =	shalt  }
0x77: {  	_ =	shalt  }
0x78: {  	_ =	shalt  }
0x79: {  	_ =	shalt  }
0x7a: {  	_ =	shalt  }
0x7b: {  	_ =	shalt  }
0x7c: {  	_ =	shalt  }
0x7d: {  	_ =	shalt  }
0x7e: {  	_ =	shalt  }
0x7f: {  	_ =	shalt  }
0x80: {  	_ =	shalt  }
0x81: {  	_ =	shalt  }
0x82: {  	_ =	shalt  }
0x83: {  	_ =	shalt  }
0x84: {  	_ =	shalt  }
0x85: {  	_ =	shalt  }
0x86: {  	_ =	shalt  }
0x87: {  	_ =	shalt  }
.Lfunc_end0:
.L_simem_size_0:
called_computation_lowered:
.L_overlay_start_0:
0x88: {  	s2 =	sld [smem:$0x3FD9]  }
0x89: {  	s3 =	sld [smem:$0x3FFE];
	_ =	sdelay $0x1  }
0x8a: {  	s1 =	srdreg.scid  }
0x8b: {  	s0 =	sand.u32 $0x1, s1  }
0x8c: {  	s17 =	sshll.u32 s0, $0xA;
	s2 =	sadd.s32 s3, s2  }
0x8d: {  	s2 =	sadd.s32 s2, s17  }
0x8e: {  	[smem:$0x3FC5] =	sst s2  }
0x8f: {  	_ = 	snop  }
0x90: {  	s2 =	sld [smem:$0x3FC8]  }
0x91: {  	s18 =	sld [smem:$0x3FC7]  }
0x92: {  	s4 =	sld [smem:$0x3FD0];
	(tm) =	ssettm $0x1  }
0x93: {  	s5 =	sld [smem:$0x3FFB];
	_ =	sdelay $0x3  }
0x94: {  	_ =	strace s5  }
0x95: {  	s5 =	sld [smem:$0x3FFC];
	_ =	sdelay $0x3  }
0x96: {  	_ =	strace s5  }
0x97: {  	s5 =	sld [smem:$0x3FFD];
	_ =	sdelay $0x3  }
0x98: {  	_ =	strace s5  }
0x99: {  	_ =	strace $0x8FFFFFFF  }
0x9a: {  	s19 =	sld [smem:$0x3FDB];
	_ =	sdelay $0x1  }
0x9b: {  	s6 =	simm.s32 $_scs_section_size  }
0x9c: {  	s7 =	simm.s32 $_size__tile_overlayer_lowered;
	s8 =	simm.s32 $_tile_overlayer_lowered  }
0x9d: {  	s22 =	simm.s32 $0x1BFF;
	s21 =	sshll.u32 s8, $0x1;
	s5 =	sadd.s32 s6, s19  }
0x9e: {  	s9 =	simm.s32 $0x0;
	s20 =	sshll.u32 s7, $0x1;
	s7 =	sadd.s32 s21, s5  }
0x9f: {  	[timem:s9], [sflag:s22] =	dma.local [hbm:s7], s20  }
0xa0: {  	_ =	swait.ge [sflag:s22], s20  }
0xa1: {  	s6 =	ssub.s32 $0x0, s20;
	[sflag:s22] =	ssyncset.done $0x0  }
0xa2: {  	[sflag:s22] =	ssyncadd.s32 s6;
	_ =	sdelay $0x1  }
0xa3: {  	s23 =	simm.s32 $0x1B8B  }
0xa4: {  	_ =	swait.ge [sflag:s23], $0x1  }
0xa5: {  	[sflag:s23] =	ssyncset.done $0x0  }
0xa6: {  	s25 =	simm.s32 $0x1B8E;
	s24 =	sld [smem:$0x3FFE];
	[sflag:s23] =	ssyncadd.s32 $0xFFFFFFFF  }
0xa7: {  	s26 =	simm.s32 $execute0_lowered;
	[smem:$0x3FD2] =	sst s25  }
0xa8: {  	s7 =	sshll.u32 s26, $0x1;
	_ =	strace $0x80000046;
	[dreg:$0x1] =	wrdreg $0xFFFFFFFF  }
0xa9: {  	s28 =	simm.s32 $_size_execute0_lowered;
	s5 =	sadd.s32 s5, s7;
	[dreg:$0x0] =	wrdreg $0x0  }
0xaa: {  	s7 =	sshll.u32 s28, $0x1;
	[dreg:$0x2] =	wrdreg s5  }
0xab: {  	[dreg:$0x3] =	wrdreg s7  }
0xac: {  	[dreg:$0x4] =	wrdreg $0xC0  }
0xad: {  	_ =	task [dreg:s9], $0x5FFFF  }
0xae: {  	[dreg:$0x1] =	wrdreg $0xFFFFFFFF  }
0xaf: {  	[dreg:$0x0] =	wrdreg $0x60  }
0xb0: {  	[dreg:$0x2] =	wrdreg s24  }
0xb1: {  	[dreg:$0x3] =	wrdreg s2  }
0xb2: {  	[dreg:$0x4] =	wrdreg s18  }
0xb3: {  	[dreg:$0x5] =	wrdreg s4  }
0xb4: {  	[dreg:$0x6] =	wrdreg $0x9  }
0xb5: {  	_ =	task.clear_ibuf [dreg:s9], $0x7FFFF;
	_ =	strace $0x90000046  }
0xb6: {  	s29 =	simm.s32 $0x9;
	_ =	strace $0x80000048  }
0xb7: {  	_ =	swait.ge [sflag:s29], $0x1  }
0xb8: {  	[sflag:s29] =	ssyncadd.s32 $0xFFFFFFFF  }
0xb9: {  	_ =	strace $0x90000048  }
0xba: {  	_ =	sfence  }
0xbb: {  	s30 =	sld [smem:$0x0];
	_ =	sdelay $0x2  }
0xbc: {  	s31 =	sshll.u32 s1, $0xD;
	s1 =	sshrl.u32 s1, $0x2  }
0xbd: {  	s3 =	sand.u32 $0x4000, s31;
	s1 =	sadd.s32 s1, s30  }
0xbe: {  	s0 =	sor.u32 s3, s0;
	s1 =	sshll.u32 s1, $0x11  }
0xbf: {  	s0 =	sor.u32 s1, s0  }
0xc0: {  	s0 =	sadd.s32 $0x8F2B, s0  }
0xc1: {  	[sflag:s0] =	ssyncadd.remote.s32 $0x1  }
0xc2: {  	_ =	sfence.sel $0xFFFF  }
0xc3: {  	[dreg:$0x0] =	wrdreg $0xFFFFFFFF;
	(pc) =	sbr.abs _section_cstart, $3  }
0xc4: {  	[dreg:$0x1] =	wrdreg $0xFFFFFFFF  }
0xc5: {  	_ =	task.clear_ibuf [dreg:s9], $0x2FFFF;
	_ =	strace $0x9FFFFFFF  }
0xc6: {  	(tm) =	ssettm $0x7FFFFFFF  }
0xc7: {  	_ =	shalt  }
tec
execute0_lowered:
.L_overlay_start_1:
0x0: {  	(tag) =	ssettag $0x1  }
0x1: {  	s0 =	rddreg [dreg:$0x0]  }
0x2: {  	s2 =	rddreg [dreg:$0x1]  }
0x3: {  	s6 =	rddreg [dreg:$0x2];
	s1 =	srdreg.scid  }
0x4: {  	s7 =	rddreg [dreg:$0x3];
	s3 =	stileid.u32;
	s5 =	simm.s32 $0x0  }
0x5: {  	s10 =	simm.s32 $0x8100;
	s28 =	simm.s32 $0x3;
	s30 =	simm.s32 $0x4  }
0x6: {  	s31 =	simm.s32 $0x8;
	s1 =	sand.u32 $0x1, s1;
	s3 =	sshll.u32 s3, $0x7  }
0x7: {  	[smem:$0x7FF] =	sst s5;
	s14 =	sadd.s32 $0x100, s2;
	s15 =	sadd.s32 $0x200, s2  }
0x8: {  	s23 =	sadd.s32 $0x80000, s7;
	s24 =	sadd.s32 $0x100000, s7;
	s4 =	sshll.u32 s1, $0x6  }
0x9: {  	s1 =	ssub.s32 $0x2, s1;
	_ =	strace $0x80000047;
	[dreg:$0xc] =	wrdreg s23  }
0xa: {  	[dreg:$0xd] =	wrdreg s24;
	s8 =	sor.u32 s4, s3;
	s16 =	sshrl.u32 s1, $0x1  }
0xb: {  	s3 =	sshrl.u32 s8, $0x3;
	s1 =	ssub.s32 s1, s16;
	s19 =	sshll.u32 s8, $0x8  }
0xc: {  	s22 =	smov.u32 s8;
	[dreg:$0x7] =	wrdreg s19;
	s21 =	sadd.s32 s6, s19  }
0xd: {  	s16 =	sadd.s32 $0x300, s2;
	s25 =	sor.u32 $0x2, s3;
	[dreg:$0xa] =	wrdreg s21  }
0xe: {  	s8 =	simm.s32 $0x1;
	s26 =	sor.u32 $0x3, s3;
	[dreg:$0xe] =	wrdreg s25  }
0xf: {  	s0 =	sadd.s32 s3, s0;
	s29 =	smax.u32 s1, $0x1;
	[dreg:$0xf] =	wrdreg s26  }
0x10: {  	s19 =	sadd.s32 $0x600, s2;
	s17 =	sadd.s32 $0x400, s0;
	[dreg:$0x10] =	wrdreg s29  }
0x11: {  	s3 =	simm.s32 $0xC100;
	s18 =	sadd.s32 $0x500, s0;
	[dreg:$0x5] =	wrdreg s17  }
.Ltmp0:
0x12: {  	s20 =	sadd.s32 $0x600, s0;
	[dreg:$0x6] =	wrdreg s18;
	(pc) =	sbr.rel .LBB2_1-.Ltmp0, $4  }
0x13: {  	s1 =	simm.s32 $0x7;
	s0 =	sadd.s32 $0x700, s0;
	[dreg:$0x8] =	wrdreg s20  }
0x14: {  	v0 =	vlaneseq.u32;
	s26 =	sadd.s32 $0x180000, s7;
	s7 =	simm.s32 $0x0;
	[dreg:$0x9] =	wrdreg s0  }
0x15: {  	v1 =	vshrl.u32 v0, $0x3;
	s0 =	sadd.s32 $0x800, s21;
	s17 =	sadd.s32 $0x400, s2;
	s18 =	sadd.s32 $0x500, s2  }
0x16: {  	vm0 =	vmmov $0xffff;
	v0 =	vand.u32 $0x7, v0;
	v1 =	vmul.u32 $0x8, v1;
	s20 =	sadd.s32 $0x700, s2;
	[dreg:$0xb] =	wrdreg s0;
	s0 =	simm.s32 $0x2  }
.LBB2_20:
0x17: {  	s4 =	simm.s32 $0x9  }
0x18: {  	_ =	swait.ge [sflag:s4], $0x4000  }
0x19: {  	[sflag:s4] =	ssyncset.done $0x0  }
0x1a: {  	s6 =	simm.s32 $0xA;
	[sflag:s4] =	ssyncadd.s32 $0xFFFFC000  }
0x1b: {  	_ =	swait.ge [sflag:s6], $0x4000  }
0x1c: {  	s7 =	rddreg [dreg:$0x11]  }
0x1d: {  	s29 =	rddreg [dreg:$0x10];
	s7 =	sadd.s32 $0x1, s7  }
0x1e: {  	p0 =	sne.s32 s7, s29  }
.Ltmp1:
0x1f: {  	_ = 	snop;
	(pc) =	sbr.rel @!p0 .LBB2_21-.Ltmp1, $3  }
0x20: {  	_ =	sdelay $0x1  }
0x21: {  	[sflag:s6] =	ssyncset.done $0x0  }
0x22: {  	[sflag:s6] =	ssyncadd.s32 $0xFFFFC000  }
.LBB2_1:
0x23: {  	[dreg:$0x11] =	wrdreg s7  }
0x24: {  	s4 =	rddreg [dreg:$0x5];
	s6 =	simm.s32 $0xB  }
0x25: {  	[tilespmem:s5], [sflag:$0xB] =	stream.linear.gather [hbm4b:s4+s5], $0x40, $0x38;
	[tilespmem:$0x18100] =	vst v63  }
0x26: {  	_ =	swait.ge [sflag:s6], $0x40  }
0x27: {  	[sflag:s6] =	ssyncset.done $0x0  }
0x28: {  	s21 =	simm.s32 $0x40;
	s13 =	rddreg [dreg:$0x6];
	[sflag:s6] =	ssyncadd.s32 $0xFFFFFFC0  }
0x29: {  	[tilespmem:s21], [sflag:$0xB] =	stream.linear.gather [hbm4b:s13+s5], $0x40, $0x38;
	[tilespmem:$0x18100] =	vst v63  }
0x2a: {  	_ =	swait.ge [sflag:s6], $0x40  }
0x2b: {  	[sflag:s6] =	ssyncset.done $0x0  }
0x2c: {  	s24 =	simm.s32 $0x80;
	s23 =	rddreg [dreg:$0x8];
	[sflag:s6] =	ssyncadd.s32 $0xFFFFFFC0  }
0x2d: {  	[tilespmem:s24], [sflag:$0xB] =	stream.linear.gather [hbm4b:s23+s5], $0x40, $0x38;
	[tilespmem:$0x18100] =	vst v63  }
0x2e: {  	_ =	swait.ge [sflag:s6], $0x40  }
0x2f: {  	[sflag:s6] =	ssyncset.done $0x0  }
0x30: {  	s29 =	simm.s32 $0xC0;
	s25 =	rddreg [dreg:$0x9];
	[sflag:s6] =	ssyncadd.s32 $0xFFFFFFC0  }
0x31: {  	[tilespmem:s29], [sflag:$0xB] =	stream.linear.gather [hbm4b:s25+s5], $0x40, $0x38;
	[tilespmem:$0x18100] =	vst v63  }
0x32: {  	_ =	swait.ge [sflag:s6], $0x40  }
0x33: {  	[sflag:s6] =	ssyncset.done $0x0  }
0x34: {  	s11 =	simm.s32 $0x10100;
	s9 =	rddreg [dreg:$0xa];
	[sflag:s6] =	ssyncadd.s32 $0xFFFFFFC0  }
0x35: {  	[tilespmem:s11], [sflag:$0x5] =	stream.linear.gather [hbm4b:s9+s5], $0x4000, $0x38;
	[tilespmem:$0x18100] =	vst v63  }
0x36: {  	s13 =	simm.s32 $0x14100;
	s12 =	rddreg [dreg:$0xb]  }
0x37: {  	[tilespmem:s13], [sflag:$0x6] =	stream.linear.gather [hbm4b:s12+s5], $0x4000, $0x38;
	[tilespmem:$0x18100] =	vst v63  }
0x38: {  	v2 =	vld.msk [tilespmem:$0x0], $0xff;
	_ =	sdelay $0x4  }
0x39: {  	v3 =	vshll.u32 v2, $0x4  }
0x3a: {  	v2 =	vand.u32 $0x7, v2;
	v3 =	vand.u32 $0xFFFFFF80, v3  }
0x3b: {  	v2 =	vor.u32 v2, v3  }
0x3c: {  	v2 =	vperm.xlane v2, v0;
	_ =	sdelay $0x1  }
0x3d: {  	v2 =	vadd.s32 v1, v2;
	_ =	sdelay $0x3  }
0x3e: {  	s21 =	simm.s32 $0x100  }
0x3f: {  	[tilespmem:s21], [sflag:$0x1] =	stream.indirect_vreg.gather [hbm4b:s2+s5], $0x80, v2, vm0, $0xb8;
	[tilespmem:$0x18100] =	vst v63  }
0x40: {  	s23 =	simm.s32 $0x900  }
0x41: {  	[tilespmem:s23], [sflag:$0x1] =	stream.indirect_vreg.gather [hbm4b:s14+s5], $0x80, v2, vm0, $0xb8;
	[tilespmem:$0x18100] =	vst v63  }
0x42: {  	s24 =	simm.s32 $0x1100  }
0x43: {  	[tilespmem:s24], [sflag:$0x1] =	stream.indirect_vreg.gather [hbm4b:s15+s5], $0x80, v2, vm0, $0xb8;
	[tilespmem:$0x18100] =	vst v63  }
0x44: {  	s25 =	simm.s32 $0x1900  }
0x45: {  	[tilespmem:s25], [sflag:$0x1] =	stream.indirect_vreg.gather [hbm4b:s16+s5], $0x80, v2, vm0, $0xb8;
	[tilespmem:$0x18100] =	vst v63  }
0x46: {  	s29 =	simm.s32 $0x2100  }
0x47: {  	[tilespmem:s29], [sflag:$0x1] =	stream.indirect_vreg.gather [hbm4b:s17+s5], $0x80, v2, vm0, $0xb8;
	[tilespmem:$0x18100] =	vst v63  }
0x48: {  	s6 =	simm.s32 $0x2900  }
0x49: {  	[tilespmem:s6], [sflag:$0x1] =	stream.indirect_vreg.gather [hbm4b:s18+s5], $0x80, v2, vm0, $0xb8;
	[tilespmem:$0x18100] =	vst v63  }
0x4a: {  	s7 =	simm.s32 $0x3100  }
0x4b: {  	[tilespmem:s7], [sflag:$0x1] =	stream.indirect_vreg.gather [hbm4b:s19+s5], $0x80, v2, vm0, $0xb8;
	[tilespmem:$0x18100] =	vst v63  }
0x4c: {  	s9 =	simm.s32 $0x3900  }
0x4d: {  	[tilespmem:s9], [sflag:$0x1] =	stream.indirect_vreg.gather [hbm4b:s20+s5], $0x80, v2, vm0, $0xb8;
	[tilespmem:$0x18100] =	vst v63  }
0x4e: {  	v2 =	vld.msk [tilespmem:$0x40], $0xff;
	_ =	sdelay $0x4  }
0x4f: {  	v3 =	vshll.u32 v2, $0x4  }
0x50: {  	v2 =	vand.u32 $0x7, v2;
	v3 =	vand.u32 $0xFFFFFF80, v3  }
0x51: {  	v2 =	vor.u32 v2, v3  }
0x52: {  	v2 =	vperm.xlane v2, v0;
	_ =	sdelay $0x1  }
0x53: {  	v2 =	vadd.s32 v1, v2;
	_ =	sdelay $0x3  }
0x54: {  	s11 =	simm.s32 $0x4100  }
0x55: {  	[tilespmem:s11], [sflag:$0x2] =	stream.indirect_vreg.gather [hbm4b:s2+s5], $0x80, v2, vm0, $0xb8;
	[tilespmem:$0x18100] =	vst v63  }
0x56: {  	s12 =	simm.s32 $0x4900  }
0x57: {  	[tilespmem:s12], [sflag:$0x2] =	stream.indirect_vreg.gather [hbm4b:s14+s5], $0x80, v2, vm0, $0xb8;
	[tilespmem:$0x18100] =	vst v63  }
0x58: {  	s13 =	simm.s32 $0x5100  }
0x59: {  	[tilespmem:s13], [sflag:$0x2] =	stream.indirect_vreg.gather [hbm4b:s15+s5], $0x80, v2, vm0, $0xb8;
	[tilespmem:$0x18100] =	vst v63  }
0x5a: {  	s21 =	simm.s32 $0x5900  }
0x5b: {  	[tilespmem:s21], [sflag:$0x2] =	stream.indirect_vreg.gather [hbm4b:s16+s5], $0x80, v2, vm0, $0xb8;
	[tilespmem:$0x18100] =	vst v63  }
0x5c: {  	s23 =	simm.s32 $0x6100  }
0x5d: {  	[tilespmem:s23], [sflag:$0x2] =	stream.indirect_vreg.gather [hbm4b:s17+s5], $0x80, v2, vm0, $0xb8;
	[tilespmem:$0x18100] =	vst v63  }
0x5e: {  	s24 =	simm.s32 $0x6900  }
0x5f: {  	[tilespmem:s24], [sflag:$0x2] =	stream.indirect_vreg.gather [hbm4b:s18+s5], $0x80, v2, vm0, $0xb8;
	[tilespmem:$0x18100] =	vst v63  }
0x60: {  	s25 =	simm.s32 $0x7100  }
0x61: {  	[tilespmem:s25], [sflag:$0x2] =	stream.indirect_vreg.gather [hbm4b:s19+s5], $0x80, v2, vm0, $0xb8;
	[tilespmem:$0x18100] =	vst v63  }
0x62: {  	s29 =	simm.s32 $0x7900;
	s23 =	simm.s32 $0x0  }
0x63: {  	[tilespmem:s29], [sflag:$0x2] =	stream.indirect_vreg.gather [hbm4b:s20+s5], $0x80, v2, vm0, $0xb8;
	[tilespmem:$0x18100] =	vst v63  }
.LBB2_2:
0x64: {  	s4 =	simm.s32 $0x5  }
0x65: {  	_ =	swait.ge [sflag:s4], $0x4000  }
0x66: {  	[sflag:s4] =	ssyncset.done $0x0  }
0x67: {  	[sflag:s4] =	ssyncadd.s32 $0xFFFFC000  }
0x68: {  	_ =	swait.ge [sflag:s8], $0x4000  }
0x69: {  	p0 =	seq.s32 s23, $0x0;
	[sflag:s8] =	ssyncset.done $0x0  }
0x6a: {  	s4 =	simm.s32 @!p0 $0x9;
	[sflag:s8] =	ssyncadd.s32 $0xFFFFC000  }
0x6b: {  	_ =	swait.ge @!p0 [sflag:s4], $0x4000  }
0x6c: {  	[sflag:s4] =	ssyncset.done @!p0 $0x0  }
0x6d: {  	s25 =	sshll.u32 s23, $0x4;
	[sflag:s4] =	ssyncadd.s32 @!p0 $0xFFFFC000  }
0x6e: {  	v2 =	vld.msk [tilespmem:s25+$0x80], $0xff;
	_ =	sdelay $0x4  }
0x6f: {  	v3 =	vshll.u32 v2, $0x4  }
0x70: {  	v2 =	vand.u32 $0x7, v2;
	v3 =	vand.u32 $0xFFFFFF80, v3  }
0x71: {  	v2 =	vor.u32 v2, v3  }
0x72: {  	v2 =	vperm.xlane v2, v0;
	_ =	sdelay $0x1  }
0x73: {  	v2 =	vadd.s32 v1, v2;
	_ =	sdelay $0x3  }
0x74: {  	s13 =	simm.s32 $0x0  }
0x75: {  	[tilespmem:s10], [sflag:$0x3] =	stream.indirect_vreg.gather [hbm4b:s2+s13], $0x80, v2, vm0, $0xb8;
	[tilespmem:$0x18100] =	vst v63  }
0x76: {  	s24 =	simm.s32 $0x8900  }
0x77: {  	[tilespmem:s24], [sflag:$0x3] =	stream.indirect_vreg.gather [hbm4b:s14+s13], $0x80, v2, vm0, $0xb8;
	[tilespmem:$0x18100] =	vst v63  }
0x78: {  	s6 =	simm.s32 $0x9100  }
0x79: {  	[tilespmem:s6], [sflag:$0x3] =	stream.indirect_vreg.gather [hbm4b:s15+s13], $0x80, v2, vm0, $0xb8;
	[tilespmem:$0x18100] =	vst v63  }
0x7a: {  	s7 =	simm.s32 $0x9900  }
0x7b: {  	[tilespmem:s7], [sflag:$0x3] =	stream.indirect_vreg.gather [hbm4b:s16+s13], $0x80, v2, vm0, $0xb8;
	[tilespmem:$0x18100] =	vst v63  }
0x7c: {  	s9 =	simm.s32 $0xA100  }
0x7d: {  	[tilespmem:s9], [sflag:$0x3] =	stream.indirect_vreg.gather [hbm4b:s17+s13], $0x80, v2, vm0, $0xb8;
	[tilespmem:$0x18100] =	vst v63  }
0x7e: {  	s11 =	simm.s32 $0xA900;
	s12 =	simm.s32 $0xB100;
	s21 =	simm.s32 $0xB900  }
0x7f: {  	[tilespmem:s11], [sflag:$0x3] =	stream.indirect_vreg.gather [hbm4b:s18+s13], $0x80, v2, vm0, $0xb8;
	[tilespmem:$0x18100] =	vst v63  }
0x80: {  	s24 =	sand.u32 $0x7, s13;
	s7 =	sand.u32 $0x70, s13;
	s9 =	sand.u32 $0x3C00, s13  }
0x81: {  	[tilespmem:s12], [sflag:$0x3] =	stream.indirect_vreg.gather [hbm4b:s19+s13], $0x80, v2, vm0, $0xb8;
	[tilespmem:$0x18100] =	vst v63  }
0x82: {  	s29 =	simm.s32 $0x0;
	s4 =	sshll.u32 s24, $0x4;
	s12 =	sor.u32 s7, s9  }
0x83: {  	[tilespmem:s21], [sflag:$0x3] =	stream.indirect_vreg.gather [hbm4b:s20+s13], $0x80, v2, vm0, $0xb8;
	[tilespmem:$0x18100] =	vst v63  }
0x84: {  	s24 =	simm.s32 $0x10;
	s11 =	sshll.u32 s23, $0x6;
	s7 =	sadd.s32 $0x0, s4;
	v2 =	vld [tilespmem:s12+$0x10300]  }
.LBB2_3:
0x85: {  	p1 =	sne.s32 s24, $0x7F0;
	v3 =	vld [tilespmem:s12+$0x10400];
	s13 =	sadd.s32 $0x80, s13;
	s29 =	sadd.s32 $0x1, s29  }
0x86: {  	s9 =	smov.u32 s24;
	s24 =	sadd.s32 $0x10, s24;
	s4 =	sand.u32 $0x7, s29;
	v4 =	vld [tilespmem:s12+$0x10380]  }
0x87: {  	s4 =	sshll.u32 s4, $0x4;
	v5 =	vld [tilespmem:s12+$0x10280]  }
0x88: {  	s4 =	sadd.s32 s4, s13;
	v6 =	vld [tilespmem:s12+$0x280]  }
0x89: {  	v7 =	vld [tilespmem:s12+$0x380]  }
0x8a: {  	v8 =	vld [tilespmem:s12+$0x10200]  }
0x8b: {  	v9 =	vld [tilespmem:s12+$0x180]  }
0x8c: {  	v10 =	vld [tilespmem:s12+$0x200]  }
0x8d: {  	v11 =	vld [tilespmem:s12+$0x10180]  }
0x8e: {  	v5 =	vadd.f32 v5, v6;
	v12 =	vld [tilespmem:s12+$0x10100];
	v4 =	vadd.f32 v4, v7  }
0x8f: {  	v6 =	vld [tilespmem:s12+$0x400]  }
0x90: {  	[tilespmem:s12+$0x280] =	vst v5;
	v5 =	vld [tilespmem:s12+$0x300]  }
0x91: {  	v7 =	vld [tilespmem:s12+$0x100];
	v8 =	vadd.f32 v8, v10  }
0x92: {  	s9 =	sand.u32 $0x70, s9;
	s6 =	sand.u32 $0x3C00, s13;
	v9 =	vadd.f32 v11, v9  }
0x93: {  	s6 =	sor.u32 s9, s6;
	[tilespmem:s12+$0x380] =	vst v4  }
0x94: {  	[tilespmem:s12+$0x180] =	vst v9;
	v3 =	vadd.f32 v3, v6  }
0x95: {  	[tilespmem:s12+$0x200] =	vst v8;
	v2 =	vadd.f32 v2, v5  }
0x96: {  	v4 =	vadd.f32 v12, v7;
	[tilespmem:s12+$0x400] =	vst v3  }
0x97: {  	[tilespmem:s12+$0x300] =	vst v2  }
0x98: {  	s9 =	sor.u32 $0x380, s7;
	s7 =	smov.u32 s4;
	[tilespmem:s12+$0x100] =	vst v4;
	s12 =	smov.u32 s6  }
0x99: {  	v2 =	vld [tilespmem:s9+$0x100]  }
0x9a: {  	v3 =	vld [tilespmem:s9+$0x10100];
	_ =	sdelay $0x3  }
.Ltmp2:
0x9b: {  	(pc) =	sbr.rel @p1 .LBB2_3-.Ltmp2, $3  }
0x9c: {  	v2 =	vadd.f32 v3, v2;
	_ =	sdelay $0x1  }
0x9d: {  	[tilespmem:s9+$0x100] =	vst v2  }
0x9e: {  	v2 =	vld [tilespmem:s12+$0x10300]  }
0x9f: {  	v3 =	vld [tilespmem:s12+$0x10400]  }
0xa0: {  	v4 =	vld [tilespmem:s12+$0x10380]  }
0xa1: {  	v5 =	vld [tilespmem:s12+$0x10280]  }
0xa2: {  	v6 =	vld [tilespmem:s12+$0x280]  }
0xa3: {  	v7 =	vld [tilespmem:s12+$0x380]  }
0xa4: {  	v8 =	vld [tilespmem:s12+$0x10200]  }
0xa5: {  	v9 =	vld [tilespmem:s12+$0x180]  }
0xa6: {  	v10 =	vld [tilespmem:s12+$0x200]  }
0xa7: {  	v11 =	vld [tilespmem:s12+$0x10180]  }
0xa8: {  	v13 =	vld [tilespmem:s12+$0x400]  }
0xa9: {  	v12 =	vld [tilespmem:s12+$0x10100]  }
0xaa: {  	v5 =	vadd.f32 v5, v6;
	v6 =	vld [tilespmem:s12+$0x300]  }
0xab: {  	v4 =	vadd.f32 v4, v7;
	v7 =	vld [tilespmem:s12+$0x100]  }
0xac: {  	v8 =	vadd.f32 v8, v10;
	[tilespmem:s12+$0x280] =	vst v5  }
0xad: {  	v3 =	vadd.f32 v3, v13;
	[tilespmem:s12+$0x380] =	vst v4  }
0xae: {  	v5 =	vadd.f32 v11, v9;
	[tilespmem:s12+$0x200] =	vst v8  }
0xaf: {  	[tilespmem:s12+$0x400] =	vst v3;
	v2 =	vadd.f32 v2, v6  }
0xb0: {  	[tilespmem:s12+$0x180] =	vst v5;
	v4 =	vadd.f32 v12, v7  }
0xb1: {  	[tilespmem:s12+$0x300] =	vst v2  }
0xb2: {  	s4 =	sor.u32 $0x380, s7;
	[tilespmem:s12+$0x100] =	vst v4  }
0xb3: {  	v2 =	vld [tilespmem:s4+$0x100]  }
0xb4: {  	v3 =	vld [tilespmem:s4+$0x10100];
	_ =	sdelay $0x4  }
0xb5: {  	s6 =	sshll.u32 s23, $0xC;
	s24 =	rddreg [dreg:$0x7];
	v2 =	vadd.f32 v3, v2  }
0xb6: {  	s7 =	rddreg [dreg:$0x3];
	s12 =	sadd.s32 s24, s6  }
0xb7: {  	s9 =	simm.s32 $0x100;
	[tilespmem:s4+$0x100] =	vst v2;
	s4 =	sadd.s32 s7, s12  }
0xb8: {  	[hbm4b:s4+s5] =	stream.linear.scatter [tilespmem:s9], [sflag:$0x7], $0x4000, $0x38;
	[tilespmem:$0x18100] =	vst v63  }
0xb9: {  	_ =	swait.ge [sflag:s0], $0x4000  }
0xba: {  	[sflag:s0] =	ssyncset.done $0x0  }
0xbb: {  	s4 =	simm.s32 @!p0 $0xA;
	[sflag:s0] =	ssyncadd.s32 $0xFFFFC000  }
0xbc: {  	_ =	swait.ge @!p0 [sflag:s4], $0x4000  }
0xbd: {  	[sflag:s4] =	ssyncset.done @!p0 $0x0  }
0xbe: {  	[sflag:s4] =	ssyncadd.s32 @!p0 $0xFFFFC000  }
0xbf: {  	v2 =	vld.msk [tilespmem:s25+$0xC0], $0xff;
	_ =	sdelay $0x4  }
0xc0: {  	v3 =	vshll.u32 v2, $0x4  }
0xc1: {  	v2 =	vand.u32 $0x7, v2;
	v3 =	vand.u32 $0xFFFFFF80, v3  }
0xc2: {  	v2 =	vor.u32 v2, v3  }
0xc3: {  	v2 =	vperm.xlane v2, v0;
	_ =	sdelay $0x1  }
0xc4: {  	v2 =	vadd.s32 v1, v2;
	_ =	sdelay $0x3  }
0xc5: {  	s29 =	simm.s32 $0x0  }
0xc6: {  	[tilespmem:s3], [sflag:$0x4] =	stream.indirect_vreg.gather [hbm4b:s2+s29], $0x80, v2, vm0, $0xb8;
	[tilespmem:$0x18100] =	vst v63  }
0xc7: {  	s13 =	simm.s32 $0xC900  }
0xc8: {  	[tilespmem:s13], [sflag:$0x4] =	stream.indirect_vreg.gather [hbm4b:s14+s29], $0x80, v2, vm0, $0xb8;
	[tilespmem:$0x18100] =	vst v63  }
0xc9: {  	s21 =	simm.s32 $0xD100  }
0xca: {  	[tilespmem:s21], [sflag:$0x4] =	stream.indirect_vreg.gather [hbm4b:s15+s29], $0x80, v2, vm0, $0xb8;
	[tilespmem:$0x18100] =	vst v63  }
0xcb: {  	s24 =	simm.s32 $0xD900  }
0xcc: {  	[tilespmem:s24], [sflag:$0x4] =	stream.indirect_vreg.gather [hbm4b:s16+s29], $0x80, v2, vm0, $0xb8;
	[tilespmem:$0x18100] =	vst v63  }
0xcd: {  	s6 =	simm.s32 $0xE100  }
0xce: {  	[tilespmem:s6], [sflag:$0x4] =	stream.indirect_vreg.gather [hbm4b:s17+s29], $0x80, v2, vm0, $0xb8;
	[tilespmem:$0x18100] =	vst v63  }
0xcf: {  	s7 =	simm.s32 $0xE900  }
0xd0: {  	[tilespmem:s7], [sflag:$0x4] =	stream.indirect_vreg.gather [hbm4b:s18+s29], $0x80, v2, vm0, $0xb8;
	[tilespmem:$0x18100] =	vst v63  }
0xd1: {  	s9 =	simm.s32 $0xF100;
	s21 =	sand.u32 $0x70, s29;
	s24 =	sand.u32 $0x3C00, s29  }
0xd2: {  	[tilespmem:s9], [sflag:$0x4] =	stream.indirect_vreg.gather [hbm4b:s19+s29], $0x80, v2, vm0, $0xb8;
	[tilespmem:$0x18100] =	vst v63  }
0xd3: {  	s13 =	simm.s32 $0xF900;
	s24 =	sor.u32 s21, s24  }
0xd4: {  	[tilespmem:s13], [sflag:$0x4] =	stream.indirect_vreg.gather [hbm4b:s20+s29], $0x80, v2, vm0, $0xb8;
	[tilespmem:$0x18100] =	vst v63  }
0xd5: {  	v7 =	vld [tilespmem:s24+$0x10100]  }
0xd6: {  	v2 =	vld [tilespmem:s24+$0x10180]  }
0xd7: {  	v3 =	vld [tilespmem:s24+$0x10200]  }
0xd8: {  	v4 =	vld [tilespmem:s24+$0x10280]  }
0xd9: {  	v6 =	vld [tilespmem:s24+$0x10300]  }
0xda: {  	v8 =	vld [tilespmem:s24+$0x10380]  }
0xdb: {  	v9 =	vld [tilespmem:s24+$0x10400]  }
0xdc: {  	v5 =	vld [tilespmem:s24+$0x4180]  }
0xdd: {  	v10 =	vld [tilespmem:s24+$0x4200]  }
0xde: {  	v11 =	vld [tilespmem:s24+$0x4280]  }
0xdf: {  	v12 =	vld [tilespmem:s24+$0x4300]  }
0xe0: {  	s7 =	simm.s32 $0x10;
	s13 =	simm.s32 $0x80;
	v13 =	vld [tilespmem:s24+$0x4380]  }
0xe1: {  	s4 =	sand.u32 $0x70, s7;
	s9 =	sand.u32 $0x3C00, s13;
	v14 =	vld [tilespmem:s24+$0x4400];
	v5 =	vadd.f32 v2, v5  }
0xe2: {  	v15 =	vld [tilespmem:s24+$0x4100];
	s7 =	sor.u32 s4, s9;
	v3 =	vadd.f32 v3, v10  }
0xe3: {  	v2 =	vld [tilespmem:s7+$0x10100];
	v4 =	vadd.f32 v4, v11;
	[tilespmem:s24+$0x4180] =	vst v5  }
0xe4: {  	v6 =	vadd.f32 v6, v12;
	v5 =	vld [tilespmem:s7+$0x10180];
	[tilespmem:s24+$0x4200] =	vst v3  }
0xe5: {  	v8 =	vadd.f32 v8, v13;
	v3 =	vld [tilespmem:s7+$0x10200];
	[tilespmem:s24+$0x4280] =	vst v4  }
0xe6: {  	s21 =	sand.u32 $0x7, s29;
	v9 =	vadd.f32 v9, v14;
	v4 =	vld [tilespmem:s7+$0x10280];
	[tilespmem:s24+$0x4300] =	vst v6  }
0xe7: {  	s4 =	sshll.u32 s21, $0x4;
	v6 =	vld [tilespmem:s7+$0x10300];
	[tilespmem:s24+$0x4380] =	vst v8;
	v8 =	vadd.f32 v7, v15  }
0xe8: {  	s4 =	sadd.s32 $0x0, s4;
	v7 =	vld [tilespmem:s7+$0x10380];
	[tilespmem:s24+$0x4400] =	vst v9  }
0xe9: {  	s4 =	sor.u32 $0x380, s4;
	v9 =	vld [tilespmem:s24+$0x4480];
	[tilespmem:s24+$0x4100] =	vst v8  }
0xea: {  	v14 =	vld [tilespmem:s4+$0x10100]  }
0xeb: {  	v8 =	vld [tilespmem:s7+$0x10400]  }
0xec: {  	v13 =	vld [tilespmem:s7+$0x4180]  }
0xed: {  	v12 =	vld [tilespmem:s7+$0x4200]  }
0xee: {  	v11 =	vld [tilespmem:s7+$0x4280]  }
0xef: {  	v10 =	vld [tilespmem:s7+$0x4300];
	v14 =	vadd.f32 v14, v9  }
0xf0: {  	s9 =	simm.s32 $0x20;
	s4 =	simm.s32 $0x100;
	v9 =	vld [tilespmem:s7+$0x4380]  }
.LBB2_5:
0xf1: {  	s6 =	sand.u32 $0x70, s9;
	s21 =	sand.u32 $0x3C00, s4;
	p0 =	sne.s32 s9, $0x7F0;
	v5 =	vadd.f32 v5, v13;
	v13 =	vld [tilespmem:s7+$0x4400];
	[tilespmem:s24+$0x4480] =	vst v14  }
0xf2: {  	s24 =	smov.u32 s7;
	v14 =	vld [tilespmem:s7+$0x4100];
	v3 =	vadd.f32 v3, v12;
	s7 =	sor.u32 s6, s21  }
0xf3: {  	v12 =	vld [tilespmem:s7+$0x10100];
	[tilespmem:s24+$0x4180] =	vst v5;
	v4 =	vadd.f32 v4, v11  }
0xf4: {  	v5 =	vld [tilespmem:s7+$0x10180];
	[tilespmem:s24+$0x4200] =	vst v3;
	v6 =	vadd.f32 v6, v10  }
0xf5: {  	s29 =	sadd.s32 $0x1, s29;
	v3 =	vld [tilespmem:s7+$0x10200];
	[tilespmem:s24+$0x4280] =	vst v4;
	v7 =	vadd.f32 v7, v9  }
0xf6: {  	s6 =	sand.u32 $0x7, s29;
	v4 =	vld [tilespmem:s7+$0x10280];
	[tilespmem:s24+$0x4300] =	vst v6;
	v8 =	vadd.f32 v8, v13  }
0xf7: {  	s6 =	sshll.u32 s6, $0x4;
	v6 =	vld [tilespmem:s7+$0x10300];
	v9 =	vadd.f32 v2, v14;
	[tilespmem:s24+$0x4380] =	vst v7  }
0xf8: {  	s6 =	sadd.s32 s6, s13;
	s13 =	smov.u32 s4;
	v7 =	vld [tilespmem:s7+$0x10380];
	[tilespmem:s24+$0x4400] =	vst v8;
	v2 =	vmov v12  }
0xf9: {  	s6 =	sor.u32 $0x380, s6;
	[tilespmem:s24+$0x4100] =	vst v9;
	v9 =	vld [tilespmem:s24+$0x4480]  }
0xfa: {  	v14 =	vld [tilespmem:s6+$0x10100]  }
0xfb: {  	v8 =	vld [tilespmem:s7+$0x10400]  }
.Ltmp3:
0xfc: {  	v13 =	vld [tilespmem:s7+$0x4180];
	(pc) =	sbr.rel @p0 .LBB2_5-.Ltmp3, $4  }
0xfd: {  	v12 =	vld [tilespmem:s7+$0x4200]  }
0xfe: {  	v11 =	vld [tilespmem:s7+$0x4280]  }
0xff: {  	v10 =	vld [tilespmem:s7+$0x4300];
	v14 =	vadd.f32 v14, v9  }
0x100: {  	s9 =	sadd.s32 $0x10, s9;
	s4 =	sadd.s32 $0x80, s4;
	v9 =	vld [tilespmem:s7+$0x4380]  }
0x101: {  	v15 =	vld [tilespmem:s7+$0x4400];
	v5 =	vadd.f32 v5, v13;
	[tilespmem:s24+$0x4480] =	vst v14  }
0x102: {  	v13 =	vld [tilespmem:s7+$0x4100];
	v3 =	vadd.f32 v3, v12  }
0x103: {  	[tilespmem:s7+$0x4180] =	vst v5;
	v4 =	vadd.f32 v4, v11  }
0x104: {  	[tilespmem:s7+$0x4200] =	vst v3;
	v3 =	vadd.f32 v6, v10  }
0x105: {  	s4 =	sadd.s32 $0x1, s29;
	[tilespmem:s7+$0x4280] =	vst v4;
	v4 =	vadd.f32 v7, v9  }
0x106: {  	s4 =	sand.u32 $0x7, s4;
	[tilespmem:s7+$0x4300] =	vst v3;
	v3 =	vadd.f32 v8, v15  }
0x107: {  	s4 =	sshll.u32 s4, $0x4;
	v2 =	vadd.f32 v2, v13;
	[tilespmem:s7+$0x4380] =	vst v4  }
0x108: {  	s4 =	sadd.s32 s4, s13;
	[tilespmem:s7+$0x4400] =	vst v3  }
0x109: {  	s4 =	sor.u32 $0x380, s4;
	[tilespmem:s7+$0x4100] =	vst v2;
	v2 =	vld [tilespmem:s7+$0x4480]  }
0x10a: {  	v3 =	vld [tilespmem:s4+$0x10100];
	_ =	sdelay $0x4  }
0x10b: {  	v2 =	vadd.f32 v3, v2;
	_ =	sdelay $0x1  }
0x10c: {  	[tilespmem:s7+$0x4480] =	vst v2;
	s7 =	rddreg [dreg:$0xc]  }
0x10d: {  	s29 =	simm.s32 $0x0;
	s6 =	simm.s32 $0x4100;
	s4 =	sadd.s32 s12, s7  }
0x10e: {  	[hbm4b:s4+s29] =	stream.linear.scatter [tilespmem:s6], [sflag:$0x8], $0x4000, $0x38;
	[tilespmem:$0x18100] =	vst v63  }
0x10f: {  	_ =	swait.ge [sflag:s28], $0x4000  }
0x110: {  	[sflag:s28] =	ssyncset.done $0x0  }
0x111: {  	[sflag:s28] =	ssyncadd.s32 $0xFFFFC000  }
0x112: {  	_ =	swait.ge [sflag:s1], $0x4000  }
0x113: {  	[sflag:s1] =	ssyncset.done $0x0  }
0x114: {  	s12 =	sor.u32 $0x8, s25;
	[sflag:s1] =	ssyncadd.s32 $0xFFFFC000  }
0x115: {  	v2 =	vld.msk [tilespmem:s12+$0x0], $0xff;
	_ =	sdelay $0x4  }
0x116: {  	v3 =	vshll.u32 v2, $0x4  }
0x117: {  	v2 =	vand.u32 $0x7, v2;
	v3 =	vand.u32 $0xFFFFFF80, v3  }
0x118: {  	v2 =	vor.u32 v2, v3  }
0x119: {  	v2 =	vperm.xlane v2, v0;
	_ =	sdelay $0x1  }
0x11a: {  	v2 =	vadd.s32 v1, v2;
	_ =	sdelay $0x3  }
0x11b: {  	s9 =	simm.s32 $0x100  }
0x11c: {  	[tilespmem:s9], [sflag:$0x1] =	stream.indirect_vreg.gather [hbm4b:s2+s29], $0x80, v2, vm0, $0xb8;
	[tilespmem:$0x18100] =	vst v63  }
0x11d: {  	s13 =	simm.s32 $0x900  }
0x11e: {  	[tilespmem:s13], [sflag:$0x1] =	stream.indirect_vreg.gather [hbm4b:s14+s29], $0x80, v2, vm0, $0xb8;
	[tilespmem:$0x18100] =	vst v63  }
0x11f: {  	s21 =	simm.s32 $0x1100  }
0x120: {  	[tilespmem:s21], [sflag:$0x1] =	stream.indirect_vreg.gather [hbm4b:s15+s29], $0x80, v2, vm0, $0xb8;
	[tilespmem:$0x18100] =	vst v63  }
0x121: {  	s24 =	simm.s32 $0x1900  }
0x122: {  	[tilespmem:s24], [sflag:$0x1] =	stream.indirect_vreg.gather [hbm4b:s16+s29], $0x80, v2, vm0, $0xb8;
	[tilespmem:$0x18100] =	vst v63  }
0x123: {  	s6 =	simm.s32 $0x2100  }
0x124: {  	[tilespmem:s6], [sflag:$0x1] =	stream.indirect_vreg.gather [hbm4b:s17+s29], $0x80, v2, vm0, $0xb8;
	[tilespmem:$0x18100] =	vst v63  }
0x125: {  	s7 =	simm.s32 $0x2900  }
0x126: {  	[tilespmem:s7], [sflag:$0x1] =	stream.indirect_vreg.gather [hbm4b:s18+s29], $0x80, v2, vm0, $0xb8;
	[tilespmem:$0x18100] =	vst v63  }
0x127: {  	s9 =	simm.s32 $0x3100;
	s21 =	sand.u32 $0x70, s29;
	s24 =	sand.u32 $0x3C00, s29  }
0x128: {  	[tilespmem:s9], [sflag:$0x1] =	stream.indirect_vreg.gather [hbm4b:s19+s29], $0x80, v2, vm0, $0xb8;
	[tilespmem:$0x18100] =	vst v63  }
0x129: {  	s13 =	simm.s32 $0x3900;
	s24 =	sor.u32 s21, s24  }
0x12a: {  	[tilespmem:s13], [sflag:$0x1] =	stream.indirect_vreg.gather [hbm4b:s20+s29], $0x80, v2, vm0, $0xb8;
	[tilespmem:$0x18100] =	vst v63  }
0x12b: {  	v7 =	vld [tilespmem:s24+$0x10100]  }
0x12c: {  	v2 =	vld [tilespmem:s24+$0x10180]  }
0x12d: {  	v3 =	vld [tilespmem:s24+$0x10200]  }
0x12e: {  	v4 =	vld [tilespmem:s24+$0x10280]  }
0x12f: {  	v6 =	vld [tilespmem:s24+$0x10300]  }
0x130: {  	v8 =	vld [tilespmem:s24+$0x10380]  }
0x131: {  	v9 =	vld [tilespmem:s24+$0x10400]  }
0x132: {  	v5 =	vld [tilespmem:s24+$0x8180]  }
0x133: {  	v10 =	vld [tilespmem:s24+$0x8200]  }
0x134: {  	v11 =	vld [tilespmem:s24+$0x8280]  }
0x135: {  	v12 =	vld [tilespmem:s24+$0x8300]  }
0x136: {  	s7 =	simm.s32 $0x10;
	s13 =	simm.s32 $0x80;
	v13 =	vld [tilespmem:s24+$0x8380]  }
0x137: {  	s4 =	sand.u32 $0x70, s7;
	s9 =	sand.u32 $0x3C00, s13;
	v14 =	vld [tilespmem:s24+$0x8400];
	v5 =	vadd.f32 v2, v5  }
0x138: {  	v15 =	vld [tilespmem:s24+$0x8100];
	s7 =	sor.u32 s4, s9;
	v3 =	vadd.f32 v3, v10  }
0x139: {  	v2 =	vld [tilespmem:s7+$0x10100];
	v4 =	vadd.f32 v4, v11;
	[tilespmem:s24+$0x8180] =	vst v5  }
0x13a: {  	v6 =	vadd.f32 v6, v12;
	v5 =	vld [tilespmem:s7+$0x10180];
	[tilespmem:s24+$0x8200] =	vst v3  }
0x13b: {  	v8 =	vadd.f32 v8, v13;
	v3 =	vld [tilespmem:s7+$0x10200];
	[tilespmem:s24+$0x8280] =	vst v4  }
0x13c: {  	s21 =	sand.u32 $0x7, s29;
	v9 =	vadd.f32 v9, v14;
	v4 =	vld [tilespmem:s7+$0x10280];
	[tilespmem:s24+$0x8300] =	vst v6  }
0x13d: {  	s4 =	sshll.u32 s21, $0x4;
	v6 =	vld [tilespmem:s7+$0x10300];
	[tilespmem:s24+$0x8380] =	vst v8;
	v8 =	vadd.f32 v7, v15  }
0x13e: {  	s4 =	sadd.s32 $0x0, s4;
	v7 =	vld [tilespmem:s7+$0x10380];
	[tilespmem:s24+$0x8400] =	vst v9  }
0x13f: {  	s4 =	sor.u32 $0x380, s4;
	v9 =	vld [tilespmem:s24+$0x8480];
	[tilespmem:s24+$0x8100] =	vst v8  }
0x140: {  	v14 =	vld [tilespmem:s4+$0x10100]  }
0x141: {  	v8 =	vld [tilespmem:s7+$0x10400]  }
0x142: {  	v13 =	vld [tilespmem:s7+$0x8180]  }
0x143: {  	v12 =	vld [tilespmem:s7+$0x8200]  }
0x144: {  	v11 =	vld [tilespmem:s7+$0x8280]  }
0x145: {  	v10 =	vld [tilespmem:s7+$0x8300];
	v14 =	vadd.f32 v14, v9  }
0x146: {  	s9 =	simm.s32 $0x20;
	s4 =	simm.s32 $0x100;
	v9 =	vld [tilespmem:s7+$0x8380]  }
.LBB2_7:
0x147: {  	s6 =	sand.u32 $0x70, s9;
	s21 =	sand.u32 $0x3C00, s4;
	p0 =	sne.s32 s9, $0x7F0;
	v5 =	vadd.f32 v5, v13;
	v13 =	vld [tilespmem:s7+$0x8400];
	[tilespmem:s24+$0x8480] =	vst v14  }
0x148: {  	s24 =	smov.u32 s7;
	v14 =	vld [tilespmem:s7+$0x8100];
	v3 =	vadd.f32 v3, v12;
	s7 =	sor.u32 s6, s21  }
0x149: {  	v12 =	vld [tilespmem:s7+$0x10100];
	[tilespmem:s24+$0x8180] =	vst v5;
	v4 =	vadd.f32 v4, v11  }
0x14a: {  	v5 =	vld [tilespmem:s7+$0x10180];
	[tilespmem:s24+$0x8200] =	vst v3;
	v6 =	vadd.f32 v6, v10  }
0x14b: {  	s29 =	sadd.s32 $0x1, s29;
	v3 =	vld [tilespmem:s7+$0x10200];
	[tilespmem:s24+$0x8280] =	vst v4;
	v7 =	vadd.f32 v7, v9  }
0x14c: {  	s6 =	sand.u32 $0x7, s29;
	v4 =	vld [tilespmem:s7+$0x10280];
	[tilespmem:s24+$0x8300] =	vst v6;
	v8 =	vadd.f32 v8, v13  }
0x14d: {  	s6 =	sshll.u32 s6, $0x4;
	v6 =	vld [tilespmem:s7+$0x10300];
	v9 =	vadd.f32 v2, v14;
	[tilespmem:s24+$0x8380] =	vst v7  }
0x14e: {  	s6 =	sadd.s32 s6, s13;
	s13 =	smov.u32 s4;
	v7 =	vld [tilespmem:s7+$0x10380];
	[tilespmem:s24+$0x8400] =	vst v8;
	v2 =	vmov v12  }
0x14f: {  	s6 =	sor.u32 $0x380, s6;
	[tilespmem:s24+$0x8100] =	vst v9;
	v9 =	vld [tilespmem:s24+$0x8480]  }
0x150: {  	v14 =	vld [tilespmem:s6+$0x10100]  }
0x151: {  	v8 =	vld [tilespmem:s7+$0x10400]  }
.Ltmp4:
0x152: {  	v13 =	vld [tilespmem:s7+$0x8180];
	(pc) =	sbr.rel @p0 .LBB2_7-.Ltmp4, $4  }
0x153: {  	v12 =	vld [tilespmem:s7+$0x8200]  }
0x154: {  	v11 =	vld [tilespmem:s7+$0x8280]  }
0x155: {  	v10 =	vld [tilespmem:s7+$0x8300];
	v14 =	vadd.f32 v14, v9  }
0x156: {  	s9 =	sadd.s32 $0x10, s9;
	s4 =	sadd.s32 $0x80, s4;
	v9 =	vld [tilespmem:s7+$0x8380]  }
0x157: {  	v15 =	vld [tilespmem:s7+$0x8400];
	v5 =	vadd.f32 v5, v13;
	[tilespmem:s24+$0x8480] =	vst v14  }
0x158: {  	v13 =	vld [tilespmem:s7+$0x8100];
	v3 =	vadd.f32 v3, v12  }
0x159: {  	[tilespmem:s7+$0x8180] =	vst v5;
	v4 =	vadd.f32 v4, v11  }
0x15a: {  	[tilespmem:s7+$0x8200] =	vst v3;
	v3 =	vadd.f32 v6, v10  }
0x15b: {  	s4 =	sadd.s32 $0x1, s29;
	[tilespmem:s7+$0x8280] =	vst v4;
	v4 =	vadd.f32 v7, v9  }
0x15c: {  	s4 =	sand.u32 $0x7, s4;
	[tilespmem:s7+$0x8300] =	vst v3;
	v3 =	vadd.f32 v8, v15  }
0x15d: {  	s4 =	sshll.u32 s4, $0x4;
	v2 =	vadd.f32 v2, v13;
	[tilespmem:s7+$0x8380] =	vst v4  }
0x15e: {  	s4 =	sadd.s32 s4, s13;
	[tilespmem:s7+$0x8400] =	vst v3  }
0x15f: {  	s4 =	sor.u32 $0x380, s4;
	[tilespmem:s7+$0x8100] =	vst v2;
	v2 =	vld [tilespmem:s7+$0x8480]  }
0x160: {  	v3 =	vld [tilespmem:s4+$0x10100];
	_ =	sdelay $0x4  }
0x161: {  	s6 =	sor.u32 s22, s25;
	v2 =	vadd.f32 v3, v2  }
0x162: {  	s9 =	rddreg [dreg:$0xd];
	s25 =	sshll.u32 s6, $0x8  }
0x163: {  	s29 =	simm.s32 $0x0;
	s4 =	sadd.s32 s25, s9;
	[tilespmem:s7+$0x8480] =	vst v2  }
0x164: {  	[hbm4b:s4+s29] =	stream.linear.scatter [tilespmem:s10], [sflag:$0x9], $0x4000, $0x38;
	[tilespmem:$0x18100] =	vst v63  }
0x165: {  	_ =	swait.ge [sflag:s30], $0x4000  }
0x166: {  	[sflag:s30] =	ssyncset.done $0x0  }
0x167: {  	[sflag:s30] =	ssyncadd.s32 $0xFFFFC000  }
0x168: {  	_ =	swait.ge [sflag:s31], $0x4000  }
0x169: {  	[sflag:s31] =	ssyncset.done $0x0  }
0x16a: {  	[sflag:s31] =	ssyncadd.s32 $0xFFFFC000  }
0x16b: {  	v2 =	vld.msk [tilespmem:s12+$0x40], $0xff;
	_ =	sdelay $0x4  }
0x16c: {  	v3 =	vshll.u32 v2, $0x4  }
0x16d: {  	v2 =	vand.u32 $0x7, v2;
	v3 =	vand.u32 $0xFFFFFF80, v3  }
0x16e: {  	v2 =	vor.u32 v2, v3  }
0x16f: {  	v2 =	vperm.xlane v2, v0;
	_ =	sdelay $0x1  }
0x170: {  	v2 =	vadd.s32 v1, v2;
	_ =	sdelay $0x3  }
0x171: {  	s13 =	simm.s32 $0x4100  }
0x172: {  	[tilespmem:s13], [sflag:$0x2] =	stream.indirect_vreg.gather [hbm4b:s2+s29], $0x80, v2, vm0, $0xb8;
	[tilespmem:$0x18100] =	vst v63  }
0x173: {  	s21 =	simm.s32 $0x4900  }
0x174: {  	[tilespmem:s21], [sflag:$0x2] =	stream.indirect_vreg.gather [hbm4b:s14+s29], $0x80, v2, vm0, $0xb8;
	[tilespmem:$0x18100] =	vst v63  }
0x175: {  	s24 =	simm.s32 $0x5100  }
0x176: {  	[tilespmem:s24], [sflag:$0x2] =	stream.indirect_vreg.gather [hbm4b:s15+s29], $0x80, v2, vm0, $0xb8;
	[tilespmem:$0x18100] =	vst v63  }
0x177: {  	s6 =	simm.s32 $0x5900  }
0x178: {  	[tilespmem:s6], [sflag:$0x2] =	stream.indirect_vreg.gather [hbm4b:s16+s29], $0x80, v2, vm0, $0xb8;
	[tilespmem:$0x18100] =	vst v63  }
0x179: {  	s7 =	simm.s32 $0x6100  }
0x17a: {  	[tilespmem:s7], [sflag:$0x2] =	stream.indirect_vreg.gather [hbm4b:s17+s29], $0x80, v2, vm0, $0xb8;
	[tilespmem:$0x18100] =	vst v63  }
0x17b: {  	s9 =	simm.s32 $0x6900  }
0x17c: {  	[tilespmem:s9], [sflag:$0x2] =	stream.indirect_vreg.gather [hbm4b:s18+s29], $0x80, v2, vm0, $0xb8;
	[tilespmem:$0x18100] =	vst v63  }
0x17d: {  	s13 =	simm.s32 $0x7100;
	s24 =	sand.u32 $0x70, s29;
	s6 =	sand.u32 $0x3C00, s29  }
0x17e: {  	[tilespmem:s13], [sflag:$0x2] =	stream.indirect_vreg.gather [hbm4b:s19+s29], $0x80, v2, vm0, $0xb8;
	[tilespmem:$0x18100] =	vst v63  }
0x17f: {  	s21 =	simm.s32 $0x7900;
	s24 =	sor.u32 s24, s6  }
0x180: {  	[tilespmem:s21], [sflag:$0x2] =	stream.indirect_vreg.gather [hbm4b:s20+s29], $0x80, v2, vm0, $0xb8;
	[tilespmem:$0x18100] =	vst v63  }
0x181: {  	v7 =	vld [tilespmem:s24+$0x10100]  }
0x182: {  	v2 =	vld [tilespmem:s24+$0x10180]  }
0x183: {  	v3 =	vld [tilespmem:s24+$0x10200]  }
0x184: {  	v4 =	vld [tilespmem:s24+$0x10280]  }
0x185: {  	v6 =	vld [tilespmem:s24+$0x10300]  }
0x186: {  	v8 =	vld [tilespmem:s24+$0x10380]  }
0x187: {  	v9 =	vld [tilespmem:s24+$0x10400]  }
0x188: {  	v5 =	vld [tilespmem:s24+$0xC180]  }
0x189: {  	v10 =	vld [tilespmem:s24+$0xC200]  }
0x18a: {  	v11 =	vld [tilespmem:s24+$0xC280]  }
0x18b: {  	v12 =	vld [tilespmem:s24+$0xC300]  }
0x18c: {  	s7 =	simm.s32 $0x10;
	s13 =	simm.s32 $0x80;
	v13 =	vld [tilespmem:s24+$0xC380]  }
0x18d: {  	s4 =	sand.u32 $0x70, s7;
	s9 =	sand.u32 $0x3C00, s13;
	v14 =	vld [tilespmem:s24+$0xC400];
	v5 =	vadd.f32 v2, v5  }
0x18e: {  	s7 =	sor.u32 s4, s9;
	v15 =	vld [tilespmem:s24+$0xC100];
	v3 =	vadd.f32 v3, v10  }
0x18f: {  	v2 =	vld [tilespmem:s7+$0x10100];
	v4 =	vadd.f32 v4, v11;
	[tilespmem:s24+$0xC180] =	vst v5  }
0x190: {  	v6 =	vadd.f32 v6, v12;
	v5 =	vld [tilespmem:s7+$0x10180];
	[tilespmem:s24+$0xC200] =	vst v3  }
0x191: {  	v8 =	vadd.f32 v8, v13;
	v3 =	vld [tilespmem:s7+$0x10200];
	[tilespmem:s24+$0xC280] =	vst v4  }
0x192: {  	s21 =	sand.u32 $0x7, s29;
	v9 =	vadd.f32 v9, v14;
	v4 =	vld [tilespmem:s7+$0x10280];
	[tilespmem:s24+$0xC300] =	vst v6  }
0x193: {  	s4 =	sshll.u32 s21, $0x4;
	v6 =	vld [tilespmem:s7+$0x10300];
	[tilespmem:s24+$0xC380] =	vst v8;
	v8 =	vadd.f32 v7, v15  }
0x194: {  	s4 =	sadd.s32 $0x0, s4;
	v7 =	vld [tilespmem:s7+$0x10380];
	[tilespmem:s24+$0xC400] =	vst v9  }
0x195: {  	s4 =	sor.u32 $0x380, s4;
	v9 =	vld [tilespmem:s24+$0xC480];
	[tilespmem:s24+$0xC100] =	vst v8  }
0x196: {  	v14 =	vld [tilespmem:s4+$0x10100]  }
0x197: {  	v8 =	vld [tilespmem:s7+$0x10400]  }
0x198: {  	v13 =	vld [tilespmem:s7+$0xC180]  }
0x199: {  	v12 =	vld [tilespmem:s7+$0xC200]  }
0x19a: {  	v11 =	vld [tilespmem:s7+$0xC280]  }
0x19b: {  	v10 =	vld [tilespmem:s7+$0xC300];
	v14 =	vadd.f32 v14, v9  }
0x19c: {  	s9 =	simm.s32 $0x20;
	s4 =	simm.s32 $0x100;
	v9 =	vld [tilespmem:s7+$0xC380]  }
.LBB2_9:
0x19d: {  	s6 =	sand.u32 $0x70, s9;
	s21 =	sand.u32 $0x3C00, s4;
	p0 =	sne.s32 s9, $0x7F0;
	v5 =	vadd.f32 v5, v13;
	v13 =	vld [tilespmem:s7+$0xC400];
	[tilespmem:s24+$0xC480] =	vst v14  }
0x19e: {  	s24 =	smov.u32 s7;
	v14 =	vld [tilespmem:s7+$0xC100];
	v3 =	vadd.f32 v3, v12;
	s7 =	sor.u32 s6, s21  }
0x19f: {  	v12 =	vld [tilespmem:s7+$0x10100];
	[tilespmem:s24+$0xC180] =	vst v5;
	v4 =	vadd.f32 v4, v11  }
0x1a0: {  	v5 =	vld [tilespmem:s7+$0x10180];
	[tilespmem:s24+$0xC200] =	vst v3;
	v6 =	vadd.f32 v6, v10  }
0x1a1: {  	s29 =	sadd.s32 $0x1, s29;
	v3 =	vld [tilespmem:s7+$0x10200];
	[tilespmem:s24+$0xC280] =	vst v4;
	v7 =	vadd.f32 v7, v9  }
0x1a2: {  	s6 =	sand.u32 $0x7, s29;
	v4 =	vld [tilespmem:s7+$0x10280];
	[tilespmem:s24+$0xC300] =	vst v6;
	v8 =	vadd.f32 v8, v13  }
0x1a3: {  	s6 =	sshll.u32 s6, $0x4;
	v6 =	vld [tilespmem:s7+$0x10300];
	v9 =	vadd.f32 v2, v14;
	[tilespmem:s24+$0xC380] =	vst v7  }
0x1a4: {  	s6 =	sadd.s32 s6, s13;
	s13 =	smov.u32 s4;
	v7 =	vld [tilespmem:s7+$0x10380];
	[tilespmem:s24+$0xC400] =	vst v8;
	v2 =	vmov v12  }
0x1a5: {  	s6 =	sor.u32 $0x380, s6;
	[tilespmem:s24+$0xC100] =	vst v9;
	v9 =	vld [tilespmem:s24+$0xC480]  }
0x1a6: {  	v14 =	vld [tilespmem:s6+$0x10100]  }
0x1a7: {  	v8 =	vld [tilespmem:s7+$0x10400]  }
.Ltmp5:
0x1a8: {  	v13 =	vld [tilespmem:s7+$0xC180];
	(pc) =	sbr.rel @p0 .LBB2_9-.Ltmp5, $4  }
0x1a9: {  	v12 =	vld [tilespmem:s7+$0xC200]  }
0x1aa: {  	v11 =	vld [tilespmem:s7+$0xC280]  }
0x1ab: {  	v10 =	vld [tilespmem:s7+$0xC300];
	v14 =	vadd.f32 v14, v9  }
0x1ac: {  	s9 =	sadd.s32 $0x10, s9;
	s4 =	sadd.s32 $0x80, s4;
	v9 =	vld [tilespmem:s7+$0xC380]  }
0x1ad: {  	v15 =	vld [tilespmem:s7+$0xC400];
	v5 =	vadd.f32 v5, v13;
	[tilespmem:s24+$0xC480] =	vst v14  }
0x1ae: {  	v13 =	vld [tilespmem:s7+$0xC100];
	v3 =	vadd.f32 v3, v12  }
0x1af: {  	[tilespmem:s7+$0xC180] =	vst v5;
	v4 =	vadd.f32 v4, v11  }
0x1b0: {  	[tilespmem:s7+$0xC200] =	vst v3;
	v3 =	vadd.f32 v6, v10  }
0x1b1: {  	s4 =	sadd.s32 $0x1, s29;
	[tilespmem:s7+$0xC280] =	vst v4;
	v4 =	vadd.f32 v7, v9  }
0x1b2: {  	s4 =	sand.u32 $0x7, s4;
	[tilespmem:s7+$0xC300] =	vst v3;
	v3 =	vadd.f32 v8, v15  }
0x1b3: {  	s4 =	sshll.u32 s4, $0x4;
	v2 =	vadd.f32 v2, v13;
	[tilespmem:s7+$0xC380] =	vst v4  }
0x1b4: {  	s4 =	sadd.s32 s4, s13;
	[tilespmem:s7+$0xC400] =	vst v3  }
0x1b5: {  	s4 =	sor.u32 $0x380, s4;
	[tilespmem:s7+$0xC100] =	vst v2;
	v2 =	vld [tilespmem:s7+$0xC480]  }
0x1b6: {  	v3 =	vld [tilespmem:s4+$0x10100];
	_ =	sdelay $0x2  }
0x1b7: {  	s21 =	sadd.s32 s25, s26  }
0x1b8: {  	s25 =	sshll.u32 s23, $0x1;
	p0 =	seq.s32 s23, $0x3;
	s4 =	rddreg [dreg:$0xe]  }
0x1b9: {  	s4 =	sadd.s32 @!p0 s25, s4;
	v2 =	vadd.f32 v3, v2  }
0x1ba: {  	s4 =	sshll.u32 @!p0 s4, $0xB  }
0x1bb: {  	s6 =	rddreg [dreg:$0x2];
	s24 =	simm.s32 $0x6;
	s4 =	sand.u32 @!p0 $0x1FFFF000, s4;
	[tilespmem:s7+$0xC480] =	vst v2  }
0x1bc: {  	[hbm4b:s21+s5] =	stream.linear.scatter [tilespmem:s3], [sflag:$0xA], $0x4000, $0x38;
	[tilespmem:$0x18100] =	vst v63  }
0x1bd: {  	s4 =	sadd.s32 @!p0 s6, s4;
	s6 =	simm.s32 @!p0 $0x0;
	s7 =	simm.s32 @!p0 $0x10100  }
0x1be: {  	[tilespmem:s7], [sflag:$0x5] =	stream.linear.gather @!p0 [hbm4b:s4+s6], $0x4000, $0x38;
	[tilespmem:$0x18100] =	vst v63  }
0x1bf: {  	_ =	swait.ge [sflag:s24], $0x4000  }
0x1c0: {  	[sflag:s24] =	ssyncset.done $0x0  }
0x1c1: {  	[sflag:s24] =	ssyncadd.s32 $0xFFFFC000  }
0x1c2: {  	_ =	swait.ge [sflag:s8], $0x4000  }
0x1c3: {  	[sflag:s8] =	ssyncset.done $0x0  }
0x1c4: {  	s6 =	simm.s32 $0x9;
	[sflag:s8] =	ssyncadd.s32 $0xFFFFC000  }
0x1c5: {  	_ =	swait.ge [sflag:s6], $0x4000  }
0x1c6: {  	[sflag:s6] =	ssyncset.done $0x0  }
0x1c7: {  	[sflag:s6] =	ssyncadd.s32 $0xFFFFC000  }
0x1c8: {  	v2 =	vld.msk [tilespmem:s12+$0x80], $0xff;
	_ =	sdelay $0x4  }
0x1c9: {  	v3 =	vshll.u32 v2, $0x4  }
0x1ca: {  	v2 =	vand.u32 $0x7, v2;
	v3 =	vand.u32 $0xFFFFFF80, v3  }
0x1cb: {  	v2 =	vor.u32 v2, v3  }
0x1cc: {  	v2 =	vperm.xlane v2, v0;
	_ =	sdelay $0x1  }
0x1cd: {  	v2 =	vadd.s32 v1, v2;
	_ =	sdelay $0x3  }
0x1ce: {  	s29 =	simm.s32 $0x0  }
0x1cf: {  	[tilespmem:s10], [sflag:$0x3] =	stream.indirect_vreg.gather [hbm4b:s2+s29], $0x80, v2, vm0, $0xb8;
	[tilespmem:$0x18100] =	vst v63  }
0x1d0: {  	s7 =	simm.s32 $0x8900  }
0x1d1: {  	[tilespmem:s7], [sflag:$0x3] =	stream.indirect_vreg.gather [hbm4b:s14+s29], $0x80, v2, vm0, $0xb8;
	[tilespmem:$0x18100] =	vst v63  }
0x1d2: {  	s9 =	simm.s32 $0x9100  }
0x1d3: {  	[tilespmem:s9], [sflag:$0x3] =	stream.indirect_vreg.gather [hbm4b:s15+s29], $0x80, v2, vm0, $0xb8;
	[tilespmem:$0x18100] =	vst v63  }
0x1d4: {  	s13 =	simm.s32 $0x9900  }
0x1d5: {  	[tilespmem:s13], [sflag:$0x3] =	stream.indirect_vreg.gather [hbm4b:s16+s29], $0x80, v2, vm0, $0xb8;
	[tilespmem:$0x18100] =	vst v63  }
0x1d6: {  	s21 =	simm.s32 $0xA100  }
0x1d7: {  	[tilespmem:s21], [sflag:$0x3] =	stream.indirect_vreg.gather [hbm4b:s17+s29], $0x80, v2, vm0, $0xb8;
	[tilespmem:$0x18100] =	vst v63  }
0x1d8: {  	s24 =	simm.s32 $0xA900  }
0x1d9: {  	[tilespmem:s24], [sflag:$0x3] =	stream.indirect_vreg.gather [hbm4b:s18+s29], $0x80, v2, vm0, $0xb8;
	[tilespmem:$0x18100] =	vst v63  }
0x1da: {  	s6 =	simm.s32 $0xB100;
	s9 =	sand.u32 $0x70, s29;
	s13 =	sand.u32 $0x3C00, s29  }
0x1db: {  	[tilespmem:s6], [sflag:$0x3] =	stream.indirect_vreg.gather [hbm4b:s19+s29], $0x80, v2, vm0, $0xb8;
	[tilespmem:$0x18100] =	vst v63  }
0x1dc: {  	s7 =	simm.s32 $0xB900;
	s4 =	sor.u32 s9, s13  }
0x1dd: {  	[tilespmem:s7], [sflag:$0x3] =	stream.indirect_vreg.gather [hbm4b:s20+s29], $0x80, v2, vm0, $0xb8;
	[tilespmem:$0x18100] =	vst v63  }
0x1de: {  	v2 =	vld [tilespmem:s4+$0x14100]  }
0x1df: {  	v3 =	vld [tilespmem:s4+$0x100]  }
0x1e0: {  	v4 =	vld [tilespmem:s4+$0x180]  }
0x1e1: {  	v5 =	vld [tilespmem:s4+$0x14180]  }
0x1e2: {  	v6 =	vld [tilespmem:s4+$0x200]  }
0x1e3: {  	v7 =	vld [tilespmem:s4+$0x14200]  }
0x1e4: {  	v8 =	vld [tilespmem:s4+$0x280]  }
0x1e5: {  	v9 =	vld [tilespmem:s4+$0x14280]  }
0x1e6: {  	v10 =	vld [tilespmem:s4+$0x300]  }
0x1e7: {  	v11 =	vld [tilespmem:s4+$0x14300]  }
0x1e8: {  	v12 =	vld [tilespmem:s4+$0x380]  }
0x1e9: {  	v13 =	vld [tilespmem:s4+$0x14380]  }
0x1ea: {  	v2 =	vadd.f32 v2, v3;
	v3 =	vld [tilespmem:s4+$0x400]  }
0x1eb: {  	v4 =	vadd.f32 v5, v4;
	v5 =	vld [tilespmem:s4+$0x14400]  }
0x1ec: {  	[tilespmem:s4+$0x100] =	vst v2;
	v2 =	vadd.f32 v7, v6  }
0x1ed: {  	[tilespmem:s4+$0x180] =	vst v4;
	v4 =	vadd.f32 v9, v8  }
0x1ee: {  	[tilespmem:s4+$0x200] =	vst v2;
	v2 =	vadd.f32 v11, v10  }
0x1ef: {  	s21 =	sand.u32 $0x7, s29;
	[tilespmem:s4+$0x280] =	vst v4;
	v4 =	vadd.f32 v13, v12  }
0x1f0: {  	s6 =	sshll.u32 s21, $0x4;
	[tilespmem:s4+$0x300] =	vst v2;
	v2 =	vadd.f32 v5, v3  }
0x1f1: {  	s6 =	sadd.s32 $0x0, s6;
	[tilespmem:s4+$0x380] =	vst v4  }
0x1f2: {  	s6 =	sor.u32 $0x380, s6;
	[tilespmem:s4+$0x400] =	vst v2;
	v2 =	vld [tilespmem:s4+$0x14480]  }
0x1f3: {  	v3 =	vld [tilespmem:s6+$0x100];
	_ =	sdelay $0x4  }
0x1f4: {  	s24 =	simm.s32 $0x10;
	s7 =	simm.s32 $0x80;
	v2 =	vadd.f32 v2, v3  }
0x1f5: {  	s9 =	sand.u32 $0x3C00, s7;
	s4 =	sand.u32 $0x70, s24  }
0x1f6: {  	s13 =	sor.u32 s4, s9;
	[tilespmem:s6+$0x100] =	vst v2  }
0x1f7: {  	v2 =	vld [tilespmem:s13+$0x14100]  }
0x1f8: {  	v8 =	vld [tilespmem:s13+$0x100]  }
0x1f9: {  	v5 =	vld [tilespmem:s13+$0x180]  }
0x1fa: {  	v11 =	vld [tilespmem:s13+$0x14180]  }
0x1fb: {  	v3 =	vld [tilespmem:s13+$0x200]  }
0x1fc: {  	v9 =	vld [tilespmem:s13+$0x14200]  }
0x1fd: {  	v6 =	vld [tilespmem:s13+$0x280]  }
0x1fe: {  	v12 =	vld [tilespmem:s13+$0x14280]  }
0x1ff: {  	v7 =	vld [tilespmem:s13+$0x300]  }
0x200: {  	v13 =	vld [tilespmem:s13+$0x14300]  }
0x201: {  	v4 =	vld [tilespmem:s13+$0x380]  }
0x202: {  	s4 =	simm.s32 $0x20;
	v10 =	vld [tilespmem:s13+$0x14380]  }
.LBB2_11:
0x203: {  	p1 =	sne.s32 s4, $0x7F0;
	v2 =	vadd.f32 v2, v8;
	v8 =	vld [tilespmem:s13+$0x400]  }
0x204: {  	v5 =	vadd.f32 v11, v5;
	v11 =	vld [tilespmem:s13+$0x14400]  }
0x205: {  	[tilespmem:s13+$0x100] =	vst v2;
	v2 =	vadd.f32 v9, v3  }
0x206: {  	v3 =	vadd.f32 v12, v6;
	[tilespmem:s13+$0x180] =	vst v5  }
0x207: {  	s29 =	sadd.s32 $0x1, s29;
	[tilespmem:s13+$0x200] =	vst v2;
	v2 =	vadd.f32 v13, v7  }
0x208: {  	s6 =	sand.u32 $0x7, s29;
	[tilespmem:s13+$0x280] =	vst v3;
	v3 =	vadd.f32 v10, v4  }
0x209: {  	s6 =	sshll.u32 s6, $0x4;
	[tilespmem:s13+$0x300] =	vst v2;
	v2 =	vadd.f32 v11, v8  }
0x20a: {  	s6 =	sadd.s32 s6, s7;
	[tilespmem:s13+$0x380] =	vst v3  }
0x20b: {  	s6 =	sor.u32 $0x380, s6;
	[tilespmem:s13+$0x400] =	vst v2;
	v2 =	vld [tilespmem:s13+$0x14480]  }
0x20c: {  	v3 =	vld [tilespmem:s6+$0x100];
	_ =	sdelay $0x4  }
0x20d: {  	s7 =	sadd.s32 $0x80, s7;
	v2 =	vadd.f32 v2, v3  }
0x20e: {  	s9 =	sand.u32 $0x70, s4;
	s13 =	sand.u32 $0x3C00, s7  }
0x20f: {  	s13 =	sor.u32 s9, s13;
	[tilespmem:s6+$0x100] =	vst v2  }
0x210: {  	v2 =	vld [tilespmem:s13+$0x14100]  }
0x211: {  	v8 =	vld [tilespmem:s13+$0x100]  }
0x212: {  	v5 =	vld [tilespmem:s13+$0x180]  }
0x213: {  	v11 =	vld [tilespmem:s13+$0x14180]  }
0x214: {  	v3 =	vld [tilespmem:s13+$0x200]  }
0x215: {  	v9 =	vld [tilespmem:s13+$0x14200]  }
0x216: {  	v6 =	vld [tilespmem:s13+$0x280]  }
.Ltmp6:
0x217: {  	v12 =	vld [tilespmem:s13+$0x14280];
	(pc) =	sbr.rel @p1 .LBB2_11-.Ltmp6, $4  }
0x218: {  	v7 =	vld [tilespmem:s13+$0x300]  }
0x219: {  	v13 =	vld [tilespmem:s13+$0x14300]  }
0x21a: {  	v4 =	vld [tilespmem:s13+$0x380]  }
0x21b: {  	s4 =	sadd.s32 $0x10, s4;
	v10 =	vld [tilespmem:s13+$0x14380]  }
0x21c: {  	v2 =	vadd.f32 v2, v8;
	v62 =	vld [tilespmem:s13+$0x400]  }
0x21d: {  	v5 =	vadd.f32 v11, v5;
	v63 =	vld [tilespmem:s13+$0x14400]  }
0x21e: {  	[tilespmem:s13+$0x100] =	vst v2;
	v2 =	vadd.f32 v9, v3  }
0x21f: {  	[tilespmem:s13+$0x180] =	vst v5;
	v3 =	vadd.f32 v12, v6  }
0x220: {  	s4 =	sadd.s32 $0x1, s29;
	[tilespmem:s13+$0x200] =	vst v2;
	v2 =	vadd.f32 v13, v7  }
0x221: {  	s4 =	sand.u32 $0x7, s4;
	[tilespmem:s13+$0x280] =	vst v3;
	v3 =	vadd.f32 v10, v4  }
0x222: {  	s4 =	sshll.u32 s4, $0x4;
	[tilespmem:s13+$0x300] =	vst v2;
	v2 =	vadd.f32 v63, v62  }
0x223: {  	s4 =	sadd.s32 s4, s7;
	[tilespmem:s13+$0x380] =	vst v3  }
0x224: {  	s4 =	sor.u32 $0x380, s4;
	[tilespmem:s13+$0x400] =	vst v2;
	v2 =	vld [tilespmem:s13+$0x14480]  }
0x225: {  	v3 =	vld [tilespmem:s4+$0x100];
	_ =	sdelay $0x4  }
0x226: {  	s6 =	sor.u32 s22, s12;
	v2 =	vadd.f32 v2, v3  }
0x227: {  	s21 =	rddreg [dreg:$0x3];
	s29 =	sshll.u32 s6, $0x8  }
0x228: {  	s24 =	simm.s32 $0x100;
	s7 =	simm.s32 $0x0;
	[tilespmem:s4+$0x100] =	vst v2;
	s4 =	sadd.s32 s21, s29  }
0x229: {  	[hbm4b:s4+s7] =	stream.linear.scatter [tilespmem:s24], [sflag:$0x7], $0x4000, $0x38;
	[tilespmem:$0x18100] =	vst v63  }
0x22a: {  	_ =	swait.ge [sflag:s0], $0x4000  }
0x22b: {  	[sflag:s0] =	ssyncset.done $0x0  }
0x22c: {  	s9 =	simm.s32 $0xA;
	[sflag:s0] =	ssyncadd.s32 $0xFFFFC000  }
0x22d: {  	_ =	swait.ge [sflag:s9], $0x4000  }
0x22e: {  	[sflag:s9] =	ssyncset.done $0x0  }
0x22f: {  	[sflag:s9] =	ssyncadd.s32 $0xFFFFC000  }
0x230: {  	v2 =	vld.msk [tilespmem:s12+$0xC0], $0xff;
	_ =	sdelay $0x4  }
0x231: {  	v3 =	vshll.u32 v2, $0x4  }
0x232: {  	v2 =	vand.u32 $0x7, v2;
	v3 =	vand.u32 $0xFFFFFF80, v3  }
0x233: {  	v2 =	vor.u32 v2, v3  }
0x234: {  	v2 =	vperm.xlane v2, v0;
	_ =	sdelay $0x1  }
0x235: {  	v2 =	vadd.s32 v1, v2;
	_ =	sdelay $0x4  }
0x236: {  	[tilespmem:s3], [sflag:$0x4] =	stream.indirect_vreg.gather [hbm4b:s2+s7], $0x80, v2, vm0, $0xb8;
	[tilespmem:$0x18100] =	vst v63  }
0x237: {  	s13 =	simm.s32 $0xC900  }
0x238: {  	[tilespmem:s13], [sflag:$0x4] =	stream.indirect_vreg.gather [hbm4b:s14+s7], $0x80, v2, vm0, $0xb8;
	[tilespmem:$0x18100] =	vst v63  }
0x239: {  	s21 =	simm.s32 $0xD100  }
0x23a: {  	[tilespmem:s21], [sflag:$0x4] =	stream.indirect_vreg.gather [hbm4b:s15+s7], $0x80, v2, vm0, $0xb8;
	[tilespmem:$0x18100] =	vst v63  }
0x23b: {  	s24 =	simm.s32 $0xD900  }
0x23c: {  	[tilespmem:s24], [sflag:$0x4] =	stream.indirect_vreg.gather [hbm4b:s16+s7], $0x80, v2, vm0, $0xb8;
	[tilespmem:$0x18100] =	vst v63  }
0x23d: {  	s6 =	simm.s32 $0xE100  }
0x23e: {  	[tilespmem:s6], [sflag:$0x4] =	stream.indirect_vreg.gather [hbm4b:s17+s7], $0x80, v2, vm0, $0xb8;
	[tilespmem:$0x18100] =	vst v63  }
0x23f: {  	s9 =	simm.s32 $0xE900  }
0x240: {  	[tilespmem:s9], [sflag:$0x4] =	stream.indirect_vreg.gather [hbm4b:s18+s7], $0x80, v2, vm0, $0xb8;
	[tilespmem:$0x18100] =	vst v63  }
0x241: {  	s12 =	simm.s32 $0xF100;
	s13 =	simm.s32 $0xF900  }
0x242: {  	[tilespmem:s12], [sflag:$0x4] =	stream.indirect_vreg.gather [hbm4b:s19+s7], $0x80, v2, vm0, $0xb8;
	[tilespmem:$0x18100] =	vst v63  }
0x243: {  	s21 =	sand.u32 $0x7, s7;
	s24 =	sand.u32 $0x70, s7;
	s9 =	sand.u32 $0x3C00, s7  }
0x244: {  	[tilespmem:s13], [sflag:$0x4] =	stream.indirect_vreg.gather [hbm4b:s20+s7], $0x80, v2, vm0, $0xb8;
	[tilespmem:$0x18100] =	vst v63  }
0x245: {  	s4 =	sshll.u32 s21, $0x4;
	s13 =	sor.u32 s24, s9  }
0x246: {  	s12 =	sadd.s32 $0x0, s4;
	s4 =	simm.s32 $0x0;
	s24 =	simm.s32 $0x10;
	v2 =	vld [tilespmem:s13+$0x14300]  }
.LBB2_13:
0x247: {  	p1 =	sne.s32 s24, $0x7F0;
	v3 =	vld [tilespmem:s13+$0x14400];
	s7 =	sadd.s32 $0x80, s7;
	s4 =	sadd.s32 $0x1, s4  }
0x248: {  	s9 =	smov.u32 s24;
	s24 =	sadd.s32 $0x10, s24;
	s6 =	sand.u32 $0x7, s4;
	v4 =	vld [tilespmem:s13+$0x14380]  }
0x249: {  	s6 =	sshll.u32 s6, $0x4;
	v5 =	vld [tilespmem:s13+$0x14280]  }
0x24a: {  	s6 =	sadd.s32 s6, s7;
	v6 =	vld [tilespmem:s13+$0x4280]  }
0x24b: {  	v7 =	vld [tilespmem:s13+$0x4380]  }
0x24c: {  	v8 =	vld [tilespmem:s13+$0x14200]  }
0x24d: {  	v9 =	vld [tilespmem:s13+$0x4180]  }
0x24e: {  	v10 =	vld [tilespmem:s13+$0x4200]  }
0x24f: {  	v11 =	vld [tilespmem:s13+$0x14180]  }
0x250: {  	v5 =	vadd.f32 v5, v6;
	v12 =	vld [tilespmem:s13+$0x14100];
	v4 =	vadd.f32 v4, v7  }
0x251: {  	v6 =	vld [tilespmem:s13+$0x4400]  }
0x252: {  	[tilespmem:s13+$0x4280] =	vst v5;
	v5 =	vld [tilespmem:s13+$0x4300]  }
0x253: {  	v7 =	vld [tilespmem:s13+$0x4100];
	v8 =	vadd.f32 v8, v10  }
0x254: {  	s9 =	sand.u32 $0x70, s9;
	s21 =	sand.u32 $0x3C00, s7;
	v9 =	vadd.f32 v11, v9  }
0x255: {  	s9 =	sor.u32 s9, s21;
	[tilespmem:s13+$0x4380] =	vst v4  }
0x256: {  	[tilespmem:s13+$0x4180] =	vst v9;
	v3 =	vadd.f32 v3, v6  }
0x257: {  	[tilespmem:s13+$0x4200] =	vst v8;
	v2 =	vadd.f32 v2, v5  }
0x258: {  	v4 =	vadd.f32 v12, v7;
	[tilespmem:s13+$0x4400] =	vst v3  }
0x259: {  	[tilespmem:s13+$0x4300] =	vst v2  }
0x25a: {  	s21 =	sor.u32 $0x4380, s12;
	s12 =	smov.u32 s6;
	[tilespmem:s13+$0x4100] =	vst v4;
	s13 =	smov.u32 s9  }
0x25b: {  	v2 =	vld [tilespmem:s21+$0x100]  }
0x25c: {  	v3 =	vld [tilespmem:s21+$0x10100];
	_ =	sdelay $0x3  }
.Ltmp7:
0x25d: {  	(pc) =	sbr.rel @p1 .LBB2_13-.Ltmp7, $3  }
0x25e: {  	v2 =	vadd.f32 v3, v2;
	_ =	sdelay $0x1  }
0x25f: {  	[tilespmem:s21+$0x100] =	vst v2  }
0x260: {  	v2 =	vld [tilespmem:s13+$0x14300]  }
0x261: {  	v3 =	vld [tilespmem:s13+$0x14400]  }
0x262: {  	v4 =	vld [tilespmem:s13+$0x14380]  }
0x263: {  	v5 =	vld [tilespmem:s13+$0x14280]  }
0x264: {  	v6 =	vld [tilespmem:s13+$0x4280]  }
0x265: {  	v7 =	vld [tilespmem:s13+$0x4380]  }
0x266: {  	v8 =	vld [tilespmem:s13+$0x14200]  }
0x267: {  	v9 =	vld [tilespmem:s13+$0x4180]  }
0x268: {  	v10 =	vld [tilespmem:s13+$0x4200]  }
0x269: {  	v11 =	vld [tilespmem:s13+$0x14180]  }
0x26a: {  	v13 =	vld [tilespmem:s13+$0x4400]  }
0x26b: {  	v12 =	vld [tilespmem:s13+$0x14100]  }
0x26c: {  	v5 =	vadd.f32 v5, v6;
	v6 =	vld [tilespmem:s13+$0x4300]  }
0x26d: {  	v4 =	vadd.f32 v4, v7;
	v7 =	vld [tilespmem:s13+$0x4100]  }
0x26e: {  	v8 =	vadd.f32 v8, v10;
	[tilespmem:s13+$0x4280] =	vst v5  }
0x26f: {  	v3 =	vadd.f32 v3, v13;
	[tilespmem:s13+$0x4380] =	vst v4  }
0x270: {  	v5 =	vadd.f32 v11, v9;
	[tilespmem:s13+$0x4200] =	vst v8  }
0x271: {  	[tilespmem:s13+$0x4400] =	vst v3;
	v2 =	vadd.f32 v2, v6  }
0x272: {  	[tilespmem:s13+$0x4180] =	vst v5;
	v4 =	vadd.f32 v12, v7  }
0x273: {  	[tilespmem:s13+$0x4300] =	vst v2  }
0x274: {  	s4 =	sor.u32 $0x4380, s12;
	[tilespmem:s13+$0x4100] =	vst v4  }
0x275: {  	v2 =	vld [tilespmem:s4+$0x100]  }
0x276: {  	v3 =	vld [tilespmem:s4+$0x10100];
	_ =	sdelay $0x4  }
0x277: {  	v2 =	vadd.f32 v3, v2  }
0x278: {  	s13 =	rddreg [dreg:$0xc]  }
0x279: {  	s6 =	simm.s32 $0x4100;
	[tilespmem:s4+$0x100] =	vst v2;
	s4 =	sadd.s32 s29, s13  }
0x27a: {  	[hbm4b:s4+s5] =	stream.linear.scatter [tilespmem:s6], [sflag:$0x8], $0x4000, $0x38;
	[tilespmem:$0x18100] =	vst v63  }
0x27b: {  	_ =	swait.ge [sflag:s28], $0x4000  }
0x27c: {  	[sflag:s28] =	ssyncset.done $0x0  }
0x27d: {  	[sflag:s28] =	ssyncadd.s32 $0xFFFFC000  }
0x27e: {  	_ =	swait.ge [sflag:s1], $0x4000  }
0x27f: {  	[sflag:s1] =	ssyncset.done $0x0  }
0x280: {  	s11 =	sshrl.u32 @!p0 s11, $0x2;
	[sflag:s1] =	ssyncadd.s32 $0xFFFFC000  }
0x281: {  	v2 =	vld.msk @!p0 [tilespmem:s11+$0x10], $0xff;
	_ =	sdelay $0x4  }
0x282: {  	v3 =	vshll.u32 @!p0 v2, $0x4  }
0x283: {  	v4 =	vlaneseq.u32 @!p0;
	v2 =	vand.u32 @!p0 $0x7, v2;
	v3 =	vand.u32 @!p0 $0xFFFFFF80, v3  }
0x284: {  	v2 =	vor.u32 @!p0 v2, v3;
	v3 =	vand.u32 @!p0 $0x7, v4;
	v4 =	vshrl.u32 @!p0 v4, $0x3  }
0x285: {  	v2 =	vperm.xlane @!p0 v2, v3;
	v3 =	vmul.u32 @!p0 $0x8, v4;
	_ =	sdelay $0x1  }
0x286: {  	v2 =	vadd.s32 @!p0 v3, v2;
	_ =	sdelay $0x3  }
0x287: {  	vm1 =	vmmov @!p0 $0xffff;
	s4 =	simm.s32 @!p0 $0x0;
	s6 =	simm.s32 @!p0 $0x100  }
0x288: {  	[tilespmem:s6], [sflag:$0x1] =	stream.indirect_vreg.gather @!p0 [hbm4b:s2+s4], $0x80, v2, vm1, $0xb8;
	[tilespmem:$0x18100] =	vst v63  }
0x289: {  	s6 =	simm.s32 @!p0 $0x900  }
0x28a: {  	[tilespmem:s6], [sflag:$0x1] =	stream.indirect_vreg.gather @!p0 [hbm4b:s14+s4], $0x80, v2, vm1, $0xb8;
	[tilespmem:$0x18100] =	vst v63  }
0x28b: {  	s6 =	simm.s32 @!p0 $0x1100  }
0x28c: {  	[tilespmem:s6], [sflag:$0x1] =	stream.indirect_vreg.gather @!p0 [hbm4b:s15+s4], $0x80, v2, vm1, $0xb8;
	[tilespmem:$0x18100] =	vst v63  }
0x28d: {  	s6 =	simm.s32 @!p0 $0x1900  }
0x28e: {  	[tilespmem:s6], [sflag:$0x1] =	stream.indirect_vreg.gather @!p0 [hbm4b:s16+s4], $0x80, v2, vm1, $0xb8;
	[tilespmem:$0x18100] =	vst v63  }
0x28f: {  	s6 =	simm.s32 @!p0 $0x2100  }
0x290: {  	[tilespmem:s6], [sflag:$0x1] =	stream.indirect_vreg.gather @!p0 [hbm4b:s17+s4], $0x80, v2, vm1, $0xb8;
	[tilespmem:$0x18100] =	vst v63  }
0x291: {  	s6 =	simm.s32 @!p0 $0x2900  }
0x292: {  	[tilespmem:s6], [sflag:$0x1] =	stream.indirect_vreg.gather @!p0 [hbm4b:s18+s4], $0x80, v2, vm1, $0xb8;
	[tilespmem:$0x18100] =	vst v63  }
0x293: {  	s6 =	simm.s32 @!p0 $0x3100  }
0x294: {  	[tilespmem:s6], [sflag:$0x1] =	stream.indirect_vreg.gather @!p0 [hbm4b:s19+s4], $0x80, v2, vm1, $0xb8;
	[tilespmem:$0x18100] =	vst v63  }
0x295: {  	s21 =	simm.s32 $0x0;
	s6 =	simm.s32 @!p0 $0x3900  }
0x296: {  	[tilespmem:s6], [sflag:$0x1] =	stream.indirect_vreg.gather @!p0 [hbm4b:s20+s4], $0x80, v2, vm1, $0xb8;
	[tilespmem:$0x18100] =	vst v63  }
0x297: {  	s24 =	sand.u32 $0x70, s21;
	s4 =	sand.u32 $0x3C00, s21  }
0x298: {  	s7 =	sor.u32 s24, s4  }
0x299: {  	v9 =	vld [tilespmem:s7+$0x14100]  }
0x29a: {  	v8 =	vld [tilespmem:s7+$0x14180]  }
0x29b: {  	v7 =	vld [tilespmem:s7+$0x14200]  }
0x29c: {  	v6 =	vld [tilespmem:s7+$0x14280]  }
0x29d: {  	v5 =	vld [tilespmem:s7+$0x14300]  }
0x29e: {  	v4 =	vld [tilespmem:s7+$0x14380]  }
0x29f: {  	v3 =	vld [tilespmem:s7+$0x14400]  }
0x2a0: {  	v2 =	vld [tilespmem:s7+$0x14480]  }
0x2a1: {  	v14 =	vld [tilespmem:s7+$0x8100]  }
0x2a2: {  	v13 =	vld [tilespmem:s7+$0x8180]  }
0x2a3: {  	v12 =	vld [tilespmem:s7+$0x8200]  }
0x2a4: {  	v11 =	vld [tilespmem:s7+$0x8280]  }
0x2a5: {  	v10 =	vld [tilespmem:s7+$0x8300]  }
0x2a6: {  	s9 =	simm.s32 $0x10;
	s4 =	simm.s32 $0x80;
	v14 =	vadd.f32 v9, v14;
	v9 =	vld [tilespmem:s7+$0x8380]  }
.LBB2_15:
0x2a7: {  	s6 =	sand.u32 $0x70, s9;
	s12 =	sand.u32 $0x3C00, s4;
	p1 =	sne.s32 s9, $0x7F0;
	v8 =	vadd.f32 v8, v13;
	v13 =	vld [tilespmem:s7+$0x8400]  }
0x2a8: {  	s6 =	sor.u32 s6, s12;
	[tilespmem:s7+$0x8100] =	vst v14;
	v7 =	vadd.f32 v7, v12;
	v12 =	vld [tilespmem:s7+$0x8480]  }
0x2a9: {  	v14 =	vld [tilespmem:s6+$0x14100];
	[tilespmem:s7+$0x8180] =	vst v8;
	v6 =	vadd.f32 v6, v11  }
0x2aa: {  	v8 =	vld [tilespmem:s6+$0x14180];
	[tilespmem:s7+$0x8200] =	vst v7;
	v5 =	vadd.f32 v5, v10  }
0x2ab: {  	v7 =	vld [tilespmem:s6+$0x14200];
	[tilespmem:s7+$0x8280] =	vst v6;
	v4 =	vadd.f32 v4, v9  }
0x2ac: {  	v6 =	vld [tilespmem:s6+$0x14280];
	[tilespmem:s7+$0x8300] =	vst v5;
	v3 =	vadd.f32 v3, v13  }
0x2ad: {  	v5 =	vld [tilespmem:s6+$0x14300];
	[tilespmem:s7+$0x8380] =	vst v4;
	v2 =	vadd.f32 v2, v12  }
0x2ae: {  	v4 =	vld [tilespmem:s6+$0x14380];
	[tilespmem:s7+$0x8400] =	vst v3  }
0x2af: {  	v3 =	vld [tilespmem:s6+$0x14400];
	[tilespmem:s7+$0x8480] =	vst v2;
	s7 =	smov.u32 s6  }
0x2b0: {  	v2 =	vld [tilespmem:s7+$0x14480]  }
0x2b1: {  	v9 =	vld [tilespmem:s7+$0x8100]  }
.Ltmp8:
0x2b2: {  	v13 =	vld [tilespmem:s7+$0x8180];
	(pc) =	sbr.rel @p1 .LBB2_15-.Ltmp8, $4  }
0x2b3: {  	v12 =	vld [tilespmem:s7+$0x8200]  }
0x2b4: {  	v11 =	vld [tilespmem:s7+$0x8280]  }
0x2b5: {  	v10 =	vld [tilespmem:s7+$0x8300]  }
0x2b6: {  	s4 =	sadd.s32 $0x80, s4;
	s9 =	sadd.s32 $0x10, s9;
	v14 =	vadd.f32 v14, v9;
	v9 =	vld [tilespmem:s7+$0x8380]  }
0x2b7: {  	v15 =	vld [tilespmem:s7+$0x8400];
	v8 =	vadd.f32 v8, v13  }
0x2b8: {  	[tilespmem:s7+$0x8100] =	vst v14;
	v7 =	vadd.f32 v7, v12;
	v12 =	vld [tilespmem:s7+$0x8480]  }
0x2b9: {  	[tilespmem:s7+$0x8180] =	vst v8;
	v6 =	vadd.f32 v6, v11  }
0x2ba: {  	[tilespmem:s7+$0x8200] =	vst v7;
	v5 =	vadd.f32 v5, v10  }
0x2bb: {  	[tilespmem:s7+$0x8280] =	vst v6;
	v4 =	vadd.f32 v4, v9  }
0x2bc: {  	[tilespmem:s7+$0x8300] =	vst v5;
	v3 =	vadd.f32 v3, v15  }
0x2bd: {  	[tilespmem:s7+$0x8380] =	vst v4;
	v2 =	vadd.f32 v2, v12  }
0x2be: {  	s4 =	rddreg [dreg:$0xd];
	[tilespmem:s7+$0x8400] =	vst v3  }
0x2bf: {  	s4 =	sadd.s32 s29, s4;
	[tilespmem:s7+$0x8480] =	vst v2  }
0x2c0: {  	[hbm4b:s4+s5] =	stream.linear.scatter [tilespmem:s10], [sflag:$0x9], $0x4000, $0x38;
	[tilespmem:$0x18100] =	vst v63  }
0x2c1: {  	_ =	swait.ge [sflag:s30], $0x4000  }
0x2c2: {  	[sflag:s30] =	ssyncset.done $0x0  }
0x2c3: {  	[sflag:s30] =	ssyncadd.s32 $0xFFFFC000  }
0x2c4: {  	_ =	swait.ge [sflag:s31], $0x4000  }
0x2c5: {  	[sflag:s31] =	ssyncset.done $0x0  }
0x2c6: {  	[sflag:s31] =	ssyncadd.s32 $0xFFFFC000  }
0x2c7: {  	v2 =	vld.msk @!p0 [tilespmem:s11+$0x50], $0xff;
	_ =	sdelay $0x4  }
0x2c8: {  	v3 =	vshll.u32 @!p0 v2, $0x4  }
0x2c9: {  	v4 =	vlaneseq.u32 @!p0;
	v2 =	vand.u32 @!p0 $0x7, v2;
	v3 =	vand.u32 @!p0 $0xFFFFFF80, v3  }
0x2ca: {  	v2 =	vor.u32 @!p0 v2, v3;
	v3 =	vand.u32 @!p0 $0x7, v4;
	v4 =	vshrl.u32 @!p0 v4, $0x3  }
0x2cb: {  	v2 =	vperm.xlane @!p0 v2, v3;
	v3 =	vmul.u32 @!p0 $0x8, v4;
	_ =	sdelay $0x1  }
0x2cc: {  	v2 =	vadd.s32 @!p0 v3, v2;
	_ =	sdelay $0x3  }
0x2cd: {  	s6 =	simm.s32 @!p0 $0x4100;
	s4 =	simm.s32 @!p0 $0x0  }
0x2ce: {  	[tilespmem:s6], [sflag:$0x2] =	stream.indirect_vreg.gather @!p0 [hbm4b:s2+s4], $0x80, v2, vm1, $0xb8;
	[tilespmem:$0x18100] =	vst v63  }
0x2cf: {  	s6 =	simm.s32 @!p0 $0x4900  }
0x2d0: {  	[tilespmem:s6], [sflag:$0x2] =	stream.indirect_vreg.gather @!p0 [hbm4b:s14+s4], $0x80, v2, vm1, $0xb8;
	[tilespmem:$0x18100] =	vst v63  }
0x2d1: {  	s6 =	simm.s32 @!p0 $0x5100  }
0x2d2: {  	[tilespmem:s6], [sflag:$0x2] =	stream.indirect_vreg.gather @!p0 [hbm4b:s15+s4], $0x80, v2, vm1, $0xb8;
	[tilespmem:$0x18100] =	vst v63  }
0x2d3: {  	s6 =	simm.s32 @!p0 $0x5900  }
0x2d4: {  	[tilespmem:s6], [sflag:$0x2] =	stream.indirect_vreg.gather @!p0 [hbm4b:s16+s4], $0x80, v2, vm1, $0xb8;
	[tilespmem:$0x18100] =	vst v63  }
0x2d5: {  	s6 =	simm.s32 @!p0 $0x6100  }
0x2d6: {  	[tilespmem:s6], [sflag:$0x2] =	stream.indirect_vreg.gather @!p0 [hbm4b:s17+s4], $0x80, v2, vm1, $0xb8;
	[tilespmem:$0x18100] =	vst v63  }
0x2d7: {  	s6 =	simm.s32 @!p0 $0x6900  }
0x2d8: {  	[tilespmem:s6], [sflag:$0x2] =	stream.indirect_vreg.gather @!p0 [hbm4b:s18+s4], $0x80, v2, vm1, $0xb8;
	[tilespmem:$0x18100] =	vst v63  }
0x2d9: {  	s6 =	simm.s32 @!p0 $0x7100  }
0x2da: {  	[tilespmem:s6], [sflag:$0x2] =	stream.indirect_vreg.gather @!p0 [hbm4b:s19+s4], $0x80, v2, vm1, $0xb8;
	[tilespmem:$0x18100] =	vst v63  }
0x2db: {  	s21 =	simm.s32 $0x0;
	s6 =	simm.s32 @!p0 $0x7900  }
0x2dc: {  	[tilespmem:s6], [sflag:$0x2] =	stream.indirect_vreg.gather @!p0 [hbm4b:s20+s4], $0x80, v2, vm1, $0xb8;
	[tilespmem:$0x18100] =	vst v63  }
0x2dd: {  	s24 =	sand.u32 $0x70, s21;
	s4 =	sand.u32 $0x3C00, s21  }
0x2de: {  	s7 =	sor.u32 s24, s4  }
0x2df: {  	v9 =	vld [tilespmem:s7+$0x14100]  }
0x2e0: {  	v8 =	vld [tilespmem:s7+$0x14180]  }
0x2e1: {  	v7 =	vld [tilespmem:s7+$0x14200]  }
0x2e2: {  	v6 =	vld [tilespmem:s7+$0x14280]  }
0x2e3: {  	v5 =	vld [tilespmem:s7+$0x14300]  }
0x2e4: {  	v4 =	vld [tilespmem:s7+$0x14380]  }
0x2e5: {  	v3 =	vld [tilespmem:s7+$0x14400]  }
0x2e6: {  	v2 =	vld [tilespmem:s7+$0x14480]  }
0x2e7: {  	v14 =	vld [tilespmem:s7+$0xC100]  }
0x2e8: {  	v13 =	vld [tilespmem:s7+$0xC180]  }
0x2e9: {  	v12 =	vld [tilespmem:s7+$0xC200]  }
0x2ea: {  	v11 =	vld [tilespmem:s7+$0xC280]  }
0x2eb: {  	v10 =	vld [tilespmem:s7+$0xC300]  }
0x2ec: {  	s9 =	simm.s32 $0x10;
	s4 =	simm.s32 $0x80;
	v14 =	vadd.f32 v9, v14;
	v9 =	vld [tilespmem:s7+$0xC380]  }
.LBB2_17:
0x2ed: {  	s6 =	sand.u32 $0x70, s9;
	s11 =	sand.u32 $0x3C00, s4;
	p1 =	sne.s32 s9, $0x7F0;
	v8 =	vadd.f32 v8, v13;
	v13 =	vld [tilespmem:s7+$0xC400]  }
0x2ee: {  	s6 =	sor.u32 s6, s11;
	[tilespmem:s7+$0xC100] =	vst v14;
	v7 =	vadd.f32 v7, v12;
	v12 =	vld [tilespmem:s7+$0xC480]  }
0x2ef: {  	v14 =	vld [tilespmem:s6+$0x14100];
	[tilespmem:s7+$0xC180] =	vst v8;
	v6 =	vadd.f32 v6, v11  }
0x2f0: {  	v8 =	vld [tilespmem:s6+$0x14180];
	[tilespmem:s7+$0xC200] =	vst v7;
	v5 =	vadd.f32 v5, v10  }
0x2f1: {  	v7 =	vld [tilespmem:s6+$0x14200];
	[tilespmem:s7+$0xC280] =	vst v6;
	v4 =	vadd.f32 v4, v9  }
0x2f2: {  	v6 =	vld [tilespmem:s6+$0x14280];
	[tilespmem:s7+$0xC300] =	vst v5;
	v3 =	vadd.f32 v3, v13  }
0x2f3: {  	v5 =	vld [tilespmem:s6+$0x14300];
	[tilespmem:s7+$0xC380] =	vst v4;
	v2 =	vadd.f32 v2, v12  }
0x2f4: {  	v4 =	vld [tilespmem:s6+$0x14380];
	[tilespmem:s7+$0xC400] =	vst v3  }
0x2f5: {  	v3 =	vld [tilespmem:s6+$0x14400];
	[tilespmem:s7+$0xC480] =	vst v2;
	s7 =	smov.u32 s6  }
0x2f6: {  	v2 =	vld [tilespmem:s7+$0x14480]  }
0x2f7: {  	v9 =	vld [tilespmem:s7+$0xC100]  }
.Ltmp9:
0x2f8: {  	v13 =	vld [tilespmem:s7+$0xC180];
	(pc) =	sbr.rel @p1 .LBB2_17-.Ltmp9, $4  }
0x2f9: {  	v12 =	vld [tilespmem:s7+$0xC200]  }
0x2fa: {  	v11 =	vld [tilespmem:s7+$0xC280]  }
0x2fb: {  	v10 =	vld [tilespmem:s7+$0xC300]  }
0x2fc: {  	s4 =	sadd.s32 $0x80, s4;
	s9 =	sadd.s32 $0x10, s9;
	v14 =	vadd.f32 v14, v9;
	v9 =	vld [tilespmem:s7+$0xC380]  }
0x2fd: {  	v15 =	vld [tilespmem:s7+$0xC400];
	v8 =	vadd.f32 v8, v13  }
0x2fe: {  	v63 =	vld [tilespmem:s7+$0xC480];
	[tilespmem:s7+$0xC100] =	vst v14;
	v7 =	vadd.f32 v7, v12  }
0x2ff: {  	[tilespmem:s7+$0xC180] =	vst v8;
	v6 =	vadd.f32 v6, v11  }
0x300: {  	[tilespmem:s7+$0xC200] =	vst v7;
	v5 =	vadd.f32 v5, v10  }
0x301: {  	[tilespmem:s7+$0xC280] =	vst v6;
	v4 =	vadd.f32 v4, v9  }
.Ltmp10:
0x302: {  	[tilespmem:s7+$0xC300] =	vst v5;
	v3 =	vadd.f32 v3, v15;
	(pc) =	sbr.rel @p0 .LBB2_20-.Ltmp10, $4  }
0x303: {  	v2 =	vadd.f32 v2, v63;
	[tilespmem:s7+$0xC380] =	vst v4  }
0x304: {  	[tilespmem:s7+$0xC400] =	vst v3  }
0x305: {  	s4 =	sadd.s32 s29, s26;
	[tilespmem:s7+$0xC480] =	vst v2  }
0x306: {  	[hbm4b:s4+s5] =	stream.linear.scatter [tilespmem:s3], [sflag:$0xA], $0x4000, $0x38;
	[tilespmem:$0x18100] =	vst v63  }
.Ltmp11:
0x307: {  	s4 =	rddreg [dreg:$0xf];
	(pc) =	sbr.rel .LBB2_2-.Ltmp11, $4  }
0x308: {  	s4 =	sadd.s32 s25, s4  }
0x309: {  	s6 =	rddreg [dreg:$0x2];
	s4 =	sshll.u32 s4, $0xB  }
0x30a: {  	s29 =	simm.s32 $0x14100;
	s23 =	sadd.s32 $0x1, s23;
	s4 =	sadd.s32 s6, s4  }
0x30b: {  	[tilespmem:s29], [sflag:$0x6] =	stream.linear.gather [hbm4b:s4+s5], $0x4000, $0x38;
	[tilespmem:$0x18100] =	vst v63  }
.LBB2_21:
0x30c: {  	_ =	sfence.sel $0x180000  }
0x30d: {  	[bflag:$0x0] =	sbarrier.arrive $0xFFFF  }
0x30e: {  	_ =	strace $0x90000047  }
0x30f: {  	s0 =	stileid.u32;
	[bflag:$0x2] =	sbarrier.arrive $0xFFFF  }
0x310: {  	p0 =	sne.s32 s0, $0x0;
	s0 =	rddreg [dreg:$0x4]  }
0x311: {  	s0 =	sadd.s32 @!p0 $0x100000, s0  }
0x312: {  	[sflag:s0] =	ssyncadd.tile.s32 @!p0 $0x1;
	_ =	shalt  }
.Lfunc_end2:
_tile_overlayer_lowered:
.L_overlay_start_2:
0x313: {  	(tag) =	ssettag $0x2  }
0x314: {  	s0 =	rddreg [dreg:$0x0];
	s2 =	stileid.u32  }
0x315: {  	s1 =	rddreg [dreg:$0x1];
	p0 =	sne.s32 s2, $0x0  }
0x316: {  	s3 =	rddreg [dreg:$0x2];
	[bflag:$0x3] =	sbarrier.arrive $0xFFFF;
	s2 =	simm.s32 @!p0 $0x1C0B  }
0x317: {  	[timem:s3], [sflag:s2] =	dma.local @!p0 [hbm:s0], s1  }
0x318: {  	s0 =	simm.s32 @!p0 $0xB  }
0x319: {  	_ =	swait.ge @!p0 [sflag:s0], s1  }
0x31a: {  	s1 =	ssub.s32 @!p0 $0x0, s1;
	[sflag:s0] =	ssyncset.done @!p0 $0x0  }
0x31b: {  	[sflag:s0] =	ssyncadd.s32 @!p0 s1  }
0x31c: {  	[bflag:$0x3] =	sbarrier.arrive $0xFFFF  }
0x31d: {  	_ =	shalt  }

</sc_bundles>
